<compile_context>
chip_gen: v7x
topology: tpu7x:2x2x1
jax: 0.10.2.dev20260603
libtpu: 0.0.44.dev20260713+nightly
codegen_flags: <defaults>
</compile_context>

<pallas_src>
import functools

import jax
import jax.numpy as jnp
from jax import lax
from jax.experimental import pallas as pl
from jax.experimental.pallas import tpu as pltpu
from jax.experimental.pallas import tpu_sc as plsc

HIDDEN = 128
LN_EPS = 1e-12

_info = plsc.get_sparse_core_info()
_NC, _NS, _L = _info.num_cores, _info.num_subcores, _info.num_lanes
_NW = _NC * _NS

_GATHER_DNUMS = lax.GatherDimensionNumbers(
    offset_dims=(), collapsed_slice_dims=(0,), start_index_map=(0,))


def _lane_shuffle(v, idx):
    return lax.gather(v, idx.reshape(16, 1), _GATHER_DNUMS, (1,),
                      mode=lax.GatherScatterMode.PROMISE_IN_BOUNDS)


def _xlane_sum(v):
    for sh in (8, 4, 2, 1):
        idx = lax.iota(jnp.int32, 16) ^ sh
        v = v + _lane_shuffle(v, idx)
    return v


def _ln_row(rv, r, gj, bj):
    x = [rv[r, pl.ds(16 * j, 16)] for j in range(8)]
    s1v = ((x[0] + x[1]) + (x[2] + x[3])) + ((x[4] + x[5]) + (x[6] + x[7]))
    s2v = ((x[0] * x[0] + x[1] * x[1]) + (x[2] * x[2] + x[3] * x[3])) + \
          ((x[4] * x[4] + x[5] * x[5]) + (x[6] * x[6] + x[7] * x[7]))
    s1 = _xlane_sum(s1v)
    s2 = _xlane_sum(s2v)
    mv = s1 * (1.0 / HIDDEN)
    vv = jnp.maximum(s2 * (1.0 / HIDDEN) - mv * mv, 0.0) + LN_EPS
    bi = lax.bitcast_convert_type(vv, jnp.int32)
    bi = jnp.int32(0x5F3759DF) - (bi >> 1)
    y = lax.bitcast_convert_type(bi, jnp.float32)
    hv = 0.5 * vv
    y = y * (1.5 - hv * (y * y))
    y = y * (1.5 - hv * (y * y))
    for j in range(8):
        t = y * gj[j]
        rv[r, pl.ds(16 * j, 16)] = (x[j] - mv) * t + bj[j]



_P1_CHUNK = 200
_P1_NBUF = 3
_P1_AHEAD = 1
_P1_UNROLL = 4


def _make_normalize_table(vocab: int):
    assert vocab % _P1_CHUNK == 0 and _P1_CHUNK % 8 == 0
    n_chunks = vocab // _P1_CHUNK
    max_per_w = -(-n_chunks // _NW)
    n_groups = -(-max_per_w // _P1_NBUF)

    mesh = plsc.VectorSubcoreMesh(core_axis_name="c", subcore_axis_name="s")

    @functools.partial(
        pl.kernel,
        mesh=mesh,
        out_type=jax.ShapeDtypeStruct((vocab, HIDDEN), jnp.float32),
        scratch_types=[
            pltpu.VMEM((_P1_CHUNK, HIDDEN), jnp.float32)
            for _ in range(_P1_NBUF)
        ] + [
            pltpu.VMEM((HIDDEN,), jnp.float32),
            pltpu.VMEM((HIDDEN,), jnp.float32),
        ] + [pltpu.SemaphoreType.DMA for _ in range(2 * _P1_NBUF)],
    )
    def normalize_table(table_hbm, gamma_hbm, beta_hbm, norm_hbm,
                        buf0, buf1, buf2, gamma_v, beta_v, *sems):
        bufs = [buf0, buf1, buf2]
        sem_g = sems[:_P1_NBUF]
        sem_w = sems[_P1_NBUF:]
        wid = lax.axis_index("s") * _NC + lax.axis_index("c")
        n_w = (n_chunks - wid + _NW - 1) // _NW
        pltpu.sync_copy(gamma_hbm, gamma_v)
        pltpu.sync_copy(beta_hbm, beta_v)
        gj = [gamma_v[pl.ds(16 * j, 16)] for j in range(8)]
        bj = [beta_v[pl.ds(16 * j, 16)] for j in range(8)]

        def row_off(c):
            return (wid + c * _NW) * _P1_CHUNK

        def start_load(c, b):
            pltpu.make_async_copy(
                table_hbm.at[pl.ds(row_off(c), _P1_CHUNK)],
                bufs[b], sem_g[b]).start()

        def wait_load(c, b):
            pltpu.make_async_copy(
                table_hbm.at[pl.ds(row_off(c), _P1_CHUNK)],
                bufs[b], sem_g[b]).wait()

        def start_wb(c, b):
            pltpu.make_async_copy(
                bufs[b], norm_hbm.at[pl.ds(row_off(c), _P1_CHUNK)],
                sem_w[b]).start()

        def wait_wb(b):
            pltpu.make_async_copy(
                bufs[b], norm_hbm.at[pl.ds(wid * _P1_CHUNK, _P1_CHUNK)],
                sem_w[b]).wait()

        for c in range(_P1_AHEAD):

            @pl.when(c < n_w)
            def _():
                start_load(c, c % _P1_NBUF)

        def group_body(g, carry):
            for b in range(_P1_NBUF):
                c = g * _P1_NBUF + b
                ba = (b + _P1_AHEAD) % _P1_NBUF

                @pl.when(jnp.logical_and(c >= _P1_NBUF - _P1_AHEAD,
                                         c + _P1_AHEAD - _P1_NBUF < n_w))
                def _():
                    wait_wb(ba)

                @pl.when(c + _P1_AHEAD < n_w)
                def _():
                    start_load(c + _P1_AHEAD, ba)

                @pl.when(c < n_w)
                def _():
                    wait_load(c, b)

                    def row_body(r, rcarry):
                        for u in range(_P1_UNROLL):
                            _ln_row(bufs[b], r * _P1_UNROLL + u, gj, bj)
                        return rcarry

                    lax.fori_loop(0, _P1_CHUNK // _P1_UNROLL, row_body, 0)
                    start_wb(c, b)
            return carry

        lax.fori_loop(0, n_groups, group_body, 0)

    return normalize_table



_P2_CHUNK = 128
_P2_NBUF = 5
_P2_AHEAD = 3


def _make_gather(n_rows: int, vocab: int):
    assert n_rows % (_NW * _P2_CHUNK * _P2_NBUF) == 0
    rows_per_w = n_rows // _NW
    n_chunks = rows_per_w // _P2_CHUNK

    mesh = plsc.VectorSubcoreMesh(core_axis_name="c", subcore_axis_name="s")

    @functools.partial(
        pl.kernel,
        mesh=mesh,
        out_type=jax.ShapeDtypeStruct((n_rows, HIDDEN), jnp.float32),
        scratch_types=[
            pltpu.VMEM((n_chunks, _P2_CHUNK), jnp.int32),
        ] + [
            pltpu.VMEM((_P2_CHUNK, HIDDEN), jnp.float32)
            for _ in range(_P2_NBUF)
        ] + [pltpu.SemaphoreType.DMA for _ in range(2 * _P2_NBUF)],
    )
    def gather_rows(ids_hbm, norm_hbm, out_hbm, idx_all, *bufs_and_sems):
        rows = list(bufs_and_sems[:_P2_NBUF])
        sems = bufs_and_sems[_P2_NBUF:]
        sem_g = sems[:_P2_NBUF]
        sem_w = sems[_P2_NBUF:]
        wid = lax.axis_index("s") * _NC + lax.axis_index("c")
        row_base = wid * rows_per_w
        pltpu.sync_copy(ids_hbm.at[pl.ds(wid * n_chunks, n_chunks)], idx_all)

        def start_gather(c, b):
            pltpu.make_async_copy(
                norm_hbm.at[idx_all.at[c]], rows[b], sem_g[b]).start()

        def wait_gather(c, b):
            pltpu.make_async_copy(
                norm_hbm.at[idx_all.at[c]], rows[b], sem_g[b]).wait()

        def start_wb(c, b):
            pltpu.make_async_copy(
                rows[b],
                out_hbm.at[pl.ds(row_base + c * _P2_CHUNK, _P2_CHUNK)],
                sem_w[b]).start()

        def wait_wb(b):
            pltpu.make_async_copy(
                rows[b], out_hbm.at[pl.ds(row_base, _P2_CHUNK)],
                sem_w[b]).wait()

        for c in range(_P2_AHEAD):
            start_gather(c, c % _P2_NBUF)

        def group_body(g, carry):
            for b in range(_P2_NBUF):
                c = g * _P2_NBUF + b
                ba = (b + _P2_AHEAD) % _P2_NBUF

                @pl.when(c >= _P2_NBUF - _P2_AHEAD)
                def _():
                    wait_wb(ba)

                @pl.when(c + _P2_AHEAD < n_chunks)
                def _():
                    start_gather(c + _P2_AHEAD, ba)

                wait_gather(c, b)
                start_wb(c, b)
            return carry

        lax.fori_loop(0, n_chunks // _P2_NBUF, group_body, 0)
        for c in range(n_chunks - (_P2_NBUF - _P2_AHEAD), n_chunks):
            wait_wb(c % _P2_NBUF)

    return gather_rows


def kernel(input_ids, word_table, ln_gamma, ln_beta):
    b, l = input_ids.shape
    vocab, hidden = word_table.shape
    assert hidden == HIDDEN
    n_rows = b * l
    ids2d = input_ids.reshape(n_rows // _P2_CHUNK, _P2_CHUNK).astype(jnp.int32)
    norm_table = _make_normalize_table(vocab)(
        word_table, ln_gamma.astype(jnp.float32), ln_beta.astype(jnp.float32))
    out = _make_gather(n_rows, vocab)(ids2d, norm_table)
    return out.reshape(b, l, HIDDEN)

# --- scband reference (transcript-rebuilt; emitter-appended) ---
"""Pipeline reference for scband-cached-ehrembeddings-74947179315384 (READ-ONLY COPY).

The authoritative reference and input builder live on the scoring server;
editing this copy changes nothing except your own understanding.
"""

import jax, jax.numpy as jnp
import numpy as np

VOCAB = 100000
HIDDEN = 128
PAD_IDX = 0
LN_EPS = 1e-12


def setup_inputs(seed: int = 0) -> dict:
    key = jax.random.key(seed)
    k1, k2 = jax.random.split(key, 2)
    input_ids = jax.random.randint(k1, (4096, 200), 0, VOCAB, dtype=jnp.int64 if jax.config.jax_enable_x64 else jnp.int32)
    word_table = jax.random.normal(k2, (VOCAB, HIDDEN), dtype=jnp.float32) * 0.02
    word_table = word_table.at[PAD_IDX].set(0.0)  # padding_idx row is zero-initialized in nn.Embedding
    ln_gamma = jnp.ones((HIDDEN,), dtype=jnp.float32)
    ln_beta = jnp.zeros((HIDDEN,), dtype=jnp.float32)
    return {"input_ids": input_ids, "word_table": word_table, "ln_gamma": ln_gamma, "ln_beta": ln_beta}


def reference(input_ids, word_table, ln_gamma, ln_beta):
    # CachedEHREmbeddings.forward with no cached aux inputs (set_aux_inputs never called):
    #   embeddings = word_embeddings(input_ids)
    #   return LayerNorm(dropout(embeddings))   # dropout is identity in eval mode
    word_embeds = jnp.take(word_table, input_ids, axis=0)  # [B, L, H] gather
    mean = jnp.mean(word_embeds, axis=-1, keepdims=True)
    var = jnp.var(word_embeds, axis=-1, keepdims=True)
    normed = (word_embeds - mean) / jnp.sqrt(var + LN_EPS)
    return normed * ln_gamma + ln_beta

if __name__ == "__main__":
    import jax
    _d = setup_inputs()
    print(jax.jit(kernel)(*tuple(_d.values())))

</pallas_src>

<mosaic_0001>
#map = affine_map<(d0, d1) -> (0, 0)>
module attributes {stable_mosaic.version = 14 : i64} {
  func.func @gather_rows(%arg0: i32, %arg1: i32, %arg2: memref<6400x128xi32, #tpu.memory_space<hbm>>, %arg3: memref<100000x128xf32, #tpu.memory_space<hbm>>, %arg4: memref<819200x128xf32, #tpu.memory_space<hbm>>, %arg5: memref<200x128xi32, #tpu.memory_space<vmem>>, %arg6: memref<128x128xf32, #tpu.memory_space<vmem>>, %arg7: memref<128x128xf32, #tpu.memory_space<vmem>>, %arg8: memref<128x128xf32, #tpu.memory_space<vmem>>, %arg9: memref<128x128xf32, #tpu.memory_space<vmem>>, %arg10: memref<128x128xf32, #tpu.memory_space<vmem>>, %arg11: memref<!tpu.dma_semaphore, #tpu.memory_space<semaphore_mem>>, %arg12: memref<!tpu.dma_semaphore, #tpu.memory_space<semaphore_mem>>, %arg13: memref<!tpu.dma_semaphore, #tpu.memory_space<semaphore_mem>>, %arg14: memref<!tpu.dma_semaphore, #tpu.memory_space<semaphore_mem>>, %arg15: memref<!tpu.dma_semaphore, #tpu.memory_space<semaphore_mem>>, %arg16: memref<!tpu.dma_semaphore, #tpu.memory_space<semaphore_mem>>, %arg17: memref<!tpu.dma_semaphore, #tpu.memory_space<semaphore_mem>>, %arg18: memref<!tpu.dma_semaphore, #tpu.memory_space<semaphore_mem>>, %arg19: memref<!tpu.dma_semaphore, #tpu.memory_space<semaphore_mem>>, %arg20: memref<!tpu.dma_semaphore, #tpu.memory_space<semaphore_mem>>) attributes {dimension_semantics = [#tpu.dimension_semantics<core_parallel>, #tpu.dimension_semantics<subcore_parallel>], iteration_bounds = array<i64: 2, 16>, scalar_prefetch = 0 : i64, scratch_operands = 16 : i64, tpu.core_type = #tpu.core_type<sc_vector_subcore>, window_params = [{transform_indices = #map}, {transform_indices = #map}, {transform_indices = #map}]} {
    %mul3A = arith.constant 2 : i32
    %mul3A_0 = arith.muli %arg1, %mul3A : i32
    %add3A = arith.addi %mul3A_0, %arg0 : i32
    %mul3A_1 = arith.constant 25600 : i32
    %mul3A_2 = arith.muli %add3A, %mul3A_1 : i32
    %mul3A_3 = arith.constant 200 : i32
    %mul3A_4 = arith.muli %add3A, %mul3A_3 : i32
    "tpu.region"() ({
      %run_scoped3A = tpu.sem_alloc : memref<!tpu.dma_semaphore, #tpu.memory_space<semaphore_mem>>
      %dma_start3A_37 = arith.constant 0 : i32
      %dma_start3A_38 = tpu.memref_slice %arg2[%mul3A_4, %dma_start3A_37] : memref<6400x128xi32, #tpu.memory_space<hbm>> -> memref<200x128xi32, #tpu.memory_space<hbm>>
      %dma_start3A_39 = arith.constant 0 : i32
      %dma_start3A_40 = tpu.memref_slice %arg2[%mul3A_4, %dma_start3A_39] : memref<6400x128xi32, #tpu.memory_space<hbm>> -> memref<200x128xi32, #tpu.memory_space<hbm>>
      tpu.enqueue_dma source(%dma_start3A_40 : memref<200x128xi32, #tpu.memory_space<hbm>>) target(%arg5 : memref<200x128xi32, #tpu.memory_space<vmem>>) target_semaphore(%run_scoped3A : memref<!tpu.dma_semaphore, #tpu.memory_space<semaphore_mem>>)
      %dma_wait3A_41 = arith.constant 0 : i32
      %dma_wait3A_42 = tpu.memref_slice %arg2[%mul3A_4, %dma_wait3A_41] : memref<6400x128xi32, #tpu.memory_space<hbm>> -> memref<200x128xi32, #tpu.memory_space<hbm>>
      %dma_wait3A_43 = arith.constant 0 : i32
      %dma_wait3A_44 = tpu.memref_slice %arg2[%mul3A_4, %dma_wait3A_43] : memref<6400x128xi32, #tpu.memory_space<hbm>> -> memref<200x128xi32, #tpu.memory_space<hbm>>
      tpu.wait_dma2 semaphore(%run_scoped3A : memref<!tpu.dma_semaphore, #tpu.memory_space<semaphore_mem>>) src(%dma_wait3A_44 : memref<200x128xi32, #tpu.memory_space<hbm>>) dst(%arg5 : memref<200x128xi32, #tpu.memory_space<vmem>>)
      tpu.yield
    }) : () -> ()
    %dma_start3A = arith.constant 0 : i32
    %dma_start3A_5 = arith.constant 0 : i32
    %dma_start3A_6 = tpu.memref_slice %arg5[%dma_start3A, %dma_start3A_5] : memref<200x128xi32, #tpu.memory_space<vmem>> -> memref<1x128xi32, #tpu.memory_space<vmem>>
    %dma_start3A_7 = tpu.memref_squeeze %dma_start3A_6 : memref<1x128xi32, #tpu.memory_space<vmem>> -> memref<128xi32, #tpu.memory_space<vmem>>
    %dma_start3A_8 = arith.constant 0 : i32
    %dma_start3A_9 = arith.constant 0 : i32
    %dma_start3A_10 = tpu.memref_slice %arg3[%dma_start3A_8, %dma_start3A_9] : memref<100000x128xf32, #tpu.memory_space<hbm>> -> memref<100000x128xf32, #tpu.memory_space<hbm>>
    tpu.enqueue_indirect_dma source(%dma_start3A_10 : memref<100000x128xf32, #tpu.memory_space<hbm>>) target(%arg6 : memref<128x128xf32, #tpu.memory_space<vmem>>) offsets(%dma_start3A_7 : memref<128xi32, #tpu.memory_space<vmem>>) semaphore(%arg11 : memref<!tpu.dma_semaphore, #tpu.memory_space<semaphore_mem>>)
    %dma_start3A_11 = arith.constant 1 : i32
    %dma_start3A_12 = arith.constant 0 : i32
    %dma_start3A_13 = tpu.memref_slice %arg5[%dma_start3A_11, %dma_start3A_12] : memref<200x128xi32, #tpu.memory_space<vmem>> -> memref<1x128xi32, #tpu.memory_space<vmem>>
    %dma_start3A_14 = tpu.memref_squeeze %dma_start3A_13 : memref<1x128xi32, #tpu.memory_space<vmem>> -> memref<128xi32, #tpu.memory_space<vmem>>
    %dma_start3A_15 = arith.constant 0 : i32
    %dma_start3A_16 = arith.constant 0 : i32
    %dma_start3A_17 = tpu.memref_slice %arg3[%dma_start3A_15, %dma_start3A_16] : memref<100000x128xf32, #tpu.memory_space<hbm>> -> memref<100000x128xf32, #tpu.memory_space<hbm>>
    tpu.enqueue_indirect_dma source(%dma_start3A_17 : memref<100000x128xf32, #tpu.memory_space<hbm>>) target(%arg7 : memref<128x128xf32, #tpu.memory_space<vmem>>) offsets(%dma_start3A_14 : memref<128xi32, #tpu.memory_space<vmem>>) semaphore(%arg12 : memref<!tpu.dma_semaphore, #tpu.memory_space<semaphore_mem>>)
    %dma_start3A_18 = arith.constant 2 : i32
    %dma_start3A_19 = arith.constant 0 : i32
    %dma_start3A_20 = tpu.memref_slice %arg5[%dma_start3A_18, %dma_start3A_19] : memref<200x128xi32, #tpu.memory_space<vmem>> -> memref<1x128xi32, #tpu.memory_space<vmem>>
    %dma_start3A_21 = tpu.memref_squeeze %dma_start3A_20 : memref<1x128xi32, #tpu.memory_space<vmem>> -> memref<128xi32, #tpu.memory_space<vmem>>
    %dma_start3A_22 = arith.constant 0 : i32
    %dma_start3A_23 = arith.constant 0 : i32
    %dma_start3A_24 = tpu.memref_slice %arg3[%dma_start3A_22, %dma_start3A_23] : memref<100000x128xf32, #tpu.memory_space<hbm>> -> memref<100000x128xf32, #tpu.memory_space<hbm>>
    tpu.enqueue_indirect_dma source(%dma_start3A_24 : memref<100000x128xf32, #tpu.memory_space<hbm>>) target(%arg8 : memref<128x128xf32, #tpu.memory_space<vmem>>) offsets(%dma_start3A_21 : memref<128xi32, #tpu.memory_space<vmem>>) semaphore(%arg13 : memref<!tpu.dma_semaphore, #tpu.memory_space<semaphore_mem>>)
    %scan3A = arith.constant 0 : i32
    %scan3A_25 = arith.constant 0 : i32
    %scan3A_26 = arith.constant 40 : i32
    %scan3A_27 = arith.addi %scan3A_25, %scan3A_26 : i32
    %scan3A_28 = arith.constant 1 : i32
    scf.for %scan3A_37 = %scan3A_25 to %scan3A_27 step %scan3A_28  : i32 {
      %mul3A_38 = arith.constant 5 : i32
      %mul3A_39 = arith.muli %scan3A_37, %mul3A_38 : i32
      %add3A_40 = arith.constant 0 : i32
      %add3A_41 = arith.addi %mul3A_39, %add3A_40 : i32
      %ge3A = arith.constant 2 : i32
      %ge3A_42 = arith.cmpi sge, %add3A_41, %ge3A : i32
      %convert_element_type3A = arith.extui %ge3A_42 : i1 to i32
      %cond3A = arith.constant 0 : i32
      %cond3A_43 = arith.cmpi ne, %convert_element_type3A, %cond3A : i32
      scf.if %cond3A_43 {
        %dma_wait3A_179 = arith.constant 0 : i32
        %dma_wait3A_180 = tpu.memref_slice %arg4[%mul3A_2, %dma_wait3A_179] : memref<819200x128xf32, #tpu.memory_space<hbm>> -> memref<128x128xf32, #tpu.memory_space<hbm>>
        %dma_wait3A_181 = arith.constant 0 : i32
        %dma_wait3A_182 = tpu.memref_slice %arg4[%mul3A_2, %dma_wait3A_181] : memref<819200x128xf32, #tpu.memory_space<hbm>> -> memref<128x128xf32, #tpu.memory_space<hbm>>
        tpu.wait_dma2 semaphore(%arg19 : memref<!tpu.dma_semaphore, #tpu.memory_space<semaphore_mem>>) src(%arg9 : memref<128x128xf32, #tpu.memory_space<vmem>>) dst(%dma_wait3A_182 : memref<128x128xf32, #tpu.memory_space<hbm>>)
      } else {
      }
      %add3A_44 = arith.constant 3 : i32
      %add3A_45 = arith.addi %add3A_41, %add3A_44 : i32
      %lt3A = arith.constant 200 : i32
      %lt3A_46 = arith.cmpi slt, %add3A_45, %lt3A : i32
      %convert_element_type3A_47 = arith.extui %lt3A_46 : i1 to i32
      %cond3A_48 = arith.constant 0 : i32
      %cond3A_49 = arith.cmpi ne, %convert_element_type3A_47, %cond3A_48 : i32
      scf.if %cond3A_49 {
        %add3A_179 = arith.constant 3 : i32
        %add3A_180 = arith.addi %add3A_41, %add3A_179 : i32
        %dma_start3A_181 = arith.constant 0 : i32
        %dma_start3A_182 = tpu.memref_slice %arg5[%add3A_180, %dma_start3A_181] : memref<200x128xi32, #tpu.memory_space<vmem>> -> memref<1x128xi32, #tpu.memory_space<vmem>>
        %dma_start3A_183 = tpu.memref_squeeze %dma_start3A_182 : memref<1x128xi32, #tpu.memory_space<vmem>> -> memref<128xi32, #tpu.memory_space<vmem>>
        %dma_start3A_184 = arith.constant 0 : i32
        %dma_start3A_185 = arith.constant 0 : i32
        %dma_start3A_186 = tpu.memref_slice %arg3[%dma_start3A_184, %dma_start3A_185] : memref<100000x128xf32, #tpu.memory_space<hbm>> -> memref<100000x128xf32, #tpu.memory_space<hbm>>
        tpu.enqueue_indirect_dma source(%dma_start3A_186 : memref<100000x128xf32, #tpu.memory_space<hbm>>) target(%arg9 : memref<128x128xf32, #tpu.memory_space<vmem>>) offsets(%dma_start3A_183 : memref<128xi32, #tpu.memory_space<vmem>>) semaphore(%arg14 : memref<!tpu.dma_semaphore, #tpu.memory_space<semaphore_mem>>)
      } else {
      }
      %dma_wait3A_50 = arith.constant 0 : i32
      %dma_wait3A_51 = tpu.memref_slice %arg5[%add3A_41, %dma_wait3A_50] : memref<200x128xi32, #tpu.memory_space<vmem>> -> memref<1x128xi32, #tpu.memory_space<vmem>>
      %dma_wait3A_52 = tpu.memref_squeeze %dma_wait3A_51 : memref<1x128xi32, #tpu.memory_space<vmem>> -> memref<128xi32, #tpu.memory_space<vmem>>
      %dma_wait3A_53 = arith.constant 0 : i32
      %dma_wait3A_54 = arith.constant 0 : i32
      %dma_wait3A_55 = tpu.memref_slice %arg3[%dma_wait3A_53, %dma_wait3A_54] : memref<100000x128xf32, #tpu.memory_space<hbm>> -> memref<100000x128xf32, #tpu.memory_space<hbm>>
      tpu.wait_indirect_dma semaphore(%arg11 : memref<!tpu.dma_semaphore, #tpu.memory_space<semaphore_mem>>) src(%dma_wait3A_55 : memref<100000x128xf32, #tpu.memory_space<hbm>>) dst(%arg6 : memref<128x128xf32, #tpu.memory_space<vmem>>)
      %mul3A_56 = arith.constant 128 : i32
      %mul3A_57 = arith.muli %add3A_41, %mul3A_56 : i32
      %add3A_58 = arith.addi %mul3A_2, %mul3A_57 : i32
      %dma_start3A_59 = arith.constant 0 : i32
      %dma_start3A_60 = tpu.memref_slice %arg4[%add3A_58, %dma_start3A_59] : memref<819200x128xf32, #tpu.memory_space<hbm>> -> memref<128x128xf32, #tpu.memory_space<hbm>>
      %dma_start3A_61 = arith.constant 0 : i32
      %dma_start3A_62 = tpu.memref_slice %arg4[%add3A_58, %dma_start3A_61] : memref<819200x128xf32, #tpu.memory_space<hbm>> -> memref<128x128xf32, #tpu.memory_space<hbm>>
      tpu.enqueue_dma source(%arg6 : memref<128x128xf32, #tpu.memory_space<vmem>>) target(%dma_start3A_62 : memref<128x128xf32, #tpu.memory_space<hbm>>) target_semaphore(%arg16 : memref<!tpu.dma_semaphore, #tpu.memory_space<semaphore_mem>>)
      %mul3A_63 = arith.constant 5 : i32
      %mul3A_64 = arith.muli %scan3A_37, %mul3A_63 : i32
      %add3A_65 = arith.constant 1 : i32
      %add3A_66 = arith.addi %mul3A_64, %add3A_65 : i32
      %ge3A_67 = arith.constant 2 : i32
      %ge3A_68 = arith.cmpi sge, %add3A_66, %ge3A_67 : i32
      %convert_element_type3A_69 = arith.extui %ge3A_68 : i1 to i32
      %cond3A_70 = arith.constant 0 : i32
      %cond3A_71 = arith.cmpi ne, %convert_element_type3A_69, %cond3A_70 : i32
      scf.if %cond3A_71 {
        %dma_wait3A_179 = arith.constant 0 : i32
        %dma_wait3A_180 = tpu.memref_slice %arg4[%mul3A_2, %dma_wait3A_179] : memref<819200x128xf32, #tpu.memory_space<hbm>> -> memref<128x128xf32, #tpu.memory_space<hbm>>
        %dma_wait3A_181 = arith.constant 0 : i32
        %dma_wait3A_182 = tpu.memref_slice %arg4[%mul3A_2, %dma_wait3A_181] : memref<819200x128xf32, #tpu.memory_space<hbm>> -> memref<128x128xf32, #tpu.memory_space<hbm>>
        tpu.wait_dma2 semaphore(%arg20 : memref<!tpu.dma_semaphore, #tpu.memory_space<semaphore_mem>>) src(%arg10 : memref<128x128xf32, #tpu.memory_space<vmem>>) dst(%dma_wait3A_182 : memref<128x128xf32, #tpu.memory_space<hbm>>)
      } else {
      }
      %add3A_72 = arith.constant 3 : i32
      %add3A_73 = arith.addi %add3A_66, %add3A_72 : i32
      %lt3A_74 = arith.constant 200 : i32
      %lt3A_75 = arith.cmpi slt, %add3A_73, %lt3A_74 : i32
      %convert_element_type3A_76 = arith.extui %lt3A_75 : i1 to i32
      %cond3A_77 = arith.constant 0 : i32
      %cond3A_78 = arith.cmpi ne, %convert_element_type3A_76, %cond3A_77 : i32
      scf.if %cond3A_78 {
        %add3A_179 = arith.constant 3 : i32
        %add3A_180 = arith.addi %add3A_66, %add3A_179 : i32
        %dma_start3A_181 = arith.constant 0 : i32
        %dma_start3A_182 = tpu.memref_slice %arg5[%add3A_180, %dma_start3A_181] : memref<200x128xi32, #tpu.memory_space<vmem>> -> memref<1x128xi32, #tpu.memory_space<vmem>>
        %dma_start3A_183 = tpu.memref_squeeze %dma_start3A_182 : memref<1x128xi32, #tpu.memory_space<vmem>> -> memref<128xi32, #tpu.memory_space<vmem>>
        %dma_start3A_184 = arith.constant 0 : i32
        %dma_start3A_185 = arith.constant 0 : i32
        %dma_start3A_186 = tpu.memref_slice %arg3[%dma_start3A_184, %dma_start3A_185] : memref<100000x128xf32, #tpu.memory_space<hbm>> -> memref<100000x128xf32, #tpu.memory_space<hbm>>
        tpu.enqueue_indirect_dma source(%dma_start3A_186 : memref<100000x128xf32, #tpu.memory_space<hbm>>) target(%arg10 : memref<128x128xf32, #tpu.memory_space<vmem>>) offsets(%dma_start3A_183 : memref<128xi32, #tpu.memory_space<vmem>>) semaphore(%arg15 : memref<!tpu.dma_semaphore, #tpu.memory_space<semaphore_mem>>)
      } else {
      }
      %dma_wait3A_79 = arith.constant 0 : i32
      %dma_wait3A_80 = tpu.memref_slice %arg5[%add3A_66, %dma_wait3A_79] : memref<200x128xi32, #tpu.memory_space<vmem>> -> memref<1x128xi32, #tpu.memory_space<vmem>>
      %dma_wait3A_81 = tpu.memref_squeeze %dma_wait3A_80 : memref<1x128xi32, #tpu.memory_space<vmem>> -> memref<128xi32, #tpu.memory_space<vmem>>
      %dma_wait3A_82 = arith.constant 0 : i32
      %dma_wait3A_83 = arith.constant 0 : i32
      %dma_wait3A_84 = tpu.memref_slice %arg3[%dma_wait3A_82, %dma_wait3A_83] : memref<100000x128xf32, #tpu.memory_space<hbm>> -> memref<100000x128xf32, #tpu.memory_space<hbm>>
      tpu.wait_indirect_dma semaphore(%arg12 : memref<!tpu.dma_semaphore, #tpu.memory_space<semaphore_mem>>) src(%dma_wait3A_84 : memref<100000x128xf32, #tpu.memory_space<hbm>>) dst(%arg7 : memref<128x128xf32, #tpu.memory_space<vmem>>)
      %mul3A_85 = arith.constant 128 : i32
      %mul3A_86 = arith.muli %add3A_66, %mul3A_85 : i32
      %add3A_87 = arith.addi %mul3A_2, %mul3A_86 : i32
      %dma_start3A_88 = arith.constant 0 : i32
      %dma_start3A_89 = tpu.memref_slice %arg4[%add3A_87, %dma_start3A_88] : memref<819200x128xf32, #tpu.memory_space<hbm>> -> memref<128x128xf32, #tpu.memory_space<hbm>>
      %dma_start3A_90 = arith.constant 0 : i32
      %dma_start3A_91 = tpu.memref_slice %arg4[%add3A_87, %dma_start3A_90] : memref<819200x128xf32, #tpu.memory_space<hbm>> -> memref<128x128xf32, #tpu.memory_space<hbm>>
      tpu.enqueue_dma source(%arg7 : memref<128x128xf32, #tpu.memory_space<vmem>>) target(%dma_start3A_91 : memref<128x128xf32, #tpu.memory_space<hbm>>) target_semaphore(%arg17 : memref<!tpu.dma_semaphore, #tpu.memory_space<semaphore_mem>>)
      %mul3A_92 = arith.constant 5 : i32
      %mul3A_93 = arith.muli %scan3A_37, %mul3A_92 : i32
      %add3A_94 = arith.constant 2 : i32
      %add3A_95 = arith.addi %mul3A_93, %add3A_94 : i32
      %ge3A_96 = arith.constant 2 : i32
      %ge3A_97 = arith.cmpi sge, %add3A_95, %ge3A_96 : i32
      %convert_element_type3A_98 = arith.extui %ge3A_97 : i1 to i32
      %cond3A_99 = arith.constant 0 : i32
      %cond3A_100 = arith.cmpi ne, %convert_element_type3A_98, %cond3A_99 : i32
      scf.if %cond3A_100 {
        %dma_wait3A_179 = arith.constant 0 : i32
        %dma_wait3A_180 = tpu.memref_slice %arg4[%mul3A_2, %dma_wait3A_179] : memref<819200x128xf32, #tpu.memory_space<hbm>> -> memref<128x128xf32, #tpu.memory_space<hbm>>
        %dma_wait3A_181 = arith.constant 0 : i32
        %dma_wait3A_182 = tpu.memref_slice %arg4[%mul3A_2, %dma_wait3A_181] : memref<819200x128xf32, #tpu.memory_space<hbm>> -> memref<128x128xf32, #tpu.memory_space<hbm>>
        tpu.wait_dma2 semaphore(%arg16 : memref<!tpu.dma_semaphore, #tpu.memory_space<semaphore_mem>>) src(%arg6 : memref<128x128xf32, #tpu.memory_space<vmem>>) dst(%dma_wait3A_182 : memref<128x128xf32, #tpu.memory_space<hbm>>)
      } else {
      }
      %add3A_101 = arith.constant 3 : i32
      %add3A_102 = arith.addi %add3A_95, %add3A_101 : i32
      %lt3A_103 = arith.constant 200 : i32
      %lt3A_104 = arith.cmpi slt, %add3A_102, %lt3A_103 : i32
      %convert_element_type3A_105 = arith.extui %lt3A_104 : i1 to i32
      %cond3A_106 = arith.constant 0 : i32
      %cond3A_107 = arith.cmpi ne, %convert_element_type3A_105, %cond3A_106 : i32
      scf.if %cond3A_107 {
        %add3A_179 = arith.constant 3 : i32
        %add3A_180 = arith.addi %add3A_95, %add3A_179 : i32
        %dma_start3A_181 = arith.constant 0 : i32
        %dma_start3A_182 = tpu.memref_slice %arg5[%add3A_180, %dma_start3A_181] : memref<200x128xi32, #tpu.memory_space<vmem>> -> memref<1x128xi32, #tpu.memory_space<vmem>>
        %dma_start3A_183 = tpu.memref_squeeze %dma_start3A_182 : memref<1x128xi32, #tpu.memory_space<vmem>> -> memref<128xi32, #tpu.memory_space<vmem>>
        %dma_start3A_184 = arith.constant 0 : i32
        %dma_start3A_185 = arith.constant 0 : i32
        %dma_start3A_186 = tpu.memref_slice %arg3[%dma_start3A_184, %dma_start3A_185] : memref<100000x128xf32, #tpu.memory_space<hbm>> -> memref<100000x128xf32, #tpu.memory_space<hbm>>
        tpu.enqueue_indirect_dma source(%dma_start3A_186 : memref<100000x128xf32, #tpu.memory_space<hbm>>) target(%arg6 : memref<128x128xf32, #tpu.memory_space<vmem>>) offsets(%dma_start3A_183 : memref<128xi32, #tpu.memory_space<vmem>>) semaphore(%arg11 : memref<!tpu.dma_semaphore, #tpu.memory_space<semaphore_mem>>)
      } else {
      }
      %dma_wait3A_108 = arith.constant 0 : i32
      %dma_wait3A_109 = tpu.memref_slice %arg5[%add3A_95, %dma_wait3A_108] : memref<200x128xi32, #tpu.memory_space<vmem>> -> memref<1x128xi32, #tpu.memory_space<vmem>>
      %dma_wait3A_110 = tpu.memref_squeeze %dma_wait3A_109 : memref<1x128xi32, #tpu.memory_space<vmem>> -> memref<128xi32, #tpu.memory_space<vmem>>
      %dma_wait3A_111 = arith.constant 0 : i32
      %dma_wait3A_112 = arith.constant 0 : i32
      %dma_wait3A_113 = tpu.memref_slice %arg3[%dma_wait3A_111, %dma_wait3A_112] : memref<100000x128xf32, #tpu.memory_space<hbm>> -> memref<100000x128xf32, #tpu.memory_space<hbm>>
      tpu.wait_indirect_dma semaphore(%arg13 : memref<!tpu.dma_semaphore, #tpu.memory_space<semaphore_mem>>) src(%dma_wait3A_113 : memref<100000x128xf32, #tpu.memory_space<hbm>>) dst(%arg8 : memref<128x128xf32, #tpu.memory_space<vmem>>)
      %mul3A_114 = arith.constant 128 : i32
      %mul3A_115 = arith.muli %add3A_95, %mul3A_114 : i32
      %add3A_116 = arith.addi %mul3A_2, %mul3A_115 : i32
      %dma_start3A_117 = arith.constant 0 : i32
      %dma_start3A_118 = tpu.memref_slice %arg4[%add3A_116, %dma_start3A_117] : memref<819200x128xf32, #tpu.memory_space<hbm>> -> memref<128x128xf32, #tpu.memory_space<hbm>>
      %dma_start3A_119 = arith.constant 0 : i32
      %dma_start3A_120 = tpu.memref_slice %arg4[%add3A_116, %dma_start3A_119] : memref<819200x128xf32, #tpu.memory_space<hbm>> -> memref<128x128xf32, #tpu.memory_space<hbm>>
      tpu.enqueue_dma source(%arg8 : memref<128x128xf32, #tpu.memory_space<vmem>>) target(%dma_start3A_120 : memref<128x128xf32, #tpu.memory_space<hbm>>) target_semaphore(%arg18 : memref<!tpu.dma_semaphore, #tpu.memory_space<semaphore_mem>>)
      %mul3A_121 = arith.constant 5 : i32
      %mul3A_122 = arith.muli %scan3A_37, %mul3A_121 : i32
      %add3A_123 = arith.constant 3 : i32
      %add3A_124 = arith.addi %mul3A_122, %add3A_123 : i32
      %ge3A_125 = arith.constant 2 : i32
      %ge3A_126 = arith.cmpi sge, %add3A_124, %ge3A_125 : i32
      %convert_element_type3A_127 = arith.extui %ge3A_126 : i1 to i32
      %cond3A_128 = arith.constant 0 : i32
      %cond3A_129 = arith.cmpi ne, %convert_element_type3A_127, %cond3A_128 : i32
      scf.if %cond3A_129 {
        %dma_wait3A_179 = arith.constant 0 : i32
        %dma_wait3A_180 = tpu.memref_slice %arg4[%mul3A_2, %dma_wait3A_179] : memref<819200x128xf32, #tpu.memory_space<hbm>> -> memref<128x128xf32, #tpu.memory_space<hbm>>
        %dma_wait3A_181 = arith.constant 0 : i32
        %dma_wait3A_182 = tpu.memref_slice %arg4[%mul3A_2, %dma_wait3A_181] : memref<819200x128xf32, #tpu.memory_space<hbm>> -> memref<128x128xf32, #tpu.memory_space<hbm>>
        tpu.wait_dma2 semaphore(%arg17 : memref<!tpu.dma_semaphore, #tpu.memory_space<semaphore_mem>>) src(%arg7 : memref<128x128xf32, #tpu.memory_space<vmem>>) dst(%dma_wait3A_182 : memref<128x128xf32, #tpu.memory_space<hbm>>)
      } else {
      }
      %add3A_130 = arith.constant 3 : i32
      %add3A_131 = arith.addi %add3A_124, %add3A_130 : i32
      %lt3A_132 = arith.constant 200 : i32
      %lt3A_133 = arith.cmpi slt, %add3A_131, %lt3A_132 : i32
      %convert_element_type3A_134 = arith.extui %lt3A_133 : i1 to i32
      %cond3A_135 = arith.constant 0 : i32
      %cond3A_136 = arith.cmpi ne, %convert_element_type3A_134, %cond3A_135 : i32
      scf.if %cond3A_136 {
        %add3A_179 = arith.constant 3 : i32
        %add3A_180 = arith.addi %add3A_124, %add3A_179 : i32
        %dma_start3A_181 = arith.constant 0 : i32
        %dma_start3A_182 = tpu.memref_slice %arg5[%add3A_180, %dma_start3A_181] : memref<200x128xi32, #tpu.memory_space<vmem>> -> memref<1x128xi32, #tpu.memory_space<vmem>>
        %dma_start3A_183 = tpu.memref_squeeze %dma_start3A_182 : memref<1x128xi32, #tpu.memory_space<vmem>> -> memref<128xi32, #tpu.memory_space<vmem>>
        %dma_start3A_184 = arith.constant 0 : i32
        %dma_start3A_185 = arith.constant 0 : i32
        %dma_start3A_186 = tpu.memref_slice %arg3[%dma_start3A_184, %dma_start3A_185] : memref<100000x128xf32, #tpu.memory_space<hbm>> -> memref<100000x128xf32, #tpu.memory_space<hbm>>
        tpu.enqueue_indirect_dma source(%dma_start3A_186 : memref<100000x128xf32, #tpu.memory_space<hbm>>) target(%arg7 : memref<128x128xf32, #tpu.memory_space<vmem>>) offsets(%dma_start3A_183 : memref<128xi32, #tpu.memory_space<vmem>>) semaphore(%arg12 : memref<!tpu.dma_semaphore, #tpu.memory_space<semaphore_mem>>)
      } else {
      }
      %dma_wait3A_137 = arith.constant 0 : i32
      %dma_wait3A_138 = tpu.memref_slice %arg5[%add3A_124, %dma_wait3A_137] : memref<200x128xi32, #tpu.memory_space<vmem>> -> memref<1x128xi32, #tpu.memory_space<vmem>>
      %dma_wait3A_139 = tpu.memref_squeeze %dma_wait3A_138 : memref<1x128xi32, #tpu.memory_space<vmem>> -> memref<128xi32, #tpu.memory_space<vmem>>
      %dma_wait3A_140 = arith.constant 0 : i32
      %dma_wait3A_141 = arith.constant 0 : i32
      %dma_wait3A_142 = tpu.memref_slice %arg3[%dma_wait3A_140, %dma_wait3A_141] : memref<100000x128xf32, #tpu.memory_space<hbm>> -> memref<100000x128xf32, #tpu.memory_space<hbm>>
      tpu.wait_indirect_dma semaphore(%arg14 : memref<!tpu.dma_semaphore, #tpu.memory_space<semaphore_mem>>) src(%dma_wait3A_142 : memref<100000x128xf32, #tpu.memory_space<hbm>>) dst(%arg9 : memref<128x128xf32, #tpu.memory_space<vmem>>)
      %mul3A_143 = arith.constant 128 : i32
      %mul3A_144 = arith.muli %add3A_124, %mul3A_143 : i32
      %add3A_145 = arith.addi %mul3A_2, %mul3A_144 : i32
      %dma_start3A_146 = arith.constant 0 : i32
      %dma_start3A_147 = tpu.memref_slice %arg4[%add3A_145, %dma_start3A_146] : memref<819200x128xf32, #tpu.memory_space<hbm>> -> memref<128x128xf32, #tpu.memory_space<hbm>>
      %dma_start3A_148 = arith.constant 0 : i32
      %dma_start3A_149 = tpu.memref_slice %arg4[%add3A_145, %dma_start3A_148] : memref<819200x128xf32, #tpu.memory_space<hbm>> -> memref<128x128xf32, #tpu.memory_space<hbm>>
      tpu.enqueue_dma source(%arg9 : memref<128x128xf32, #tpu.memory_space<vmem>>) target(%dma_start3A_149 : memref<128x128xf32, #tpu.memory_space<hbm>>) target_semaphore(%arg19 : memref<!tpu.dma_semaphore, #tpu.memory_space<semaphore_mem>>)
      %mul3A_150 = arith.constant 5 : i32
      %mul3A_151 = arith.muli %scan3A_37, %mul3A_150 : i32
      %add3A_152 = arith.constant 4 : i32
      %add3A_153 = arith.addi %mul3A_151, %add3A_152 : i32
      %ge3A_154 = arith.constant 2 : i32
      %ge3A_155 = arith.cmpi sge, %add3A_153, %ge3A_154 : i32
      %convert_element_type3A_156 = arith.extui %ge3A_155 : i1 to i32
      %cond3A_157 = arith.constant 0 : i32
      %cond3A_158 = arith.cmpi ne, %convert_element_type3A_156, %cond3A_157 : i32
      scf.if %cond3A_158 {
        %dma_wait3A_179 = arith.constant 0 : i32
        %dma_wait3A_180 = tpu.memref_slice %arg4[%mul3A_2, %dma_wait3A_179] : memref<819200x128xf32, #tpu.memory_space<hbm>> -> memref<128x128xf32, #tpu.memory_space<hbm>>
        %dma_wait3A_181 = arith.constant 0 : i32
        %dma_wait3A_182 = tpu.memref_slice %arg4[%mul3A_2, %dma_wait3A_181] : memref<819200x128xf32, #tpu.memory_space<hbm>> -> memref<128x128xf32, #tpu.memory_space<hbm>>
        tpu.wait_dma2 semaphore(%arg18 : memref<!tpu.dma_semaphore, #tpu.memory_space<semaphore_mem>>) src(%arg8 : memref<128x128xf32, #tpu.memory_space<vmem>>) dst(%dma_wait3A_182 : memref<128x128xf32, #tpu.memory_space<hbm>>)
      } else {
      }
      %add3A_159 = arith.constant 3 : i32
      %add3A_160 = arith.addi %add3A_153, %add3A_159 : i32
      %lt3A_161 = arith.constant 200 : i32
      %lt3A_162 = arith.cmpi slt, %add3A_160, %lt3A_161 : i32
      %convert_element_type3A_163 = arith.extui %lt3A_162 : i1 to i32
      %cond3A_164 = arith.constant 0 : i32
      %cond3A_165 = arith.cmpi ne, %convert_element_type3A_163, %cond3A_164 : i32
      scf.if %cond3A_165 {
        %add3A_179 = arith.constant 3 : i32
        %add3A_180 = arith.addi %add3A_153, %add3A_179 : i32
        %dma_start3A_181 = arith.constant 0 : i32
        %dma_start3A_182 = tpu.memref_slice %arg5[%add3A_180, %dma_start3A_181] : memref<200x128xi32, #tpu.memory_space<vmem>> -> memref<1x128xi32, #tpu.memory_space<vmem>>
        %dma_start3A_183 = tpu.memref_squeeze %dma_start3A_182 : memref<1x128xi32, #tpu.memory_space<vmem>> -> memref<128xi32, #tpu.memory_space<vmem>>
        %dma_start3A_184 = arith.constant 0 : i32
        %dma_start3A_185 = arith.constant 0 : i32
        %dma_start3A_186 = tpu.memref_slice %arg3[%dma_start3A_184, %dma_start3A_185] : memref<100000x128xf32, #tpu.memory_space<hbm>> -> memref<100000x128xf32, #tpu.memory_space<hbm>>
        tpu.enqueue_indirect_dma source(%dma_start3A_186 : memref<100000x128xf32, #tpu.memory_space<hbm>>) target(%arg8 : memref<128x128xf32, #tpu.memory_space<vmem>>) offsets(%dma_start3A_183 : memref<128xi32, #tpu.memory_space<vmem>>) semaphore(%arg13 : memref<!tpu.dma_semaphore, #tpu.memory_space<semaphore_mem>>)
      } else {
      }
      %dma_wait3A_166 = arith.constant 0 : i32
      %dma_wait3A_167 = tpu.memref_slice %arg5[%add3A_153, %dma_wait3A_166] : memref<200x128xi32, #tpu.memory_space<vmem>> -> memref<1x128xi32, #tpu.memory_space<vmem>>
      %dma_wait3A_168 = tpu.memref_squeeze %dma_wait3A_167 : memref<1x128xi32, #tpu.memory_space<vmem>> -> memref<128xi32, #tpu.memory_space<vmem>>
      %dma_wait3A_169 = arith.constant 0 : i32
      %dma_wait3A_170 = arith.constant 0 : i32
      %dma_wait3A_171 = tpu.memref_slice %arg3[%dma_wait3A_169, %dma_wait3A_170] : memref<100000x128xf32, #tpu.memory_space<hbm>> -> memref<100000x128xf32, #tpu.memory_space<hbm>>
      tpu.wait_indirect_dma semaphore(%arg15 : memref<!tpu.dma_semaphore, #tpu.memory_space<semaphore_mem>>) src(%dma_wait3A_171 : memref<100000x128xf32, #tpu.memory_space<hbm>>) dst(%arg10 : memref<128x128xf32, #tpu.memory_space<vmem>>)
      %mul3A_172 = arith.constant 128 : i32
      %mul3A_173 = arith.muli %add3A_153, %mul3A_172 : i32
      %add3A_174 = arith.addi %mul3A_2, %mul3A_173 : i32
      %dma_start3A_175 = arith.constant 0 : i32
      %dma_start3A_176 = tpu.memref_slice %arg4[%add3A_174, %dma_start3A_175] : memref<819200x128xf32, #tpu.memory_space<hbm>> -> memref<128x128xf32, #tpu.memory_space<hbm>>
      %dma_start3A_177 = arith.constant 0 : i32
      %dma_start3A_178 = tpu.memref_slice %arg4[%add3A_174, %dma_start3A_177] : memref<819200x128xf32, #tpu.memory_space<hbm>> -> memref<128x128xf32, #tpu.memory_space<hbm>>
      tpu.enqueue_dma source(%arg10 : memref<128x128xf32, #tpu.memory_space<vmem>>) target(%dma_start3A_178 : memref<128x128xf32, #tpu.memory_space<hbm>>) target_semaphore(%arg20 : memref<!tpu.dma_semaphore, #tpu.memory_space<semaphore_mem>>)
    }
    %scan3A_29 = arith.constant 40 : i32
    %dma_wait3A = arith.constant 0 : i32
    %dma_wait3A_30 = tpu.memref_slice %arg4[%mul3A_2, %dma_wait3A] : memref<819200x128xf32, #tpu.memory_space<hbm>> -> memref<128x128xf32, #tpu.memory_space<hbm>>
    %dma_wait3A_31 = arith.constant 0 : i32
    %dma_wait3A_32 = tpu.memref_slice %arg4[%mul3A_2, %dma_wait3A_31] : memref<819200x128xf32, #tpu.memory_space<hbm>> -> memref<128x128xf32, #tpu.memory_space<hbm>>
    tpu.wait_dma2 semaphore(%arg19 : memref<!tpu.dma_semaphore, #tpu.memory_space<semaphore_mem>>) src(%arg9 : memref<128x128xf32, #tpu.memory_space<vmem>>) dst(%dma_wait3A_32 : memref<128x128xf32, #tpu.memory_space<hbm>>)
    %dma_wait3A_33 = arith.constant 0 : i32
    %dma_wait3A_34 = tpu.memref_slice %arg4[%mul3A_2, %dma_wait3A_33] : memref<819200x128xf32, #tpu.memory_space<hbm>> -> memref<128x128xf32, #tpu.memory_space<hbm>>
    %dma_wait3A_35 = arith.constant 0 : i32
    %dma_wait3A_36 = tpu.memref_slice %arg4[%mul3A_2, %dma_wait3A_35] : memref<819200x128xf32, #tpu.memory_space<hbm>> -> memref<128x128xf32, #tpu.memory_space<hbm>>
    tpu.wait_dma2 semaphore(%arg20 : memref<!tpu.dma_semaphore, #tpu.memory_space<semaphore_mem>>) src(%arg10 : memref<128x128xf32, #tpu.memory_space<vmem>>) dst(%dma_wait3A_36 : memref<128x128xf32, #tpu.memory_space<hbm>>)
    return
  }
}

#map = affine_map<(d0, d1) -> (0, 0)>
#map1 = affine_map<(d0, d1) -> (0)>
module attributes {stable_mosaic.version = 14 : i64} {
  func.func @normalize_table(%arg0: i32, %arg1: i32, %arg2: memref<100000x128xf32, #tpu.memory_space<hbm>>, %arg3: memref<128xf32, #tpu.memory_space<hbm>>, %arg4: memref<128xf32, #tpu.memory_space<hbm>>, %arg5: memref<100000x128xf32, #tpu.memory_space<hbm>>, %arg6: memref<200x128xf32, #tpu.memory_space<vmem>>, %arg7: memref<200x128xf32, #tpu.memory_space<vmem>>, %arg8: memref<200x128xf32, #tpu.memory_space<vmem>>, %arg9: memref<128xf32, #tpu.memory_space<vmem>>, %arg10: memref<128xf32, #tpu.memory_space<vmem>>, %arg11: memref<!tpu.dma_semaphore, #tpu.memory_space<semaphore_mem>>, %arg12: memref<!tpu.dma_semaphore, #tpu.memory_space<semaphore_mem>>, %arg13: memref<!tpu.dma_semaphore, #tpu.memory_space<semaphore_mem>>, %arg14: memref<!tpu.dma_semaphore, #tpu.memory_space<semaphore_mem>>, %arg15: memref<!tpu.dma_semaphore, #tpu.memory_space<semaphore_mem>>, %arg16: memref<!tpu.dma_semaphore, #tpu.memory_space<semaphore_mem>>) attributes {dimension_semantics = [#tpu.dimension_semantics<core_parallel>, #tpu.dimension_semantics<subcore_parallel>], iteration_bounds = array<i64: 2, 16>, scalar_prefetch = 0 : i64, scratch_operands = 11 : i64, tpu.core_type = #tpu.core_type<sc_vector_subcore>, window_params = [{transform_indices = #map}, {transform_indices = #map1}, {transform_indices = #map1}, {transform_indices = #map}]} {
    %mul3A = arith.constant 2 : i32
    %mul3A_0 = arith.muli %arg1, %mul3A : i32
    %add3A = arith.addi %mul3A_0, %arg0 : i32
    %sub3A = arith.constant 500 : i32
    %sub3A_1 = arith.subi %sub3A, %add3A : i32
    %add3A_2 = arith.constant 32 : i32
    %add3A_3 = arith.addi %sub3A_1, %add3A_2 : i32
    %sub3A_4 = arith.constant 1 : i32
    %sub3A_5 = arith.subi %add3A_3, %sub3A_4 : i32
    %jit3A = arith.constant 32 : i32
    %div3A = arith.divsi %sub3A_5, %jit3A : i32
    %sign3A = arith.constant 0 : i32
    %sign3A_6 = arith.cmpi sgt, %sub3A_5, %sign3A : i32
    %sign3A_7 = arith.extui %sign3A_6 : i1 to i32
    %sign3A_8 = arith.constant 0 : i32
    %sign3A_9 = arith.cmpi slt, %sub3A_5, %sign3A_8 : i32
    %sign3A_10 = arith.extui %sign3A_9 : i1 to i32
    %sign3A_11 = arith.subi %sign3A_7, %sign3A_10 : i32
    %sign3A_12 = arith.constant 0 : i32
    %sign3A_13 = arith.cmpi sgt, %jit3A, %sign3A_12 : i32
    %sign3A_14 = arith.extui %sign3A_13 : i1 to i32
    %sign3A_15 = arith.constant 0 : i32
    %sign3A_16 = arith.cmpi slt, %jit3A, %sign3A_15 : i32
    %sign3A_17 = arith.extui %sign3A_16 : i1 to i32
    %sign3A_18 = arith.subi %sign3A_14, %sign3A_17 : i32
    %ne3A = arith.cmpi ne, %sign3A_11, %sign3A_18 : i32
    %rem3A = arith.remsi %sub3A_5, %jit3A : i32
    %ne3A_19 = arith.constant 0 : i32
    %ne3A_20 = arith.cmpi ne, %rem3A, %ne3A_19 : i32
    %and3A = arith.andi %ne3A, %ne3A_20 : i1
    %sub3A_21 = arith.constant 1 : i32
    %sub3A_22 = arith.subi %div3A, %sub3A_21 : i32
    %select_n3A = arith.select %and3A, %sub3A_22, %div3A : i32
    "tpu.region"() ({
      %run_scoped3A = tpu.sem_alloc : memref<!tpu.dma_semaphore, #tpu.memory_space<semaphore_mem>>
      tpu.enqueue_dma source(%arg3 : memref<128xf32, #tpu.memory_space<hbm>>) target(%arg9 : memref<128xf32, #tpu.memory_space<vmem>>) target_semaphore(%run_scoped3A : memref<!tpu.dma_semaphore, #tpu.memory_space<semaphore_mem>>)
      tpu.wait_dma2 semaphore(%run_scoped3A : memref<!tpu.dma_semaphore, #tpu.memory_space<semaphore_mem>>) src(%arg3 : memref<128xf32, #tpu.memory_space<hbm>>) dst(%arg9 : memref<128xf32, #tpu.memory_space<vmem>>)
      tpu.yield
    }) : () -> ()
    "tpu.region"() ({
      %run_scoped3A = tpu.sem_alloc : memref<!tpu.dma_semaphore, #tpu.memory_space<semaphore_mem>>
      tpu.enqueue_dma source(%arg4 : memref<128xf32, #tpu.memory_space<hbm>>) target(%arg10 : memref<128xf32, #tpu.memory_space<vmem>>) target_semaphore(%run_scoped3A : memref<!tpu.dma_semaphore, #tpu.memory_space<semaphore_mem>>)
      tpu.wait_dma2 semaphore(%run_scoped3A : memref<!tpu.dma_semaphore, #tpu.memory_space<semaphore_mem>>) src(%arg4 : memref<128xf32, #tpu.memory_space<hbm>>) dst(%arg10 : memref<128xf32, #tpu.memory_space<vmem>>)
      tpu.yield
    }) : () -> ()
    %get3A = arith.constant 0 : index
    %get3A_23 = tpu.vector_load %arg9[%get3A] {strides = array<i32>} : memref<128xf32, #tpu.memory_space<vmem>>, vector<16xf32>,
    %get3A_24 = vector.shape_cast %get3A_23 : vector<16xf32> to vector<16xf32>
    %get3A_25 = arith.constant 16 : index
    %get3A_26 = tpu.vector_load %arg9[%get3A_25] {strides = array<i32>} : memref<128xf32, #tpu.memory_space<vmem>>, vector<16xf32>,
    %get3A_27 = vector.shape_cast %get3A_26 : vector<16xf32> to vector<16xf32>
    %get3A_28 = arith.constant 32 : index
    %get3A_29 = tpu.vector_load %arg9[%get3A_28] {strides = array<i32>} : memref<128xf32, #tpu.memory_space<vmem>>, vector<16xf32>,
    %get3A_30 = vector.shape_cast %get3A_29 : vector<16xf32> to vector<16xf32>
    %get3A_31 = arith.constant 48 : index
    %get3A_32 = tpu.vector_load %arg9[%get3A_31] {strides = array<i32>} : memref<128xf32, #tpu.memory_space<vmem>>, vector<16xf32>,
    %get3A_33 = vector.shape_cast %get3A_32 : vector<16xf32> to vector<16xf32>
    %get3A_34 = arith.constant 64 : index
    %get3A_35 = tpu.vector_load %arg9[%get3A_34] {strides = array<i32>} : memref<128xf32, #tpu.memory_space<vmem>>, vector<16xf32>,
    %get3A_36 = vector.shape_cast %get3A_35 : vector<16xf32> to vector<16xf32>
    %get3A_37 = arith.constant 80 : index
    %get3A_38 = tpu.vector_load %arg9[%get3A_37] {strides = array<i32>} : memref<128xf32, #tpu.memory_space<vmem>>, vector<16xf32>,
    %get3A_39 = vector.shape_cast %get3A_38 : vector<16xf32> to vector<16xf32>
    %get3A_40 = arith.constant 96 : index
    %get3A_41 = tpu.vector_load %arg9[%get3A_40] {strides = array<i32>} : memref<128xf32, #tpu.memory_space<vmem>>, vector<16xf32>,
    %get3A_42 = vector.shape_cast %get3A_41 : vector<16xf32> to vector<16xf32>
    %get3A_43 = arith.constant 112 : index
    %get3A_44 = tpu.vector_load %arg9[%get3A_43] {strides = array<i32>} : memref<128xf32, #tpu.memory_space<vmem>>, vector<16xf32>,
    %get3A_45 = vector.shape_cast %get3A_44 : vector<16xf32> to vector<16xf32>
    %get3A_46 = arith.constant 0 : index
    %get3A_47 = tpu.vector_load %arg10[%get3A_46] {strides = array<i32>} : memref<128xf32, #tpu.memory_space<vmem>>, vector<16xf32>,
    %get3A_48 = vector.shape_cast %get3A_47 : vector<16xf32> to vector<16xf32>
    %get3A_49 = arith.constant 16 : index
    %get3A_50 = tpu.vector_load %arg10[%get3A_49] {strides = array<i32>} : memref<128xf32, #tpu.memory_space<vmem>>, vector<16xf32>,
    %get3A_51 = vector.shape_cast %get3A_50 : vector<16xf32> to vector<16xf32>
    %get3A_52 = arith.constant 32 : index
    %get3A_53 = tpu.vector_load %arg10[%get3A_52] {strides = array<i32>} : memref<128xf32, #tpu.memory_space<vmem>>, vector<16xf32>,
    %get3A_54 = vector.shape_cast %get3A_53 : vector<16xf32> to vector<16xf32>
    %get3A_55 = arith.constant 48 : index
    %get3A_56 = tpu.vector_load %arg10[%get3A_55] {strides = array<i32>} : memref<128xf32, #tpu.memory_space<vmem>>, vector<16xf32>,
    %get3A_57 = vector.shape_cast %get3A_56 : vector<16xf32> to vector<16xf32>
    %get3A_58 = arith.constant 64 : index
    %get3A_59 = tpu.vector_load %arg10[%get3A_58] {strides = array<i32>} : memref<128xf32, #tpu.memory_space<vmem>>, vector<16xf32>,
    %get3A_60 = vector.shape_cast %get3A_59 : vector<16xf32> to vector<16xf32>
    %get3A_61 = arith.constant 80 : index
    %get3A_62 = tpu.vector_load %arg10[%get3A_61] {strides = array<i32>} : memref<128xf32, #tpu.memory_space<vmem>>, vector<16xf32>,
    %get3A_63 = vector.shape_cast %get3A_62 : vector<16xf32> to vector<16xf32>
    %get3A_64 = arith.constant 96 : index
    %get3A_65 = tpu.vector_load %arg10[%get3A_64] {strides = array<i32>} : memref<128xf32, #tpu.memory_space<vmem>>, vector<16xf32>,
    %get3A_66 = vector.shape_cast %get3A_65 : vector<16xf32> to vector<16xf32>
    %get3A_67 = arith.constant 112 : index
    %get3A_68 = tpu.vector_load %arg10[%get3A_67] {strides = array<i32>} : memref<128xf32, #tpu.memory_space<vmem>>, vector<16xf32>,
    %get3A_69 = vector.shape_cast %get3A_68 : vector<16xf32> to vector<16xf32>
    %gt3A = arith.constant 0 : i32
    %gt3A_70 = arith.cmpi sgt, %select_n3A, %gt3A : i32
    %convert_element_type3A = arith.extui %gt3A_70 : i1 to i32
    %cond3A = arith.constant 0 : i32
    %cond3A_71 = arith.cmpi ne, %convert_element_type3A, %cond3A : i32
    scf.if %cond3A_71 {
      %add3A_77 = arith.constant 0 : i32
      %add3A_78 = arith.addi %add3A, %add3A_77 : i32
      %mul3A_79 = arith.constant 200 : i32
      %mul3A_80 = arith.muli %add3A_78, %mul3A_79 : i32
      %dma_start3A = arith.constant 0 : i32
      %dma_start3A_81 = tpu.memref_slice %arg2[%mul3A_80, %dma_start3A] : memref<100000x128xf32, #tpu.memory_space<hbm>> -> memref<200x128xf32, #tpu.memory_space<hbm>>
      %dma_start3A_82 = arith.constant 0 : i32
      %dma_start3A_83 = tpu.memref_slice %arg2[%mul3A_80, %dma_start3A_82] : memref<100000x128xf32, #tpu.memory_space<hbm>> -> memref<200x128xf32, #tpu.memory_space<hbm>>
      tpu.enqueue_dma source(%dma_start3A_83 : memref<200x128xf32, #tpu.memory_space<hbm>>) target(%arg6 : memref<200x128xf32, #tpu.memory_space<vmem>>) target_semaphore(%arg11 : memref<!tpu.dma_semaphore, #tpu.memory_space<semaphore_mem>>)
    } else {
    }
    %scan3A = arith.constant 0 : i32
    %scan3A_72 = arith.constant 0 : i32
    %scan3A_73 = arith.constant 6 : i32
    %scan3A_74 = arith.addi %scan3A_72, %scan3A_73 : i32
    %scan3A_75 = arith.constant 1 : i32
    scf.for %scan3A_77 = %scan3A_72 to %scan3A_74 step %scan3A_75  : i32 {
      %mul3A_78 = arith.constant 3 : i32
      %mul3A_79 = arith.muli %scan3A_77, %mul3A_78 : i32
      %add3A_80 = arith.constant 0 : i32
      %add3A_81 = arith.addi %mul3A_79, %add3A_80 : i32
      %ge3A = arith.constant 2 : i32
      %ge3A_82 = arith.cmpi sge, %add3A_81, %ge3A : i32
      %add3A_83 = arith.constant 1 : i32
      %add3A_84 = arith.addi %add3A_81, %add3A_83 : i32
      %sub3A_85 = arith.constant 3 : i32
      %sub3A_86 = arith.subi %add3A_84, %sub3A_85 : i32
      %lt3A = arith.cmpi slt, %sub3A_86, %select_n3A : i32
      %and3A_87 = arith.andi %ge3A_82, %lt3A : i1
      %convert_element_type3A_88 = arith.extui %and3A_87 : i1 to i32
      %cond3A_89 = arith.constant 0 : i32
      %cond3A_90 = arith.cmpi ne, %convert_element_type3A_88, %cond3A_89 : i32
      scf.if %cond3A_90 {
        %mul3A_151 = arith.constant 200 : i32
        %mul3A_152 = arith.muli %add3A, %mul3A_151 : i32
        %dma_wait3A = arith.constant 0 : i32
        %dma_wait3A_153 = tpu.memref_slice %arg5[%mul3A_152, %dma_wait3A] : memref<100000x128xf32, #tpu.memory_space<hbm>> -> memref<200x128xf32, #tpu.memory_space<hbm>>
        %dma_wait3A_154 = arith.constant 0 : i32
        %dma_wait3A_155 = tpu.memref_slice %arg5[%mul3A_152, %dma_wait3A_154] : memref<100000x128xf32, #tpu.memory_space<hbm>> -> memref<200x128xf32, #tpu.memory_space<hbm>>
        tpu.wait_dma2 semaphore(%arg15 : memref<!tpu.dma_semaphore, #tpu.memory_space<semaphore_mem>>) src(%arg7 : memref<200x128xf32, #tpu.memory_space<vmem>>) dst(%dma_wait3A_155 : memref<200x128xf32, #tpu.memory_space<hbm>>)
      } else {
      }
      %add3A_91 = arith.constant 1 : i32
      %add3A_92 = arith.addi %add3A_81, %add3A_91 : i32
      %lt3A_93 = arith.cmpi slt, %add3A_92, %select_n3A : i32
      %convert_element_type3A_94 = arith.extui %lt3A_93 : i1 to i32
      %cond3A_95 = arith.constant 0 : i32
      %cond3A_96 = arith.cmpi ne, %convert_element_type3A_94, %cond3A_95 : i32
      scf.if %cond3A_96 {
        %add3A_151 = arith.constant 1 : i32
        %add3A_152 = arith.addi %add3A_81, %add3A_151 : i32
        %mul3A_153 = arith.constant 32 : i32
        %mul3A_154 = arith.muli %add3A_152, %mul3A_153 : i32
        %add3A_155 = arith.addi %add3A, %mul3A_154 : i32
        %mul3A_156 = arith.constant 200 : i32
        %mul3A_157 = arith.muli %add3A_155, %mul3A_156 : i32
        %dma_start3A = arith.constant 0 : i32
        %dma_start3A_158 = tpu.memref_slice %arg2[%mul3A_157, %dma_start3A] : memref<100000x128xf32, #tpu.memory_space<hbm>> -> memref<200x128xf32, #tpu.memory_space<hbm>>
        %dma_start3A_159 = arith.constant 0 : i32
        %dma_start3A_160 = tpu.memref_slice %arg2[%mul3A_157, %dma_start3A_159] : memref<100000x128xf32, #tpu.memory_space<hbm>> -> memref<200x128xf32, #tpu.memory_space<hbm>>
        tpu.enqueue_dma source(%dma_start3A_160 : memref<200x128xf32, #tpu.memory_space<hbm>>) target(%arg7 : memref<200x128xf32, #tpu.memory_space<vmem>>) target_semaphore(%arg12 : memref<!tpu.dma_semaphore, #tpu.memory_space<semaphore_mem>>)
      } else {
      }
      %lt3A_97 = arith.cmpi slt, %add3A_81, %select_n3A : i32
      %convert_element_type3A_98 = arith.extui %lt3A_97 : i1 to i32
      %cond3A_99 = arith.constant 0 : i32
      %cond3A_100 = arith.cmpi ne, %convert_element_type3A_98, %cond3A_99 : i32
      scf.if %cond3A_100 {
        %mul3A_151 = arith.constant 32 : i32
        %mul3A_152 = arith.muli %add3A_81, %mul3A_151 : i32
        %add3A_153 = arith.addi %add3A, %mul3A_152 : i32
        %mul3A_154 = arith.constant 200 : i32
        %mul3A_155 = arith.muli %add3A_153, %mul3A_154 : i32
        %dma_wait3A = arith.constant 0 : i32
        %dma_wait3A_156 = tpu.memref_slice %arg2[%mul3A_155, %dma_wait3A] : memref<100000x128xf32, #tpu.memory_space<hbm>> -> memref<200x128xf32, #tpu.memory_space<hbm>>
        %dma_wait3A_157 = arith.constant 0 : i32
        %dma_wait3A_158 = tpu.memref_slice %arg2[%mul3A_155, %dma_wait3A_157] : memref<100000x128xf32, #tpu.memory_space<hbm>> -> memref<200x128xf32, #tpu.memory_space<hbm>>
        tpu.wait_dma2 semaphore(%arg11 : memref<!tpu.dma_semaphore, #tpu.memory_space<semaphore_mem>>) src(%dma_wait3A_158 : memref<200x128xf32, #tpu.memory_space<hbm>>) dst(%arg6 : memref<200x128xf32, #tpu.memory_space<vmem>>)
        %scan3A_159 = arith.constant 0 : i32
        %scan3A_160 = arith.constant 0 : i32
        %scan3A_161 = arith.constant 50 : i32
        %scan3A_162 = arith.addi %scan3A_160, %scan3A_161 : i32
        %scan3A_163 = arith.constant 1 : i32
        scf.for %scan3A_173 = %scan3A_160 to %scan3A_162 step %scan3A_163  : i32 {
          %mul3A_174 = arith.constant 4 : i32
          %mul3A_175 = arith.muli %scan3A_173, %mul3A_174 : i32
          %add3A_176 = arith.constant 0 : i32
          %add3A_177 = arith.addi %mul3A_175, %add3A_176 : i32
          %get3A_178 = arith.index_cast %add3A_177 : i32 to index
          %get3A_179 = arith.constant 0 : index
          %get3A_180 = tpu.vector_load %arg6[%get3A_178, %get3A_179] {strides = array<i32>} : memref<200x128xf32, #tpu.memory_space<vmem>>, vector<1x16xf32>,
          %get3A_181 = vector.shape_cast %get3A_180 : vector<1x16xf32> to vector<16xf32>
          %get3A_182 = arith.index_cast %add3A_177 : i32 to index
          %get3A_183 = arith.constant 16 : index
          %get3A_184 = tpu.vector_load %arg6[%get3A_182, %get3A_183] {strides = array<i32>} : memref<200x128xf32, #tpu.memory_space<vmem>>, vector<1x16xf32>,
          %get3A_185 = vector.shape_cast %get3A_184 : vector<1x16xf32> to vector<16xf32>
          %get3A_186 = arith.index_cast %add3A_177 : i32 to index
          %get3A_187 = arith.constant 32 : index
          %get3A_188 = tpu.vector_load %arg6[%get3A_186, %get3A_187] {strides = array<i32>} : memref<200x128xf32, #tpu.memory_space<vmem>>, vector<1x16xf32>,
          %get3A_189 = vector.shape_cast %get3A_188 : vector<1x16xf32> to vector<16xf32>
          %get3A_190 = arith.index_cast %add3A_177 : i32 to index
          %get3A_191 = arith.constant 48 : index
          %get3A_192 = tpu.vector_load %arg6[%get3A_190, %get3A_191] {strides = array<i32>} : memref<200x128xf32, #tpu.memory_space<vmem>>, vector<1x16xf32>,
          %get3A_193 = vector.shape_cast %get3A_192 : vector<1x16xf32> to vector<16xf32>
          %get3A_194 = arith.index_cast %add3A_177 : i32 to index
          %get3A_195 = arith.constant 64 : index
          %get3A_196 = tpu.vector_load %arg6[%get3A_194, %get3A_195] {strides = array<i32>} : memref<200x128xf32, #tpu.memory_space<vmem>>, vector<1x16xf32>,
          %get3A_197 = vector.shape_cast %get3A_196 : vector<1x16xf32> to vector<16xf32>
          %get3A_198 = arith.index_cast %add3A_177 : i32 to index
          %get3A_199 = arith.constant 80 : index
          %get3A_200 = tpu.vector_load %arg6[%get3A_198, %get3A_199] {strides = array<i32>} : memref<200x128xf32, #tpu.memory_space<vmem>>, vector<1x16xf32>,
          %get3A_201 = vector.shape_cast %get3A_200 : vector<1x16xf32> to vector<16xf32>
          %get3A_202 = arith.index_cast %add3A_177 : i32 to index
          %get3A_203 = arith.constant 96 : index
          %get3A_204 = tpu.vector_load %arg6[%get3A_202, %get3A_203] {strides = array<i32>} : memref<200x128xf32, #tpu.memory_space<vmem>>, vector<1x16xf32>,
          %get3A_205 = vector.shape_cast %get3A_204 : vector<1x16xf32> to vector<16xf32>
          %get3A_206 = arith.index_cast %add3A_177 : i32 to index
          %get3A_207 = arith.constant 112 : index
          %get3A_208 = tpu.vector_load %arg6[%get3A_206, %get3A_207] {strides = array<i32>} : memref<200x128xf32, #tpu.memory_space<vmem>>, vector<1x16xf32>,
          %get3A_209 = vector.shape_cast %get3A_208 : vector<1x16xf32> to vector<16xf32>
          %add3A_210 = arith.addf %get3A_181, %get3A_185 : vector<16xf32>
          %add3A_211 = arith.addf %get3A_189, %get3A_193 : vector<16xf32>
          %add3A_212 = arith.addf %add3A_210, %add3A_211 : vector<16xf32>
          %add3A_213 = arith.addf %get3A_197, %get3A_201 : vector<16xf32>
          %add3A_214 = arith.addf %get3A_205, %get3A_209 : vector<16xf32>
          %add3A_215 = arith.addf %add3A_213, %add3A_214 : vector<16xf32>
          %add3A_216 = arith.addf %add3A_212, %add3A_215 : vector<16xf32>
          %mul3A_217 = arith.mulf %get3A_181, %get3A_181 : vector<16xf32>
          %mul3A_218 = arith.mulf %get3A_185, %get3A_185 : vector<16xf32>
          %add3A_219 = arith.addf %mul3A_217, %mul3A_218 : vector<16xf32>
          %mul3A_220 = arith.mulf %get3A_189, %get3A_189 : vector<16xf32>
          %mul3A_221 = arith.mulf %get3A_193, %get3A_193 : vector<16xf32>
          %add3A_222 = arith.addf %mul3A_220, %mul3A_221 : vector<16xf32>
          %add3A_223 = arith.addf %add3A_219, %add3A_222 : vector<16xf32>
          %mul3A_224 = arith.mulf %get3A_197, %get3A_197 : vector<16xf32>
          %mul3A_225 = arith.mulf %get3A_201, %get3A_201 : vector<16xf32>
          %add3A_226 = arith.addf %mul3A_224, %mul3A_225 : vector<16xf32>
          %mul3A_227 = arith.mulf %get3A_205, %get3A_205 : vector<16xf32>
          %mul3A_228 = arith.mulf %get3A_209, %get3A_209 : vector<16xf32>
          %add3A_229 = arith.addf %mul3A_227, %mul3A_228 : vector<16xf32>
          %add3A_230 = arith.addf %add3A_226, %add3A_229 : vector<16xf32>
          %add3A_231 = arith.addf %add3A_223, %add3A_230 : vector<16xf32>
          %iota3A = tpu.iota {dimensions = array<i32: 0>} : vector<16xi32>
          %xor3A = arith.constant 8 : i32
          %xor3A_232 = vector.broadcast %xor3A : i32 to vector<16xi32>
          %xor3A_233 = arith.xori %iota3A, %xor3A_232 : vector<16xi32>
          %reshape3A = vector.shape_cast %xor3A_233 : vector<16xi32> to vector<16x1xi32>
          %gather3A = vector.shape_cast %reshape3A : vector<16x1xi32> to vector<16xi32>
          %gather3A_234 = tpu.dynamic_gather %add3A_216[%gather3A] in [0] : vector<16xf32>, vector<16xi32> -> vector<16xf32>
          %add3A_235 = arith.addf %add3A_216, %gather3A_234 : vector<16xf32>
          %iota3A_236 = tpu.iota {dimensions = array<i32: 0>} : vector<16xi32>
          %xor3A_237 = arith.constant 4 : i32
          %xor3A_238 = vector.broadcast %xor3A_237 : i32 to vector<16xi32>
          %xor3A_239 = arith.xori %iota3A_236, %xor3A_238 : vector<16xi32>
          %reshape3A_240 = vector.shape_cast %xor3A_239 : vector<16xi32> to vector<16x1xi32>
          %gather3A_241 = vector.shape_cast %reshape3A_240 : vector<16x1xi32> to vector<16xi32>
          %gather3A_242 = tpu.dynamic_gather %add3A_235[%gather3A_241] in [0] : vector<16xf32>, vector<16xi32> -> vector<16xf32>
          %add3A_243 = arith.addf %add3A_235, %gather3A_242 : vector<16xf32>
          %iota3A_244 = tpu.iota {dimensions = array<i32: 0>} : vector<16xi32>
          %xor3A_245 = arith.constant 2 : i32
          %xor3A_246 = vector.broadcast %xor3A_245 : i32 to vector<16xi32>
          %xor3A_247 = arith.xori %iota3A_244, %xor3A_246 : vector<16xi32>
          %reshape3A_248 = vector.shape_cast %xor3A_247 : vector<16xi32> to vector<16x1xi32>
          %gather3A_249 = vector.shape_cast %reshape3A_248 : vector<16x1xi32> to vector<16xi32>
          %gather3A_250 = tpu.dynamic_gather %add3A_243[%gather3A_249] in [0] : vector<16xf32>, vector<16xi32> -> vector<16xf32>
          %add3A_251 = arith.addf %add3A_243, %gather3A_250 : vector<16xf32>
          %iota3A_252 = tpu.iota {dimensions = array<i32: 0>} : vector<16xi32>
          %xor3A_253 = arith.constant 1 : i32
          %xor3A_254 = vector.broadcast %xor3A_253 : i32 to vector<16xi32>
          %xor3A_255 = arith.xori %iota3A_252, %xor3A_254 : vector<16xi32>
          %reshape3A_256 = vector.shape_cast %xor3A_255 : vector<16xi32> to vector<16x1xi32>
          %gather3A_257 = vector.shape_cast %reshape3A_256 : vector<16x1xi32> to vector<16xi32>
          %gather3A_258 = tpu.dynamic_gather %add3A_251[%gather3A_257] in [0] : vector<16xf32>, vector<16xi32> -> vector<16xf32>
          %add3A_259 = arith.addf %add3A_251, %gather3A_258 : vector<16xf32>
          %iota3A_260 = tpu.iota {dimensions = array<i32: 0>} : vector<16xi32>
          %xor3A_261 = arith.constant 8 : i32
          %xor3A_262 = vector.broadcast %xor3A_261 : i32 to vector<16xi32>
          %xor3A_263 = arith.xori %iota3A_260, %xor3A_262 : vector<16xi32>
          %reshape3A_264 = vector.shape_cast %xor3A_263 : vector<16xi32> to vector<16x1xi32>
          %gather3A_265 = vector.shape_cast %reshape3A_264 : vector<16x1xi32> to vector<16xi32>
          %gather3A_266 = tpu.dynamic_gather %add3A_231[%gather3A_265] in [0] : vector<16xf32>, vector<16xi32> -> vector<16xf32>
          %add3A_267 = arith.addf %add3A_231, %gather3A_266 : vector<16xf32>
          %iota3A_268 = tpu.iota {dimensions = array<i32: 0>} : vector<16xi32>
          %xor3A_269 = arith.constant 4 : i32
          %xor3A_270 = vector.broadcast %xor3A_269 : i32 to vector<16xi32>
          %xor3A_271 = arith.xori %iota3A_268, %xor3A_270 : vector<16xi32>
          %reshape3A_272 = vector.shape_cast %xor3A_271 : vector<16xi32> to vector<16x1xi32>
          %gather3A_273 = vector.shape_cast %reshape3A_272 : vector<16x1xi32> to vector<16xi32>
          %gather3A_274 = tpu.dynamic_gather %add3A_267[%gather3A_273] in [0] : vector<16xf32>, vector<16xi32> -> vector<16xf32>
          %add3A_275 = arith.addf %add3A_267, %gather3A_274 : vector<16xf32>
          %iota3A_276 = tpu.iota {dimensions = array<i32: 0>} : vector<16xi32>
          %xor3A_277 = arith.constant 2 : i32
          %xor3A_278 = vector.broadcast %xor3A_277 : i32 to vector<16xi32>
          %xor3A_279 = arith.xori %iota3A_276, %xor3A_278 : vector<16xi32>
          %reshape3A_280 = vector.shape_cast %xor3A_279 : vector<16xi32> to vector<16x1xi32>
          %gather3A_281 = vector.shape_cast %reshape3A_280 : vector<16x1xi32> to vector<16xi32>
          %gather3A_282 = tpu.dynamic_gather %add3A_275[%gather3A_281] in [0] : vector<16xf32>, vector<16xi32> -> vector<16xf32>
          %add3A_283 = arith.addf %add3A_275, %gather3A_282 : vector<16xf32>
          %iota3A_284 = tpu.iota {dimensions = array<i32: 0>} : vector<16xi32>
          %xor3A_285 = arith.constant 1 : i32
          %xor3A_286 = vector.broadcast %xor3A_285 : i32 to vector<16xi32>
          %xor3A_287 = arith.xori %iota3A_284, %xor3A_286 : vector<16xi32>
          %reshape3A_288 = vector.shape_cast %xor3A_287 : vector<16xi32> to vector<16x1xi32>
          %gather3A_289 = vector.shape_cast %reshape3A_288 : vector<16x1xi32> to vector<16xi32>
          %gather3A_290 = tpu.dynamic_gather %add3A_283[%gather3A_289] in [0] : vector<16xf32>, vector<16xi32> -> vector<16xf32>
          %add3A_291 = arith.addf %add3A_283, %gather3A_290 : vector<16xf32>
          %mul3A_292 = arith.constant 7.812500e-03 : f32
          %mul3A_293 = vector.broadcast %mul3A_292 : f32 to vector<16xf32>
          %mul3A_294 = arith.mulf %add3A_259, %mul3A_293 : vector<16xf32>
          %mul3A_295 = arith.constant 7.812500e-03 : f32
          %mul3A_296 = vector.broadcast %mul3A_295 : f32 to vector<16xf32>
          %mul3A_297 = arith.mulf %add3A_291, %mul3A_296 : vector<16xf32>
          %mul3A_298 = arith.mulf %mul3A_294, %mul3A_294 : vector<16xf32>
          %sub3A_299 = arith.subf %mul3A_297, %mul3A_298 : vector<16xf32>
          %max3A = arith.constant 0.000000e+00 : f32
          %max3A_300 = vector.broadcast %max3A : f32 to vector<16xf32>
          %max3A_301 = arith.maximumf %sub3A_299, %max3A_300 : vector<16xf32>
          %add3A_302 = arith.constant 9.99999996E-13 : f32
          %add3A_303 = vector.broadcast %add3A_302 : f32 to vector<16xf32>
          %add3A_304 = arith.addf %max3A_301, %add3A_303 : vector<16xf32>
          %bitcast_convert_type3A = tpu.bitcast %add3A_304 : vector<16xf32> -> vector<16xi32>
          %shift_right_arithmetic3A = arith.constant 1 : i32
          %shift_right_arithmetic3A_305 = vector.broadcast %shift_right_arithmetic3A : i32 to vector<16xi32>
          %shift_right_arithmetic3A_306 = arith.shrsi %bitcast_convert_type3A, %shift_right_arithmetic3A_305 : vector<16xi32>
          %sub3A_307 = arith.constant 1597463007 : i32
          %sub3A_308 = vector.broadcast %sub3A_307 : i32 to vector<16xi32>
          %sub3A_309 = arith.subi %sub3A_308, %shift_right_arithmetic3A_306 : vector<16xi32>
          %bitcast_convert_type3A_310 = tpu.bitcast %sub3A_309 : vector<16xi32> -> vector<16xf32>
          %mul3A_311 = arith.constant 5.000000e-01 : f32
          %mul3A_312 = vector.broadcast %mul3A_311 : f32 to vector<16xf32>
          %mul3A_313 = arith.mulf %mul3A_312, %add3A_304 : vector<16xf32>
          %mul3A_314 = arith.mulf %bitcast_convert_type3A_310, %bitcast_convert_type3A_310 : vector<16xf32>
          %mul3A_315 = arith.mulf %mul3A_313, %mul3A_314 : vector<16xf32>
          %sub3A_316 = arith.constant 1.500000e+00 : f32
          %sub3A_317 = vector.broadcast %sub3A_316 : f32 to vector<16xf32>
          %sub3A_318 = arith.subf %sub3A_317, %mul3A_315 : vector<16xf32>
          %mul3A_319 = arith.mulf %bitcast_convert_type3A_310, %sub3A_318 : vector<16xf32>
          %mul3A_320 = arith.mulf %mul3A_319, %mul3A_319 : vector<16xf32>
          %mul3A_321 = arith.mulf %mul3A_313, %mul3A_320 : vector<16xf32>
          %sub3A_322 = arith.constant 1.500000e+00 : f32
          %sub3A_323 = vector.broadcast %sub3A_322 : f32 to vector<16xf32>
          %sub3A_324 = arith.subf %sub3A_323, %mul3A_321 : vector<16xf32>
          %mul3A_325 = arith.mulf %mul3A_319, %sub3A_324 : vector<16xf32>
          %mul3A_326 = arith.mulf %mul3A_325, %get3A_24 : vector<16xf32>
          %sub3A_327 = arith.subf %get3A_181, %mul3A_294 : vector<16xf32>
          %mul3A_328 = arith.mulf %sub3A_327, %mul3A_326 : vector<16xf32>
          %add3A_329 = arith.addf %mul3A_328, %get3A_48 : vector<16xf32>
          %swap3A = arith.index_cast %add3A_177 : i32 to index
          %swap3A_330 = arith.constant 0 : index
          %swap3A_331 = tpu.vector_load %arg6[%swap3A, %swap3A_330] {strides = array<i32>} : memref<200x128xf32, #tpu.memory_space<vmem>>, vector<1x16xf32>,
          %swap3A_332 = vector.shape_cast %swap3A_331 : vector<1x16xf32> to vector<16xf32>
          %swap3A_333 = vector.shape_cast %add3A_329 : vector<16xf32> to vector<1x16xf32>
          tpu.vector_store %arg6[%swap3A, %swap3A_330], %swap3A_333 {strides = array<i32>} : memref<200x128xf32, #tpu.memory_space<vmem>>, vector<1x16xf32>,
          %mul3A_334 = arith.mulf %mul3A_325, %get3A_27 : vector<16xf32>
          %sub3A_335 = arith.subf %get3A_185, %mul3A_294 : vector<16xf32>
          %mul3A_336 = arith.mulf %sub3A_335, %mul3A_334 : vector<16xf32>
          %add3A_337 = arith.addf %mul3A_336, %get3A_51 : vector<16xf32>
          %swap3A_338 = arith.index_cast %add3A_177 : i32 to index
          %swap3A_339 = arith.constant 16 : index
          %swap3A_340 = tpu.vector_load %arg6[%swap3A_338, %swap3A_339] {strides = array<i32>} : memref<200x128xf32, #tpu.memory_space<vmem>>, vector<1x16xf32>,
          %swap3A_341 = vector.shape_cast %swap3A_340 : vector<1x16xf32> to vector<16xf32>
          %swap3A_342 = vector.shape_cast %add3A_337 : vector<16xf32> to vector<1x16xf32>
          tpu.vector_store %arg6[%swap3A_338, %swap3A_339], %swap3A_342 {strides = array<i32>} : memref<200x128xf32, #tpu.memory_space<vmem>>, vector<1x16xf32>,
          %mul3A_343 = arith.mulf %mul3A_325, %get3A_30 : vector<16xf32>
          %sub3A_344 = arith.subf %get3A_189, %mul3A_294 : vector<16xf32>
          %mul3A_345 = arith.mulf %sub3A_344, %mul3A_343 : vector<16xf32>
          %add3A_346 = arith.addf %mul3A_345, %get3A_54 : vector<16xf32>
          %swap3A_347 = arith.index_cast %add3A_177 : i32 to index
          %swap3A_348 = arith.constant 32 : index
          %swap3A_349 = tpu.vector_load %arg6[%swap3A_347, %swap3A_348] {strides = array<i32>} : memref<200x128xf32, #tpu.memory_space<vmem>>, vector<1x16xf32>,
          %swap3A_350 = vector.shape_cast %swap3A_349 : vector<1x16xf32> to vector<16xf32>
          %swap3A_351 = vector.shape_cast %add3A_346 : vector<16xf32> to vector<1x16xf32>
          tpu.vector_store %arg6[%swap3A_347, %swap3A_348], %swap3A_351 {strides = array<i32>} : memref<200x128xf32, #tpu.memory_space<vmem>>, vector<1x16xf32>,
          %mul3A_352 = arith.mulf %mul3A_325, %get3A_33 : vector<16xf32>
          %sub3A_353 = arith.subf %get3A_193, %mul3A_294 : vector<16xf32>
          %mul3A_354 = arith.mulf %sub3A_353, %mul3A_352 : vector<16xf32>
          %add3A_355 = arith.addf %mul3A_354, %get3A_57 : vector<16xf32>
          %swap3A_356 = arith.index_cast %add3A_177 : i32 to index
          %swap3A_357 = arith.constant 48 : index
          %swap3A_358 = tpu.vector_load %arg6[%swap3A_356, %swap3A_357] {strides = array<i32>} : memref<200x128xf32, #tpu.memory_space<vmem>>, vector<1x16xf32>,
          %swap3A_359 = vector.shape_cast %swap3A_358 : vector<1x16xf32> to vector<16xf32>
          %swap3A_360 = vector.shape_cast %add3A_355 : vector<16xf32> to vector<1x16xf32>
          tpu.vector_store %arg6[%swap3A_356, %swap3A_357], %swap3A_360 {strides = array<i32>} : memref<200x128xf32, #tpu.memory_space<vmem>>, vector<1x16xf32>,
          %mul3A_361 = arith.mulf %mul3A_325, %get3A_36 : vector<16xf32>
          %sub3A_362 = arith.subf %get3A_197, %mul3A_294 : vector<16xf32>
          %mul3A_363 = arith.mulf %sub3A_362, %mul3A_361 : vector<16xf32>
          %add3A_364 = arith.addf %mul3A_363, %get3A_60 : vector<16xf32>
          %swap3A_365 = arith.index_cast %add3A_177 : i32 to index
          %swap3A_366 = arith.constant 64 : index
          %swap3A_367 = tpu.vector_load %arg6[%swap3A_365, %swap3A_366] {strides = array<i32>} : memref<200x128xf32, #tpu.memory_space<vmem>>, vector<1x16xf32>,
          %swap3A_368 = vector.shape_cast %swap3A_367 : vector<1x16xf32> to vector<16xf32>
          %swap3A_369 = vector.shape_cast %add3A_364 : vector<16xf32> to vector<1x16xf32>
          tpu.vector_store %arg6[%swap3A_365, %swap3A_366], %swap3A_369 {strides = array<i32>} : memref<200x128xf32, #tpu.memory_space<vmem>>, vector<1x16xf32>,
          %mul3A_370 = arith.mulf %mul3A_325, %get3A_39 : vector<16xf32>
          %sub3A_371 = arith.subf %get3A_201, %mul3A_294 : vector<16xf32>
          %mul3A_372 = arith.mulf %sub3A_371, %mul3A_370 : vector<16xf32>
          %add3A_373 = arith.addf %mul3A_372, %get3A_63 : vector<16xf32>
          %swap3A_374 = arith.index_cast %add3A_177 : i32 to index
          %swap3A_375 = arith.constant 80 : index
          %swap3A_376 = tpu.vector_load %arg6[%swap3A_374, %swap3A_375] {strides = array<i32>} : memref<200x128xf32, #tpu.memory_space<vmem>>, vector<1x16xf32>,
          %swap3A_377 = vector.shape_cast %swap3A_376 : vector<1x16xf32> to vector<16xf32>
          %swap3A_378 = vector.shape_cast %add3A_373 : vector<16xf32> to vector<1x16xf32>
          tpu.vector_store %arg6[%swap3A_374, %swap3A_375], %swap3A_378 {strides = array<i32>} : memref<200x128xf32, #tpu.memory_space<vmem>>, vector<1x16xf32>,
          %mul3A_379 = arith.mulf %mul3A_325, %get3A_42 : vector<16xf32>
          %sub3A_380 = arith.subf %get3A_205, %mul3A_294 : vector<16xf32>
          %mul3A_381 = arith.mulf %sub3A_380, %mul3A_379 : vector<16xf32>
          %add3A_382 = arith.addf %mul3A_381, %get3A_66 : vector<16xf32>
          %swap3A_383 = arith.index_cast %add3A_177 : i32 to index
          %swap3A_384 = arith.constant 96 : index
          %swap3A_385 = tpu.vector_load %arg6[%swap3A_383, %swap3A_384] {strides = array<i32>} : memref<200x128xf32, #tpu.memory_space<vmem>>, vector<1x16xf32>,
          %swap3A_386 = vector.shape_cast %swap3A_385 : vector<1x16xf32> to vector<16xf32>
          %swap3A_387 = vector.shape_cast %add3A_382 : vector<16xf32> to vector<1x16xf32>
          tpu.vector_store %arg6[%swap3A_383, %swap3A_384], %swap3A_387 {strides = array<i32>} : memref<200x128xf32, #tpu.memory_space<vmem>>, vector<1x16xf32>,
          %mul3A_388 = arith.mulf %mul3A_325, %get3A_45 : vector<16xf32>
          %sub3A_389 = arith.subf %get3A_209, %mul3A_294 : vector<16xf32>
          %mul3A_390 = arith.mulf %sub3A_389, %mul3A_388 : vector<16xf32>
          %add3A_391 = arith.addf %mul3A_390, %get3A_69 : vector<16xf32>
          %swap3A_392 = arith.index_cast %add3A_177 : i32 to index
          %swap3A_393 = arith.constant 112 : index
          %swap3A_394 = tpu.vector_load %arg6[%swap3A_392, %swap3A_393] {strides = array<i32>} : memref<200x128xf32, #tpu.memory_space<vmem>>, vector<1x16xf32>,
          %swap3A_395 = vector.shape_cast %swap3A_394 : vector<1x16xf32> to vector<16xf32>
          %swap3A_396 = vector.shape_cast %add3A_391 : vector<16xf32> to vector<1x16xf32>
          tpu.vector_store %arg6[%swap3A_392, %swap3A_393], %swap3A_396 {strides = array<i32>} : memref<200x128xf32, #tpu.memory_space<vmem>>, vector<1x16xf32>,
          %mul3A_397 = arith.constant 4 : i32
          %mul3A_398 = arith.muli %scan3A_173, %mul3A_397 : i32
          %add3A_399 = arith.constant 1 : i32
          %add3A_400 = arith.addi %mul3A_398, %add3A_399 : i32
          %get3A_401 = arith.index_cast %add3A_400 : i32 to index
          %get3A_402 = arith.constant 0 : index
          %get3A_403 = tpu.vector_load %arg6[%get3A_401, %get3A_402] {strides = array<i32>} : memref<200x128xf32, #tpu.memory_space<vmem>>, vector<1x16xf32>,
          %get3A_404 = vector.shape_cast %get3A_403 : vector<1x16xf32> to vector<16xf32>
          %get3A_405 = arith.index_cast %add3A_400 : i32 to index
          %get3A_406 = arith.constant 16 : index
          %get3A_407 = tpu.vector_load %arg6[%get3A_405, %get3A_406] {strides = array<i32>} : memref<200x128xf32, #tpu.memory_space<vmem>>, vector<1x16xf32>,
          %get3A_408 = vector.shape_cast %get3A_407 : vector<1x16xf32> to vector<16xf32>
          %get3A_409 = arith.index_cast %add3A_400 : i32 to index
          %get3A_410 = arith.constant 32 : index
          %get3A_411 = tpu.vector_load %arg6[%get3A_409, %get3A_410] {strides = array<i32>} : memref<200x128xf32, #tpu.memory_space<vmem>>, vector<1x16xf32>,
          %get3A_412 = vector.shape_cast %get3A_411 : vector<1x16xf32> to vector<16xf32>
          %get3A_413 = arith.index_cast %add3A_400 : i32 to index
          %get3A_414 = arith.constant 48 : index
          %get3A_415 = tpu.vector_load %arg6[%get3A_413, %get3A_414] {strides = array<i32>} : memref<200x128xf32, #tpu.memory_space<vmem>>, vector<1x16xf32>,
          %get3A_416 = vector.shape_cast %get3A_415 : vector<1x16xf32> to vector<16xf32>
          %get3A_417 = arith.index_cast %add3A_400 : i32 to index
          %get3A_418 = arith.constant 64 : index
          %get3A_419 = tpu.vector_load %arg6[%get3A_417, %get3A_418] {strides = array<i32>} : memref<200x128xf32, #tpu.memory_space<vmem>>, vector<1x16xf32>,
          %get3A_420 = vector.shape_cast %get3A_419 : vector<1x16xf32> to vector<16xf32>
          %get3A_421 = arith.index_cast %add3A_400 : i32 to index
          %get3A_422 = arith.constant 80 : index
          %get3A_423 = tpu.vector_load %arg6[%get3A_421, %get3A_422] {strides = array<i32>} : memref<200x128xf32, #tpu.memory_space<vmem>>, vector<1x16xf32>,
          %get3A_424 = vector.shape_cast %get3A_423 : vector<1x16xf32> to vector<16xf32>
          %get3A_425 = arith.index_cast %add3A_400 : i32 to index
          %get3A_426 = arith.constant 96 : index
          %get3A_427 = tpu.vector_load %arg6[%get3A_425, %get3A_426] {strides = array<i32>} : memref<200x128xf32, #tpu.memory_space<vmem>>, vector<1x16xf32>,
          %get3A_428 = vector.shape_cast %get3A_427 : vector<1x16xf32> to vector<16xf32>
          %get3A_429 = arith.index_cast %add3A_400 : i32 to index
          %get3A_430 = arith.constant 112 : index
          %get3A_431 = tpu.vector_load %arg6[%get3A_429, %get3A_430] {strides = array<i32>} : memref<200x128xf32, #tpu.memory_space<vmem>>, vector<1x16xf32>,
          %get3A_432 = vector.shape_cast %get3A_431 : vector<1x16xf32> to vector<16xf32>
          %add3A_433 = arith.addf %get3A_404, %get3A_408 : vector<16xf32>
          %add3A_434 = arith.addf %get3A_412, %get3A_416 : vector<16xf32>
          %add3A_435 = arith.addf %add3A_433, %add3A_434 : vector<16xf32>
          %add3A_436 = arith.addf %get3A_420, %get3A_424 : vector<16xf32>
          %add3A_437 = arith.addf %get3A_428, %get3A_432 : vector<16xf32>
          %add3A_438 = arith.addf %add3A_436, %add3A_437 : vector<16xf32>
          %add3A_439 = arith.addf %add3A_435, %add3A_438 : vector<16xf32>
          %mul3A_440 = arith.mulf %get3A_404, %get3A_404 : vector<16xf32>
          %mul3A_441 = arith.mulf %get3A_408, %get3A_408 : vector<16xf32>
          %add3A_442 = arith.addf %mul3A_440, %mul3A_441 : vector<16xf32>
          %mul3A_443 = arith.mulf %get3A_412, %get3A_412 : vector<16xf32>
          %mul3A_444 = arith.mulf %get3A_416, %get3A_416 : vector<16xf32>
          %add3A_445 = arith.addf %mul3A_443, %mul3A_444 : vector<16xf32>
          %add3A_446 = arith.addf %add3A_442, %add3A_445 : vector<16xf32>
          %mul3A_447 = arith.mulf %get3A_420, %get3A_420 : vector<16xf32>
          %mul3A_448 = arith.mulf %get3A_424, %get3A_424 : vector<16xf32>
          %add3A_449 = arith.addf %mul3A_447, %mul3A_448 : vector<16xf32>
          %mul3A_450 = arith.mulf %get3A_428, %get3A_428 : vector<16xf32>
          %mul3A_451 = arith.mulf %get3A_432, %get3A_432 : vector<16xf32>
          %add3A_452 = arith.addf %mul3A_450, %mul3A_451 : vector<16xf32>
          %add3A_453 = arith.addf %add3A_449, %add3A_452 : vector<16xf32>
          %add3A_454 = arith.addf %add3A_446, %add3A_453 : vector<16xf32>
          %iota3A_455 = tpu.iota {dimensions = array<i32: 0>} : vector<16xi32>
          %xor3A_456 = arith.constant 8 : i32
          %xor3A_457 = vector.broadcast %xor3A_456 : i32 to vector<16xi32>
          %xor3A_458 = arith.xori %iota3A_455, %xor3A_457 : vector<16xi32>
          %reshape3A_459 = vector.shape_cast %xor3A_458 : vector<16xi32> to vector<16x1xi32>
          %gather3A_460 = vector.shape_cast %reshape3A_459 : vector<16x1xi32> to vector<16xi32>
          %gather3A_461 = tpu.dynamic_gather %add3A_439[%gather3A_460] in [0] : vector<16xf32>, vector<16xi32> -> vector<16xf32>
          %add3A_462 = arith.addf %add3A_439, %gather3A_461 : vector<16xf32>
          %iota3A_463 = tpu.iota {dimensions = array<i32: 0>} : vector<16xi32>
          %xor3A_464 = arith.constant 4 : i32
          %xor3A_465 = vector.broadcast %xor3A_464 : i32 to vector<16xi32>
          %xor3A_466 = arith.xori %iota3A_463, %xor3A_465 : vector<16xi32>
          %reshape3A_467 = vector.shape_cast %xor3A_466 : vector<16xi32> to vector<16x1xi32>
          %gather3A_468 = vector.shape_cast %reshape3A_467 : vector<16x1xi32> to vector<16xi32>
          %gather3A_469 = tpu.dynamic_gather %add3A_462[%gather3A_468] in [0] : vector<16xf32>, vector<16xi32> -> vector<16xf32>
          %add3A_470 = arith.addf %add3A_462, %gather3A_469 : vector<16xf32>
          %iota3A_471 = tpu.iota {dimensions = array<i32: 0>} : vector<16xi32>
          %xor3A_472 = arith.constant 2 : i32
          %xor3A_473 = vector.broadcast %xor3A_472 : i32 to vector<16xi32>
          %xor3A_474 = arith.xori %iota3A_471, %xor3A_473 : vector<16xi32>
          %reshape3A_475 = vector.shape_cast %xor3A_474 : vector<16xi32> to vector<16x1xi32>
          %gather3A_476 = vector.shape_cast %reshape3A_475 : vector<16x1xi32> to vector<16xi32>
          %gather3A_477 = tpu.dynamic_gather %add3A_470[%gather3A_476] in [0] : vector<16xf32>, vector<16xi32> -> vector<16xf32>
          %add3A_478 = arith.addf %add3A_470, %gather3A_477 : vector<16xf32>
          %iota3A_479 = tpu.iota {dimensions = array<i32: 0>} : vector<16xi32>
          %xor3A_480 = arith.constant 1 : i32
          %xor3A_481 = vector.broadcast %xor3A_480 : i32 to vector<16xi32>
          %xor3A_482 = arith.xori %iota3A_479, %xor3A_481 : vector<16xi32>
          %reshape3A_483 = vector.shape_cast %xor3A_482 : vector<16xi32> to vector<16x1xi32>
          %gather3A_484 = vector.shape_cast %reshape3A_483 : vector<16x1xi32> to vector<16xi32>
          %gather3A_485 = tpu.dynamic_gather %add3A_478[%gather3A_484] in [0] : vector<16xf32>, vector<16xi32> -> vector<16xf32>
          %add3A_486 = arith.addf %add3A_478, %gather3A_485 : vector<16xf32>
          %iota3A_487 = tpu.iota {dimensions = array<i32: 0>} : vector<16xi32>
          %xor3A_488 = arith.constant 8 : i32
          %xor3A_489 = vector.broadcast %xor3A_488 : i32 to vector<16xi32>
          %xor3A_490 = arith.xori %iota3A_487, %xor3A_489 : vector<16xi32>
          %reshape3A_491 = vector.shape_cast %xor3A_490 : vector<16xi32> to vector<16x1xi32>
          %gather3A_492 = vector.shape_cast %reshape3A_491 : vector<16x1xi32> to vector<16xi32>
          %gather3A_493 = tpu.dynamic_gather %add3A_454[%gather3A_492] in [0] : vector<16xf32>, vector<16xi32> -> vector<16xf32>
          %add3A_494 = arith.addf %add3A_454, %gather3A_493 : vector<16xf32>
          %iota3A_495 = tpu.iota {dimensions = array<i32: 0>} : vector<16xi32>
          %xor3A_496 = arith.constant 4 : i32
          %xor3A_497 = vector.broadcast %xor3A_496 : i32 to vector<16xi32>
          %xor3A_498 = arith.xori %iota3A_495, %xor3A_497 : vector<16xi32>
          %reshape3A_499 = vector.shape_cast %xor3A_498 : vector<16xi32> to vector<16x1xi32>
          %gather3A_500 = vector.shape_cast %reshape3A_499 : vector<16x1xi32> to vector<16xi32>
          %gather3A_501 = tpu.dynamic_gather %add3A_494[%gather3A_500] in [0] : vector<16xf32>, vector<16xi32> -> vector<16xf32>
          %add3A_502 = arith.addf %add3A_494, %gather3A_501 : vector<16xf32>
          %iota3A_503 = tpu.iota {dimensions = array<i32: 0>} : vector<16xi32>
          %xor3A_504 = arith.constant 2 : i32
          %xor3A_505 = vector.broadcast %xor3A_504 : i32 to vector<16xi32>
          %xor3A_506 = arith.xori %iota3A_503, %xor3A_505 : vector<16xi32>
          %reshape3A_507 = vector.shape_cast %xor3A_506 : vector<16xi32> to vector<16x1xi32>
          %gather3A_508 = vector.shape_cast %reshape3A_507 : vector<16x1xi32> to vector<16xi32>
          %gather3A_509 = tpu.dynamic_gather %add3A_502[%gather3A_508] in [0] : vector<16xf32>, vector<16xi32> -> vector<16xf32>
          %add3A_510 = arith.addf %add3A_502, %gather3A_509 : vector<16xf32>
          %iota3A_511 = tpu.iota {dimensions = array<i32: 0>} : vector<16xi32>
          %xor3A_512 = arith.constant 1 : i32
          %xor3A_513 = vector.broadcast %xor3A_512 : i32 to vector<16xi32>
          %xor3A_514 = arith.xori %iota3A_511, %xor3A_513 : vector<16xi32>
          %reshape3A_515 = vector.shape_cast %xor3A_514 : vector<16xi32> to vector<16x1xi32>
          %gather3A_516 = vector.shape_cast %reshape3A_515 : vector<16x1xi32> to vector<16xi32>
          %gather3A_517 = tpu.dynamic_gather %add3A_510[%gather3A_516] in [0] : vector<16xf32>, vector<16xi32> -> vector<16xf32>
          %add3A_518 = arith.addf %add3A_510, %gather3A_517 : vector<16xf32>
          %mul3A_519 = arith.constant 7.812500e-03 : f32
          %mul3A_520 = vector.broadcast %mul3A_519 : f32 to vector<16xf32>
          %mul3A_521 = arith.mulf %add3A_486, %mul3A_520 : vector<16xf32>
          %mul3A_522 = arith.constant 7.812500e-03 : f32
          %mul3A_523 = vector.broadcast %mul3A_522 : f32 to vector<16xf32>
          %mul3A_524 = arith.mulf %add3A_518, %mul3A_523 : vector<16xf32>
          %mul3A_525 = arith.mulf %mul3A_521, %mul3A_521 : vector<16xf32>
          %sub3A_526 = arith.subf %mul3A_524, %mul3A_525 : vector<16xf32>
          %max3A_527 = arith.constant 0.000000e+00 : f32
          %max3A_528 = vector.broadcast %max3A_527 : f32 to vector<16xf32>
          %max3A_529 = arith.maximumf %sub3A_526, %max3A_528 : vector<16xf32>
          %add3A_530 = arith.constant 9.99999996E-13 : f32
          %add3A_531 = vector.broadcast %add3A_530 : f32 to vector<16xf32>
          %add3A_532 = arith.addf %max3A_529, %add3A_531 : vector<16xf32>
          %bitcast_convert_type3A_533 = tpu.bitcast %add3A_532 : vector<16xf32> -> vector<16xi32>
          %shift_right_arithmetic3A_534 = arith.constant 1 : i32
          %shift_right_arithmetic3A_535 = vector.broadcast %shift_right_arithmetic3A_534 : i32 to vector<16xi32>
          %shift_right_arithmetic3A_536 = arith.shrsi %bitcast_convert_type3A_533, %shift_right_arithmetic3A_535 : vector<16xi32>
          %sub3A_537 = arith.constant 1597463007 : i32
          %sub3A_538 = vector.broadcast %sub3A_537 : i32 to vector<16xi32>
          %sub3A_539 = arith.subi %sub3A_538, %shift_right_arithmetic3A_536 : vector<16xi32>
          %bitcast_convert_type3A_540 = tpu.bitcast %sub3A_539 : vector<16xi32> -> vector<16xf32>
          %mul3A_541 = arith.constant 5.000000e-01 : f32
          %mul3A_542 = vector.broadcast %mul3A_541 : f32 to vector<16xf32>
          %mul3A_543 = arith.mulf %mul3A_542, %add3A_532 : vector<16xf32>
          %mul3A_544 = arith.mulf %bitcast_convert_type3A_540, %bitcast_convert_type3A_540 : vector<16xf32>
          %mul3A_545 = arith.mulf %mul3A_543, %mul3A_544 : vector<16xf32>
          %sub3A_546 = arith.constant 1.500000e+00 : f32
          %sub3A_547 = vector.broadcast %sub3A_546 : f32 to vector<16xf32>
          %sub3A_548 = arith.subf %sub3A_547, %mul3A_545 : vector<16xf32>
          %mul3A_549 = arith.mulf %bitcast_convert_type3A_540, %sub3A_548 : vector<16xf32>
          %mul3A_550 = arith.mulf %mul3A_549, %mul3A_549 : vector<16xf32>
          %mul3A_551 = arith.mulf %mul3A_543, %mul3A_550 : vector<16xf32>
          %sub3A_552 = arith.constant 1.500000e+00 : f32
          %sub3A_553 = vector.broadcast %sub3A_552 : f32 to vector<16xf32>
          %sub3A_554 = arith.subf %sub3A_553, %mul3A_551 : vector<16xf32>
          %mul3A_555 = arith.mulf %mul3A_549, %sub3A_554 : vector<16xf32>
          %mul3A_556 = arith.mulf %mul3A_555, %get3A_24 : vector<16xf32>
          %sub3A_557 = arith.subf %get3A_404, %mul3A_521 : vector<16xf32>
          %mul3A_558 = arith.mulf %sub3A_557, %mul3A_556 : vector<16xf32>
          %add3A_559 = arith.addf %mul3A_558, %get3A_48 : vector<16xf32>
          %swap3A_560 = arith.index_cast %add3A_400 : i32 to index
          %swap3A_561 = arith.constant 0 : index
          %swap3A_562 = tpu.vector_load %arg6[%swap3A_560, %swap3A_561] {strides = array<i32>} : memref<200x128xf32, #tpu.memory_space<vmem>>, vector<1x16xf32>,
          %swap3A_563 = vector.shape_cast %swap3A_562 : vector<1x16xf32> to vector<16xf32>
          %swap3A_564 = vector.shape_cast %add3A_559 : vector<16xf32> to vector<1x16xf32>
          tpu.vector_store %arg6[%swap3A_560, %swap3A_561], %swap3A_564 {strides = array<i32>} : memref<200x128xf32, #tpu.memory_space<vmem>>, vector<1x16xf32>,
          %mul3A_565 = arith.mulf %mul3A_555, %get3A_27 : vector<16xf32>
          %sub3A_566 = arith.subf %get3A_408, %mul3A_521 : vector<16xf32>
          %mul3A_567 = arith.mulf %sub3A_566, %mul3A_565 : vector<16xf32>
          %add3A_568 = arith.addf %mul3A_567, %get3A_51 : vector<16xf32>
          %swap3A_569 = arith.index_cast %add3A_400 : i32 to index
          %swap3A_570 = arith.constant 16 : index
          %swap3A_571 = tpu.vector_load %arg6[%swap3A_569, %swap3A_570] {strides = array<i32>} : memref<200x128xf32, #tpu.memory_space<vmem>>, vector<1x16xf32>,
          %swap3A_572 = vector.shape_cast %swap3A_571 : vector<1x16xf32> to vector<16xf32>
          %swap3A_573 = vector.shape_cast %add3A_568 : vector<16xf32> to vector<1x16xf32>
          tpu.vector_store %arg6[%swap3A_569, %swap3A_570], %swap3A_573 {strides = array<i32>} : memref<200x128xf32, #tpu.memory_space<vmem>>, vector<1x16xf32>,
          %mul3A_574 = arith.mulf %mul3A_555, %get3A_30 : vector<16xf32>
          %sub3A_575 = arith.subf %get3A_412, %mul3A_521 : vector<16xf32>
          %mul3A_576 = arith.mulf %sub3A_575, %mul3A_574 : vector<16xf32>
          %add3A_577 = arith.addf %mul3A_576, %get3A_54 : vector<16xf32>
          %swap3A_578 = arith.index_cast %add3A_400 : i32 to index
          %swap3A_579 = arith.constant 32 : index
          %swap3A_580 = tpu.vector_load %arg6[%swap3A_578, %swap3A_579] {strides = array<i32>} : memref<200x128xf32, #tpu.memory_space<vmem>>, vector<1x16xf32>,
          %swap3A_581 = vector.shape_cast %swap3A_580 : vector<1x16xf32> to vector<16xf32>
          %swap3A_582 = vector.shape_cast %add3A_577 : vector<16xf32> to vector<1x16xf32>
          tpu.vector_store %arg6[%swap3A_578, %swap3A_579], %swap3A_582 {strides = array<i32>} : memref<200x128xf32, #tpu.memory_space<vmem>>, vector<1x16xf32>,
          %mul3A_583 = arith.mulf %mul3A_555, %get3A_33 : vector<16xf32>
          %sub3A_584 = arith.subf %get3A_416, %mul3A_521 : vector<16xf32>
          %mul3A_585 = arith.mulf %sub3A_584, %mul3A_583 : vector<16xf32>
          %add3A_586 = arith.addf %mul3A_585, %get3A_57 : vector<16xf32>
          %swap3A_587 = arith.index_cast %add3A_400 : i32 to index
          %swap3A_588 = arith.constant 48 : index
          %swap3A_589 = tpu.vector_load %arg6[%swap3A_587, %swap3A_588] {strides = array<i32>} : memref<200x128xf32, #tpu.memory_space<vmem>>, vector<1x16xf32>,
          %swap3A_590 = vector.shape_cast %swap3A_589 : vector<1x16xf32> to vector<16xf32>
          %swap3A_591 = vector.shape_cast %add3A_586 : vector<16xf32> to vector<1x16xf32>
          tpu.vector_store %arg6[%swap3A_587, %swap3A_588], %swap3A_591 {strides = array<i32>} : memref<200x128xf32, #tpu.memory_space<vmem>>, vector<1x16xf32>,
          %mul3A_592 = arith.mulf %mul3A_555, %get3A_36 : vector<16xf32>
          %sub3A_593 = arith.subf %get3A_420, %mul3A_521 : vector<16xf32>
          %mul3A_594 = arith.mulf %sub3A_593, %mul3A_592 : vector<16xf32>
          %add3A_595 = arith.addf %mul3A_594, %get3A_60 : vector<16xf32>
          %swap3A_596 = arith.index_cast %add3A_400 : i32 to index
          %swap3A_597 = arith.constant 64 : index
          %swap3A_598 = tpu.vector_load %arg6[%swap3A_596, %swap3A_597] {strides = array<i32>} : memref<200x128xf32, #tpu.memory_space<vmem>>, vector<1x16xf32>,
          %swap3A_599 = vector.shape_cast %swap3A_598 : vector<1x16xf32> to vector<16xf32>
          %swap3A_600 = vector.shape_cast %add3A_595 : vector<16xf32> to vector<1x16xf32>
          tpu.vector_store %arg6[%swap3A_596, %swap3A_597], %swap3A_600 {strides = array<i32>} : memref<200x128xf32, #tpu.memory_space<vmem>>, vector<1x16xf32>,
          %mul3A_601 = arith.mulf %mul3A_555, %get3A_39 : vector<16xf32>
          %sub3A_602 = arith.subf %get3A_424, %mul3A_521 : vector<16xf32>
          %mul3A_603 = arith.mulf %sub3A_602, %mul3A_601 : vector<16xf32>
          %add3A_604 = arith.addf %mul3A_603, %get3A_63 : vector<16xf32>
          %swap3A_605 = arith.index_cast %add3A_400 : i32 to index
          %swap3A_606 = arith.constant 80 : index
          %swap3A_607 = tpu.vector_load %arg6[%swap3A_605, %swap3A_606] {strides = array<i32>} : memref<200x128xf32, #tpu.memory_space<vmem>>, vector<1x16xf32>,
          %swap3A_608 = vector.shape_cast %swap3A_607 : vector<1x16xf32> to vector<16xf32>
          %swap3A_609 = vector.shape_cast %add3A_604 : vector<16xf32> to vector<1x16xf32>
          tpu.vector_store %arg6[%swap3A_605, %swap3A_606], %swap3A_609 {strides = array<i32>} : memref<200x128xf32, #tpu.memory_space<vmem>>, vector<1x16xf32>,
          %mul3A_610 = arith.mulf %mul3A_555, %get3A_42 : vector<16xf32>
          %sub3A_611 = arith.subf %get3A_428, %mul3A_521 : vector<16xf32>
          %mul3A_612 = arith.mulf %sub3A_611, %mul3A_610 : vector<16xf32>
          %add3A_613 = arith.addf %mul3A_612, %get3A_66 : vector<16xf32>
          %swap3A_614 = arith.index_cast %add3A_400 : i32 to index
          %swap3A_615 = arith.constant 96 : index
          %swap3A_616 = tpu.vector_load %arg6[%swap3A_614, %swap3A_615] {strides = array<i32>} : memref<200x128xf32, #tpu.memory_space<vmem>>, vector<1x16xf32>,
          %swap3A_617 = vector.shape_cast %swap3A_616 : vector<1x16xf32> to vector<16xf32>
          %swap3A_618 = vector.shape_cast %add3A_613 : vector<16xf32> to vector<1x16xf32>
          tpu.vector_store %arg6[%swap3A_614, %swap3A_615], %swap3A_618 {strides = array<i32>} : memref<200x128xf32, #tpu.memory_space<vmem>>, vector<1x16xf32>,
          %mul3A_619 = arith.mulf %mul3A_555, %get3A_45 : vector<16xf32>
          %sub3A_620 = arith.subf %get3A_432, %mul3A_521 : vector<16xf32>
          %mul3A_621 = arith.mulf %sub3A_620, %mul3A_619 : vector<16xf32>
          %add3A_622 = arith.addf %mul3A_621, %get3A_69 : vector<16xf32>
          %swap3A_623 = arith.index_cast %add3A_400 : i32 to index
          %swap3A_624 = arith.constant 112 : index
          %swap3A_625 = tpu.vector_load %arg6[%swap3A_623, %swap3A_624] {strides = array<i32>} : memref<200x128xf32, #tpu.memory_space<vmem>>, vector<1x16xf32>,
          %swap3A_626 = vector.shape_cast %swap3A_625 : vector<1x16xf32> to vector<16xf32>
          %swap3A_627 = vector.shape_cast %add3A_622 : vector<16xf32> to vector<1x16xf32>
          tpu.vector_store %arg6[%swap3A_623, %swap3A_624], %swap3A_627 {strides = array<i32>} : memref<200x128xf32, #tpu.memory_space<vmem>>, vector<1x16xf32>,
          %mul3A_628 = arith.constant 4 : i32
          %mul3A_629 = arith.muli %scan3A_173, %mul3A_628 : i32
          %add3A_630 = arith.constant 2 : i32
          %add3A_631 = arith.addi %mul3A_629, %add3A_630 : i32
          %get3A_632 = arith.index_cast %add3A_631 : i32 to index
          %get3A_633 = arith.constant 0 : index
          %get3A_634 = tpu.vector_load %arg6[%get3A_632, %get3A_633] {strides = array<i32>} : memref<200x128xf32, #tpu.memory_space<vmem>>, vector<1x16xf32>,
          %get3A_635 = vector.shape_cast %get3A_634 : vector<1x16xf32> to vector<16xf32>
          %get3A_636 = arith.index_cast %add3A_631 : i32 to index
          %get3A_637 = arith.constant 16 : index
          %get3A_638 = tpu.vector_load %arg6[%get3A_636, %get3A_637] {strides = array<i32>} : memref<200x128xf32, #tpu.memory_space<vmem>>, vector<1x16xf32>,
          %get3A_639 = vector.shape_cast %get3A_638 : vector<1x16xf32> to vector<16xf32>
          %get3A_640 = arith.index_cast %add3A_631 : i32 to index
          %get3A_641 = arith.constant 32 : index
          %get3A_642 = tpu.vector_load %arg6[%get3A_640, %get3A_641] {strides = array<i32>} : memref<200x128xf32, #tpu.memory_space<vmem>>, vector<1x16xf32>,
          %get3A_643 = vector.shape_cast %get3A_642 : vector<1x16xf32> to vector<16xf32>
          %get3A_644 = arith.index_cast %add3A_631 : i32 to index
          %get3A_645 = arith.constant 48 : index
          %get3A_646 = tpu.vector_load %arg6[%get3A_644, %get3A_645] {strides = array<i32>} : memref<200x128xf32, #tpu.memory_space<vmem>>, vector<1x16xf32>,
          %get3A_647 = vector.shape_cast %get3A_646 : vector<1x16xf32> to vector<16xf32>
          %get3A_648 = arith.index_cast %add3A_631 : i32 to index
          %get3A_649 = arith.constant 64 : index
          %get3A_650 = tpu.vector_load %arg6[%get3A_648, %get3A_649] {strides = array<i32>} : memref<200x128xf32, #tpu.memory_space<vmem>>, vector<1x16xf32>,
          %get3A_651 = vector.shape_cast %get3A_650 : vector<1x16xf32> to vector<16xf32>
          %get3A_652 = arith.index_cast %add3A_631 : i32 to index
          %get3A_653 = arith.constant 80 : index
          %get3A_654 = tpu.vector_load %arg6[%get3A_652, %get3A_653] {strides = array<i32>} : memref<200x128xf32, #tpu.memory_space<vmem>>, vector<1x16xf32>,
          %get3A_655 = vector.shape_cast %get3A_654 : vector<1x16xf32> to vector<16xf32>
          %get3A_656 = arith.index_cast %add3A_631 : i32 to index
          %get3A_657 = arith.constant 96 : index
          %get3A_658 = tpu.vector_load %arg6[%get3A_656, %get3A_657] {strides = array<i32>} : memref<200x128xf32, #tpu.memory_space<vmem>>, vector<1x16xf32>,
          %get3A_659 = vector.shape_cast %get3A_658 : vector<1x16xf32> to vector<16xf32>
          %get3A_660 = arith.index_cast %add3A_631 : i32 to index
          %get3A_661 = arith.constant 112 : index
          %get3A_662 = tpu.vector_load %arg6[%get3A_660, %get3A_661] {strides = array<i32>} : memref<200x128xf32, #tpu.memory_space<vmem>>, vector<1x16xf32>,
          %get3A_663 = vector.shape_cast %get3A_662 : vector<1x16xf32> to vector<16xf32>
          %add3A_664 = arith.addf %get3A_635, %get3A_639 : vector<16xf32>
          %add3A_665 = arith.addf %get3A_643, %get3A_647 : vector<16xf32>
          %add3A_666 = arith.addf %add3A_664, %add3A_665 : vector<16xf32>
          %add3A_667 = arith.addf %get3A_651, %get3A_655 : vector<16xf32>
          %add3A_668 = arith.addf %get3A_659, %get3A_663 : vector<16xf32>
          %add3A_669 = arith.addf %add3A_667, %add3A_668 : vector<16xf32>
          %add3A_670 = arith.addf %add3A_666, %add3A_669 : vector<16xf32>
          %mul3A_671 = arith.mulf %get3A_635, %get3A_635 : vector<16xf32>
          %mul3A_672 = arith.mulf %get3A_639, %get3A_639 : vector<16xf32>
          %add3A_673 = arith.addf %mul3A_671, %mul3A_672 : vector<16xf32>
          %mul3A_674 = arith.mulf %get3A_643, %get3A_643 : vector<16xf32>
          %mul3A_675 = arith.mulf %get3A_647, %get3A_647 : vector<16xf32>
          %add3A_676 = arith.addf %mul3A_674, %mul3A_675 : vector<16xf32>
          %add3A_677 = arith.addf %add3A_673, %add3A_676 : vector<16xf32>
          %mul3A_678 = arith.mulf %get3A_651, %get3A_651 : vector<16xf32>
          %mul3A_679 = arith.mulf %get3A_655, %get3A_655 : vector<16xf32>
          %add3A_680 = arith.addf %mul3A_678, %mul3A_679 : vector<16xf32>
          %mul3A_681 = arith.mulf %get3A_659, %get3A_659 : vector<16xf32>
          %mul3A_682 = arith.mulf %get3A_663, %get3A_663 : vector<16xf32>
          %add3A_683 = arith.addf %mul3A_681, %mul3A_682 : vector<16xf32>
          %add3A_684 = arith.addf %add3A_680, %add3A_683 : vector<16xf32>
          %add3A_685 = arith.addf %add3A_677, %add3A_684 : vector<16xf32>
          %iota3A_686 = tpu.iota {dimensions = array<i32: 0>} : vector<16xi32>
          %xor3A_687 = arith.constant 8 : i32
          %xor3A_688 = vector.broadcast %xor3A_687 : i32 to vector<16xi32>
          %xor3A_689 = arith.xori %iota3A_686, %xor3A_688 : vector<16xi32>
          %reshape3A_690 = vector.shape_cast %xor3A_689 : vector<16xi32> to vector<16x1xi32>
          %gather3A_691 = vector.shape_cast %reshape3A_690 : vector<16x1xi32> to vector<16xi32>
          %gather3A_692 = tpu.dynamic_gather %add3A_670[%gather3A_691] in [0] : vector<16xf32>, vector<16xi32> -> vector<16xf32>
          %add3A_693 = arith.addf %add3A_670, %gather3A_692 : vector<16xf32>
          %iota3A_694 = tpu.iota {dimensions = array<i32: 0>} : vector<16xi32>
          %xor3A_695 = arith.constant 4 : i32
          %xor3A_696 = vector.broadcast %xor3A_695 : i32 to vector<16xi32>
          %xor3A_697 = arith.xori %iota3A_694, %xor3A_696 : vector<16xi32>
          %reshape3A_698 = vector.shape_cast %xor3A_697 : vector<16xi32> to vector<16x1xi32>
          %gather3A_699 = vector.shape_cast %reshape3A_698 : vector<16x1xi32> to vector<16xi32>
          %gather3A_700 = tpu.dynamic_gather %add3A_693[%gather3A_699] in [0] : vector<16xf32>, vector<16xi32> -> vector<16xf32>
          %add3A_701 = arith.addf %add3A_693, %gather3A_700 : vector<16xf32>
          %iota3A_702 = tpu.iota {dimensions = array<i32: 0>} : vector<16xi32>
          %xor3A_703 = arith.constant 2 : i32
          %xor3A_704 = vector.broadcast %xor3A_703 : i32 to vector<16xi32>
          %xor3A_705 = arith.xori %iota3A_702, %xor3A_704 : vector<16xi32>
          %reshape3A_706 = vector.shape_cast %xor3A_705 : vector<16xi32> to vector<16x1xi32>
          %gather3A_707 = vector.shape_cast %reshape3A_706 : vector<16x1xi32> to vector<16xi32>
          %gather3A_708 = tpu.dynamic_gather %add3A_701[%gather3A_707] in [0] : vector<16xf32>, vector<16xi32> -> vector<16xf32>
          %add3A_709 = arith.addf %add3A_701, %gather3A_708 : vector<16xf32>
          %iota3A_710 = tpu.iota {dimensions = array<i32: 0>} : vector<16xi32>
          %xor3A_711 = arith.constant 1 : i32
          %xor3A_712 = vector.broadcast %xor3A_711 : i32 to vector<16xi32>
          %xor3A_713 = arith.xori %iota3A_710, %xor3A_712 : vector<16xi32>
          %reshape3A_714 = vector.shape_cast %xor3A_713 : vector<16xi32> to vector<16x1xi32>
          %gather3A_715 = vector.shape_cast %reshape3A_714 : vector<16x1xi32> to vector<16xi32>
          %gather3A_716 = tpu.dynamic_gather %add3A_709[%gather3A_715] in [0] : vector<16xf32>, vector<16xi32> -> vector<16xf32>
          %add3A_717 = arith.addf %add3A_709, %gather3A_716 : vector<16xf32>
          %iota3A_718 = tpu.iota {dimensions = array<i32: 0>} : vector<16xi32>
          %xor3A_719 = arith.constant 8 : i32
          %xor3A_720 = vector.broadcast %xor3A_719 : i32 to vector<16xi32>
          %xor3A_721 = arith.xori %iota3A_718, %xor3A_720 : vector<16xi32>
          %reshape3A_722 = vector.shape_cast %xor3A_721 : vector<16xi32> to vector<16x1xi32>
          %gather3A_723 = vector.shape_cast %reshape3A_722 : vector<16x1xi32> to vector<16xi32>
          %gather3A_724 = tpu.dynamic_gather %add3A_685[%gather3A_723] in [0] : vector<16xf32>, vector<16xi32> -> vector<16xf32>
          %add3A_725 = arith.addf %add3A_685, %gather3A_724 : vector<16xf32>
          %iota3A_726 = tpu.iota {dimensions = array<i32: 0>} : vector<16xi32>
          %xor3A_727 = arith.constant 4 : i32
          %xor3A_728 = vector.broadcast %xor3A_727 : i32 to vector<16xi32>
          %xor3A_729 = arith.xori %iota3A_726, %xor3A_728 : vector<16xi32>
          %reshape3A_730 = vector.shape_cast %xor3A_729 : vector<16xi32> to vector<16x1xi32>
          %gather3A_731 = vector.shape_cast %reshape3A_730 : vector<16x1xi32> to vector<16xi32>
          %gather3A_732 = tpu.dynamic_gather %add3A_725[%gather3A_731] in [0] : vector<16xf32>, vector<16xi32> -> vector<16xf32>
          %add3A_733 = arith.addf %add3A_725, %gather3A_732 : vector<16xf32>
          %iota3A_734 = tpu.iota {dimensions = array<i32: 0>} : vector<16xi32>
          %xor3A_735 = arith.constant 2 : i32
          %xor3A_736 = vector.broadcast %xor3A_735 : i32 to vector<16xi32>
          %xor3A_737 = arith.xori %iota3A_734, %xor3A_736 : vector<16xi32>
          %reshape3A_738 = vector.shape_cast %xor3A_737 : vector<16xi32> to vector<16x1xi32>
          %gather3A_739 = vector.shape_cast %reshape3A_738 : vector<16x1xi32> to vector<16xi32>
          %gather3A_740 = tpu.dynamic_gather %add3A_733[%gather3A_739] in [0] : vector<16xf32>, vector<16xi32> -> vector<16xf32>
          %add3A_741 = arith.addf %add3A_733, %gather3A_740 : vector<16xf32>
          %iota3A_742 = tpu.iota {dimensions = array<i32: 0>} : vector<16xi32>
          %xor3A_743 = arith.constant 1 : i32
          %xor3A_744 = vector.broadcast %xor3A_743 : i32 to vector<16xi32>
          %xor3A_745 = arith.xori %iota3A_742, %xor3A_744 : vector<16xi32>
          %reshape3A_746 = vector.shape_cast %xor3A_745 : vector<16xi32> to vector<16x1xi32>
          %gather3A_747 = vector.shape_cast %reshape3A_746 : vector<16x1xi32> to vector<16xi32>
          %gather3A_748 = tpu.dynamic_gather %add3A_741[%gather3A_747] in [0] : vector<16xf32>, vector<16xi32> -> vector<16xf32>
          %add3A_749 = arith.addf %add3A_741, %gather3A_748 : vector<16xf32>
          %mul3A_750 = arith.constant 7.812500e-03 : f32
          %mul3A_751 = vector.broadcast %mul3A_750 : f32 to vector<16xf32>
          %mul3A_752 = arith.mulf %add3A_717, %mul3A_751 : vector<16xf32>
          %mul3A_753 = arith.constant 7.812500e-03 : f32
          %mul3A_754 = vector.broadcast %mul3A_753 : f32 to vector<16xf32>
          %mul3A_755 = arith.mulf %add3A_749, %mul3A_754 : vector<16xf32>
          %mul3A_756 = arith.mulf %mul3A_752, %mul3A_752 : vector<16xf32>
          %sub3A_757 = arith.subf %mul3A_755, %mul3A_756 : vector<16xf32>
          %max3A_758 = arith.constant 0.000000e+00 : f32
          %max3A_759 = vector.broadcast %max3A_758 : f32 to vector<16xf32>
          %max3A_760 = arith.maximumf %sub3A_757, %max3A_759 : vector<16xf32>
          %add3A_761 = arith.constant 9.99999996E-13 : f32
          %add3A_762 = vector.broadcast %add3A_761 : f32 to vector<16xf32>
          %add3A_763 = arith.addf %max3A_760, %add3A_762 : vector<16xf32>
          %bitcast_convert_type3A_764 = tpu.bitcast %add3A_763 : vector<16xf32> -> vector<16xi32>
          %shift_right_arithmetic3A_765 = arith.constant 1 : i32
          %shift_right_arithmetic3A_766 = vector.broadcast %shift_right_arithmetic3A_765 : i32 to vector<16xi32>
          %shift_right_arithmetic3A_767 = arith.shrsi %bitcast_convert_type3A_764, %shift_right_arithmetic3A_766 : vector<16xi32>
          %sub3A_768 = arith.constant 1597463007 : i32
          %sub3A_769 = vector.broadcast %sub3A_768 : i32 to vector<16xi32>
          %sub3A_770 = arith.subi %sub3A_769, %shift_right_arithmetic3A_767 : vector<16xi32>
          %bitcast_convert_type3A_771 = tpu.bitcast %sub3A_770 : vector<16xi32> -> vector<16xf32>
          %mul3A_772 = arith.constant 5.000000e-01 : f32
          %mul3A_773 = vector.broadcast %mul3A_772 : f32 to vector<16xf32>
          %mul3A_774 = arith.mulf %mul3A_773, %add3A_763 : vector<16xf32>
          %mul3A_775 = arith.mulf %bitcast_convert_type3A_771, %bitcast_convert_type3A_771 : vector<16xf32>
          %mul3A_776 = arith.mulf %mul3A_774, %mul3A_775 : vector<16xf32>
          %sub3A_777 = arith.constant 1.500000e+00 : f32
          %sub3A_778 = vector.broadcast %sub3A_777 : f32 to vector<16xf32>
          %sub3A_779 = arith.subf %sub3A_778, %mul3A_776 : vector<16xf32>
          %mul3A_780 = arith.mulf %bitcast_convert_type3A_771, %sub3A_779 : vector<16xf32>
          %mul3A_781 = arith.mulf %mul3A_780, %mul3A_780 : vector<16xf32>
          %mul3A_782 = arith.mulf %mul3A_774, %mul3A_781 : vector<16xf32>
          %sub3A_783 = arith.constant 1.500000e+00 : f32
          %sub3A_784 = vector.broadcast %sub3A_783 : f32 to vector<16xf32>
          %sub3A_785 = arith.subf %sub3A_784, %mul3A_782 : vector<16xf32>
          %mul3A_786 = arith.mulf %mul3A_780, %sub3A_785 : vector<16xf32>
          %mul3A_787 = arith.mulf %mul3A_786, %get3A_24 : vector<16xf32>
          %sub3A_788 = arith.subf %get3A_635, %mul3A_752 : vector<16xf32>
          %mul3A_789 = arith.mulf %sub3A_788, %mul3A_787 : vector<16xf32>
          %add3A_790 = arith.addf %mul3A_789, %get3A_48 : vector<16xf32>
          %swap3A_791 = arith.index_cast %add3A_631 : i32 to index
          %swap3A_792 = arith.constant 0 : index
          %swap3A_793 = tpu.vector_load %arg6[%swap3A_791, %swap3A_792] {strides = array<i32>} : memref<200x128xf32, #tpu.memory_space<vmem>>, vector<1x16xf32>,
          %swap3A_794 = vector.shape_cast %swap3A_793 : vector<1x16xf32> to vector<16xf32>
          %swap3A_795 = vector.shape_cast %add3A_790 : vector<16xf32> to vector<1x16xf32>
          tpu.vector_store %arg6[%swap3A_791, %swap3A_792], %swap3A_795 {strides = array<i32>} : memref<200x128xf32, #tpu.memory_space<vmem>>, vector<1x16xf32>,
          %mul3A_796 = arith.mulf %mul3A_786, %get3A_27 : vector<16xf32>
          %sub3A_797 = arith.subf %get3A_639, %mul3A_752 : vector<16xf32>
          %mul3A_798 = arith.mulf %sub3A_797, %mul3A_796 : vector<16xf32>
          %add3A_799 = arith.addf %mul3A_798, %get3A_51 : vector<16xf32>
          %swap3A_800 = arith.index_cast %add3A_631 : i32 to index
          %swap3A_801 = arith.constant 16 : index
          %swap3A_802 = tpu.vector_load %arg6[%swap3A_800, %swap3A_801] {strides = array<i32>} : memref<200x128xf32, #tpu.memory_space<vmem>>, vector<1x16xf32>,
          %swap3A_803 = vector.shape_cast %swap3A_802 : vector<1x16xf32> to vector<16xf32>
          %swap3A_804 = vector.shape_cast %add3A_799 : vector<16xf32> to vector<1x16xf32>
          tpu.vector_store %arg6[%swap3A_800, %swap3A_801], %swap3A_804 {strides = array<i32>} : memref<200x128xf32, #tpu.memory_space<vmem>>, vector<1x16xf32>,
          %mul3A_805 = arith.mulf %mul3A_786, %get3A_30 : vector<16xf32>
          %sub3A_806 = arith.subf %get3A_643, %mul3A_752 : vector<16xf32>
          %mul3A_807 = arith.mulf %sub3A_806, %mul3A_805 : vector<16xf32>
          %add3A_808 = arith.addf %mul3A_807, %get3A_54 : vector<16xf32>
          %swap3A_809 = arith.index_cast %add3A_631 : i32 to index
          %swap3A_810 = arith.constant 32 : index
          %swap3A_811 = tpu.vector_load %arg6[%swap3A_809, %swap3A_810] {strides = array<i32>} : memref<200x128xf32, #tpu.memory_space<vmem>>, vector<1x16xf32>,
          %swap3A_812 = vector.shape_cast %swap3A_811 : vector<1x16xf32> to vector<16xf32>
          %swap3A_813 = vector.shape_cast %add3A_808 : vector<16xf32> to vector<1x16xf32>
          tpu.vector_store %arg6[%swap3A_809, %swap3A_810], %swap3A_813 {strides = array<i32>} : memref<200x128xf32, #tpu.memory_space<vmem>>, vector<1x16xf32>,
          %mul3A_814 = arith.mulf %mul3A_786, %get3A_33 : vector<16xf32>
          %sub3A_815 = arith.subf %get3A_647, %mul3A_752 : vector<16xf32>
          %mul3A_816 = arith.mulf %sub3A_815, %mul3A_814 : vector<16xf32>
          %add3A_817 = arith.addf %mul3A_816, %get3A_57 : vector<16xf32>
          %swap3A_818 = arith.index_cast %add3A_631 : i32 to index
          %swap3A_819 = arith.constant 48 : index
          %swap3A_820 = tpu.vector_load %arg6[%swap3A_818, %swap3A_819] {strides = array<i32>} : memref<200x128xf32, #tpu.memory_space<vmem>>, vector<1x16xf32>,
          %swap3A_821 = vector.shape_cast %swap3A_820 : vector<1x16xf32> to vector<16xf32>
          %swap3A_822 = vector.shape_cast %add3A_817 : vector<16xf32> to vector<1x16xf32>
          tpu.vector_store %arg6[%swap3A_818, %swap3A_819], %swap3A_822 {strides = array<i32>} : memref<200x128xf32, #tpu.memory_space<vmem>>, vector<1x16xf32>,
          %mul3A_823 = arith.mulf %mul3A_786, %get3A_36 : vector<16xf32>
          %sub3A_824 = arith.subf %get3A_651, %mul3A_752 : vector<16xf32>
          %mul3A_825 = arith.mulf %sub3A_824, %mul3A_823 : vector<16xf32>
          %add3A_826 = arith.addf %mul3A_825, %get3A_60 : vector<16xf32>
          %swap3A_827 = arith.index_cast %add3A_631 : i32 to index
          %swap3A_828 = arith.constant 64 : index
          %swap3A_829 = tpu.vector_load %arg6[%swap3A_827, %swap3A_828] {strides = array<i32>} : memref<200x128xf32, #tpu.memory_space<vmem>>, vector<1x16xf32>,
          %swap3A_830 = vector.shape_cast %swap3A_829 : vector<1x16xf32> to vector<16xf32>
          %swap3A_831 = vector.shape_cast %add3A_826 : vector<16xf32> to vector<1x16xf32>
          tpu.vector_store %arg6[%swap3A_827, %swap3A_828], %swap3A_831 {strides = array<i32>} : memref<200x128xf32, #tpu.memory_space<vmem>>, vector<1x16xf32>,
          %mul3A_832 = arith.mulf %mul3A_786, %get3A_39 : vector<16xf32>
          %sub3A_833 = arith.subf %get3A_655, %mul3A_752 : vector<16xf32>
          %mul3A_834 = arith.mulf %sub3A_833, %mul3A_832 : vector<16xf32>
          %add3A_835 = arith.addf %mul3A_834, %get3A_63 : vector<16xf32>
          %swap3A_836 = arith.index_cast %add3A_631 : i32 to index
          %swap3A_837 = arith.constant 80 : index
          %swap3A_838 = tpu.vector_load %arg6[%swap3A_836, %swap3A_837] {strides = array<i32>} : memref<200x128xf32, #tpu.memory_space<vmem>>, vector<1x16xf32>,
          %swap3A_839 = vector.shape_cast %swap3A_838 : vector<1x16xf32> to vector<16xf32>
          %swap3A_840 = vector.shape_cast %add3A_835 : vector<16xf32> to vector<1x16xf32>
          tpu.vector_store %arg6[%swap3A_836, %swap3A_837], %swap3A_840 {strides = array<i32>} : memref<200x128xf32, #tpu.memory_space<vmem>>, vector<1x16xf32>,
          %mul3A_841 = arith.mulf %mul3A_786, %get3A_42 : vector<16xf32>
          %sub3A_842 = arith.subf %get3A_659, %mul3A_752 : vector<16xf32>
          %mul3A_843 = arith.mulf %sub3A_842, %mul3A_841 : vector<16xf32>
          %add3A_844 = arith.addf %mul3A_843, %get3A_66 : vector<16xf32>
          %swap3A_845 = arith.index_cast %add3A_631 : i32 to index
          %swap3A_846 = arith.constant 96 : index
          %swap3A_847 = tpu.vector_load %arg6[%swap3A_845, %swap3A_846] {strides = array<i32>} : memref<200x128xf32, #tpu.memory_space<vmem>>, vector<1x16xf32>,
          %swap3A_848 = vector.shape_cast %swap3A_847 : vector<1x16xf32> to vector<16xf32>
          %swap3A_849 = vector.shape_cast %add3A_844 : vector<16xf32> to vector<1x16xf32>
          tpu.vector_store %arg6[%swap3A_845, %swap3A_846], %swap3A_849 {strides = array<i32>} : memref<200x128xf32, #tpu.memory_space<vmem>>, vector<1x16xf32>,
          %mul3A_850 = arith.mulf %mul3A_786, %get3A_45 : vector<16xf32>
          %sub3A_851 = arith.subf %get3A_663, %mul3A_752 : vector<16xf32>
          %mul3A_852 = arith.mulf %sub3A_851, %mul3A_850 : vector<16xf32>
          %add3A_853 = arith.addf %mul3A_852, %get3A_69 : vector<16xf32>
          %swap3A_854 = arith.index_cast %add3A_631 : i32 to index
          %swap3A_855 = arith.constant 112 : index
          %swap3A_856 = tpu.vector_load %arg6[%swap3A_854, %swap3A_855] {strides = array<i32>} : memref<200x128xf32, #tpu.memory_space<vmem>>, vector<1x16xf32>,
          %swap3A_857 = vector.shape_cast %swap3A_856 : vector<1x16xf32> to vector<16xf32>
          %swap3A_858 = vector.shape_cast %add3A_853 : vector<16xf32> to vector<1x16xf32>
          tpu.vector_store %arg6[%swap3A_854, %swap3A_855], %swap3A_858 {strides = array<i32>} : memref<200x128xf32, #tpu.memory_space<vmem>>, vector<1x16xf32>,
          %mul3A_859 = arith.constant 4 : i32
          %mul3A_860 = arith.muli %scan3A_173, %mul3A_859 : i32
          %add3A_861 = arith.constant 3 : i32
          %add3A_862 = arith.addi %mul3A_860, %add3A_861 : i32
          %get3A_863 = arith.index_cast %add3A_862 : i32 to index
          %get3A_864 = arith.constant 0 : index
          %get3A_865 = tpu.vector_load %arg6[%get3A_863, %get3A_864] {strides = array<i32>} : memref<200x128xf32, #tpu.memory_space<vmem>>, vector<1x16xf32>,
          %get3A_866 = vector.shape_cast %get3A_865 : vector<1x16xf32> to vector<16xf32>
          %get3A_867 = arith.index_cast %add3A_862 : i32 to index
          %get3A_868 = arith.constant 16 : index
          %get3A_869 = tpu.vector_load %arg6[%get3A_867, %get3A_868] {strides = array<i32>} : memref<200x128xf32, #tpu.memory_space<vmem>>, vector<1x16xf32>,
          %get3A_870 = vector.shape_cast %get3A_869 : vector<1x16xf32> to vector<16xf32>
          %get3A_871 = arith.index_cast %add3A_862 : i32 to index
          %get3A_872 = arith.constant 32 : index
          %get3A_873 = tpu.vector_load %arg6[%get3A_871, %get3A_872] {strides = array<i32>} : memref<200x128xf32, #tpu.memory_space<vmem>>, vector<1x16xf32>,
          %get3A_874 = vector.shape_cast %get3A_873 : vector<1x16xf32> to vector<16xf32>
          %get3A_875 = arith.index_cast %add3A_862 : i32 to index
          %get3A_876 = arith.constant 48 : index
          %get3A_877 = tpu.vector_load %arg6[%get3A_875, %get3A_876] {strides = array<i32>} : memref<200x128xf32, #tpu.memory_space<vmem>>, vector<1x16xf32>,
          %get3A_878 = vector.shape_cast %get3A_877 : vector<1x16xf32> to vector<16xf32>
          %get3A_879 = arith.index_cast %add3A_862 : i32 to index
          %get3A_880 = arith.constant 64 : index
          %get3A_881 = tpu.vector_load %arg6[%get3A_879, %get3A_880] {strides = array<i32>} : memref<200x128xf32, #tpu.memory_space<vmem>>, vector<1x16xf32>,
          %get3A_882 = vector.shape_cast %get3A_881 : vector<1x16xf32> to vector<16xf32>
          %get3A_883 = arith.index_cast %add3A_862 : i32 to index
          %get3A_884 = arith.constant 80 : index
          %get3A_885 = tpu.vector_load %arg6[%get3A_883, %get3A_884] {strides = array<i32>} : memref<200x128xf32, #tpu.memory_space<vmem>>, vector<1x16xf32>,
          %get3A_886 = vector.shape_cast %get3A_885 : vector<1x16xf32> to vector<16xf32>
          %get3A_887 = arith.index_cast %add3A_862 : i32 to index
          %get3A_888 = arith.constant 96 : index
          %get3A_889 = tpu.vector_load %arg6[%get3A_887, %get3A_888] {strides = array<i32>} : memref<200x128xf32, #tpu.memory_space<vmem>>, vector<1x16xf32>,
          %get3A_890 = vector.shape_cast %get3A_889 : vector<1x16xf32> to vector<16xf32>
          %get3A_891 = arith.index_cast %add3A_862 : i32 to index
          %get3A_892 = arith.constant 112 : index
          %get3A_893 = tpu.vector_load %arg6[%get3A_891, %get3A_892] {strides = array<i32>} : memref<200x128xf32, #tpu.memory_space<vmem>>, vector<1x16xf32>,
          %get3A_894 = vector.shape_cast %get3A_893 : vector<1x16xf32> to vector<16xf32>
          %add3A_895 = arith.addf %get3A_866, %get3A_870 : vector<16xf32>
          %add3A_896 = arith.addf %get3A_874, %get3A_878 : vector<16xf32>
          %add3A_897 = arith.addf %add3A_895, %add3A_896 : vector<16xf32>
          %add3A_898 = arith.addf %get3A_882, %get3A_886 : vector<16xf32>
          %add3A_899 = arith.addf %get3A_890, %get3A_894 : vector<16xf32>
          %add3A_900 = arith.addf %add3A_898, %add3A_899 : vector<16xf32>
          %add3A_901 = arith.addf %add3A_897, %add3A_900 : vector<16xf32>
          %mul3A_902 = arith.mulf %get3A_866, %get3A_866 : vector<16xf32>
          %mul3A_903 = arith.mulf %get3A_870, %get3A_870 : vector<16xf32>
          %add3A_904 = arith.addf %mul3A_902, %mul3A_903 : vector<16xf32>
          %mul3A_905 = arith.mulf %get3A_874, %get3A_874 : vector<16xf32>
          %mul3A_906 = arith.mulf %get3A_878, %get3A_878 : vector<16xf32>
          %add3A_907 = arith.addf %mul3A_905, %mul3A_906 : vector<16xf32>
          %add3A_908 = arith.addf %add3A_904, %add3A_907 : vector<16xf32>
          %mul3A_909 = arith.mulf %get3A_882, %get3A_882 : vector<16xf32>
          %mul3A_910 = arith.mulf %get3A_886, %get3A_886 : vector<16xf32>
          %add3A_911 = arith.addf %mul3A_909, %mul3A_910 : vector<16xf32>
          %mul3A_912 = arith.mulf %get3A_890, %get3A_890 : vector<16xf32>
          %mul3A_913 = arith.mulf %get3A_894, %get3A_894 : vector<16xf32>
          %add3A_914 = arith.addf %mul3A_912, %mul3A_913 : vector<16xf32>
          %add3A_915 = arith.addf %add3A_911, %add3A_914 : vector<16xf32>
          %add3A_916 = arith.addf %add3A_908, %add3A_915 : vector<16xf32>
          %iota3A_917 = tpu.iota {dimensions = array<i32: 0>} : vector<16xi32>
          %xor3A_918 = arith.constant 8 : i32
          %xor3A_919 = vector.broadcast %xor3A_918 : i32 to vector<16xi32>
          %xor3A_920 = arith.xori %iota3A_917, %xor3A_919 : vector<16xi32>
          %reshape3A_921 = vector.shape_cast %xor3A_920 : vector<16xi32> to vector<16x1xi32>
          %gather3A_922 = vector.shape_cast %reshape3A_921 : vector<16x1xi32> to vector<16xi32>
          %gather3A_923 = tpu.dynamic_gather %add3A_901[%gather3A_922] in [0] : vector<16xf32>, vector<16xi32> -> vector<16xf32>
          %add3A_924 = arith.addf %add3A_901, %gather3A_923 : vector<16xf32>
          %iota3A_925 = tpu.iota {dimensions = array<i32: 0>} : vector<16xi32>
          %xor3A_926 = arith.constant 4 : i32
          %xor3A_927 = vector.broadcast %xor3A_926 : i32 to vector<16xi32>
          %xor3A_928 = arith.xori %iota3A_925, %xor3A_927 : vector<16xi32>
          %reshape3A_929 = vector.shape_cast %xor3A_928 : vector<16xi32> to vector<16x1xi32>
          %gather3A_930 = vector.shape_cast %reshape3A_929 : vector<16x1xi32> to vector<16xi32>
          %gather3A_931 = tpu.dynamic_gather %add3A_924[%gather3A_930] in [0] : vector<16xf32>, vector<16xi32> -> vector<16xf32>
          %add3A_932 = arith.addf %add3A_924, %gather3A_931 : vector<16xf32>
          %iota3A_933 = tpu.iota {dimensions = array<i32: 0>} : vector<16xi32>
          %xor3A_934 = arith.constant 2 : i32
          %xor3A_935 = vector.broadcast %xor3A_934 : i32 to vector<16xi32>
          %xor3A_936 = arith.xori %iota3A_933, %xor3A_935 : vector<16xi32>
          %reshape3A_937 = vector.shape_cast %xor3A_936 : vector<16xi32> to vector<16x1xi32>
          %gather3A_938 = vector.shape_cast %reshape3A_937 : vector<16x1xi32> to vector<16xi32>
          %gather3A_939 = tpu.dynamic_gather %add3A_932[%gather3A_938] in [0] : vector<16xf32>, vector<16xi32> -> vector<16xf32>
          %add3A_940 = arith.addf %add3A_932, %gather3A_939 : vector<16xf32>
          %iota3A_941 = tpu.iota {dimensions = array<i32: 0>} : vector<16xi32>
          %xor3A_942 = arith.constant 1 : i32
          %xor3A_943 = vector.broadcast %xor3A_942 : i32 to vector<16xi32>
          %xor3A_944 = arith.xori %iota3A_941, %xor3A_943 : vector<16xi32>
          %reshape3A_945 = vector.shape_cast %xor3A_944 : vector<16xi32> to vector<16x1xi32>
          %gather3A_946 = vector.shape_cast %reshape3A_945 : vector<16x1xi32> to vector<16xi32>
          %gather3A_947 = tpu.dynamic_gather %add3A_940[%gather3A_946] in [0] : vector<16xf32>, vector<16xi32> -> vector<16xf32>
          %add3A_948 = arith.addf %add3A_940, %gather3A_947 : vector<16xf32>
          %iota3A_949 = tpu.iota {dimensions = array<i32: 0>} : vector<16xi32>
          %xor3A_950 = arith.constant 8 : i32
          %xor3A_951 = vector.broadcast %xor3A_950 : i32 to vector<16xi32>
          %xor3A_952 = arith.xori %iota3A_949, %xor3A_951 : vector<16xi32>
          %reshape3A_953 = vector.shape_cast %xor3A_952 : vector<16xi32> to vector<16x1xi32>
          %gather3A_954 = vector.shape_cast %reshape3A_953 : vector<16x1xi32> to vector<16xi32>
          %gather3A_955 = tpu.dynamic_gather %add3A_916[%gather3A_954] in [0] : vector<16xf32>, vector<16xi32> -> vector<16xf32>
          %add3A_956 = arith.addf %add3A_916, %gather3A_955 : vector<16xf32>
          %iota3A_957 = tpu.iota {dimensions = array<i32: 0>} : vector<16xi32>
          %xor3A_958 = arith.constant 4 : i32
          %xor3A_959 = vector.broadcast %xor3A_958 : i32 to vector<16xi32>
          %xor3A_960 = arith.xori %iota3A_957, %xor3A_959 : vector<16xi32>
          %reshape3A_961 = vector.shape_cast %xor3A_960 : vector<16xi32> to vector<16x1xi32>
          %gather3A_962 = vector.shape_cast %reshape3A_961 : vector<16x1xi32> to vector<16xi32>
          %gather3A_963 = tpu.dynamic_gather %add3A_956[%gather3A_962] in [0] : vector<16xf32>, vector<16xi32> -> vector<16xf32>
          %add3A_964 = arith.addf %add3A_956, %gather3A_963 : vector<16xf32>
          %iota3A_965 = tpu.iota {dimensions = array<i32: 0>} : vector<16xi32>
          %xor3A_966 = arith.constant 2 : i32
          %xor3A_967 = vector.broadcast %xor3A_966 : i32 to vector<16xi32>
          %xor3A_968 = arith.xori %iota3A_965, %xor3A_967 : vector<16xi32>
          %reshape3A_969 = vector.shape_cast %xor3A_968 : vector<16xi32> to vector<16x1xi32>
          %gather3A_970 = vector.shape_cast %reshape3A_969 : vector<16x1xi32> to vector<16xi32>
          %gather3A_971 = tpu.dynamic_gather %add3A_964[%gather3A_970] in [0] : vector<16xf32>, vector<16xi32> -> vector<16xf32>
          %add3A_972 = arith.addf %add3A_964, %gather3A_971 : vector<16xf32>
          %iota3A_973 = tpu.iota {dimensions = array<i32: 0>} : vector<16xi32>
          %xor3A_974 = arith.constant 1 : i32
          %xor3A_975 = vector.broadcast %xor3A_974 : i32 to vector<16xi32>
          %xor3A_976 = arith.xori %iota3A_973, %xor3A_975 : vector<16xi32>
          %reshape3A_977 = vector.shape_cast %xor3A_976 : vector<16xi32> to vector<16x1xi32>
          %gather3A_978 = vector.shape_cast %reshape3A_977 : vector<16x1xi32> to vector<16xi32>
          %gather3A_979 = tpu.dynamic_gather %add3A_972[%gather3A_978] in [0] : vector<16xf32>, vector<16xi32> -> vector<16xf32>
          %add3A_980 = arith.addf %add3A_972, %gather3A_979 : vector<16xf32>
          %mul3A_981 = arith.constant 7.812500e-03 : f32
          %mul3A_982 = vector.broadcast %mul3A_981 : f32 to vector<16xf32>
          %mul3A_983 = arith.mulf %add3A_948, %mul3A_982 : vector<16xf32>
          %mul3A_984 = arith.constant 7.812500e-03 : f32
          %mul3A_985 = vector.broadcast %mul3A_984 : f32 to vector<16xf32>
          %mul3A_986 = arith.mulf %add3A_980, %mul3A_985 : vector<16xf32>
          %mul3A_987 = arith.mulf %mul3A_983, %mul3A_983 : vector<16xf32>
          %sub3A_988 = arith.subf %mul3A_986, %mul3A_987 : vector<16xf32>
          %max3A_989 = arith.constant 0.000000e+00 : f32
          %max3A_990 = vector.broadcast %max3A_989 : f32 to vector<16xf32>
          %max3A_991 = arith.maximumf %sub3A_988, %max3A_990 : vector<16xf32>
          %add3A_992 = arith.constant 9.99999996E-13 : f32
          %add3A_993 = vector.broadcast %add3A_992 : f32 to vector<16xf32>
          %add3A_994 = arith.addf %max3A_991, %add3A_993 : vector<16xf32>
          %bitcast_convert_type3A_995 = tpu.bitcast %add3A_994 : vector<16xf32> -> vector<16xi32>
          %shift_right_arithmetic3A_996 = arith.constant 1 : i32
          %shift_right_arithmetic3A_997 = vector.broadcast %shift_right_arithmetic3A_996 : i32 to vector<16xi32>
          %shift_right_arithmetic3A_998 = arith.shrsi %bitcast_convert_type3A_995, %shift_right_arithmetic3A_997 : vector<16xi32>
          %sub3A_999 = arith.constant 1597463007 : i32
          %sub3A_1000 = vector.broadcast %sub3A_999 : i32 to vector<16xi32>
          %sub3A_1001 = arith.subi %sub3A_1000, %shift_right_arithmetic3A_998 : vector<16xi32>
          %bitcast_convert_type3A_1002 = tpu.bitcast %sub3A_1001 : vector<16xi32> -> vector<16xf32>
          %mul3A_1003 = arith.constant 5.000000e-01 : f32
          %mul3A_1004 = vector.broadcast %mul3A_1003 : f32 to vector<16xf32>
          %mul3A_1005 = arith.mulf %mul3A_1004, %add3A_994 : vector<16xf32>
          %mul3A_1006 = arith.mulf %bitcast_convert_type3A_1002, %bitcast_convert_type3A_1002 : vector<16xf32>
          %mul3A_1007 = arith.mulf %mul3A_1005, %mul3A_1006 : vector<16xf32>
          %sub3A_1008 = arith.constant 1.500000e+00 : f32
          %sub3A_1009 = vector.broadcast %sub3A_1008 : f32 to vector<16xf32>
          %sub3A_1010 = arith.subf %sub3A_1009, %mul3A_1007 : vector<16xf32>
          %mul3A_1011 = arith.mulf %bitcast_convert_type3A_1002, %sub3A_1010 : vector<16xf32>
          %mul3A_1012 = arith.mulf %mul3A_1011, %mul3A_1011 : vector<16xf32>
          %mul3A_1013 = arith.mulf %mul3A_1005, %mul3A_1012 : vector<16xf32>
          %sub3A_1014 = arith.constant 1.500000e+00 : f32
          %sub3A_1015 = vector.broadcast %sub3A_1014 : f32 to vector<16xf32>
          %sub3A_1016 = arith.subf %sub3A_1015, %mul3A_1013 : vector<16xf32>
          %mul3A_1017 = arith.mulf %mul3A_1011, %sub3A_1016 : vector<16xf32>
          %mul3A_1018 = arith.mulf %mul3A_1017, %get3A_24 : vector<16xf32>
          %sub3A_1019 = arith.subf %get3A_866, %mul3A_983 : vector<16xf32>
          %mul3A_1020 = arith.mulf %sub3A_1019, %mul3A_1018 : vector<16xf32>
          %add3A_1021 = arith.addf %mul3A_1020, %get3A_48 : vector<16xf32>
          %swap3A_1022 = arith.index_cast %add3A_862 : i32 to index
          %swap3A_1023 = arith.constant 0 : index
          %swap3A_1024 = tpu.vector_load %arg6[%swap3A_1022, %swap3A_1023] {strides = array<i32>} : memref<200x128xf32, #tpu.memory_space<vmem>>, vector<1x16xf32>,
          %swap3A_1025 = vector.shape_cast %swap3A_1024 : vector<1x16xf32> to vector<16xf32>
          %swap3A_1026 = vector.shape_cast %add3A_1021 : vector<16xf32> to vector<1x16xf32>
          tpu.vector_store %arg6[%swap3A_1022, %swap3A_1023], %swap3A_1026 {strides = array<i32>} : memref<200x128xf32, #tpu.memory_space<vmem>>, vector<1x16xf32>,
          %mul3A_1027 = arith.mulf %mul3A_1017, %get3A_27 : vector<16xf32>
          %sub3A_1028 = arith.subf %get3A_870, %mul3A_983 : vector<16xf32>
          %mul3A_1029 = arith.mulf %sub3A_1028, %mul3A_1027 : vector<16xf32>
          %add3A_1030 = arith.addf %mul3A_1029, %get3A_51 : vector<16xf32>
          %swap3A_1031 = arith.index_cast %add3A_862 : i32 to index
          %swap3A_1032 = arith.constant 16 : index
          %swap3A_1033 = tpu.vector_load %arg6[%swap3A_1031, %swap3A_1032] {strides = array<i32>} : memref<200x128xf32, #tpu.memory_space<vmem>>, vector<1x16xf32>,
          %swap3A_1034 = vector.shape_cast %swap3A_1033 : vector<1x16xf32> to vector<16xf32>
          %swap3A_1035 = vector.shape_cast %add3A_1030 : vector<16xf32> to vector<1x16xf32>
          tpu.vector_store %arg6[%swap3A_1031, %swap3A_1032], %swap3A_1035 {strides = array<i32>} : memref<200x128xf32, #tpu.memory_space<vmem>>, vector<1x16xf32>,
          %mul3A_1036 = arith.mulf %mul3A_1017, %get3A_30 : vector<16xf32>
          %sub3A_1037 = arith.subf %get3A_874, %mul3A_983 : vector<16xf32>
          %mul3A_1038 = arith.mulf %sub3A_1037, %mul3A_1036 : vector<16xf32>
          %add3A_1039 = arith.addf %mul3A_1038, %get3A_54 : vector<16xf32>
          %swap3A_1040 = arith.index_cast %add3A_862 : i32 to index
          %swap3A_1041 = arith.constant 32 : index
          %swap3A_1042 = tpu.vector_load %arg6[%swap3A_1040, %swap3A_1041] {strides = array<i32>} : memref<200x128xf32, #tpu.memory_space<vmem>>, vector<1x16xf32>,
          %swap3A_1043 = vector.shape_cast %swap3A_1042 : vector<1x16xf32> to vector<16xf32>
          %swap3A_1044 = vector.shape_cast %add3A_1039 : vector<16xf32> to vector<1x16xf32>
          tpu.vector_store %arg6[%swap3A_1040, %swap3A_1041], %swap3A_1044 {strides = array<i32>} : memref<200x128xf32, #tpu.memory_space<vmem>>, vector<1x16xf32>,
          %mul3A_1045 = arith.mulf %mul3A_1017, %get3A_33 : vector<16xf32>
          %sub3A_1046 = arith.subf %get3A_878, %mul3A_983 : vector<16xf32>
          %mul3A_1047 = arith.mulf %sub3A_1046, %mul3A_1045 : vector<16xf32>
          %add3A_1048 = arith.addf %mul3A_1047, %get3A_57 : vector<16xf32>
          %swap3A_1049 = arith.index_cast %add3A_862 : i32 to index
          %swap3A_1050 = arith.constant 48 : index
          %swap3A_1051 = tpu.vector_load %arg6[%swap3A_1049, %swap3A_1050] {strides = array<i32>} : memref<200x128xf32, #tpu.memory_space<vmem>>, vector<1x16xf32>,
          %swap3A_1052 = vector.shape_cast %swap3A_1051 : vector<1x16xf32> to vector<16xf32>
          %swap3A_1053 = vector.shape_cast %add3A_1048 : vector<16xf32> to vector<1x16xf32>
          tpu.vector_store %arg6[%swap3A_1049, %swap3A_1050], %swap3A_1053 {strides = array<i32>} : memref<200x128xf32, #tpu.memory_space<vmem>>, vector<1x16xf32>,
          %mul3A_1054 = arith.mulf %mul3A_1017, %get3A_36 : vector<16xf32>
          %sub3A_1055 = arith.subf %get3A_882, %mul3A_983 : vector<16xf32>
          %mul3A_1056 = arith.mulf %sub3A_1055, %mul3A_1054 : vector<16xf32>
          %add3A_1057 = arith.addf %mul3A_1056, %get3A_60 : vector<16xf32>
          %swap3A_1058 = arith.index_cast %add3A_862 : i32 to index
          %swap3A_1059 = arith.constant 64 : index
          %swap3A_1060 = tpu.vector_load %arg6[%swap3A_1058, %swap3A_1059] {strides = array<i32>} : memref<200x128xf32, #tpu.memory_space<vmem>>, vector<1x16xf32>,
          %swap3A_1061 = vector.shape_cast %swap3A_1060 : vector<1x16xf32> to vector<16xf32>
          %swap3A_1062 = vector.shape_cast %add3A_1057 : vector<16xf32> to vector<1x16xf32>
          tpu.vector_store %arg6[%swap3A_1058, %swap3A_1059], %swap3A_1062 {strides = array<i32>} : memref<200x128xf32, #tpu.memory_space<vmem>>, vector<1x16xf32>,
          %mul3A_1063 = arith.mulf %mul3A_1017, %get3A_39 : vector<16xf32>
          %sub3A_1064 = arith.subf %get3A_886, %mul3A_983 : vector<16xf32>
          %mul3A_1065 = arith.mulf %sub3A_1064, %mul3A_1063 : vector<16xf32>
          %add3A_1066 = arith.addf %mul3A_1065, %get3A_63 : vector<16xf32>
          %swap3A_1067 = arith.index_cast %add3A_862 : i32 to index
          %swap3A_1068 = arith.constant 80 : index
          %swap3A_1069 = tpu.vector_load %arg6[%swap3A_1067, %swap3A_1068] {strides = array<i32>} : memref<200x128xf32, #tpu.memory_space<vmem>>, vector<1x16xf32>,
          %swap3A_1070 = vector.shape_cast %swap3A_1069 : vector<1x16xf32> to vector<16xf32>
          %swap3A_1071 = vector.shape_cast %add3A_1066 : vector<16xf32> to vector<1x16xf32>
          tpu.vector_store %arg6[%swap3A_1067, %swap3A_1068], %swap3A_1071 {strides = array<i32>} : memref<200x128xf32, #tpu.memory_space<vmem>>, vector<1x16xf32>,
          %mul3A_1072 = arith.mulf %mul3A_1017, %get3A_42 : vector<16xf32>
          %sub3A_1073 = arith.subf %get3A_890, %mul3A_983 : vector<16xf32>
          %mul3A_1074 = arith.mulf %sub3A_1073, %mul3A_1072 : vector<16xf32>
          %add3A_1075 = arith.addf %mul3A_1074, %get3A_66 : vector<16xf32>
          %swap3A_1076 = arith.index_cast %add3A_862 : i32 to index
          %swap3A_1077 = arith.constant 96 : index
          %swap3A_1078 = tpu.vector_load %arg6[%swap3A_1076, %swap3A_1077] {strides = array<i32>} : memref<200x128xf32, #tpu.memory_space<vmem>>, vector<1x16xf32>,
          %swap3A_1079 = vector.shape_cast %swap3A_1078 : vector<1x16xf32> to vector<16xf32>
          %swap3A_1080 = vector.shape_cast %add3A_1075 : vector<16xf32> to vector<1x16xf32>
          tpu.vector_store %arg6[%swap3A_1076, %swap3A_1077], %swap3A_1080 {strides = array<i32>} : memref<200x128xf32, #tpu.memory_space<vmem>>, vector<1x16xf32>,
          %mul3A_1081 = arith.mulf %mul3A_1017, %get3A_45 : vector<16xf32>
          %sub3A_1082 = arith.subf %get3A_894, %mul3A_983 : vector<16xf32>
          %mul3A_1083 = arith.mulf %sub3A_1082, %mul3A_1081 : vector<16xf32>
          %add3A_1084 = arith.addf %mul3A_1083, %get3A_69 : vector<16xf32>
          %swap3A_1085 = arith.index_cast %add3A_862 : i32 to index
          %swap3A_1086 = arith.constant 112 : index
          %swap3A_1087 = tpu.vector_load %arg6[%swap3A_1085, %swap3A_1086] {strides = array<i32>} : memref<200x128xf32, #tpu.memory_space<vmem>>, vector<1x16xf32>,
          %swap3A_1088 = vector.shape_cast %swap3A_1087 : vector<1x16xf32> to vector<16xf32>
          %swap3A_1089 = vector.shape_cast %add3A_1084 : vector<16xf32> to vector<1x16xf32>
          tpu.vector_store %arg6[%swap3A_1085, %swap3A_1086], %swap3A_1089 {strides = array<i32>} : memref<200x128xf32, #tpu.memory_space<vmem>>, vector<1x16xf32>,
        }
        %scan3A_164 = arith.constant 50 : i32
        %mul3A_165 = arith.constant 32 : i32
        %mul3A_166 = arith.muli %add3A_81, %mul3A_165 : i32
        %add3A_167 = arith.addi %add3A, %mul3A_166 : i32
        %mul3A_168 = arith.constant 200 : i32
        %mul3A_169 = arith.muli %add3A_167, %mul3A_168 : i32
        %dma_start3A = arith.constant 0 : i32
        %dma_start3A_170 = tpu.memref_slice %arg5[%mul3A_169, %dma_start3A] : memref<100000x128xf32, #tpu.memory_space<hbm>> -> memref<200x128xf32, #tpu.memory_space<hbm>>
        %dma_start3A_171 = arith.constant 0 : i32
        %dma_start3A_172 = tpu.memref_slice %arg5[%mul3A_169, %dma_start3A_171] : memref<100000x128xf32, #tpu.memory_space<hbm>> -> memref<200x128xf32, #tpu.memory_space<hbm>>
        tpu.enqueue_dma source(%arg6 : memref<200x128xf32, #tpu.memory_space<vmem>>) target(%dma_start3A_172 : memref<200x128xf32, #tpu.memory_space<hbm>>) target_semaphore(%arg14 : memref<!tpu.dma_semaphore, #tpu.memory_space<semaphore_mem>>)
      } else {
      }
      %mul3A_101 = arith.constant 3 : i32
      %mul3A_102 = arith.muli %scan3A_77, %mul3A_101 : i32
      %add3A_103 = arith.constant 1 : i32
      %add3A_104 = arith.addi %mul3A_102, %add3A_103 : i32
      %ge3A_105 = arith.constant 2 : i32
      %ge3A_106 = arith.cmpi sge, %add3A_104, %ge3A_105 : i32
      %add3A_107 = arith.constant 1 : i32
      %add3A_108 = arith.addi %add3A_104, %add3A_107 : i32
      %sub3A_109 = arith.constant 3 : i32
      %sub3A_110 = arith.subi %add3A_108, %sub3A_109 : i32
      %lt3A_111 = arith.cmpi slt, %sub3A_110, %select_n3A : i32
      %and3A_112 = arith.andi %ge3A_106, %lt3A_111 : i1
      %convert_element_type3A_113 = arith.extui %and3A_112 : i1 to i32
      %cond3A_114 = arith.constant 0 : i32
      %cond3A_115 = arith.cmpi ne, %convert_element_type3A_113, %cond3A_114 : i32
      scf.if %cond3A_115 {
        %mul3A_151 = arith.constant 200 : i32
        %mul3A_152 = arith.muli %add3A, %mul3A_151 : i32
        %dma_wait3A = arith.constant 0 : i32
        %dma_wait3A_153 = tpu.memref_slice %arg5[%mul3A_152, %dma_wait3A] : memref<100000x128xf32, #tpu.memory_space<hbm>> -> memref<200x128xf32, #tpu.memory_space<hbm>>
        %dma_wait3A_154 = arith.constant 0 : i32
        %dma_wait3A_155 = tpu.memref_slice %arg5[%mul3A_152, %dma_wait3A_154] : memref<100000x128xf32, #tpu.memory_space<hbm>> -> memref<200x128xf32, #tpu.memory_space<hbm>>
        tpu.wait_dma2 semaphore(%arg16 : memref<!tpu.dma_semaphore, #tpu.memory_space<semaphore_mem>>) src(%arg8 : memref<200x128xf32, #tpu.memory_space<vmem>>) dst(%dma_wait3A_155 : memref<200x128xf32, #tpu.memory_space<hbm>>)
      } else {
      }
      %add3A_116 = arith.constant 1 : i32
      %add3A_117 = arith.addi %add3A_104, %add3A_116 : i32
      %lt3A_118 = arith.cmpi slt, %add3A_117, %select_n3A : i32
      %convert_element_type3A_119 = arith.extui %lt3A_118 : i1 to i32
      %cond3A_120 = arith.constant 0 : i32
      %cond3A_121 = arith.cmpi ne, %convert_element_type3A_119, %cond3A_120 : i32
      scf.if %cond3A_121 {
        %add3A_151 = arith.constant 1 : i32
        %add3A_152 = arith.addi %add3A_104, %add3A_151 : i32
        %mul3A_153 = arith.constant 32 : i32
        %mul3A_154 = arith.muli %add3A_152, %mul3A_153 : i32
        %add3A_155 = arith.addi %add3A, %mul3A_154 : i32
        %mul3A_156 = arith.constant 200 : i32
        %mul3A_157 = arith.muli %add3A_155, %mul3A_156 : i32
        %dma_start3A = arith.constant 0 : i32
        %dma_start3A_158 = tpu.memref_slice %arg2[%mul3A_157, %dma_start3A] : memref<100000x128xf32, #tpu.memory_space<hbm>> -> memref<200x128xf32, #tpu.memory_space<hbm>>
        %dma_start3A_159 = arith.constant 0 : i32
        %dma_start3A_160 = tpu.memref_slice %arg2[%mul3A_157, %dma_start3A_159] : memref<100000x128xf32, #tpu.memory_space<hbm>> -> memref<200x128xf32, #tpu.memory_space<hbm>>
        tpu.enqueue_dma source(%dma_start3A_160 : memref<200x128xf32, #tpu.memory_space<hbm>>) target(%arg8 : memref<200x128xf32, #tpu.memory_space<vmem>>) target_semaphore(%arg13 : memref<!tpu.dma_semaphore, #tpu.memory_space<semaphore_mem>>)
      } else {
      }
      %lt3A_122 = arith.cmpi slt, %add3A_104, %select_n3A : i32
      %convert_element_type3A_123 = arith.extui %lt3A_122 : i1 to i32
      %cond3A_124 = arith.constant 0 : i32
      %cond3A_125 = arith.cmpi ne, %convert_element_type3A_123, %cond3A_124 : i32
      scf.if %cond3A_125 {
        %mul3A_151 = arith.constant 32 : i32
        %mul3A_152 = arith.muli %add3A_104, %mul3A_151 : i32
        %add3A_153 = arith.addi %add3A, %mul3A_152 : i32
        %mul3A_154 = arith.constant 200 : i32
        %mul3A_155 = arith.muli %add3A_153, %mul3A_154 : i32
        %dma_wait3A = arith.constant 0 : i32
        %dma_wait3A_156 = tpu.memref_slice %arg2[%mul3A_155, %dma_wait3A] : memref<100000x128xf32, #tpu.memory_space<hbm>> -> memref<200x128xf32, #tpu.memory_space<hbm>>
        %dma_wait3A_157 = arith.constant 0 : i32
        %dma_wait3A_158 = tpu.memref_slice %arg2[%mul3A_155, %dma_wait3A_157] : memref<100000x128xf32, #tpu.memory_space<hbm>> -> memref<200x128xf32, #tpu.memory_space<hbm>>
        tpu.wait_dma2 semaphore(%arg12 : memref<!tpu.dma_semaphore, #tpu.memory_space<semaphore_mem>>) src(%dma_wait3A_158 : memref<200x128xf32, #tpu.memory_space<hbm>>) dst(%arg7 : memref<200x128xf32, #tpu.memory_space<vmem>>)
        %scan3A_159 = arith.constant 0 : i32
        %scan3A_160 = arith.constant 0 : i32
        %scan3A_161 = arith.constant 50 : i32
        %scan3A_162 = arith.addi %scan3A_160, %scan3A_161 : i32
        %scan3A_163 = arith.constant 1 : i32
        scf.for %scan3A_173 = %scan3A_160 to %scan3A_162 step %scan3A_163  : i32 {
          %mul3A_174 = arith.constant 4 : i32
          %mul3A_175 = arith.muli %scan3A_173, %mul3A_174 : i32
          %add3A_176 = arith.constant 0 : i32
          %add3A_177 = arith.addi %mul3A_175, %add3A_176 : i32
          %get3A_178 = arith.index_cast %add3A_177 : i32 to index
          %get3A_179 = arith.constant 0 : index
          %get3A_180 = tpu.vector_load %arg7[%get3A_178, %get3A_179] {strides = array<i32>} : memref<200x128xf32, #tpu.memory_space<vmem>>, vector<1x16xf32>,
          %get3A_181 = vector.shape_cast %get3A_180 : vector<1x16xf32> to vector<16xf32>
          %get3A_182 = arith.index_cast %add3A_177 : i32 to index
          %get3A_183 = arith.constant 16 : index
          %get3A_184 = tpu.vector_load %arg7[%get3A_182, %get3A_183] {strides = array<i32>} : memref<200x128xf32, #tpu.memory_space<vmem>>, vector<1x16xf32>,
          %get3A_185 = vector.shape_cast %get3A_184 : vector<1x16xf32> to vector<16xf32>
          %get3A_186 = arith.index_cast %add3A_177 : i32 to index
          %get3A_187 = arith.constant 32 : index
          %get3A_188 = tpu.vector_load %arg7[%get3A_186, %get3A_187] {strides = array<i32>} : memref<200x128xf32, #tpu.memory_space<vmem>>, vector<1x16xf32>,
          %get3A_189 = vector.shape_cast %get3A_188 : vector<1x16xf32> to vector<16xf32>
          %get3A_190 = arith.index_cast %add3A_177 : i32 to index
          %get3A_191 = arith.constant 48 : index
          %get3A_192 = tpu.vector_load %arg7[%get3A_190, %get3A_191] {strides = array<i32>} : memref<200x128xf32, #tpu.memory_space<vmem>>, vector<1x16xf32>,
          %get3A_193 = vector.shape_cast %get3A_192 : vector<1x16xf32> to vector<16xf32>
          %get3A_194 = arith.index_cast %add3A_177 : i32 to index
          %get3A_195 = arith.constant 64 : index
          %get3A_196 = tpu.vector_load %arg7[%get3A_194, %get3A_195] {strides = array<i32>} : memref<200x128xf32, #tpu.memory_space<vmem>>, vector<1x16xf32>,
          %get3A_197 = vector.shape_cast %get3A_196 : vector<1x16xf32> to vector<16xf32>
          %get3A_198 = arith.index_cast %add3A_177 : i32 to index
          %get3A_199 = arith.constant 80 : index
          %get3A_200 = tpu.vector_load %arg7[%get3A_198, %get3A_199] {strides = array<i32>} : memref<200x128xf32, #tpu.memory_space<vmem>>, vector<1x16xf32>,
          %get3A_201 = vector.shape_cast %get3A_200 : vector<1x16xf32> to vector<16xf32>
          %get3A_202 = arith.index_cast %add3A_177 : i32 to index
          %get3A_203 = arith.constant 96 : index
          %get3A_204 = tpu.vector_load %arg7[%get3A_202, %get3A_203] {strides = array<i32>} : memref<200x128xf32, #tpu.memory_space<vmem>>, vector<1x16xf32>,
          %get3A_205 = vector.shape_cast %get3A_204 : vector<1x16xf32> to vector<16xf32>
          %get3A_206 = arith.index_cast %add3A_177 : i32 to index
          %get3A_207 = arith.constant 112 : index
          %get3A_208 = tpu.vector_load %arg7[%get3A_206, %get3A_207] {strides = array<i32>} : memref<200x128xf32, #tpu.memory_space<vmem>>, vector<1x16xf32>,
          %get3A_209 = vector.shape_cast %get3A_208 : vector<1x16xf32> to vector<16xf32>
          %add3A_210 = arith.addf %get3A_181, %get3A_185 : vector<16xf32>
          %add3A_211 = arith.addf %get3A_189, %get3A_193 : vector<16xf32>
          %add3A_212 = arith.addf %add3A_210, %add3A_211 : vector<16xf32>
          %add3A_213 = arith.addf %get3A_197, %get3A_201 : vector<16xf32>
          %add3A_214 = arith.addf %get3A_205, %get3A_209 : vector<16xf32>
          %add3A_215 = arith.addf %add3A_213, %add3A_214 : vector<16xf32>
          %add3A_216 = arith.addf %add3A_212, %add3A_215 : vector<16xf32>
          %mul3A_217 = arith.mulf %get3A_181, %get3A_181 : vector<16xf32>
          %mul3A_218 = arith.mulf %get3A_185, %get3A_185 : vector<16xf32>
          %add3A_219 = arith.addf %mul3A_217, %mul3A_218 : vector<16xf32>
          %mul3A_220 = arith.mulf %get3A_189, %get3A_189 : vector<16xf32>
          %mul3A_221 = arith.mulf %get3A_193, %get3A_193 : vector<16xf32>
          %add3A_222 = arith.addf %mul3A_220, %mul3A_221 : vector<16xf32>
          %add3A_223 = arith.addf %add3A_219, %add3A_222 : vector<16xf32>
          %mul3A_224 = arith.mulf %get3A_197, %get3A_197 : vector<16xf32>
          %mul3A_225 = arith.mulf %get3A_201, %get3A_201 : vector<16xf32>
          %add3A_226 = arith.addf %mul3A_224, %mul3A_225 : vector<16xf32>
          %mul3A_227 = arith.mulf %get3A_205, %get3A_205 : vector<16xf32>
          %mul3A_228 = arith.mulf %get3A_209, %get3A_209 : vector<16xf32>
          %add3A_229 = arith.addf %mul3A_227, %mul3A_228 : vector<16xf32>
          %add3A_230 = arith.addf %add3A_226, %add3A_229 : vector<16xf32>
          %add3A_231 = arith.addf %add3A_223, %add3A_230 : vector<16xf32>
          %iota3A = tpu.iota {dimensions = array<i32: 0>} : vector<16xi32>
          %xor3A = arith.constant 8 : i32
          %xor3A_232 = vector.broadcast %xor3A : i32 to vector<16xi32>
          %xor3A_233 = arith.xori %iota3A, %xor3A_232 : vector<16xi32>
          %reshape3A = vector.shape_cast %xor3A_233 : vector<16xi32> to vector<16x1xi32>
          %gather3A = vector.shape_cast %reshape3A : vector<16x1xi32> to vector<16xi32>
          %gather3A_234 = tpu.dynamic_gather %add3A_216[%gather3A] in [0] : vector<16xf32>, vector<16xi32> -> vector<16xf32>
          %add3A_235 = arith.addf %add3A_216, %gather3A_234 : vector<16xf32>
          %iota3A_236 = tpu.iota {dimensions = array<i32: 0>} : vector<16xi32>
          %xor3A_237 = arith.constant 4 : i32
          %xor3A_238 = vector.broadcast %xor3A_237 : i32 to vector<16xi32>
          %xor3A_239 = arith.xori %iota3A_236, %xor3A_238 : vector<16xi32>
          %reshape3A_240 = vector.shape_cast %xor3A_239 : vector<16xi32> to vector<16x1xi32>
          %gather3A_241 = vector.shape_cast %reshape3A_240 : vector<16x1xi32> to vector<16xi32>
          %gather3A_242 = tpu.dynamic_gather %add3A_235[%gather3A_241] in [0] : vector<16xf32>, vector<16xi32> -> vector<16xf32>
          %add3A_243 = arith.addf %add3A_235, %gather3A_242 : vector<16xf32>
          %iota3A_244 = tpu.iota {dimensions = array<i32: 0>} : vector<16xi32>
          %xor3A_245 = arith.constant 2 : i32
          %xor3A_246 = vector.broadcast %xor3A_245 : i32 to vector<16xi32>
          %xor3A_247 = arith.xori %iota3A_244, %xor3A_246 : vector<16xi32>
          %reshape3A_248 = vector.shape_cast %xor3A_247 : vector<16xi32> to vector<16x1xi32>
          %gather3A_249 = vector.shape_cast %reshape3A_248 : vector<16x1xi32> to vector<16xi32>
          %gather3A_250 = tpu.dynamic_gather %add3A_243[%gather3A_249] in [0] : vector<16xf32>, vector<16xi32> -> vector<16xf32>
          %add3A_251 = arith.addf %add3A_243, %gather3A_250 : vector<16xf32>
          %iota3A_252 = tpu.iota {dimensions = array<i32: 0>} : vector<16xi32>
          %xor3A_253 = arith.constant 1 : i32
          %xor3A_254 = vector.broadcast %xor3A_253 : i32 to vector<16xi32>
          %xor3A_255 = arith.xori %iota3A_252, %xor3A_254 : vector<16xi32>
          %reshape3A_256 = vector.shape_cast %xor3A_255 : vector<16xi32> to vector<16x1xi32>
          %gather3A_257 = vector.shape_cast %reshape3A_256 : vector<16x1xi32> to vector<16xi32>
          %gather3A_258 = tpu.dynamic_gather %add3A_251[%gather3A_257] in [0] : vector<16xf32>, vector<16xi32> -> vector<16xf32>
          %add3A_259 = arith.addf %add3A_251, %gather3A_258 : vector<16xf32>
          %iota3A_260 = tpu.iota {dimensions = array<i32: 0>} : vector<16xi32>
          %xor3A_261 = arith.constant 8 : i32
          %xor3A_262 = vector.broadcast %xor3A_261 : i32 to vector<16xi32>
          %xor3A_263 = arith.xori %iota3A_260, %xor3A_262 : vector<16xi32>
          %reshape3A_264 = vector.shape_cast %xor3A_263 : vector<16xi32> to vector<16x1xi32>
          %gather3A_265 = vector.shape_cast %reshape3A_264 : vector<16x1xi32> to vector<16xi32>
          %gather3A_266 = tpu.dynamic_gather %add3A_231[%gather3A_265] in [0] : vector<16xf32>, vector<16xi32> -> vector<16xf32>
          %add3A_267 = arith.addf %add3A_231, %gather3A_266 : vector<16xf32>
          %iota3A_268 = tpu.iota {dimensions = array<i32: 0>} : vector<16xi32>
          %xor3A_269 = arith.constant 4 : i32
          %xor3A_270 = vector.broadcast %xor3A_269 : i32 to vector<16xi32>
          %xor3A_271 = arith.xori %iota3A_268, %xor3A_270 : vector<16xi32>
          %reshape3A_272 = vector.shape_cast %xor3A_271 : vector<16xi32> to vector<16x1xi32>
          %gather3A_273 = vector.shape_cast %reshape3A_272 : vector<16x1xi32> to vector<16xi32>
          %gather3A_274 = tpu.dynamic_gather %add3A_267[%gather3A_273] in [0] : vector<16xf32>, vector<16xi32> -> vector<16xf32>
          %add3A_275 = arith.addf %add3A_267, %gather3A_274 : vector<16xf32>
          %iota3A_276 = tpu.iota {dimensions = array<i32: 0>} : vector<16xi32>
          %xor3A_277 = arith.constant 2 : i32
          %xor3A_278 = vector.broadcast %xor3A_277 : i32 to vector<16xi32>
          %xor3A_279 = arith.xori %iota3A_276, %xor3A_278 : vector<16xi32>
          %reshape3A_280 = vector.shape_cast %xor3A_279 : vector<16xi32> to vector<16x1xi32>
          %gather3A_281 = vector.shape_cast %reshape3A_280 : vector<16x1xi32> to vector<16xi32>
          %gather3A_282 = tpu.dynamic_gather %add3A_275[%gather3A_281] in [0] : vector<16xf32>, vector<16xi32> -> vector<16xf32>
          %add3A_283 = arith.addf %add3A_275, %gather3A_282 : vector<16xf32>
          %iota3A_284 = tpu.iota {dimensions = array<i32: 0>} : vector<16xi32>
          %xor3A_285 = arith.constant 1 : i32
          %xor3A_286 = vector.broadcast %xor3A_285 : i32 to vector<16xi32>
          %xor3A_287 = arith.xori %iota3A_284, %xor3A_286 : vector<16xi32>
          %reshape3A_288 = vector.shape_cast %xor3A_287 : vector<16xi32> to vector<16x1xi32>
          %gather3A_289 = vector.shape_cast %reshape3A_288 : vector<16x1xi32> to vector<16xi32>
          %gather3A_290 = tpu.dynamic_gather %add3A_283[%gather3A_289] in [0] : vector<16xf32>, vector<16xi32> -> vector<16xf32>
          %add3A_291 = arith.addf %add3A_283, %gather3A_290 : vector<16xf32>
          %mul3A_292 = arith.constant 7.812500e-03 : f32
          %mul3A_293 = vector.broadcast %mul3A_292 : f32 to vector<16xf32>
          %mul3A_294 = arith.mulf %add3A_259, %mul3A_293 : vector<16xf32>
          %mul3A_295 = arith.constant 7.812500e-03 : f32
          %mul3A_296 = vector.broadcast %mul3A_295 : f32 to vector<16xf32>
          %mul3A_297 = arith.mulf %add3A_291, %mul3A_296 : vector<16xf32>
          %mul3A_298 = arith.mulf %mul3A_294, %mul3A_294 : vector<16xf32>
          %sub3A_299 = arith.subf %mul3A_297, %mul3A_298 : vector<16xf32>
          %max3A = arith.constant 0.000000e+00 : f32
          %max3A_300 = vector.broadcast %max3A : f32 to vector<16xf32>
          %max3A_301 = arith.maximumf %sub3A_299, %max3A_300 : vector<16xf32>
          %add3A_302 = arith.constant 9.99999996E-13 : f32
          %add3A_303 = vector.broadcast %add3A_302 : f32 to vector<16xf32>
          %add3A_304 = arith.addf %max3A_301, %add3A_303 : vector<16xf32>
          %bitcast_convert_type3A = tpu.bitcast %add3A_304 : vector<16xf32> -> vector<16xi32>
          %shift_right_arithmetic3A = arith.constant 1 : i32
          %shift_right_arithmetic3A_305 = vector.broadcast %shift_right_arithmetic3A : i32 to vector<16xi32>
          %shift_right_arithmetic3A_306 = arith.shrsi %bitcast_convert_type3A, %shift_right_arithmetic3A_305 : vector<16xi32>
          %sub3A_307 = arith.constant 1597463007 : i32
          %sub3A_308 = vector.broadcast %sub3A_307 : i32 to vector<16xi32>
          %sub3A_309 = arith.subi %sub3A_308, %shift_right_arithmetic3A_306 : vector<16xi32>
          %bitcast_convert_type3A_310 = tpu.bitcast %sub3A_309 : vector<16xi32> -> vector<16xf32>
          %mul3A_311 = arith.constant 5.000000e-01 : f32
          %mul3A_312 = vector.broadcast %mul3A_311 : f32 to vector<16xf32>
          %mul3A_313 = arith.mulf %mul3A_312, %add3A_304 : vector<16xf32>
          %mul3A_314 = arith.mulf %bitcast_convert_type3A_310, %bitcast_convert_type3A_310 : vector<16xf32>
          %mul3A_315 = arith.mulf %mul3A_313, %mul3A_314 : vector<16xf32>
          %sub3A_316 = arith.constant 1.500000e+00 : f32
          %sub3A_317 = vector.broadcast %sub3A_316 : f32 to vector<16xf32>
          %sub3A_318 = arith.subf %sub3A_317, %mul3A_315 : vector<16xf32>
          %mul3A_319 = arith.mulf %bitcast_convert_type3A_310, %sub3A_318 : vector<16xf32>
          %mul3A_320 = arith.mulf %mul3A_319, %mul3A_319 : vector<16xf32>
          %mul3A_321 = arith.mulf %mul3A_313, %mul3A_320 : vector<16xf32>
          %sub3A_322 = arith.constant 1.500000e+00 : f32
          %sub3A_323 = vector.broadcast %sub3A_322 : f32 to vector<16xf32>
          %sub3A_324 = arith.subf %sub3A_323, %mul3A_321 : vector<16xf32>
          %mul3A_325 = arith.mulf %mul3A_319, %sub3A_324 : vector<16xf32>
          %mul3A_326 = arith.mulf %mul3A_325, %get3A_24 : vector<16xf32>
          %sub3A_327 = arith.subf %get3A_181, %mul3A_294 : vector<16xf32>
          %mul3A_328 = arith.mulf %sub3A_327, %mul3A_326 : vector<16xf32>
          %add3A_329 = arith.addf %mul3A_328, %get3A_48 : vector<16xf32>
          %swap3A = arith.index_cast %add3A_177 : i32 to index
          %swap3A_330 = arith.constant 0 : index
          %swap3A_331 = tpu.vector_load %arg7[%swap3A, %swap3A_330] {strides = array<i32>} : memref<200x128xf32, #tpu.memory_space<vmem>>, vector<1x16xf32>,
          %swap3A_332 = vector.shape_cast %swap3A_331 : vector<1x16xf32> to vector<16xf32>
          %swap3A_333 = vector.shape_cast %add3A_329 : vector<16xf32> to vector<1x16xf32>
          tpu.vector_store %arg7[%swap3A, %swap3A_330], %swap3A_333 {strides = array<i32>} : memref<200x128xf32, #tpu.memory_space<vmem>>, vector<1x16xf32>,
          %mul3A_334 = arith.mulf %mul3A_325, %get3A_27 : vector<16xf32>
          %sub3A_335 = arith.subf %get3A_185, %mul3A_294 : vector<16xf32>
          %mul3A_336 = arith.mulf %sub3A_335, %mul3A_334 : vector<16xf32>
          %add3A_337 = arith.addf %mul3A_336, %get3A_51 : vector<16xf32>
          %swap3A_338 = arith.index_cast %add3A_177 : i32 to index
          %swap3A_339 = arith.constant 16 : index
          %swap3A_340 = tpu.vector_load %arg7[%swap3A_338, %swap3A_339] {strides = array<i32>} : memref<200x128xf32, #tpu.memory_space<vmem>>, vector<1x16xf32>,
          %swap3A_341 = vector.shape_cast %swap3A_340 : vector<1x16xf32> to vector<16xf32>
          %swap3A_342 = vector.shape_cast %add3A_337 : vector<16xf32> to vector<1x16xf32>
          tpu.vector_store %arg7[%swap3A_338, %swap3A_339], %swap3A_342 {strides = array<i32>} : memref<200x128xf32, #tpu.memory_space<vmem>>, vector<1x16xf32>,
          %mul3A_343 = arith.mulf %mul3A_325, %get3A_30 : vector<16xf32>
          %sub3A_344 = arith.subf %get3A_189, %mul3A_294 : vector<16xf32>
          %mul3A_345 = arith.mulf %sub3A_344, %mul3A_343 : vector<16xf32>
          %add3A_346 = arith.addf %mul3A_345, %get3A_54 : vector<16xf32>
          %swap3A_347 = arith.index_cast %add3A_177 : i32 to index
          %swap3A_348 = arith.constant 32 : index
          %swap3A_349 = tpu.vector_load %arg7[%swap3A_347, %swap3A_348] {strides = array<i32>} : memref<200x128xf32, #tpu.memory_space<vmem>>, vector<1x16xf32>,
          %swap3A_350 = vector.shape_cast %swap3A_349 : vector<1x16xf32> to vector<16xf32>
          %swap3A_351 = vector.shape_cast %add3A_346 : vector<16xf32> to vector<1x16xf32>
          tpu.vector_store %arg7[%swap3A_347, %swap3A_348], %swap3A_351 {strides = array<i32>} : memref<200x128xf32, #tpu.memory_space<vmem>>, vector<1x16xf32>,
          %mul3A_352 = arith.mulf %mul3A_325, %get3A_33 : vector<16xf32>
          %sub3A_353 = arith.subf %get3A_193, %mul3A_294 : vector<16xf32>
          %mul3A_354 = arith.mulf %sub3A_353, %mul3A_352 : vector<16xf32>
          %add3A_355 = arith.addf %mul3A_354, %get3A_57 : vector<16xf32>
          %swap3A_356 = arith.index_cast %add3A_177 : i32 to index
          %swap3A_357 = arith.constant 48 : index
          %swap3A_358 = tpu.vector_load %arg7[%swap3A_356, %swap3A_357] {strides = array<i32>} : memref<200x128xf32, #tpu.memory_space<vmem>>, vector<1x16xf32>,
          %swap3A_359 = vector.shape_cast %swap3A_358 : vector<1x16xf32> to vector<16xf32>
          %swap3A_360 = vector.shape_cast %add3A_355 : vector<16xf32> to vector<1x16xf32>
          tpu.vector_store %arg7[%swap3A_356, %swap3A_357], %swap3A_360 {strides = array<i32>} : memref<200x128xf32, #tpu.memory_space<vmem>>, vector<1x16xf32>,
          %mul3A_361 = arith.mulf %mul3A_325, %get3A_36 : vector<16xf32>
          %sub3A_362 = arith.subf %get3A_197, %mul3A_294 : vector<16xf32>
          %mul3A_363 = arith.mulf %sub3A_362, %mul3A_361 : vector<16xf32>
          %add3A_364 = arith.addf %mul3A_363, %get3A_60 : vector<16xf32>
          %swap3A_365 = arith.index_cast %add3A_177 : i32 to index
          %swap3A_366 = arith.constant 64 : index
          %swap3A_367 = tpu.vector_load %arg7[%swap3A_365, %swap3A_366] {strides = array<i32>} : memref<200x128xf32, #tpu.memory_space<vmem>>, vector<1x16xf32>,
          %swap3A_368 = vector.shape_cast %swap3A_367 : vector<1x16xf32> to vector<16xf32>
          %swap3A_369 = vector.shape_cast %add3A_364 : vector<16xf32> to vector<1x16xf32>
          tpu.vector_store %arg7[%swap3A_365, %swap3A_366], %swap3A_369 {strides = array<i32>} : memref<200x128xf32, #tpu.memory_space<vmem>>, vector<1x16xf32>,
          %mul3A_370 = arith.mulf %mul3A_325, %get3A_39 : vector<16xf32>
          %sub3A_371 = arith.subf %get3A_201, %mul3A_294 : vector<16xf32>
          %mul3A_372 = arith.mulf %sub3A_371, %mul3A_370 : vector<16xf32>
          %add3A_373 = arith.addf %mul3A_372, %get3A_63 : vector<16xf32>
          %swap3A_374 = arith.index_cast %add3A_177 : i32 to index
          %swap3A_375 = arith.constant 80 : index
          %swap3A_376 = tpu.vector_load %arg7[%swap3A_374, %swap3A_375] {strides = array<i32>} : memref<200x128xf32, #tpu.memory_space<vmem>>, vector<1x16xf32>,
          %swap3A_377 = vector.shape_cast %swap3A_376 : vector<1x16xf32> to vector<16xf32>
          %swap3A_378 = vector.shape_cast %add3A_373 : vector<16xf32> to vector<1x16xf32>
          tpu.vector_store %arg7[%swap3A_374, %swap3A_375], %swap3A_378 {strides = array<i32>} : memref<200x128xf32, #tpu.memory_space<vmem>>, vector<1x16xf32>,
          %mul3A_379 = arith.mulf %mul3A_325, %get3A_42 : vector<16xf32>
          %sub3A_380 = arith.subf %get3A_205, %mul3A_294 : vector<16xf32>
          %mul3A_381 = arith.mulf %sub3A_380, %mul3A_379 : vector<16xf32>
          %add3A_382 = arith.addf %mul3A_381, %get3A_66 : vector<16xf32>
          %swap3A_383 = arith.index_cast %add3A_177 : i32 to index
          %swap3A_384 = arith.constant 96 : index
          %swap3A_385 = tpu.vector_load %arg7[%swap3A_383, %swap3A_384] {strides = array<i32>} : memref<200x128xf32, #tpu.memory_space<vmem>>, vector<1x16xf32>,
          %swap3A_386 = vector.shape_cast %swap3A_385 : vector<1x16xf32> to vector<16xf32>
          %swap3A_387 = vector.shape_cast %add3A_382 : vector<16xf32> to vector<1x16xf32>
          tpu.vector_store %arg7[%swap3A_383, %swap3A_384], %swap3A_387 {strides = array<i32>} : memref<200x128xf32, #tpu.memory_space<vmem>>, vector<1x16xf32>,
          %mul3A_388 = arith.mulf %mul3A_325, %get3A_45 : vector<16xf32>
          %sub3A_389 = arith.subf %get3A_209, %mul3A_294 : vector<16xf32>
          %mul3A_390 = arith.mulf %sub3A_389, %mul3A_388 : vector<16xf32>
          %add3A_391 = arith.addf %mul3A_390, %get3A_69 : vector<16xf32>
          %swap3A_392 = arith.index_cast %add3A_177 : i32 to index
          %swap3A_393 = arith.constant 112 : index
          %swap3A_394 = tpu.vector_load %arg7[%swap3A_392, %swap3A_393] {strides = array<i32>} : memref<200x128xf32, #tpu.memory_space<vmem>>, vector<1x16xf32>,
          %swap3A_395 = vector.shape_cast %swap3A_394 : vector<1x16xf32> to vector<16xf32>
          %swap3A_396 = vector.shape_cast %add3A_391 : vector<16xf32> to vector<1x16xf32>
          tpu.vector_store %arg7[%swap3A_392, %swap3A_393], %swap3A_396 {strides = array<i32>} : memref<200x128xf32, #tpu.memory_space<vmem>>, vector<1x16xf32>,
          %mul3A_397 = arith.constant 4 : i32
          %mul3A_398 = arith.muli %scan3A_173, %mul3A_397 : i32
          %add3A_399 = arith.constant 1 : i32
          %add3A_400 = arith.addi %mul3A_398, %add3A_399 : i32
          %get3A_401 = arith.index_cast %add3A_400 : i32 to index
          %get3A_402 = arith.constant 0 : index
          %get3A_403 = tpu.vector_load %arg7[%get3A_401, %get3A_402] {strides = array<i32>} : memref<200x128xf32, #tpu.memory_space<vmem>>, vector<1x16xf32>,
          %get3A_404 = vector.shape_cast %get3A_403 : vector<1x16xf32> to vector<16xf32>
          %get3A_405 = arith.index_cast %add3A_400 : i32 to index
          %get3A_406 = arith.constant 16 : index
          %get3A_407 = tpu.vector_load %arg7[%get3A_405, %get3A_406] {strides = array<i32>} : memref<200x128xf32, #tpu.memory_space<vmem>>, vector<1x16xf32>,
          %get3A_408 = vector.shape_cast %get3A_407 : vector<1x16xf32> to vector<16xf32>
          %get3A_409 = arith.index_cast %add3A_400 : i32 to index
          %get3A_410 = arith.constant 32 : index
          %get3A_411 = tpu.vector_load %arg7[%get3A_409, %get3A_410] {strides = array<i32>} : memref<200x128xf32, #tpu.memory_space<vmem>>, vector<1x16xf32>,
          %get3A_412 = vector.shape_cast %get3A_411 : vector<1x16xf32> to vector<16xf32>
          %get3A_413 = arith.index_cast %add3A_400 : i32 to index
          %get3A_414 = arith.constant 48 : index
          %get3A_415 = tpu.vector_load %arg7[%get3A_413, %get3A_414] {strides = array<i32>} : memref<200x128xf32, #tpu.memory_space<vmem>>, vector<1x16xf32>,
          %get3A_416 = vector.shape_cast %get3A_415 : vector<1x16xf32> to vector<16xf32>
          %get3A_417 = arith.index_cast %add3A_400 : i32 to index
          %get3A_418 = arith.constant 64 : index
          %get3A_419 = tpu.vector_load %arg7[%get3A_417, %get3A_418] {strides = array<i32>} : memref<200x128xf32, #tpu.memory_space<vmem>>, vector<1x16xf32>,
          %get3A_420 = vector.shape_cast %get3A_419 : vector<1x16xf32> to vector<16xf32>
          %get3A_421 = arith.index_cast %add3A_400 : i32 to index
          %get3A_422 = arith.constant 80 : index
          %get3A_423 = tpu.vector_load %arg7[%get3A_421, %get3A_422] {strides = array<i32>} : memref<200x128xf32, #tpu.memory_space<vmem>>, vector<1x16xf32>,
          %get3A_424 = vector.shape_cast %get3A_423 : vector<1x16xf32> to vector<16xf32>
          %get3A_425 = arith.index_cast %add3A_400 : i32 to index
          %get3A_426 = arith.constant 96 : index
          %get3A_427 = tpu.vector_load %arg7[%get3A_425, %get3A_426] {strides = array<i32>} : memref<200x128xf32, #tpu.memory_space<vmem>>, vector<1x16xf32>,
          %get3A_428 = vector.shape_cast %get3A_427 : vector<1x16xf32> to vector<16xf32>
          %get3A_429 = arith.index_cast %add3A_400 : i32 to index
          %get3A_430 = arith.constant 112 : index
          %get3A_431 = tpu.vector_load %arg7[%get3A_429, %get3A_430] {strides = array<i32>} : memref<200x128xf32, #tpu.memory_space<vmem>>, vector<1x16xf32>,
          %get3A_432 = vector.shape_cast %get3A_431 : vector<1x16xf32> to vector<16xf32>
          %add3A_433 = arith.addf %get3A_404, %get3A_408 : vector<16xf32>
          %add3A_434 = arith.addf %get3A_412, %get3A_416 : vector<16xf32>
          %add3A_435 = arith.addf %add3A_433, %add3A_434 : vector<16xf32>
          %add3A_436 = arith.addf %get3A_420, %get3A_424 : vector<16xf32>
          %add3A_437 = arith.addf %get3A_428, %get3A_432 : vector<16xf32>
          %add3A_438 = arith.addf %add3A_436, %add3A_437 : vector<16xf32>
          %add3A_439 = arith.addf %add3A_435, %add3A_438 : vector<16xf32>
          %mul3A_440 = arith.mulf %get3A_404, %get3A_404 : vector<16xf32>
          %mul3A_441 = arith.mulf %get3A_408, %get3A_408 : vector<16xf32>
          %add3A_442 = arith.addf %mul3A_440, %mul3A_441 : vector<16xf32>
          %mul3A_443 = arith.mulf %get3A_412, %get3A_412 : vector<16xf32>
          %mul3A_444 = arith.mulf %get3A_416, %get3A_416 : vector<16xf32>
          %add3A_445 = arith.addf %mul3A_443, %mul3A_444 : vector<16xf32>
          %add3A_446 = arith.addf %add3A_442, %add3A_445 : vector<16xf32>
          %mul3A_447 = arith.mulf %get3A_420, %get3A_420 : vector<16xf32>
          %mul3A_448 = arith.mulf %get3A_424, %get3A_424 : vector<16xf32>
          %add3A_449 = arith.addf %mul3A_447, %mul3A_448 : vector<16xf32>
          %mul3A_450 = arith.mulf %get3A_428, %get3A_428 : vector<16xf32>
          %mul3A_451 = arith.mulf %get3A_432, %get3A_432 : vector<16xf32>
          %add3A_452 = arith.addf %mul3A_450, %mul3A_451 : vector<16xf32>
          %add3A_453 = arith.addf %add3A_449, %add3A_452 : vector<16xf32>
          %add3A_454 = arith.addf %add3A_446, %add3A_453 : vector<16xf32>
          %iota3A_455 = tpu.iota {dimensions = array<i32: 0>} : vector<16xi32>
          %xor3A_456 = arith.constant 8 : i32
          %xor3A_457 = vector.broadcast %xor3A_456 : i32 to vector<16xi32>
          %xor3A_458 = arith.xori %iota3A_455, %xor3A_457 : vector<16xi32>
          %reshape3A_459 = vector.shape_cast %xor3A_458 : vector<16xi32> to vector<16x1xi32>
          %gather3A_460 = vector.shape_cast %reshape3A_459 : vector<16x1xi32> to vector<16xi32>
          %gather3A_461 = tpu.dynamic_gather %add3A_439[%gather3A_460] in [0] : vector<16xf32>, vector<16xi32> -> vector<16xf32>
          %add3A_462 = arith.addf %add3A_439, %gather3A_461 : vector<16xf32>
          %iota3A_463 = tpu.iota {dimensions = array<i32: 0>} : vector<16xi32>
          %xor3A_464 = arith.constant 4 : i32
          %xor3A_465 = vector.broadcast %xor3A_464 : i32 to vector<16xi32>
          %xor3A_466 = arith.xori %iota3A_463, %xor3A_465 : vector<16xi32>
          %reshape3A_467 = vector.shape_cast %xor3A_466 : vector<16xi32> to vector<16x1xi32>
          %gather3A_468 = vector.shape_cast %reshape3A_467 : vector<16x1xi32> to vector<16xi32>
          %gather3A_469 = tpu.dynamic_gather %add3A_462[%gather3A_468] in [0] : vector<16xf32>, vector<16xi32> -> vector<16xf32>
          %add3A_470 = arith.addf %add3A_462, %gather3A_469 : vector<16xf32>
          %iota3A_471 = tpu.iota {dimensions = array<i32: 0>} : vector<16xi32>
          %xor3A_472 = arith.constant 2 : i32
          %xor3A_473 = vector.broadcast %xor3A_472 : i32 to vector<16xi32>
          %xor3A_474 = arith.xori %iota3A_471, %xor3A_473 : vector<16xi32>
          %reshape3A_475 = vector.shape_cast %xor3A_474 : vector<16xi32> to vector<16x1xi32>
          %gather3A_476 = vector.shape_cast %reshape3A_475 : vector<16x1xi32> to vector<16xi32>
          %gather3A_477 = tpu.dynamic_gather %add3A_470[%gather3A_476] in [0] : vector<16xf32>, vector<16xi32> -> vector<16xf32>
          %add3A_478 = arith.addf %add3A_470, %gather3A_477 : vector<16xf32>
          %iota3A_479 = tpu.iota {dimensions = array<i32: 0>} : vector<16xi32>
          %xor3A_480 = arith.constant 1 : i32
          %xor3A_481 = vector.broadcast %xor3A_480 : i32 to vector<16xi32>
          %xor3A_482 = arith.xori %iota3A_479, %xor3A_481 : vector<16xi32>
          %reshape3A_483 = vector.shape_cast %xor3A_482 : vector<16xi32> to vector<16x1xi32>
          %gather3A_484 = vector.shape_cast %reshape3A_483 : vector<16x1xi32> to vector<16xi32>
          %gather3A_485 = tpu.dynamic_gather %add3A_478[%gather3A_484] in [0] : vector<16xf32>, vector<16xi32> -> vector<16xf32>
          %add3A_486 = arith.addf %add3A_478, %gather3A_485 : vector<16xf32>
          %iota3A_487 = tpu.iota {dimensions = array<i32: 0>} : vector<16xi32>
          %xor3A_488 = arith.constant 8 : i32
          %xor3A_489 = vector.broadcast %xor3A_488 : i32 to vector<16xi32>
          %xor3A_490 = arith.xori %iota3A_487, %xor3A_489 : vector<16xi32>
          %reshape3A_491 = vector.shape_cast %xor3A_490 : vector<16xi32> to vector<16x1xi32>
          %gather3A_492 = vector.shape_cast %reshape3A_491 : vector<16x1xi32> to vector<16xi32>
          %gather3A_493 = tpu.dynamic_gather %add3A_454[%gather3A_492] in [0] : vector<16xf32>, vector<16xi32> -> vector<16xf32>
          %add3A_494 = arith.addf %add3A_454, %gather3A_493 : vector<16xf32>
          %iota3A_495 = tpu.iota {dimensions = array<i32: 0>} : vector<16xi32>
          %xor3A_496 = arith.constant 4 : i32
          %xor3A_497 = vector.broadcast %xor3A_496 : i32 to vector<16xi32>
          %xor3A_498 = arith.xori %iota3A_495, %xor3A_497 : vector<16xi32>
          %reshape3A_499 = vector.shape_cast %xor3A_498 : vector<16xi32> to vector<16x1xi32>
          %gather3A_500 = vector.shape_cast %reshape3A_499 : vector<16x1xi32> to vector<16xi32>
          %gather3A_501 = tpu.dynamic_gather %add3A_494[%gather3A_500] in [0] : vector<16xf32>, vector<16xi32> -> vector<16xf32>
          %add3A_502 = arith.addf %add3A_494, %gather3A_501 : vector<16xf32>
          %iota3A_503 = tpu.iota {dimensions = array<i32: 0>} : vector<16xi32>
          %xor3A_504 = arith.constant 2 : i32
          %xor3A_505 = vector.broadcast %xor3A_504 : i32 to vector<16xi32>
          %xor3A_506 = arith.xori %iota3A_503, %xor3A_505 : vector<16xi32>
          %reshape3A_507 = vector.shape_cast %xor3A_506 : vector<16xi32> to vector<16x1xi32>
          %gather3A_508 = vector.shape_cast %reshape3A_507 : vector<16x1xi32> to vector<16xi32>
          %gather3A_509 = tpu.dynamic_gather %add3A_502[%gather3A_508] in [0] : vector<16xf32>, vector<16xi32> -> vector<16xf32>
          %add3A_510 = arith.addf %add3A_502, %gather3A_509 : vector<16xf32>
          %iota3A_511 = tpu.iota {dimensions = array<i32: 0>} : vector<16xi32>
          %xor3A_512 = arith.constant 1 : i32
          %xor3A_513 = vector.broadcast %xor3A_512 : i32 to vector<16xi32>
          %xor3A_514 = arith.xori %iota3A_511, %xor3A_513 : vector<16xi32>
          %reshape3A_515 = vector.shape_cast %xor3A_514 : vector<16xi32> to vector<16x1xi32>
          %gather3A_516 = vector.shape_cast %reshape3A_515 : vector<16x1xi32> to vector<16xi32>
          %gather3A_517 = tpu.dynamic_gather %add3A_510[%gather3A_516] in [0] : vector<16xf32>, vector<16xi32> -> vector<16xf32>
          %add3A_518 = arith.addf %add3A_510, %gather3A_517 : vector<16xf32>
          %mul3A_519 = arith.constant 7.812500e-03 : f32
          %mul3A_520 = vector.broadcast %mul3A_519 : f32 to vector<16xf32>
          %mul3A_521 = arith.mulf %add3A_486, %mul3A_520 : vector<16xf32>
          %mul3A_522 = arith.constant 7.812500e-03 : f32
          %mul3A_523 = vector.broadcast %mul3A_522 : f32 to vector<16xf32>
          %mul3A_524 = arith.mulf %add3A_518, %mul3A_523 : vector<16xf32>
          %mul3A_525 = arith.mulf %mul3A_521, %mul3A_521 : vector<16xf32>
          %sub3A_526 = arith.subf %mul3A_524, %mul3A_525 : vector<16xf32>
          %max3A_527 = arith.constant 0.000000e+00 : f32
          %max3A_528 = vector.broadcast %max3A_527 : f32 to vector<16xf32>
          %max3A_529 = arith.maximumf %sub3A_526, %max3A_528 : vector<16xf32>
          %add3A_530 = arith.constant 9.99999996E-13 : f32
          %add3A_531 = vector.broadcast %add3A_530 : f32 to vector<16xf32>
          %add3A_532 = arith.addf %max3A_529, %add3A_531 : vector<16xf32>
          %bitcast_convert_type3A_533 = tpu.bitcast %add3A_532 : vector<16xf32> -> vector<16xi32>
          %shift_right_arithmetic3A_534 = arith.constant 1 : i32
          %shift_right_arithmetic3A_535 = vector.broadcast %shift_right_arithmetic3A_534 : i32 to vector<16xi32>
          %shift_right_arithmetic3A_536 = arith.shrsi %bitcast_convert_type3A_533, %shift_right_arithmetic3A_535 : vector<16xi32>
          %sub3A_537 = arith.constant 1597463007 : i32
          %sub3A_538 = vector.broadcast %sub3A_537 : i32 to vector<16xi32>
          %sub3A_539 = arith.subi %sub3A_538, %shift_right_arithmetic3A_536 : vector<16xi32>
          %bitcast_convert_type3A_540 = tpu.bitcast %sub3A_539 : vector<16xi32> -> vector<16xf32>
          %mul3A_541 = arith.constant 5.000000e-01 : f32
          %mul3A_542 = vector.broadcast %mul3A_541 : f32 to vector<16xf32>
          %mul3A_543 = arith.mulf %mul3A_542, %add3A_532 : vector<16xf32>
          %mul3A_544 = arith.mulf %bitcast_convert_type3A_540, %bitcast_convert_type3A_540 : vector<16xf32>
          %mul3A_545 = arith.mulf %mul3A_543, %mul3A_544 : vector<16xf32>
          %sub3A_546 = arith.constant 1.500000e+00 : f32
          %sub3A_547 = vector.broadcast %sub3A_546 : f32 to vector<16xf32>
          %sub3A_548 = arith.subf %sub3A_547, %mul3A_545 : vector<16xf32>
          %mul3A_549 = arith.mulf %bitcast_convert_type3A_540, %sub3A_548 : vector<16xf32>
          %mul3A_550 = arith.mulf %mul3A_549, %mul3A_549 : vector<16xf32>
          %mul3A_551 = arith.mulf %mul3A_543, %mul3A_550 : vector<16xf32>
          %sub3A_552 = arith.constant 1.500000e+00 : f32
          %sub3A_553 = vector.broadcast %sub3A_552 : f32 to vector<16xf32>
          %sub3A_554 = arith.subf %sub3A_553, %mul3A_551 : vector<16xf32>
          %mul3A_555 = arith.mulf %mul3A_549, %sub3A_554 : vector<16xf32>
          %mul3A_556 = arith.mulf %mul3A_555, %get3A_24 : vector<16xf32>
          %sub3A_557 = arith.subf %get3A_404, %mul3A_521 : vector<16xf32>
          %mul3A_558 = arith.mulf %sub3A_557, %mul3A_556 : vector<16xf32>
          %add3A_559 = arith.addf %mul3A_558, %get3A_48 : vector<16xf32>
          %swap3A_560 = arith.index_cast %add3A_400 : i32 to index
          %swap3A_561 = arith.constant 0 : index
          %swap3A_562 = tpu.vector_load %arg7[%swap3A_560, %swap3A_561] {strides = array<i32>} : memref<200x128xf32, #tpu.memory_space<vmem>>, vector<1x16xf32>,
          %swap3A_563 = vector.shape_cast %swap3A_562 : vector<1x16xf32> to vector<16xf32>
          %swap3A_564 = vector.shape_cast %add3A_559 : vector<16xf32> to vector<1x16xf32>
          tpu.vector_store %arg7[%swap3A_560, %swap3A_561], %swap3A_564 {strides = array<i32>} : memref<200x128xf32, #tpu.memory_space<vmem>>, vector<1x16xf32>,
          %mul3A_565 = arith.mulf %mul3A_555, %get3A_27 : vector<16xf32>
          %sub3A_566 = arith.subf %get3A_408, %mul3A_521 : vector<16xf32>
          %mul3A_567 = arith.mulf %sub3A_566, %mul3A_565 : vector<16xf32>
          %add3A_568 = arith.addf %mul3A_567, %get3A_51 : vector<16xf32>
          %swap3A_569 = arith.index_cast %add3A_400 : i32 to index
          %swap3A_570 = arith.constant 16 : index
          %swap3A_571 = tpu.vector_load %arg7[%swap3A_569, %swap3A_570] {strides = array<i32>} : memref<200x128xf32, #tpu.memory_space<vmem>>, vector<1x16xf32>,
          %swap3A_572 = vector.shape_cast %swap3A_571 : vector<1x16xf32> to vector<16xf32>
          %swap3A_573 = vector.shape_cast %add3A_568 : vector<16xf32> to vector<1x16xf32>
          tpu.vector_store %arg7[%swap3A_569, %swap3A_570], %swap3A_573 {strides = array<i32>} : memref<200x128xf32, #tpu.memory_space<vmem>>, vector<1x16xf32>,
          %mul3A_574 = arith.mulf %mul3A_555, %get3A_30 : vector<16xf32>
          %sub3A_575 = arith.subf %get3A_412, %mul3A_521 : vector<16xf32>
          %mul3A_576 = arith.mulf %sub3A_575, %mul3A_574 : vector<16xf32>
          %add3A_577 = arith.addf %mul3A_576, %get3A_54 : vector<16xf32>
          %swap3A_578 = arith.index_cast %add3A_400 : i32 to index
          %swap3A_579 = arith.constant 32 : index
          %swap3A_580 = tpu.vector_load %arg7[%swap3A_578, %swap3A_579] {strides = array<i32>} : memref<200x128xf32, #tpu.memory_space<vmem>>, vector<1x16xf32>,
          %swap3A_581 = vector.shape_cast %swap3A_580 : vector<1x16xf32> to vector<16xf32>
          %swap3A_582 = vector.shape_cast %add3A_577 : vector<16xf32> to vector<1x16xf32>
          tpu.vector_store %arg7[%swap3A_578, %swap3A_579], %swap3A_582 {strides = array<i32>} : memref<200x128xf32, #tpu.memory_space<vmem>>, vector<1x16xf32>,
          %mul3A_583 = arith.mulf %mul3A_555, %get3A_33 : vector<16xf32>
          %sub3A_584 = arith.subf %get3A_416, %mul3A_521 : vector<16xf32>
          %mul3A_585 = arith.mulf %sub3A_584, %mul3A_583 : vector<16xf32>
          %add3A_586 = arith.addf %mul3A_585, %get3A_57 : vector<16xf32>
          %swap3A_587 = arith.index_cast %add3A_400 : i32 to index
          %swap3A_588 = arith.constant 48 : index
          %swap3A_589 = tpu.vector_load %arg7[%swap3A_587, %swap3A_588] {strides = array<i32>} : memref<200x128xf32, #tpu.memory_space<vmem>>, vector<1x16xf32>,
          %swap3A_590 = vector.shape_cast %swap3A_589 : vector<1x16xf32> to vector<16xf32>
          %swap3A_591 = vector.shape_cast %add3A_586 : vector<16xf32> to vector<1x16xf32>
          tpu.vector_store %arg7[%swap3A_587, %swap3A_588], %swap3A_591 {strides = array<i32>} : memref<200x128xf32, #tpu.memory_space<vmem>>, vector<1x16xf32>,
          %mul3A_592 = arith.mulf %mul3A_555, %get3A_36 : vector<16xf32>
          %sub3A_593 = arith.subf %get3A_420, %mul3A_521 : vector<16xf32>
          %mul3A_594 = arith.mulf %sub3A_593, %mul3A_592 : vector<16xf32>
          %add3A_595 = arith.addf %mul3A_594, %get3A_60 : vector<16xf32>
          %swap3A_596 = arith.index_cast %add3A_400 : i32 to index
          %swap3A_597 = arith.constant 64 : index
          %swap3A_598 = tpu.vector_load %arg7[%swap3A_596, %swap3A_597] {strides = array<i32>} : memref<200x128xf32, #tpu.memory_space<vmem>>, vector<1x16xf32>,
          %swap3A_599 = vector.shape_cast %swap3A_598 : vector<1x16xf32> to vector<16xf32>
          %swap3A_600 = vector.shape_cast %add3A_595 : vector<16xf32> to vector<1x16xf32>
          tpu.vector_store %arg7[%swap3A_596, %swap3A_597], %swap3A_600 {strides = array<i32>} : memref<200x128xf32, #tpu.memory_space<vmem>>, vector<1x16xf32>,
          %mul3A_601 = arith.mulf %mul3A_555, %get3A_39 : vector<16xf32>
          %sub3A_602 = arith.subf %get3A_424, %mul3A_521 : vector<16xf32>
          %mul3A_603 = arith.mulf %sub3A_602, %mul3A_601 : vector<16xf32>
          %add3A_604 = arith.addf %mul3A_603, %get3A_63 : vector<16xf32>
          %swap3A_605 = arith.index_cast %add3A_400 : i32 to index
          %swap3A_606 = arith.constant 80 : index
          %swap3A_607 = tpu.vector_load %arg7[%swap3A_605, %swap3A_606] {strides = array<i32>} : memref<200x128xf32, #tpu.memory_space<vmem>>, vector<1x16xf32>,
          %swap3A_608 = vector.shape_cast %swap3A_607 : vector<1x16xf32> to vector<16xf32>
          %swap3A_609 = vector.shape_cast %add3A_604 : vector<16xf32> to vector<1x16xf32>
          tpu.vector_store %arg7[%swap3A_605, %swap3A_606], %swap3A_609 {strides = array<i32>} : memref<200x128xf32, #tpu.memory_space<vmem>>, vector<1x16xf32>,
          %mul3A_610 = arith.mulf %mul3A_555, %get3A_42 : vector<16xf32>
          %sub3A_611 = arith.subf %get3A_428, %mul3A_521 : vector<16xf32>
          %mul3A_612 = arith.mulf %sub3A_611, %mul3A_610 : vector<16xf32>
          %add3A_613 = arith.addf %mul3A_612, %get3A_66 : vector<16xf32>
          %swap3A_614 = arith.index_cast %add3A_400 : i32 to index
          %swap3A_615 = arith.constant 96 : index
          %swap3A_616 = tpu.vector_load %arg7[%swap3A_614, %swap3A_615] {strides = array<i32>} : memref<200x128xf32, #tpu.memory_space<vmem>>, vector<1x16xf32>,
          %swap3A_617 = vector.shape_cast %swap3A_616 : vector<1x16xf32> to vector<16xf32>
          %swap3A_618 = vector.shape_cast %add3A_613 : vector<16xf32> to vector<1x16xf32>
          tpu.vector_store %arg7[%swap3A_614, %swap3A_615], %swap3A_618 {strides = array<i32>} : memref<200x128xf32, #tpu.memory_space<vmem>>, vector<1x16xf32>,
          %mul3A_619 = arith.mulf %mul3A_555, %get3A_45 : vector<16xf32>
          %sub3A_620 = arith.subf %get3A_432, %mul3A_521 : vector<16xf32>
          %mul3A_621 = arith.mulf %sub3A_620, %mul3A_619 : vector<16xf32>
          %add3A_622 = arith.addf %mul3A_621, %get3A_69 : vector<16xf32>
          %swap3A_623 = arith.index_cast %add3A_400 : i32 to index
          %swap3A_624 = arith.constant 112 : index
          %swap3A_625 = tpu.vector_load %arg7[%swap3A_623, %swap3A_624] {strides = array<i32>} : memref<200x128xf32, #tpu.memory_space<vmem>>, vector<1x16xf32>,
          %swap3A_626 = vector.shape_cast %swap3A_625 : vector<1x16xf32> to vector<16xf32>
          %swap3A_627 = vector.shape_cast %add3A_622 : vector<16xf32> to vector<1x16xf32>
          tpu.vector_store %arg7[%swap3A_623, %swap3A_624], %swap3A_627 {strides = array<i32>} : memref<200x128xf32, #tpu.memory_space<vmem>>, vector<1x16xf32>,
          %mul3A_628 = arith.constant 4 : i32
          %mul3A_629 = arith.muli %scan3A_173, %mul3A_628 : i32
          %add3A_630 = arith.constant 2 : i32
          %add3A_631 = arith.addi %mul3A_629, %add3A_630 : i32
          %get3A_632 = arith.index_cast %add3A_631 : i32 to index
          %get3A_633 = arith.constant 0 : index
          %get3A_634 = tpu.vector_load %arg7[%get3A_632, %get3A_633] {strides = array<i32>} : memref<200x128xf32, #tpu.memory_space<vmem>>, vector<1x16xf32>,
          %get3A_635 = vector.shape_cast %get3A_634 : vector<1x16xf32> to vector<16xf32>
          %get3A_636 = arith.index_cast %add3A_631 : i32 to index
          %get3A_637 = arith.constant 16 : index
          %get3A_638 = tpu.vector_load %arg7[%get3A_636, %get3A_637] {strides = array<i32>} : memref<200x128xf32, #tpu.memory_space<vmem>>, vector<1x16xf32>,
          %get3A_639 = vector.shape_cast %get3A_638 : vector<1x16xf32> to vector<16xf32>
          %get3A_640 = arith.index_cast %add3A_631 : i32 to index
          %get3A_641 = arith.constant 32 : index
          %get3A_642 = tpu.vector_load %arg7[%get3A_640, %get3A_641] {strides = array<i32>} : memref<200x128xf32, #tpu.memory_space<vmem>>, vector<1x16xf32>,
          %get3A_643 = vector.shape_cast %get3A_642 : vector<1x16xf32> to vector<16xf32>
          %get3A_644 = arith.index_cast %add3A_631 : i32 to index
          %get3A_645 = arith.constant 48 : index
          %get3A_646 = tpu.vector_load %arg7[%get3A_644, %get3A_645] {strides = array<i32>} : memref<200x128xf32, #tpu.memory_space<vmem>>, vector<1x16xf32>,
          %get3A_647 = vector.shape_cast %get3A_646 : vector<1x16xf32> to vector<16xf32>
          %get3A_648 = arith.index_cast %add3A_631 : i32 to index
          %get3A_649 = arith.constant 64 : index
          %get3A_650 = tpu.vector_load %arg7[%get3A_648, %get3A_649] {strides = array<i32>} : memref<200x128xf32, #tpu.memory_space<vmem>>, vector<1x16xf32>,
          %get3A_651 = vector.shape_cast %get3A_650 : vector<1x16xf32> to vector<16xf32>
          %get3A_652 = arith.index_cast %add3A_631 : i32 to index
          %get3A_653 = arith.constant 80 : index
          %get3A_654 = tpu.vector_load %arg7[%get3A_652, %get3A_653] {strides = array<i32>} : memref<200x128xf32, #tpu.memory_space<vmem>>, vector<1x16xf32>,
          %get3A_655 = vector.shape_cast %get3A_654 : vector<1x16xf32> to vector<16xf32>
          %get3A_656 = arith.index_cast %add3A_631 : i32 to index
          %get3A_657 = arith.constant 96 : index
          %get3A_658 = tpu.vector_load %arg7[%get3A_656, %get3A_657] {strides = array<i32>} : memref<200x128xf32, #tpu.memory_space<vmem>>, vector<1x16xf32>,
          %get3A_659 = vector.shape_cast %get3A_658 : vector<1x16xf32> to vector<16xf32>
          %get3A_660 = arith.index_cast %add3A_631 : i32 to index
          %get3A_661 = arith.constant 112 : index
          %get3A_662 = tpu.vector_load %arg7[%get3A_660, %get3A_661] {strides = array<i32>} : memref<200x128xf32, #tpu.memory_space<vmem>>, vector<1x16xf32>,
          %get3A_663 = vector.shape_cast %get3A_662 : vector<1x16xf32> to vector<16xf32>
          %add3A_664 = arith.addf %get3A_635, %get3A_639 : vector<16xf32>
          %add3A_665 = arith.addf %get3A_643, %get3A_647 : vector<16xf32>
          %add3A_666 = arith.addf %add3A_664, %add3A_665 : vector<16xf32>
          %add3A_667 = arith.addf %get3A_651, %get3A_655 : vector<16xf32>
          %add3A_668 = arith.addf %get3A_659, %get3A_663 : vector<16xf32>
          %add3A_669 = arith.addf %add3A_667, %add3A_668 : vector<16xf32>
          %add3A_670 = arith.addf %add3A_666, %add3A_669 : vector<16xf32>
          %mul3A_671 = arith.mulf %get3A_635, %get3A_635 : vector<16xf32>
          %mul3A_672 = arith.mulf %get3A_639, %get3A_639 : vector<16xf32>
          %add3A_673 = arith.addf %mul3A_671, %mul3A_672 : vector<16xf32>
          %mul3A_674 = arith.mulf %get3A_643, %get3A_643 : vector<16xf32>
          %mul3A_675 = arith.mulf %get3A_647, %get3A_647 : vector<16xf32>
          %add3A_676 = arith.addf %mul3A_674, %mul3A_675 : vector<16xf32>
          %add3A_677 = arith.addf %add3A_673, %add3A_676 : vector<16xf32>
          %mul3A_678 = arith.mulf %get3A_651, %get3A_651 : vector<16xf32>
          %mul3A_679 = arith.mulf %get3A_655, %get3A_655 : vector<16xf32>
          %add3A_680 = arith.addf %mul3A_678, %mul3A_679 : vector<16xf32>
          %mul3A_681 = arith.mulf %get3A_659, %get3A_659 : vector<16xf32>
          %mul3A_682 = arith.mulf %get3A_663, %get3A_663 : vector<16xf32>
          %add3A_683 = arith.addf %mul3A_681, %mul3A_682 : vector<16xf32>
          %add3A_684 = arith.addf %add3A_680, %add3A_683 : vector<16xf32>
          %add3A_685 = arith.addf %add3A_677, %add3A_684 : vector<16xf32>
          %iota3A_686 = tpu.iota {dimensions = array<i32: 0>} : vector<16xi32>
          %xor3A_687 = arith.constant 8 : i32
          %xor3A_688 = vector.broadcast %xor3A_687 : i32 to vector<16xi32>
          %xor3A_689 = arith.xori %iota3A_686, %xor3A_688 : vector<16xi32>
          %reshape3A_690 = vector.shape_cast %xor3A_689 : vector<16xi32> to vector<16x1xi32>
          %gather3A_691 = vector.shape_cast %reshape3A_690 : vector<16x1xi32> to vector<16xi32>
          %gather3A_692 = tpu.dynamic_gather %add3A_670[%gather3A_691] in [0] : vector<16xf32>, vector<16xi32> -> vector<16xf32>
          %add3A_693 = arith.addf %add3A_670, %gather3A_692 : vector<16xf32>
          %iota3A_694 = tpu.iota {dimensions = array<i32: 0>} : vector<16xi32>
          %xor3A_695 = arith.constant 4 : i32
          %xor3A_696 = vector.broadcast %xor3A_695 : i32 to vector<16xi32>
          %xor3A_697 = arith.xori %iota3A_694, %xor3A_696 : vector<16xi32>
          %reshape3A_698 = vector.shape_cast %xor3A_697 : vector<16xi32> to vector<16x1xi32>
          %gather3A_699 = vector.shape_cast %reshape3A_698 : vector<16x1xi32> to vector<16xi32>
          %gather3A_700 = tpu.dynamic_gather %add3A_693[%gather3A_699] in [0] : vector<16xf32>, vector<16xi32> -> vector<16xf32>
          %add3A_701 = arith.addf %add3A_693, %gather3A_700 : vector<16xf32>
          %iota3A_702 = tpu.iota {dimensions = array<i32: 0>} : vector<16xi32>
          %xor3A_703 = arith.constant 2 : i32
          %xor3A_704 = vector.broadcast %xor3A_703 : i32 to vector<16xi32>
          %xor3A_705 = arith.xori %iota3A_702, %xor3A_704 : vector<16xi32>
          %reshape3A_706 = vector.shape_cast %xor3A_705 : vector<16xi32> to vector<16x1xi32>
          %gather3A_707 = vector.shape_cast %reshape3A_706 : vector<16x1xi32> to vector<16xi32>
          %gather3A_708 = tpu.dynamic_gather %add3A_701[%gather3A_707] in [0] : vector<16xf32>, vector<16xi32> -> vector<16xf32>
          %add3A_709 = arith.addf %add3A_701, %gather3A_708 : vector<16xf32>
          %iota3A_710 = tpu.iota {dimensions = array<i32: 0>} : vector<16xi32>
          %xor3A_711 = arith.constant 1 : i32
          %xor3A_712 = vector.broadcast %xor3A_711 : i32 to vector<16xi32>
          %xor3A_713 = arith.xori %iota3A_710, %xor3A_712 : vector<16xi32>
          %reshape3A_714 = vector.shape_cast %xor3A_713 : vector<16xi32> to vector<16x1xi32>
          %gather3A_715 = vector.shape_cast %reshape3A_714 : vector<16x1xi32> to vector<16xi32>
          %gather3A_716 = tpu.dynamic_gather %add3A_709[%gather3A_715] in [0] : vector<16xf32>, vector<16xi32> -> vector<16xf32>
          %add3A_717 = arith.addf %add3A_709, %gather3A_716 : vector<16xf32>
          %iota3A_718 = tpu.iota {dimensions = array<i32: 0>} : vector<16xi32>
          %xor3A_719 = arith.constant 8 : i32
          %xor3A_720 = vector.broadcast %xor3A_719 : i32 to vector<16xi32>
          %xor3A_721 = arith.xori %iota3A_718, %xor3A_720 : vector<16xi32>
          %reshape3A_722 = vector.shape_cast %xor3A_721 : vector<16xi32> to vector<16x1xi32>
          %gather3A_723 = vector.shape_cast %reshape3A_722 : vector<16x1xi32> to vector<16xi32>
          %gather3A_724 = tpu.dynamic_gather %add3A_685[%gather3A_723] in [0] : vector<16xf32>, vector<16xi32> -> vector<16xf32>
          %add3A_725 = arith.addf %add3A_685, %gather3A_724 : vector<16xf32>
          %iota3A_726 = tpu.iota {dimensions = array<i32: 0>} : vector<16xi32>
          %xor3A_727 = arith.constant 4 : i32
          %xor3A_728 = vector.broadcast %xor3A_727 : i32 to vector<16xi32>
          %xor3A_729 = arith.xori %iota3A_726, %xor3A_728 : vector<16xi32>
          %reshape3A_730 = vector.shape_cast %xor3A_729 : vector<16xi32> to vector<16x1xi32>
          %gather3A_731 = vector.shape_cast %reshape3A_730 : vector<16x1xi32> to vector<16xi32>
          %gather3A_732 = tpu.dynamic_gather %add3A_725[%gather3A_731] in [0] : vector<16xf32>, vector<16xi32> -> vector<16xf32>
          %add3A_733 = arith.addf %add3A_725, %gather3A_732 : vector<16xf32>
          %iota3A_734 = tpu.iota {dimensions = array<i32: 0>} : vector<16xi32>
          %xor3A_735 = arith.constant 2 : i32
          %xor3A_736 = vector.broadcast %xor3A_735 : i32 to vector<16xi32>
          %xor3A_737 = arith.xori %iota3A_734, %xor3A_736 : vector<16xi32>
          %reshape3A_738 = vector.shape_cast %xor3A_737 : vector<16xi32> to vector<16x1xi32>
          %gather3A_739 = vector.shape_cast %reshape3A_738 : vector<16x1xi32> to vector<16xi32>
          %gather3A_740 = tpu.dynamic_gather %add3A_733[%gather3A_739] in [0] : vector<16xf32>, vector<16xi32> -> vector<16xf32>
          %add3A_741 = arith.addf %add3A_733, %gather3A_740 : vector<16xf32>
          %iota3A_742 = tpu.iota {dimensions = array<i32: 0>} : vector<16xi32>
          %xor3A_743 = arith.constant 1 : i32
          %xor3A_744 = vector.broadcast %xor3A_743 : i32 to vector<16xi32>
          %xor3A_745 = arith.xori %iota3A_742, %xor3A_744 : vector<16xi32>
          %reshape3A_746 = vector.shape_cast %xor3A_745 : vector<16xi32> to vector<16x1xi32>
          %gather3A_747 = vector.shape_cast %reshape3A_746 : vector<16x1xi32> to vector<16xi32>
          %gather3A_748 = tpu.dynamic_gather %add3A_741[%gather3A_747] in [0] : vector<16xf32>, vector<16xi32> -> vector<16xf32>
          %add3A_749 = arith.addf %add3A_741, %gather3A_748 : vector<16xf32>
          %mul3A_750 = arith.constant 7.812500e-03 : f32
          %mul3A_751 = vector.broadcast %mul3A_750 : f32 to vector<16xf32>
          %mul3A_752 = arith.mulf %add3A_717, %mul3A_751 : vector<16xf32>
          %mul3A_753 = arith.constant 7.812500e-03 : f32
          %mul3A_754 = vector.broadcast %mul3A_753 : f32 to vector<16xf32>
          %mul3A_755 = arith.mulf %add3A_749, %mul3A_754 : vector<16xf32>
          %mul3A_756 = arith.mulf %mul3A_752, %mul3A_752 : vector<16xf32>
          %sub3A_757 = arith.subf %mul3A_755, %mul3A_756 : vector<16xf32>
          %max3A_758 = arith.constant 0.000000e+00 : f32
          %max3A_759 = vector.broadcast %max3A_758 : f32 to vector<16xf32>
          %max3A_760 = arith.maximumf %sub3A_757, %max3A_759 : vector<16xf32>
          %add3A_761 = arith.constant 9.99999996E-13 : f32
          %add3A_762 = vector.broadcast %add3A_761 : f32 to vector<16xf32>
          %add3A_763 = arith.addf %max3A_760, %add3A_762 : vector<16xf32>
          %bitcast_convert_type3A_764 = tpu.bitcast %add3A_763 : vector<16xf32> -> vector<16xi32>
          %shift_right_arithmetic3A_765 = arith.constant 1 : i32
          %shift_right_arithmetic3A_766 = vector.broadcast %shift_right_arithmetic3A_765 : i32 to vector<16xi32>
          %shift_right_arithmetic3A_767 = arith.shrsi %bitcast_convert_type3A_764, %shift_right_arithmetic3A_766 : vector<16xi32>
          %sub3A_768 = arith.constant 1597463007 : i32
          %sub3A_769 = vector.broadcast %sub3A_768 : i32 to vector<16xi32>
          %sub3A_770 = arith.subi %sub3A_769, %shift_right_arithmetic3A_767 : vector<16xi32>
          %bitcast_convert_type3A_771 = tpu.bitcast %sub3A_770 : vector<16xi32> -> vector<16xf32>
          %mul3A_772 = arith.constant 5.000000e-01 : f32
          %mul3A_773 = vector.broadcast %mul3A_772 : f32 to vector<16xf32>
          %mul3A_774 = arith.mulf %mul3A_773, %add3A_763 : vector<16xf32>
          %mul3A_775 = arith.mulf %bitcast_convert_type3A_771, %bitcast_convert_type3A_771 : vector<16xf32>
          %mul3A_776 = arith.mulf %mul3A_774, %mul3A_775 : vector<16xf32>
          %sub3A_777 = arith.constant 1.500000e+00 : f32
          %sub3A_778 = vector.broadcast %sub3A_777 : f32 to vector<16xf32>
          %sub3A_779 = arith.subf %sub3A_778, %mul3A_776 : vector<16xf32>
          %mul3A_780 = arith.mulf %bitcast_convert_type3A_771, %sub3A_779 : vector<16xf32>
          %mul3A_781 = arith.mulf %mul3A_780, %mul3A_780 : vector<16xf32>
          %mul3A_782 = arith.mulf %mul3A_774, %mul3A_781 : vector<16xf32>
          %sub3A_783 = arith.constant 1.500000e+00 : f32
          %sub3A_784 = vector.broadcast %sub3A_783 : f32 to vector<16xf32>
          %sub3A_785 = arith.subf %sub3A_784, %mul3A_782 : vector<16xf32>
          %mul3A_786 = arith.mulf %mul3A_780, %sub3A_785 : vector<16xf32>
          %mul3A_787 = arith.mulf %mul3A_786, %get3A_24 : vector<16xf32>
          %sub3A_788 = arith.subf %get3A_635, %mul3A_752 : vector<16xf32>
          %mul3A_789 = arith.mulf %sub3A_788, %mul3A_787 : vector<16xf32>
          %add3A_790 = arith.addf %mul3A_789, %get3A_48 : vector<16xf32>
          %swap3A_791 = arith.index_cast %add3A_631 : i32 to index
          %swap3A_792 = arith.constant 0 : index
          %swap3A_793 = tpu.vector_load %arg7[%swap3A_791, %swap3A_792] {strides = array<i32>} : memref<200x128xf32, #tpu.memory_space<vmem>>, vector<1x16xf32>,
          %swap3A_794 = vector.shape_cast %swap3A_793 : vector<1x16xf32> to vector<16xf32>
          %swap3A_795 = vector.shape_cast %add3A_790 : vector<16xf32> to vector<1x16xf32>
          tpu.vector_store %arg7[%swap3A_791, %swap3A_792], %swap3A_795 {strides = array<i32>} : memref<200x128xf32, #tpu.memory_space<vmem>>, vector<1x16xf32>,
          %mul3A_796 = arith.mulf %mul3A_786, %get3A_27 : vector<16xf32>
          %sub3A_797 = arith.subf %get3A_639, %mul3A_752 : vector<16xf32>
          %mul3A_798 = arith.mulf %sub3A_797, %mul3A_796 : vector<16xf32>
          %add3A_799 = arith.addf %mul3A_798, %get3A_51 : vector<16xf32>
          %swap3A_800 = arith.index_cast %add3A_631 : i32 to index
          %swap3A_801 = arith.constant 16 : index
          %swap3A_802 = tpu.vector_load %arg7[%swap3A_800, %swap3A_801] {strides = array<i32>} : memref<200x128xf32, #tpu.memory_space<vmem>>, vector<1x16xf32>,
          %swap3A_803 = vector.shape_cast %swap3A_802 : vector<1x16xf32> to vector<16xf32>
          %swap3A_804 = vector.shape_cast %add3A_799 : vector<16xf32> to vector<1x16xf32>
          tpu.vector_store %arg7[%swap3A_800, %swap3A_801], %swap3A_804 {strides = array<i32>} : memref<200x128xf32, #tpu.memory_space<vmem>>, vector<1x16xf32>,
          %mul3A_805 = arith.mulf %mul3A_786, %get3A_30 : vector<16xf32>
          %sub3A_806 = arith.subf %get3A_643, %mul3A_752 : vector<16xf32>
          %mul3A_807 = arith.mulf %sub3A_806, %mul3A_805 : vector<16xf32>
          %add3A_808 = arith.addf %mul3A_807, %get3A_54 : vector<16xf32>
          %swap3A_809 = arith.index_cast %add3A_631 : i32 to index
          %swap3A_810 = arith.constant 32 : index
          %swap3A_811 = tpu.vector_load %arg7[%swap3A_809, %swap3A_810] {strides = array<i32>} : memref<200x128xf32, #tpu.memory_space<vmem>>, vector<1x16xf32>,
          %swap3A_812 = vector.shape_cast %swap3A_811 : vector<1x16xf32> to vector<16xf32>
          %swap3A_813 = vector.shape_cast %add3A_808 : vector<16xf32> to vector<1x16xf32>
          tpu.vector_store %arg7[%swap3A_809, %swap3A_810], %swap3A_813 {strides = array<i32>} : memref<200x128xf32, #tpu.memory_space<vmem>>, vector<1x16xf32>,
          %mul3A_814 = arith.mulf %mul3A_786, %get3A_33 : vector<16xf32>
          %sub3A_815 = arith.subf %get3A_647, %mul3A_752 : vector<16xf32>
          %mul3A_816 = arith.mulf %sub3A_815, %mul3A_814 : vector<16xf32>
          %add3A_817 = arith.addf %mul3A_816, %get3A_57 : vector<16xf32>
          %swap3A_818 = arith.index_cast %add3A_631 : i32 to index
          %swap3A_819 = arith.constant 48 : index
          %swap3A_820 = tpu.vector_load %arg7[%swap3A_818, %swap3A_819] {strides = array<i32>} : memref<200x128xf32, #tpu.memory_space<vmem>>, vector<1x16xf32>,
          %swap3A_821 = vector.shape_cast %swap3A_820 : vector<1x16xf32> to vector<16xf32>
          %swap3A_822 = vector.shape_cast %add3A_817 : vector<16xf32> to vector<1x16xf32>
          tpu.vector_store %arg7[%swap3A_818, %swap3A_819], %swap3A_822 {strides = array<i32>} : memref<200x128xf32, #tpu.memory_space<vmem>>, vector<1x16xf32>,
          %mul3A_823 = arith.mulf %mul3A_786, %get3A_36 : vector<16xf32>
          %sub3A_824 = arith.subf %get3A_651, %mul3A_752 : vector<16xf32>
          %mul3A_825 = arith.mulf %sub3A_824, %mul3A_823 : vector<16xf32>
          %add3A_826 = arith.addf %mul3A_825, %get3A_60 : vector<16xf32>
          %swap3A_827 = arith.index_cast %add3A_631 : i32 to index
          %swap3A_828 = arith.constant 64 : index
          %swap3A_829 = tpu.vector_load %arg7[%swap3A_827, %swap3A_828] {strides = array<i32>} : memref<200x128xf32, #tpu.memory_space<vmem>>, vector<1x16xf32>,
          %swap3A_830 = vector.shape_cast %swap3A_829 : vector<1x16xf32> to vector<16xf32>
          %swap3A_831 = vector.shape_cast %add3A_826 : vector<16xf32> to vector<1x16xf32>
          tpu.vector_store %arg7[%swap3A_827, %swap3A_828], %swap3A_831 {strides = array<i32>} : memref<200x128xf32, #tpu.memory_space<vmem>>, vector<1x16xf32>,
          %mul3A_832 = arith.mulf %mul3A_786, %get3A_39 : vector<16xf32>
          %sub3A_833 = arith.subf %get3A_655, %mul3A_752 : vector<16xf32>
          %mul3A_834 = arith.mulf %sub3A_833, %mul3A_832 : vector<16xf32>
          %add3A_835 = arith.addf %mul3A_834, %get3A_63 : vector<16xf32>
          %swap3A_836 = arith.index_cast %add3A_631 : i32 to index
          %swap3A_837 = arith.constant 80 : index
          %swap3A_838 = tpu.vector_load %arg7[%swap3A_836, %swap3A_837] {strides = array<i32>} : memref<200x128xf32, #tpu.memory_space<vmem>>, vector<1x16xf32>,
          %swap3A_839 = vector.shape_cast %swap3A_838 : vector<1x16xf32> to vector<16xf32>
          %swap3A_840 = vector.shape_cast %add3A_835 : vector<16xf32> to vector<1x16xf32>
          tpu.vector_store %arg7[%swap3A_836, %swap3A_837], %swap3A_840 {strides = array<i32>} : memref<200x128xf32, #tpu.memory_space<vmem>>, vector<1x16xf32>,
          %mul3A_841 = arith.mulf %mul3A_786, %get3A_42 : vector<16xf32>
          %sub3A_842 = arith.subf %get3A_659, %mul3A_752 : vector<16xf32>
          %mul3A_843 = arith.mulf %sub3A_842, %mul3A_841 : vector<16xf32>
          %add3A_844 = arith.addf %mul3A_843, %get3A_66 : vector<16xf32>
          %swap3A_845 = arith.index_cast %add3A_631 : i32 to index
          %swap3A_846 = arith.constant 96 : index
          %swap3A_847 = tpu.vector_load %arg7[%swap3A_845, %swap3A_846] {strides = array<i32>} : memref<200x128xf32, #tpu.memory_space<vmem>>, vector<1x16xf32>,
          %swap3A_848 = vector.shape_cast %swap3A_847 : vector<1x16xf32> to vector<16xf32>
          %swap3A_849 = vector.shape_cast %add3A_844 : vector<16xf32> to vector<1x16xf32>
          tpu.vector_store %arg7[%swap3A_845, %swap3A_846], %swap3A_849 {strides = array<i32>} : memref<200x128xf32, #tpu.memory_space<vmem>>, vector<1x16xf32>,
          %mul3A_850 = arith.mulf %mul3A_786, %get3A_45 : vector<16xf32>
          %sub3A_851 = arith.subf %get3A_663, %mul3A_752 : vector<16xf32>
          %mul3A_852 = arith.mulf %sub3A_851, %mul3A_850 : vector<16xf32>
          %add3A_853 = arith.addf %mul3A_852, %get3A_69 : vector<16xf32>
          %swap3A_854 = arith.index_cast %add3A_631 : i32 to index
          %swap3A_855 = arith.constant 112 : index
          %swap3A_856 = tpu.vector_load %arg7[%swap3A_854, %swap3A_855] {strides = array<i32>} : memref<200x128xf32, #tpu.memory_space<vmem>>, vector<1x16xf32>,
          %swap3A_857 = vector.shape_cast %swap3A_856 : vector<1x16xf32> to vector<16xf32>
          %swap3A_858 = vector.shape_cast %add3A_853 : vector<16xf32> to vector<1x16xf32>
          tpu.vector_store %arg7[%swap3A_854, %swap3A_855], %swap3A_858 {strides = array<i32>} : memref<200x128xf32, #tpu.memory_space<vmem>>, vector<1x16xf32>,
          %mul3A_859 = arith.constant 4 : i32
          %mul3A_860 = arith.muli %scan3A_173, %mul3A_859 : i32
          %add3A_861 = arith.constant 3 : i32
          %add3A_862 = arith.addi %mul3A_860, %add3A_861 : i32
          %get3A_863 = arith.index_cast %add3A_862 : i32 to index
          %get3A_864 = arith.constant 0 : index
          %get3A_865 = tpu.vector_load %arg7[%get3A_863, %get3A_864] {strides = array<i32>} : memref<200x128xf32, #tpu.memory_space<vmem>>, vector<1x16xf32>,
          %get3A_866 = vector.shape_cast %get3A_865 : vector<1x16xf32> to vector<16xf32>
          %get3A_867 = arith.index_cast %add3A_862 : i32 to index
          %get3A_868 = arith.constant 16 : index
          %get3A_869 = tpu.vector_load %arg7[%get3A_867, %get3A_868] {strides = array<i32>} : memref<200x128xf32, #tpu.memory_space<vmem>>, vector<1x16xf32>,
          %get3A_870 = vector.shape_cast %get3A_869 : vector<1x16xf32> to vector<16xf32>
          %get3A_871 = arith.index_cast %add3A_862 : i32 to index
          %get3A_872 = arith.constant 32 : index
          %get3A_873 = tpu.vector_load %arg7[%get3A_871, %get3A_872] {strides = array<i32>} : memref<200x128xf32, #tpu.memory_space<vmem>>, vector<1x16xf32>,
          %get3A_874 = vector.shape_cast %get3A_873 : vector<1x16xf32> to vector<16xf32>
          %get3A_875 = arith.index_cast %add3A_862 : i32 to index
          %get3A_876 = arith.constant 48 : index
          %get3A_877 = tpu.vector_load %arg7[%get3A_875, %get3A_876] {strides = array<i32>} : memref<200x128xf32, #tpu.memory_space<vmem>>, vector<1x16xf32>,
          %get3A_878 = vector.shape_cast %get3A_877 : vector<1x16xf32> to vector<16xf32>
          %get3A_879 = arith.index_cast %add3A_862 : i32 to index
          %get3A_880 = arith.constant 64 : index
          %get3A_881 = tpu.vector_load %arg7[%get3A_879, %get3A_880] {strides = array<i32>} : memref<200x128xf32, #tpu.memory_space<vmem>>, vector<1x16xf32>,
          %get3A_882 = vector.shape_cast %get3A_881 : vector<1x16xf32> to vector<16xf32>
          %get3A_883 = arith.index_cast %add3A_862 : i32 to index
          %get3A_884 = arith.constant 80 : index
          %get3A_885 = tpu.vector_load %arg7[%get3A_883, %get3A_884] {strides = array<i32>} : memref<200x128xf32, #tpu.memory_space<vmem>>, vector<1x16xf32>,
          %get3A_886 = vector.shape_cast %get3A_885 : vector<1x16xf32> to vector<16xf32>
          %get3A_887 = arith.index_cast %add3A_862 : i32 to index
          %get3A_888 = arith.constant 96 : index
          %get3A_889 = tpu.vector_load %arg7[%get3A_887, %get3A_888] {strides = array<i32>} : memref<200x128xf32, #tpu.memory_space<vmem>>, vector<1x16xf32>,
          %get3A_890 = vector.shape_cast %get3A_889 : vector<1x16xf32> to vector<16xf32>
          %get3A_891 = arith.index_cast %add3A_862 : i32 to index
          %get3A_892 = arith.constant 112 : index
          %get3A_893 = tpu.vector_load %arg7[%get3A_891, %get3A_892] {strides = array<i32>} : memref<200x128xf32, #tpu.memory_space<vmem>>, vector<1x16xf32>,
          %get3A_894 = vector.shape_cast %get3A_893 : vector<1x16xf32> to vector<16xf32>
          %add3A_895 = arith.addf %get3A_866, %get3A_870 : vector<16xf32>
          %add3A_896 = arith.addf %get3A_874, %get3A_878 : vector<16xf32>
          %add3A_897 = arith.addf %add3A_895, %add3A_896 : vector<16xf32>
          %add3A_898 = arith.addf %get3A_882, %get3A_886 : vector<16xf32>
          %add3A_899 = arith.addf %get3A_890, %get3A_894 : vector<16xf32>
          %add3A_900 = arith.addf %add3A_898, %add3A_899 : vector<16xf32>
          %add3A_901 = arith.addf %add3A_897, %add3A_900 : vector<16xf32>
          %mul3A_902 = arith.mulf %get3A_866, %get3A_866 : vector<16xf32>
          %mul3A_903 = arith.mulf %get3A_870, %get3A_870 : vector<16xf32>
          %add3A_904 = arith.addf %mul3A_902, %mul3A_903 : vector<16xf32>
          %mul3A_905 = arith.mulf %get3A_874, %get3A_874 : vector<16xf32>
          %mul3A_906 = arith.mulf %get3A_878, %get3A_878 : vector<16xf32>
          %add3A_907 = arith.addf %mul3A_905, %mul3A_906 : vector<16xf32>
          %add3A_908 = arith.addf %add3A_904, %add3A_907 : vector<16xf32>
          %mul3A_909 = arith.mulf %get3A_882, %get3A_882 : vector<16xf32>
          %mul3A_910 = arith.mulf %get3A_886, %get3A_886 : vector<16xf32>
          %add3A_911 = arith.addf %mul3A_909, %mul3A_910 : vector<16xf32>
          %mul3A_912 = arith.mulf %get3A_890, %get3A_890 : vector<16xf32>
          %mul3A_913 = arith.mulf %get3A_894, %get3A_894 : vector<16xf32>
          %add3A_914 = arith.addf %mul3A_912, %mul3A_913 : vector<16xf32>
          %add3A_915 = arith.addf %add3A_911, %add3A_914 : vector<16xf32>
          %add3A_916 = arith.addf %add3A_908, %add3A_915 : vector<16xf32>
          %iota3A_917 = tpu.iota {dimensions = array<i32: 0>} : vector<16xi32>
          %xor3A_918 = arith.constant 8 : i32
          %xor3A_919 = vector.broadcast %xor3A_918 : i32 to vector<16xi32>
          %xor3A_920 = arith.xori %iota3A_917, %xor3A_919 : vector<16xi32>
          %reshape3A_921 = vector.shape_cast %xor3A_920 : vector<16xi32> to vector<16x1xi32>
          %gather3A_922 = vector.shape_cast %reshape3A_921 : vector<16x1xi32> to vector<16xi32>
          %gather3A_923 = tpu.dynamic_gather %add3A_901[%gather3A_922] in [0] : vector<16xf32>, vector<16xi32> -> vector<16xf32>
          %add3A_924 = arith.addf %add3A_901, %gather3A_923 : vector<16xf32>
          %iota3A_925 = tpu.iota {dimensions = array<i32: 0>} : vector<16xi32>
          %xor3A_926 = arith.constant 4 : i32
          %xor3A_927 = vector.broadcast %xor3A_926 : i32 to vector<16xi32>
          %xor3A_928 = arith.xori %iota3A_925, %xor3A_927 : vector<16xi32>
          %reshape3A_929 = vector.shape_cast %xor3A_928 : vector<16xi32> to vector<16x1xi32>
          %gather3A_930 = vector.shape_cast %reshape3A_929 : vector<16x1xi32> to vector<16xi32>
          %gather3A_931 = tpu.dynamic_gather %add3A_924[%gather3A_930] in [0] : vector<16xf32>, vector<16xi32> -> vector<16xf32>
          %add3A_932 = arith.addf %add3A_924, %gather3A_931 : vector<16xf32>
          %iota3A_933 = tpu.iota {dimensions = array<i32: 0>} : vector<16xi32>
          %xor3A_934 = arith.constant 2 : i32
          %xor3A_935 = vector.broadcast %xor3A_934 : i32 to vector<16xi32>
          %xor3A_936 = arith.xori %iota3A_933, %xor3A_935 : vector<16xi32>
          %reshape3A_937 = vector.shape_cast %xor3A_936 : vector<16xi32> to vector<16x1xi32>
          %gather3A_938 = vector.shape_cast %reshape3A_937 : vector<16x1xi32> to vector<16xi32>
          %gather3A_939 = tpu.dynamic_gather %add3A_932[%gather3A_938] in [0] : vector<16xf32>, vector<16xi32> -> vector<16xf32>
          %add3A_940 = arith.addf %add3A_932, %gather3A_939 : vector<16xf32>
          %iota3A_941 = tpu.iota {dimensions = array<i32: 0>} : vector<16xi32>
          %xor3A_942 = arith.constant 1 : i32
          %xor3A_943 = vector.broadcast %xor3A_942 : i32 to vector<16xi32>
          %xor3A_944 = arith.xori %iota3A_941, %xor3A_943 : vector<16xi32>
          %reshape3A_945 = vector.shape_cast %xor3A_944 : vector<16xi32> to vector<16x1xi32>
          %gather3A_946 = vector.shape_cast %reshape3A_945 : vector<16x1xi32> to vector<16xi32>
          %gather3A_947 = tpu.dynamic_gather %add3A_940[%gather3A_946] in [0] : vector<16xf32>, vector<16xi32> -> vector<16xf32>
          %add3A_948 = arith.addf %add3A_940, %gather3A_947 : vector<16xf32>
          %iota3A_949 = tpu.iota {dimensions = array<i32: 0>} : vector<16xi32>
          %xor3A_950 = arith.constant 8 : i32
          %xor3A_951 = vector.broadcast %xor3A_950 : i32 to vector<16xi32>
          %xor3A_952 = arith.xori %iota3A_949, %xor3A_951 : vector<16xi32>
          %reshape3A_953 = vector.shape_cast %xor3A_952 : vector<16xi32> to vector<16x1xi32>
          %gather3A_954 = vector.shape_cast %reshape3A_953 : vector<16x1xi32> to vector<16xi32>
          %gather3A_955 = tpu.dynamic_gather %add3A_916[%gather3A_954] in [0] : vector<16xf32>, vector<16xi32> -> vector<16xf32>
          %add3A_956 = arith.addf %add3A_916, %gather3A_955 : vector<16xf32>
          %iota3A_957 = tpu.iota {dimensions = array<i32: 0>} : vector<16xi32>
          %xor3A_958 = arith.constant 4 : i32
          %xor3A_959 = vector.broadcast %xor3A_958 : i32 to vector<16xi32>
          %xor3A_960 = arith.xori %iota3A_957, %xor3A_959 : vector<16xi32>
          %reshape3A_961 = vector.shape_cast %xor3A_960 : vector<16xi32> to vector<16x1xi32>
          %gather3A_962 = vector.shape_cast %reshape3A_961 : vector<16x1xi32> to vector<16xi32>
          %gather3A_963 = tpu.dynamic_gather %add3A_956[%gather3A_962] in [0] : vector<16xf32>, vector<16xi32> -> vector<16xf32>
          %add3A_964 = arith.addf %add3A_956, %gather3A_963 : vector<16xf32>
          %iota3A_965 = tpu.iota {dimensions = array<i32: 0>} : vector<16xi32>
          %xor3A_966 = arith.constant 2 : i32
          %xor3A_967 = vector.broadcast %xor3A_966 : i32 to vector<16xi32>
          %xor3A_968 = arith.xori %iota3A_965, %xor3A_967 : vector<16xi32>
          %reshape3A_969 = vector.shape_cast %xor3A_968 : vector<16xi32> to vector<16x1xi32>
          %gather3A_970 = vector.shape_cast %reshape3A_969 : vector<16x1xi32> to vector<16xi32>
          %gather3A_971 = tpu.dynamic_gather %add3A_964[%gather3A_970] in [0] : vector<16xf32>, vector<16xi32> -> vector<16xf32>
          %add3A_972 = arith.addf %add3A_964, %gather3A_971 : vector<16xf32>
          %iota3A_973 = tpu.iota {dimensions = array<i32: 0>} : vector<16xi32>
          %xor3A_974 = arith.constant 1 : i32
          %xor3A_975 = vector.broadcast %xor3A_974 : i32 to vector<16xi32>
          %xor3A_976 = arith.xori %iota3A_973, %xor3A_975 : vector<16xi32>
          %reshape3A_977 = vector.shape_cast %xor3A_976 : vector<16xi32> to vector<16x1xi32>
          %gather3A_978 = vector.shape_cast %reshape3A_977 : vector<16x1xi32> to vector<16xi32>
          %gather3A_979 = tpu.dynamic_gather %add3A_972[%gather3A_978] in [0] : vector<16xf32>, vector<16xi32> -> vector<16xf32>
          %add3A_980 = arith.addf %add3A_972, %gather3A_979 : vector<16xf32>
          %mul3A_981 = arith.constant 7.812500e-03 : f32
          %mul3A_982 = vector.broadcast %mul3A_981 : f32 to vector<16xf32>
          %mul3A_983 = arith.mulf %add3A_948, %mul3A_982 : vector<16xf32>
          %mul3A_984 = arith.constant 7.812500e-03 : f32
          %mul3A_985 = vector.broadcast %mul3A_984 : f32 to vector<16xf32>
          %mul3A_986 = arith.mulf %add3A_980, %mul3A_985 : vector<16xf32>
          %mul3A_987 = arith.mulf %mul3A_983, %mul3A_983 : vector<16xf32>
          %sub3A_988 = arith.subf %mul3A_986, %mul3A_987 : vector<16xf32>
          %max3A_989 = arith.constant 0.000000e+00 : f32
          %max3A_990 = vector.broadcast %max3A_989 : f32 to vector<16xf32>
          %max3A_991 = arith.maximumf %sub3A_988, %max3A_990 : vector<16xf32>
          %add3A_992 = arith.constant 9.99999996E-13 : f32
          %add3A_993 = vector.broadcast %add3A_992 : f32 to vector<16xf32>
          %add3A_994 = arith.addf %max3A_991, %add3A_993 : vector<16xf32>
          %bitcast_convert_type3A_995 = tpu.bitcast %add3A_994 : vector<16xf32> -> vector<16xi32>
          %shift_right_arithmetic3A_996 = arith.constant 1 : i32
          %shift_right_arithmetic3A_997 = vector.broadcast %shift_right_arithmetic3A_996 : i32 to vector<16xi32>
          %shift_right_arithmetic3A_998 = arith.shrsi %bitcast_convert_type3A_995, %shift_right_arithmetic3A_997 : vector<16xi32>
          %sub3A_999 = arith.constant 1597463007 : i32
          %sub3A_1000 = vector.broadcast %sub3A_999 : i32 to vector<16xi32>
          %sub3A_1001 = arith.subi %sub3A_1000, %shift_right_arithmetic3A_998 : vector<16xi32>
          %bitcast_convert_type3A_1002 = tpu.bitcast %sub3A_1001 : vector<16xi32> -> vector<16xf32>
          %mul3A_1003 = arith.constant 5.000000e-01 : f32
          %mul3A_1004 = vector.broadcast %mul3A_1003 : f32 to vector<16xf32>
          %mul3A_1005 = arith.mulf %mul3A_1004, %add3A_994 : vector<16xf32>
          %mul3A_1006 = arith.mulf %bitcast_convert_type3A_1002, %bitcast_convert_type3A_1002 : vector<16xf32>
          %mul3A_1007 = arith.mulf %mul3A_1005, %mul3A_1006 : vector<16xf32>
          %sub3A_1008 = arith.constant 1.500000e+00 : f32
          %sub3A_1009 = vector.broadcast %sub3A_1008 : f32 to vector<16xf32>
          %sub3A_1010 = arith.subf %sub3A_1009, %mul3A_1007 : vector<16xf32>
          %mul3A_1011 = arith.mulf %bitcast_convert_type3A_1002, %sub3A_1010 : vector<16xf32>
          %mul3A_1012 = arith.mulf %mul3A_1011, %mul3A_1011 : vector<16xf32>
          %mul3A_1013 = arith.mulf %mul3A_1005, %mul3A_1012 : vector<16xf32>
          %sub3A_1014 = arith.constant 1.500000e+00 : f32
          %sub3A_1015 = vector.broadcast %sub3A_1014 : f32 to vector<16xf32>
          %sub3A_1016 = arith.subf %sub3A_1015, %mul3A_1013 : vector<16xf32>
          %mul3A_1017 = arith.mulf %mul3A_1011, %sub3A_1016 : vector<16xf32>
          %mul3A_1018 = arith.mulf %mul3A_1017, %get3A_24 : vector<16xf32>
          %sub3A_1019 = arith.subf %get3A_866, %mul3A_983 : vector<16xf32>
          %mul3A_1020 = arith.mulf %sub3A_1019, %mul3A_1018 : vector<16xf32>
          %add3A_1021 = arith.addf %mul3A_1020, %get3A_48 : vector<16xf32>
          %swap3A_1022 = arith.index_cast %add3A_862 : i32 to index
          %swap3A_1023 = arith.constant 0 : index
          %swap3A_1024 = tpu.vector_load %arg7[%swap3A_1022, %swap3A_1023] {strides = array<i32>} : memref<200x128xf32, #tpu.memory_space<vmem>>, vector<1x16xf32>,
          %swap3A_1025 = vector.shape_cast %swap3A_1024 : vector<1x16xf32> to vector<16xf32>
          %swap3A_1026 = vector.shape_cast %add3A_1021 : vector<16xf32> to vector<1x16xf32>
          tpu.vector_store %arg7[%swap3A_1022, %swap3A_1023], %swap3A_1026 {strides = array<i32>} : memref<200x128xf32, #tpu.memory_space<vmem>>, vector<1x16xf32>,
          %mul3A_1027 = arith.mulf %mul3A_1017, %get3A_27 : vector<16xf32>
          %sub3A_1028 = arith.subf %get3A_870, %mul3A_983 : vector<16xf32>
          %mul3A_1029 = arith.mulf %sub3A_1028, %mul3A_1027 : vector<16xf32>
          %add3A_1030 = arith.addf %mul3A_1029, %get3A_51 : vector<16xf32>
          %swap3A_1031 = arith.index_cast %add3A_862 : i32 to index
          %swap3A_1032 = arith.constant 16 : index
          %swap3A_1033 = tpu.vector_load %arg7[%swap3A_1031, %swap3A_1032] {strides = array<i32>} : memref<200x128xf32, #tpu.memory_space<vmem>>, vector<1x16xf32>,
          %swap3A_1034 = vector.shape_cast %swap3A_1033 : vector<1x16xf32> to vector<16xf32>
          %swap3A_1035 = vector.shape_cast %add3A_1030 : vector<16xf32> to vector<1x16xf32>
          tpu.vector_store %arg7[%swap3A_1031, %swap3A_1032], %swap3A_1035 {strides = array<i32>} : memref<200x128xf32, #tpu.memory_space<vmem>>, vector<1x16xf32>,
          %mul3A_1036 = arith.mulf %mul3A_1017, %get3A_30 : vector<16xf32>
          %sub3A_1037 = arith.subf %get3A_874, %mul3A_983 : vector<16xf32>
          %mul3A_1038 = arith.mulf %sub3A_1037, %mul3A_1036 : vector<16xf32>
          %add3A_1039 = arith.addf %mul3A_1038, %get3A_54 : vector<16xf32>
          %swap3A_1040 = arith.index_cast %add3A_862 : i32 to index
          %swap3A_1041 = arith.constant 32 : index
          %swap3A_1042 = tpu.vector_load %arg7[%swap3A_1040, %swap3A_1041] {strides = array<i32>} : memref<200x128xf32, #tpu.memory_space<vmem>>, vector<1x16xf32>,
          %swap3A_1043 = vector.shape_cast %swap3A_1042 : vector<1x16xf32> to vector<16xf32>
          %swap3A_1044 = vector.shape_cast %add3A_1039 : vector<16xf32> to vector<1x16xf32>
          tpu.vector_store %arg7[%swap3A_1040, %swap3A_1041], %swap3A_1044 {strides = array<i32>} : memref<200x128xf32, #tpu.memory_space<vmem>>, vector<1x16xf32>,
          %mul3A_1045 = arith.mulf %mul3A_1017, %get3A_33 : vector<16xf32>
          %sub3A_1046 = arith.subf %get3A_878, %mul3A_983 : vector<16xf32>
          %mul3A_1047 = arith.mulf %sub3A_1046, %mul3A_1045 : vector<16xf32>
          %add3A_1048 = arith.addf %mul3A_1047, %get3A_57 : vector<16xf32>
          %swap3A_1049 = arith.index_cast %add3A_862 : i32 to index
          %swap3A_1050 = arith.constant 48 : index
          %swap3A_1051 = tpu.vector_load %arg7[%swap3A_1049, %swap3A_1050] {strides = array<i32>} : memref<200x128xf32, #tpu.memory_space<vmem>>, vector<1x16xf32>,
          %swap3A_1052 = vector.shape_cast %swap3A_1051 : vector<1x16xf32> to vector<16xf32>
          %swap3A_1053 = vector.shape_cast %add3A_1048 : vector<16xf32> to vector<1x16xf32>
          tpu.vector_store %arg7[%swap3A_1049, %swap3A_1050], %swap3A_1053 {strides = array<i32>} : memref<200x128xf32, #tpu.memory_space<vmem>>, vector<1x16xf32>,
          %mul3A_1054 = arith.mulf %mul3A_1017, %get3A_36 : vector<16xf32>
          %sub3A_1055 = arith.subf %get3A_882, %mul3A_983 : vector<16xf32>
          %mul3A_1056 = arith.mulf %sub3A_1055, %mul3A_1054 : vector<16xf32>
          %add3A_1057 = arith.addf %mul3A_1056, %get3A_60 : vector<16xf32>
          %swap3A_1058 = arith.index_cast %add3A_862 : i32 to index
          %swap3A_1059 = arith.constant 64 : index
          %swap3A_1060 = tpu.vector_load %arg7[%swap3A_1058, %swap3A_1059] {strides = array<i32>} : memref<200x128xf32, #tpu.memory_space<vmem>>, vector<1x16xf32>,
          %swap3A_1061 = vector.shape_cast %swap3A_1060 : vector<1x16xf32> to vector<16xf32>
          %swap3A_1062 = vector.shape_cast %add3A_1057 : vector<16xf32> to vector<1x16xf32>
          tpu.vector_store %arg7[%swap3A_1058, %swap3A_1059], %swap3A_1062 {strides = array<i32>} : memref<200x128xf32, #tpu.memory_space<vmem>>, vector<1x16xf32>,
          %mul3A_1063 = arith.mulf %mul3A_1017, %get3A_39 : vector<16xf32>
          %sub3A_1064 = arith.subf %get3A_886, %mul3A_983 : vector<16xf32>
          %mul3A_1065 = arith.mulf %sub3A_1064, %mul3A_1063 : vector<16xf32>
          %add3A_1066 = arith.addf %mul3A_1065, %get3A_63 : vector<16xf32>
          %swap3A_1067 = arith.index_cast %add3A_862 : i32 to index
          %swap3A_1068 = arith.constant 80 : index
          %swap3A_1069 = tpu.vector_load %arg7[%swap3A_1067, %swap3A_1068] {strides = array<i32>} : memref<200x128xf32, #tpu.memory_space<vmem>>, vector<1x16xf32>,
          %swap3A_1070 = vector.shape_cast %swap3A_1069 : vector<1x16xf32> to vector<16xf32>
          %swap3A_1071 = vector.shape_cast %add3A_1066 : vector<16xf32> to vector<1x16xf32>
          tpu.vector_store %arg7[%swap3A_1067, %swap3A_1068], %swap3A_1071 {strides = array<i32>} : memref<200x128xf32, #tpu.memory_space<vmem>>, vector<1x16xf32>,
          %mul3A_1072 = arith.mulf %mul3A_1017, %get3A_42 : vector<16xf32>
          %sub3A_1073 = arith.subf %get3A_890, %mul3A_983 : vector<16xf32>
          %mul3A_1074 = arith.mulf %sub3A_1073, %mul3A_1072 : vector<16xf32>
          %add3A_1075 = arith.addf %mul3A_1074, %get3A_66 : vector<16xf32>
          %swap3A_1076 = arith.index_cast %add3A_862 : i32 to index
          %swap3A_1077 = arith.constant 96 : index
          %swap3A_1078 = tpu.vector_load %arg7[%swap3A_1076, %swap3A_1077] {strides = array<i32>} : memref<200x128xf32, #tpu.memory_space<vmem>>, vector<1x16xf32>,
          %swap3A_1079 = vector.shape_cast %swap3A_1078 : vector<1x16xf32> to vector<16xf32>
          %swap3A_1080 = vector.shape_cast %add3A_1075 : vector<16xf32> to vector<1x16xf32>
          tpu.vector_store %arg7[%swap3A_1076, %swap3A_1077], %swap3A_1080 {strides = array<i32>} : memref<200x128xf32, #tpu.memory_space<vmem>>, vector<1x16xf32>,
          %mul3A_1081 = arith.mulf %mul3A_1017, %get3A_45 : vector<16xf32>
          %sub3A_1082 = arith.subf %get3A_894, %mul3A_983 : vector<16xf32>
          %mul3A_1083 = arith.mulf %sub3A_1082, %mul3A_1081 : vector<16xf32>
          %add3A_1084 = arith.addf %mul3A_1083, %get3A_69 : vector<16xf32>
          %swap3A_1085 = arith.index_cast %add3A_862 : i32 to index
          %swap3A_1086 = arith.constant 112 : index
          %swap3A_1087 = tpu.vector_load %arg7[%swap3A_1085, %swap3A_1086] {strides = array<i32>} : memref<200x128xf32, #tpu.memory_space<vmem>>, vector<1x16xf32>,
          %swap3A_1088 = vector.shape_cast %swap3A_1087 : vector<1x16xf32> to vector<16xf32>
          %swap3A_1089 = vector.shape_cast %add3A_1084 : vector<16xf32> to vector<1x16xf32>
          tpu.vector_store %arg7[%swap3A_1085, %swap3A_1086], %swap3A_1089 {strides = array<i32>} : memref<200x128xf32, #tpu.memory_space<vmem>>, vector<1x16xf32>,
        }
        %scan3A_164 = arith.constant 50 : i32
        %mul3A_165 = arith.constant 32 : i32
        %mul3A_166 = arith.muli %add3A_104, %mul3A_165 : i32
        %add3A_167 = arith.addi %add3A, %mul3A_166 : i32
        %mul3A_168 = arith.constant 200 : i32
        %mul3A_169 = arith.muli %add3A_167, %mul3A_168 : i32
        %dma_start3A = arith.constant 0 : i32
        %dma_start3A_170 = tpu.memref_slice %arg5[%mul3A_169, %dma_start3A] : memref<100000x128xf32, #tpu.memory_space<hbm>> -> memref<200x128xf32, #tpu.memory_space<hbm>>
        %dma_start3A_171 = arith.constant 0 : i32
        %dma_start3A_172 = tpu.memref_slice %arg5[%mul3A_169, %dma_start3A_171] : memref<100000x128xf32, #tpu.memory_space<hbm>> -> memref<200x128xf32, #tpu.memory_space<hbm>>
        tpu.enqueue_dma source(%arg7 : memref<200x128xf32, #tpu.memory_space<vmem>>) target(%dma_start3A_172 : memref<200x128xf32, #tpu.memory_space<hbm>>) target_semaphore(%arg15 : memref<!tpu.dma_semaphore, #tpu.memory_space<semaphore_mem>>)
      } else {
      }
      %mul3A_126 = arith.constant 3 : i32
      %mul3A_127 = arith.muli %scan3A_77, %mul3A_126 : i32
      %add3A_128 = arith.constant 2 : i32
      %add3A_129 = arith.addi %mul3A_127, %add3A_128 : i32
      %ge3A_130 = arith.constant 2 : i32
      %ge3A_131 = arith.cmpi sge, %add3A_129, %ge3A_130 : i32
      %add3A_132 = arith.constant 1 : i32
      %add3A_133 = arith.addi %add3A_129, %add3A_132 : i32
      %sub3A_134 = arith.constant 3 : i32
      %sub3A_135 = arith.subi %add3A_133, %sub3A_134 : i32
      %lt3A_136 = arith.cmpi slt, %sub3A_135, %select_n3A : i32
      %and3A_137 = arith.andi %ge3A_131, %lt3A_136 : i1
      %convert_element_type3A_138 = arith.extui %and3A_137 : i1 to i32
      %cond3A_139 = arith.constant 0 : i32
      %cond3A_140 = arith.cmpi ne, %convert_element_type3A_138, %cond3A_139 : i32
      scf.if %cond3A_140 {
        %mul3A_151 = arith.constant 200 : i32
        %mul3A_152 = arith.muli %add3A, %mul3A_151 : i32
        %dma_wait3A = arith.constant 0 : i32
        %dma_wait3A_153 = tpu.memref_slice %arg5[%mul3A_152, %dma_wait3A] : memref<100000x128xf32, #tpu.memory_space<hbm>> -> memref<200x128xf32, #tpu.memory_space<hbm>>
        %dma_wait3A_154 = arith.constant 0 : i32
        %dma_wait3A_155 = tpu.memref_slice %arg5[%mul3A_152, %dma_wait3A_154] : memref<100000x128xf32, #tpu.memory_space<hbm>> -> memref<200x128xf32, #tpu.memory_space<hbm>>
        tpu.wait_dma2 semaphore(%arg14 : memref<!tpu.dma_semaphore, #tpu.memory_space<semaphore_mem>>) src(%arg6 : memref<200x128xf32, #tpu.memory_space<vmem>>) dst(%dma_wait3A_155 : memref<200x128xf32, #tpu.memory_space<hbm>>)
      } else {
      }
      %add3A_141 = arith.constant 1 : i32
      %add3A_142 = arith.addi %add3A_129, %add3A_141 : i32
      %lt3A_143 = arith.cmpi slt, %add3A_142, %select_n3A : i32
      %convert_element_type3A_144 = arith.extui %lt3A_143 : i1 to i32
      %cond3A_145 = arith.constant 0 : i32
      %cond3A_146 = arith.cmpi ne, %convert_element_type3A_144, %cond3A_145 : i32
      scf.if %cond3A_146 {
        %add3A_151 = arith.constant 1 : i32
        %add3A_152 = arith.addi %add3A_129, %add3A_151 : i32
        %mul3A_153 = arith.constant 32 : i32
        %mul3A_154 = arith.muli %add3A_152, %mul3A_153 : i32
        %add3A_155 = arith.addi %add3A, %mul3A_154 : i32
        %mul3A_156 = arith.constant 200 : i32
        %mul3A_157 = arith.muli %add3A_155, %mul3A_156 : i32
        %dma_start3A = arith.constant 0 : i32
        %dma_start3A_158 = tpu.memref_slice %arg2[%mul3A_157, %dma_start3A] : memref<100000x128xf32, #tpu.memory_space<hbm>> -> memref<200x128xf32, #tpu.memory_space<hbm>>
        %dma_start3A_159 = arith.constant 0 : i32
        %dma_start3A_160 = tpu.memref_slice %arg2[%mul3A_157, %dma_start3A_159] : memref<100000x128xf32, #tpu.memory_space<hbm>> -> memref<200x128xf32, #tpu.memory_space<hbm>>
        tpu.enqueue_dma source(%dma_start3A_160 : memref<200x128xf32, #tpu.memory_space<hbm>>) target(%arg6 : memref<200x128xf32, #tpu.memory_space<vmem>>) target_semaphore(%arg11 : memref<!tpu.dma_semaphore, #tpu.memory_space<semaphore_mem>>)
      } else {
      }
      %lt3A_147 = arith.cmpi slt, %add3A_129, %select_n3A : i32
      %convert_element_type3A_148 = arith.extui %lt3A_147 : i1 to i32
      %cond3A_149 = arith.constant 0 : i32
      %cond3A_150 = arith.cmpi ne, %convert_element_type3A_148, %cond3A_149 : i32
      scf.if %cond3A_150 {
        %mul3A_151 = arith.constant 32 : i32
        %mul3A_152 = arith.muli %add3A_129, %mul3A_151 : i32
        %add3A_153 = arith.addi %add3A, %mul3A_152 : i32
        %mul3A_154 = arith.constant 200 : i32
        %mul3A_155 = arith.muli %add3A_153, %mul3A_154 : i32
        %dma_wait3A = arith.constant 0 : i32
        %dma_wait3A_156 = tpu.memref_slice %arg2[%mul3A_155, %dma_wait3A] : memref<100000x128xf32, #tpu.memory_space<hbm>> -> memref<200x128xf32, #tpu.memory_space<hbm>>
        %dma_wait3A_157 = arith.constant 0 : i32
        %dma_wait3A_158 = tpu.memref_slice %arg2[%mul3A_155, %dma_wait3A_157] : memref<100000x128xf32, #tpu.memory_space<hbm>> -> memref<200x128xf32, #tpu.memory_space<hbm>>
        tpu.wait_dma2 semaphore(%arg13 : memref<!tpu.dma_semaphore, #tpu.memory_space<semaphore_mem>>) src(%dma_wait3A_158 : memref<200x128xf32, #tpu.memory_space<hbm>>) dst(%arg8 : memref<200x128xf32, #tpu.memory_space<vmem>>)
        %scan3A_159 = arith.constant 0 : i32
        %scan3A_160 = arith.constant 0 : i32
        %scan3A_161 = arith.constant 50 : i32
        %scan3A_162 = arith.addi %scan3A_160, %scan3A_161 : i32
        %scan3A_163 = arith.constant 1 : i32
        scf.for %scan3A_173 = %scan3A_160 to %scan3A_162 step %scan3A_163  : i32 {
          %mul3A_174 = arith.constant 4 : i32
          %mul3A_175 = arith.muli %scan3A_173, %mul3A_174 : i32
          %add3A_176 = arith.constant 0 : i32
          %add3A_177 = arith.addi %mul3A_175, %add3A_176 : i32
          %get3A_178 = arith.index_cast %add3A_177 : i32 to index
          %get3A_179 = arith.constant 0 : index
          %get3A_180 = tpu.vector_load %arg8[%get3A_178, %get3A_179] {strides = array<i32>} : memref<200x128xf32, #tpu.memory_space<vmem>>, vector<1x16xf32>,
          %get3A_181 = vector.shape_cast %get3A_180 : vector<1x16xf32> to vector<16xf32>
          %get3A_182 = arith.index_cast %add3A_177 : i32 to index
          %get3A_183 = arith.constant 16 : index
          %get3A_184 = tpu.vector_load %arg8[%get3A_182, %get3A_183] {strides = array<i32>} : memref<200x128xf32, #tpu.memory_space<vmem>>, vector<1x16xf32>,
          %get3A_185 = vector.shape_cast %get3A_184 : vector<1x16xf32> to vector<16xf32>
          %get3A_186 = arith.index_cast %add3A_177 : i32 to index
          %get3A_187 = arith.constant 32 : index
          %get3A_188 = tpu.vector_load %arg8[%get3A_186, %get3A_187] {strides = array<i32>} : memref<200x128xf32, #tpu.memory_space<vmem>>, vector<1x16xf32>,
          %get3A_189 = vector.shape_cast %get3A_188 : vector<1x16xf32> to vector<16xf32>
          %get3A_190 = arith.index_cast %add3A_177 : i32 to index
          %get3A_191 = arith.constant 48 : index
          %get3A_192 = tpu.vector_load %arg8[%get3A_190, %get3A_191] {strides = array<i32>} : memref<200x128xf32, #tpu.memory_space<vmem>>, vector<1x16xf32>,
          %get3A_193 = vector.shape_cast %get3A_192 : vector<1x16xf32> to vector<16xf32>
          %get3A_194 = arith.index_cast %add3A_177 : i32 to index
          %get3A_195 = arith.constant 64 : index
          %get3A_196 = tpu.vector_load %arg8[%get3A_194, %get3A_195] {strides = array<i32>} : memref<200x128xf32, #tpu.memory_space<vmem>>, vector<1x16xf32>,
          %get3A_197 = vector.shape_cast %get3A_196 : vector<1x16xf32> to vector<16xf32>
          %get3A_198 = arith.index_cast %add3A_177 : i32 to index
          %get3A_199 = arith.constant 80 : index
          %get3A_200 = tpu.vector_load %arg8[%get3A_198, %get3A_199] {strides = array<i32>} : memref<200x128xf32, #tpu.memory_space<vmem>>, vector<1x16xf32>,
          %get3A_201 = vector.shape_cast %get3A_200 : vector<1x16xf32> to vector<16xf32>
          %get3A_202 = arith.index_cast %add3A_177 : i32 to index
          %get3A_203 = arith.constant 96 : index
          %get3A_204 = tpu.vector_load %arg8[%get3A_202, %get3A_203] {strides = array<i32>} : memref<200x128xf32, #tpu.memory_space<vmem>>, vector<1x16xf32>,
          %get3A_205 = vector.shape_cast %get3A_204 : vector<1x16xf32> to vector<16xf32>
          %get3A_206 = arith.index_cast %add3A_177 : i32 to index
          %get3A_207 = arith.constant 112 : index
          %get3A_208 = tpu.vector_load %arg8[%get3A_206, %get3A_207] {strides = array<i32>} : memref<200x128xf32, #tpu.memory_space<vmem>>, vector<1x16xf32>,
          %get3A_209 = vector.shape_cast %get3A_208 : vector<1x16xf32> to vector<16xf32>
          %add3A_210 = arith.addf %get3A_181, %get3A_185 : vector<16xf32>
          %add3A_211 = arith.addf %get3A_189, %get3A_193 : vector<16xf32>
          %add3A_212 = arith.addf %add3A_210, %add3A_211 : vector<16xf32>
          %add3A_213 = arith.addf %get3A_197, %get3A_201 : vector<16xf32>
          %add3A_214 = arith.addf %get3A_205, %get3A_209 : vector<16xf32>
          %add3A_215 = arith.addf %add3A_213, %add3A_214 : vector<16xf32>
          %add3A_216 = arith.addf %add3A_212, %add3A_215 : vector<16xf32>
          %mul3A_217 = arith.mulf %get3A_181, %get3A_181 : vector<16xf32>
          %mul3A_218 = arith.mulf %get3A_185, %get3A_185 : vector<16xf32>
          %add3A_219 = arith.addf %mul3A_217, %mul3A_218 : vector<16xf32>
          %mul3A_220 = arith.mulf %get3A_189, %get3A_189 : vector<16xf32>
          %mul3A_221 = arith.mulf %get3A_193, %get3A_193 : vector<16xf32>
          %add3A_222 = arith.addf %mul3A_220, %mul3A_221 : vector<16xf32>
          %add3A_223 = arith.addf %add3A_219, %add3A_222 : vector<16xf32>
          %mul3A_224 = arith.mulf %get3A_197, %get3A_197 : vector<16xf32>
          %mul3A_225 = arith.mulf %get3A_201, %get3A_201 : vector<16xf32>
          %add3A_226 = arith.addf %mul3A_224, %mul3A_225 : vector<16xf32>
          %mul3A_227 = arith.mulf %get3A_205, %get3A_205 : vector<16xf32>
          %mul3A_228 = arith.mulf %get3A_209, %get3A_209 : vector<16xf32>
          %add3A_229 = arith.addf %mul3A_227, %mul3A_228 : vector<16xf32>
          %add3A_230 = arith.addf %add3A_226, %add3A_229 : vector<16xf32>
          %add3A_231 = arith.addf %add3A_223, %add3A_230 : vector<16xf32>
          %iota3A = tpu.iota {dimensions = array<i32: 0>} : vector<16xi32>
          %xor3A = arith.constant 8 : i32
          %xor3A_232 = vector.broadcast %xor3A : i32 to vector<16xi32>
          %xor3A_233 = arith.xori %iota3A, %xor3A_232 : vector<16xi32>
          %reshape3A = vector.shape_cast %xor3A_233 : vector<16xi32> to vector<16x1xi32>
          %gather3A = vector.shape_cast %reshape3A : vector<16x1xi32> to vector<16xi32>
          %gather3A_234 = tpu.dynamic_gather %add3A_216[%gather3A] in [0] : vector<16xf32>, vector<16xi32> -> vector<16xf32>
          %add3A_235 = arith.addf %add3A_216, %gather3A_234 : vector<16xf32>
          %iota3A_236 = tpu.iota {dimensions = array<i32: 0>} : vector<16xi32>
          %xor3A_237 = arith.constant 4 : i32
          %xor3A_238 = vector.broadcast %xor3A_237 : i32 to vector<16xi32>
          %xor3A_239 = arith.xori %iota3A_236, %xor3A_238 : vector<16xi32>
          %reshape3A_240 = vector.shape_cast %xor3A_239 : vector<16xi32> to vector<16x1xi32>
          %gather3A_241 = vector.shape_cast %reshape3A_240 : vector<16x1xi32> to vector<16xi32>
          %gather3A_242 = tpu.dynamic_gather %add3A_235[%gather3A_241] in [0] : vector<16xf32>, vector<16xi32> -> vector<16xf32>
          %add3A_243 = arith.addf %add3A_235, %gather3A_242 : vector<16xf32>
          %iota3A_244 = tpu.iota {dimensions = array<i32: 0>} : vector<16xi32>
          %xor3A_245 = arith.constant 2 : i32
          %xor3A_246 = vector.broadcast %xor3A_245 : i32 to vector<16xi32>
          %xor3A_247 = arith.xori %iota3A_244, %xor3A_246 : vector<16xi32>
          %reshape3A_248 = vector.shape_cast %xor3A_247 : vector<16xi32> to vector<16x1xi32>
          %gather3A_249 = vector.shape_cast %reshape3A_248 : vector<16x1xi32> to vector<16xi32>
          %gather3A_250 = tpu.dynamic_gather %add3A_243[%gather3A_249] in [0] : vector<16xf32>, vector<16xi32> -> vector<16xf32>
          %add3A_251 = arith.addf %add3A_243, %gather3A_250 : vector<16xf32>
          %iota3A_252 = tpu.iota {dimensions = array<i32: 0>} : vector<16xi32>
          %xor3A_253 = arith.constant 1 : i32
          %xor3A_254 = vector.broadcast %xor3A_253 : i32 to vector<16xi32>
          %xor3A_255 = arith.xori %iota3A_252, %xor3A_254 : vector<16xi32>
          %reshape3A_256 = vector.shape_cast %xor3A_255 : vector<16xi32> to vector<16x1xi32>
          %gather3A_257 = vector.shape_cast %reshape3A_256 : vector<16x1xi32> to vector<16xi32>
          %gather3A_258 = tpu.dynamic_gather %add3A_251[%gather3A_257] in [0] : vector<16xf32>, vector<16xi32> -> vector<16xf32>
          %add3A_259 = arith.addf %add3A_251, %gather3A_258 : vector<16xf32>
          %iota3A_260 = tpu.iota {dimensions = array<i32: 0>} : vector<16xi32>
          %xor3A_261 = arith.constant 8 : i32
          %xor3A_262 = vector.broadcast %xor3A_261 : i32 to vector<16xi32>
          %xor3A_263 = arith.xori %iota3A_260, %xor3A_262 : vector<16xi32>
          %reshape3A_264 = vector.shape_cast %xor3A_263 : vector<16xi32> to vector<16x1xi32>
          %gather3A_265 = vector.shape_cast %reshape3A_264 : vector<16x1xi32> to vector<16xi32>
          %gather3A_266 = tpu.dynamic_gather %add3A_231[%gather3A_265] in [0] : vector<16xf32>, vector<16xi32> -> vector<16xf32>
          %add3A_267 = arith.addf %add3A_231, %gather3A_266 : vector<16xf32>
          %iota3A_268 = tpu.iota {dimensions = array<i32: 0>} : vector<16xi32>
          %xor3A_269 = arith.constant 4 : i32
          %xor3A_270 = vector.broadcast %xor3A_269 : i32 to vector<16xi32>
          %xor3A_271 = arith.xori %iota3A_268, %xor3A_270 : vector<16xi32>
          %reshape3A_272 = vector.shape_cast %xor3A_271 : vector<16xi32> to vector<16x1xi32>
          %gather3A_273 = vector.shape_cast %reshape3A_272 : vector<16x1xi32> to vector<16xi32>
          %gather3A_274 = tpu.dynamic_gather %add3A_267[%gather3A_273] in [0] : vector<16xf32>, vector<16xi32> -> vector<16xf32>
          %add3A_275 = arith.addf %add3A_267, %gather3A_274 : vector<16xf32>
          %iota3A_276 = tpu.iota {dimensions = array<i32: 0>} : vector<16xi32>
          %xor3A_277 = arith.constant 2 : i32
          %xor3A_278 = vector.broadcast %xor3A_277 : i32 to vector<16xi32>
          %xor3A_279 = arith.xori %iota3A_276, %xor3A_278 : vector<16xi32>
          %reshape3A_280 = vector.shape_cast %xor3A_279 : vector<16xi32> to vector<16x1xi32>
          %gather3A_281 = vector.shape_cast %reshape3A_280 : vector<16x1xi32> to vector<16xi32>
          %gather3A_282 = tpu.dynamic_gather %add3A_275[%gather3A_281] in [0] : vector<16xf32>, vector<16xi32> -> vector<16xf32>
          %add3A_283 = arith.addf %add3A_275, %gather3A_282 : vector<16xf32>
          %iota3A_284 = tpu.iota {dimensions = array<i32: 0>} : vector<16xi32>
          %xor3A_285 = arith.constant 1 : i32
          %xor3A_286 = vector.broadcast %xor3A_285 : i32 to vector<16xi32>
          %xor3A_287 = arith.xori %iota3A_284, %xor3A_286 : vector<16xi32>
          %reshape3A_288 = vector.shape_cast %xor3A_287 : vector<16xi32> to vector<16x1xi32>
          %gather3A_289 = vector.shape_cast %reshape3A_288 : vector<16x1xi32> to vector<16xi32>
          %gather3A_290 = tpu.dynamic_gather %add3A_283[%gather3A_289] in [0] : vector<16xf32>, vector<16xi32> -> vector<16xf32>
          %add3A_291 = arith.addf %add3A_283, %gather3A_290 : vector<16xf32>
          %mul3A_292 = arith.constant 7.812500e-03 : f32
          %mul3A_293 = vector.broadcast %mul3A_292 : f32 to vector<16xf32>
          %mul3A_294 = arith.mulf %add3A_259, %mul3A_293 : vector<16xf32>
          %mul3A_295 = arith.constant 7.812500e-03 : f32
          %mul3A_296 = vector.broadcast %mul3A_295 : f32 to vector<16xf32>
          %mul3A_297 = arith.mulf %add3A_291, %mul3A_296 : vector<16xf32>
          %mul3A_298 = arith.mulf %mul3A_294, %mul3A_294 : vector<16xf32>
          %sub3A_299 = arith.subf %mul3A_297, %mul3A_298 : vector<16xf32>
          %max3A = arith.constant 0.000000e+00 : f32
          %max3A_300 = vector.broadcast %max3A : f32 to vector<16xf32>
          %max3A_301 = arith.maximumf %sub3A_299, %max3A_300 : vector<16xf32>
          %add3A_302 = arith.constant 9.99999996E-13 : f32
          %add3A_303 = vector.broadcast %add3A_302 : f32 to vector<16xf32>
          %add3A_304 = arith.addf %max3A_301, %add3A_303 : vector<16xf32>
          %bitcast_convert_type3A = tpu.bitcast %add3A_304 : vector<16xf32> -> vector<16xi32>
          %shift_right_arithmetic3A = arith.constant 1 : i32
          %shift_right_arithmetic3A_305 = vector.broadcast %shift_right_arithmetic3A : i32 to vector<16xi32>
          %shift_right_arithmetic3A_306 = arith.shrsi %bitcast_convert_type3A, %shift_right_arithmetic3A_305 : vector<16xi32>
          %sub3A_307 = arith.constant 1597463007 : i32
          %sub3A_308 = vector.broadcast %sub3A_307 : i32 to vector<16xi32>
          %sub3A_309 = arith.subi %sub3A_308, %shift_right_arithmetic3A_306 : vector<16xi32>
          %bitcast_convert_type3A_310 = tpu.bitcast %sub3A_309 : vector<16xi32> -> vector<16xf32>
          %mul3A_311 = arith.constant 5.000000e-01 : f32
          %mul3A_312 = vector.broadcast %mul3A_311 : f32 to vector<16xf32>
          %mul3A_313 = arith.mulf %mul3A_312, %add3A_304 : vector<16xf32>
          %mul3A_314 = arith.mulf %bitcast_convert_type3A_310, %bitcast_convert_type3A_310 : vector<16xf32>
          %mul3A_315 = arith.mulf %mul3A_313, %mul3A_314 : vector<16xf32>
          %sub3A_316 = arith.constant 1.500000e+00 : f32
          %sub3A_317 = vector.broadcast %sub3A_316 : f32 to vector<16xf32>
          %sub3A_318 = arith.subf %sub3A_317, %mul3A_315 : vector<16xf32>
          %mul3A_319 = arith.mulf %bitcast_convert_type3A_310, %sub3A_318 : vector<16xf32>
          %mul3A_320 = arith.mulf %mul3A_319, %mul3A_319 : vector<16xf32>
          %mul3A_321 = arith.mulf %mul3A_313, %mul3A_320 : vector<16xf32>
          %sub3A_322 = arith.constant 1.500000e+00 : f32
          %sub3A_323 = vector.broadcast %sub3A_322 : f32 to vector<16xf32>
          %sub3A_324 = arith.subf %sub3A_323, %mul3A_321 : vector<16xf32>
          %mul3A_325 = arith.mulf %mul3A_319, %sub3A_324 : vector<16xf32>
          %mul3A_326 = arith.mulf %mul3A_325, %get3A_24 : vector<16xf32>
          %sub3A_327 = arith.subf %get3A_181, %mul3A_294 : vector<16xf32>
          %mul3A_328 = arith.mulf %sub3A_327, %mul3A_326 : vector<16xf32>
          %add3A_329 = arith.addf %mul3A_328, %get3A_48 : vector<16xf32>
          %swap3A = arith.index_cast %add3A_177 : i32 to index
          %swap3A_330 = arith.constant 0 : index
          %swap3A_331 = tpu.vector_load %arg8[%swap3A, %swap3A_330] {strides = array<i32>} : memref<200x128xf32, #tpu.memory_space<vmem>>, vector<1x16xf32>,
          %swap3A_332 = vector.shape_cast %swap3A_331 : vector<1x16xf32> to vector<16xf32>
          %swap3A_333 = vector.shape_cast %add3A_329 : vector<16xf32> to vector<1x16xf32>
          tpu.vector_store %arg8[%swap3A, %swap3A_330], %swap3A_333 {strides = array<i32>} : memref<200x128xf32, #tpu.memory_space<vmem>>, vector<1x16xf32>,
          %mul3A_334 = arith.mulf %mul3A_325, %get3A_27 : vector<16xf32>
          %sub3A_335 = arith.subf %get3A_185, %mul3A_294 : vector<16xf32>
          %mul3A_336 = arith.mulf %sub3A_335, %mul3A_334 : vector<16xf32>
          %add3A_337 = arith.addf %mul3A_336, %get3A_51 : vector<16xf32>
          %swap3A_338 = arith.index_cast %add3A_177 : i32 to index
          %swap3A_339 = arith.constant 16 : index
          %swap3A_340 = tpu.vector_load %arg8[%swap3A_338, %swap3A_339] {strides = array<i32>} : memref<200x128xf32, #tpu.memory_space<vmem>>, vector<1x16xf32>,
          %swap3A_341 = vector.shape_cast %swap3A_340 : vector<1x16xf32> to vector<16xf32>
          %swap3A_342 = vector.shape_cast %add3A_337 : vector<16xf32> to vector<1x16xf32>
          tpu.vector_store %arg8[%swap3A_338, %swap3A_339], %swap3A_342 {strides = array<i32>} : memref<200x128xf32, #tpu.memory_space<vmem>>, vector<1x16xf32>,
          %mul3A_343 = arith.mulf %mul3A_325, %get3A_30 : vector<16xf32>
          %sub3A_344 = arith.subf %get3A_189, %mul3A_294 : vector<16xf32>
          %mul3A_345 = arith.mulf %sub3A_344, %mul3A_343 : vector<16xf32>
          %add3A_346 = arith.addf %mul3A_345, %get3A_54 : vector<16xf32>
          %swap3A_347 = arith.index_cast %add3A_177 : i32 to index
          %swap3A_348 = arith.constant 32 : index
          %swap3A_349 = tpu.vector_load %arg8[%swap3A_347, %swap3A_348] {strides = array<i32>} : memref<200x128xf32, #tpu.memory_space<vmem>>, vector<1x16xf32>,
          %swap3A_350 = vector.shape_cast %swap3A_349 : vector<1x16xf32> to vector<16xf32>
          %swap3A_351 = vector.shape_cast %add3A_346 : vector<16xf32> to vector<1x16xf32>
          tpu.vector_store %arg8[%swap3A_347, %swap3A_348], %swap3A_351 {strides = array<i32>} : memref<200x128xf32, #tpu.memory_space<vmem>>, vector<1x16xf32>,
          %mul3A_352 = arith.mulf %mul3A_325, %get3A_33 : vector<16xf32>
          %sub3A_353 = arith.subf %get3A_193, %mul3A_294 : vector<16xf32>
          %mul3A_354 = arith.mulf %sub3A_353, %mul3A_352 : vector<16xf32>
          %add3A_355 = arith.addf %mul3A_354, %get3A_57 : vector<16xf32>
          %swap3A_356 = arith.index_cast %add3A_177 : i32 to index
          %swap3A_357 = arith.constant 48 : index
          %swap3A_358 = tpu.vector_load %arg8[%swap3A_356, %swap3A_357] {strides = array<i32>} : memref<200x128xf32, #tpu.memory_space<vmem>>, vector<1x16xf32>,
          %swap3A_359 = vector.shape_cast %swap3A_358 : vector<1x16xf32> to vector<16xf32>
          %swap3A_360 = vector.shape_cast %add3A_355 : vector<16xf32> to vector<1x16xf32>
          tpu.vector_store %arg8[%swap3A_356, %swap3A_357], %swap3A_360 {strides = array<i32>} : memref<200x128xf32, #tpu.memory_space<vmem>>, vector<1x16xf32>,
          %mul3A_361 = arith.mulf %mul3A_325, %get3A_36 : vector<16xf32>
          %sub3A_362 = arith.subf %get3A_197, %mul3A_294 : vector<16xf32>
          %mul3A_363 = arith.mulf %sub3A_362, %mul3A_361 : vector<16xf32>
          %add3A_364 = arith.addf %mul3A_363, %get3A_60 : vector<16xf32>
          %swap3A_365 = arith.index_cast %add3A_177 : i32 to index
          %swap3A_366 = arith.constant 64 : index
          %swap3A_367 = tpu.vector_load %arg8[%swap3A_365, %swap3A_366] {strides = array<i32>} : memref<200x128xf32, #tpu.memory_space<vmem>>, vector<1x16xf32>,
          %swap3A_368 = vector.shape_cast %swap3A_367 : vector<1x16xf32> to vector<16xf32>
          %swap3A_369 = vector.shape_cast %add3A_364 : vector<16xf32> to vector<1x16xf32>
          tpu.vector_store %arg8[%swap3A_365, %swap3A_366], %swap3A_369 {strides = array<i32>} : memref<200x128xf32, #tpu.memory_space<vmem>>, vector<1x16xf32>,
          %mul3A_370 = arith.mulf %mul3A_325, %get3A_39 : vector<16xf32>
          %sub3A_371 = arith.subf %get3A_201, %mul3A_294 : vector<16xf32>
          %mul3A_372 = arith.mulf %sub3A_371, %mul3A_370 : vector<16xf32>
          %add3A_373 = arith.addf %mul3A_372, %get3A_63 : vector<16xf32>
          %swap3A_374 = arith.index_cast %add3A_177 : i32 to index
          %swap3A_375 = arith.constant 80 : index
          %swap3A_376 = tpu.vector_load %arg8[%swap3A_374, %swap3A_375] {strides = array<i32>} : memref<200x128xf32, #tpu.memory_space<vmem>>, vector<1x16xf32>,
          %swap3A_377 = vector.shape_cast %swap3A_376 : vector<1x16xf32> to vector<16xf32>
          %swap3A_378 = vector.shape_cast %add3A_373 : vector<16xf32> to vector<1x16xf32>
          tpu.vector_store %arg8[%swap3A_374, %swap3A_375], %swap3A_378 {strides = array<i32>} : memref<200x128xf32, #tpu.memory_space<vmem>>, vector<1x16xf32>,
          %mul3A_379 = arith.mulf %mul3A_325, %get3A_42 : vector<16xf32>
          %sub3A_380 = arith.subf %get3A_205, %mul3A_294 : vector<16xf32>
          %mul3A_381 = arith.mulf %sub3A_380, %mul3A_379 : vector<16xf32>
          %add3A_382 = arith.addf %mul3A_381, %get3A_66 : vector<16xf32>
          %swap3A_383 = arith.index_cast %add3A_177 : i32 to index
          %swap3A_384 = arith.constant 96 : index
          %swap3A_385 = tpu.vector_load %arg8[%swap3A_383, %swap3A_384] {strides = array<i32>} : memref<200x128xf32, #tpu.memory_space<vmem>>, vector<1x16xf32>,
          %swap3A_386 = vector.shape_cast %swap3A_385 : vector<1x16xf32> to vector<16xf32>
          %swap3A_387 = vector.shape_cast %add3A_382 : vector<16xf32> to vector<1x16xf32>
          tpu.vector_store %arg8[%swap3A_383, %swap3A_384], %swap3A_387 {strides = array<i32>} : memref<200x128xf32, #tpu.memory_space<vmem>>, vector<1x16xf32>,
          %mul3A_388 = arith.mulf %mul3A_325, %get3A_45 : vector<16xf32>
          %sub3A_389 = arith.subf %get3A_209, %mul3A_294 : vector<16xf32>
          %mul3A_390 = arith.mulf %sub3A_389, %mul3A_388 : vector<16xf32>
          %add3A_391 = arith.addf %mul3A_390, %get3A_69 : vector<16xf32>
          %swap3A_392 = arith.index_cast %add3A_177 : i32 to index
          %swap3A_393 = arith.constant 112 : index
          %swap3A_394 = tpu.vector_load %arg8[%swap3A_392, %swap3A_393] {strides = array<i32>} : memref<200x128xf32, #tpu.memory_space<vmem>>, vector<1x16xf32>,
          %swap3A_395 = vector.shape_cast %swap3A_394 : vector<1x16xf32> to vector<16xf32>
          %swap3A_396 = vector.shape_cast %add3A_391 : vector<16xf32> to vector<1x16xf32>
          tpu.vector_store %arg8[%swap3A_392, %swap3A_393], %swap3A_396 {strides = array<i32>} : memref<200x128xf32, #tpu.memory_space<vmem>>, vector<1x16xf32>,
          %mul3A_397 = arith.constant 4 : i32
          %mul3A_398 = arith.muli %scan3A_173, %mul3A_397 : i32
          %add3A_399 = arith.constant 1 : i32
          %add3A_400 = arith.addi %mul3A_398, %add3A_399 : i32
          %get3A_401 = arith.index_cast %add3A_400 : i32 to index
          %get3A_402 = arith.constant 0 : index
          %get3A_403 = tpu.vector_load %arg8[%get3A_401, %get3A_402] {strides = array<i32>} : memref<200x128xf32, #tpu.memory_space<vmem>>, vector<1x16xf32>,
          %get3A_404 = vector.shape_cast %get3A_403 : vector<1x16xf32> to vector<16xf32>
          %get3A_405 = arith.index_cast %add3A_400 : i32 to index
          %get3A_406 = arith.constant 16 : index
          %get3A_407 = tpu.vector_load %arg8[%get3A_405, %get3A_406] {strides = array<i32>} : memref<200x128xf32, #tpu.memory_space<vmem>>, vector<1x16xf32>,
          %get3A_408 = vector.shape_cast %get3A_407 : vector<1x16xf32> to vector<16xf32>
          %get3A_409 = arith.index_cast %add3A_400 : i32 to index
          %get3A_410 = arith.constant 32 : index
          %get3A_411 = tpu.vector_load %arg8[%get3A_409, %get3A_410] {strides = array<i32>} : memref<200x128xf32, #tpu.memory_space<vmem>>, vector<1x16xf32>,
          %get3A_412 = vector.shape_cast %get3A_411 : vector<1x16xf32> to vector<16xf32>
          %get3A_413 = arith.index_cast %add3A_400 : i32 to index
          %get3A_414 = arith.constant 48 : index
          %get3A_415 = tpu.vector_load %arg8[%get3A_413, %get3A_414] {strides = array<i32>} : memref<200x128xf32, #tpu.memory_space<vmem>>, vector<1x16xf32>,
          %get3A_416 = vector.shape_cast %get3A_415 : vector<1x16xf32> to vector<16xf32>
          %get3A_417 = arith.index_cast %add3A_400 : i32 to index
          %get3A_418 = arith.constant 64 : index
          %get3A_419 = tpu.vector_load %arg8[%get3A_417, %get3A_418] {strides = array<i32>} : memref<200x128xf32, #tpu.memory_space<vmem>>, vector<1x16xf32>,
          %get3A_420 = vector.shape_cast %get3A_419 : vector<1x16xf32> to vector<16xf32>
          %get3A_421 = arith.index_cast %add3A_400 : i32 to index
          %get3A_422 = arith.constant 80 : index
          %get3A_423 = tpu.vector_load %arg8[%get3A_421, %get3A_422] {strides = array<i32>} : memref<200x128xf32, #tpu.memory_space<vmem>>, vector<1x16xf32>,
          %get3A_424 = vector.shape_cast %get3A_423 : vector<1x16xf32> to vector<16xf32>
          %get3A_425 = arith.index_cast %add3A_400 : i32 to index
          %get3A_426 = arith.constant 96 : index
          %get3A_427 = tpu.vector_load %arg8[%get3A_425, %get3A_426] {strides = array<i32>} : memref<200x128xf32, #tpu.memory_space<vmem>>, vector<1x16xf32>,
          %get3A_428 = vector.shape_cast %get3A_427 : vector<1x16xf32> to vector<16xf32>
          %get3A_429 = arith.index_cast %add3A_400 : i32 to index
          %get3A_430 = arith.constant 112 : index
          %get3A_431 = tpu.vector_load %arg8[%get3A_429, %get3A_430] {strides = array<i32>} : memref<200x128xf32, #tpu.memory_space<vmem>>, vector<1x16xf32>,
          %get3A_432 = vector.shape_cast %get3A_431 : vector<1x16xf32> to vector<16xf32>
          %add3A_433 = arith.addf %get3A_404, %get3A_408 : vector<16xf32>
          %add3A_434 = arith.addf %get3A_412, %get3A_416 : vector<16xf32>
          %add3A_435 = arith.addf %add3A_433, %add3A_434 : vector<16xf32>
          %add3A_436 = arith.addf %get3A_420, %get3A_424 : vector<16xf32>
          %add3A_437 = arith.addf %get3A_428, %get3A_432 : vector<16xf32>
          %add3A_438 = arith.addf %add3A_436, %add3A_437 : vector<16xf32>
          %add3A_439 = arith.addf %add3A_435, %add3A_438 : vector<16xf32>
          %mul3A_440 = arith.mulf %get3A_404, %get3A_404 : vector<16xf32>
          %mul3A_441 = arith.mulf %get3A_408, %get3A_408 : vector<16xf32>
          %add3A_442 = arith.addf %mul3A_440, %mul3A_441 : vector<16xf32>
          %mul3A_443 = arith.mulf %get3A_412, %get3A_412 : vector<16xf32>
          %mul3A_444 = arith.mulf %get3A_416, %get3A_416 : vector<16xf32>
          %add3A_445 = arith.addf %mul3A_443, %mul3A_444 : vector<16xf32>
          %add3A_446 = arith.addf %add3A_442, %add3A_445 : vector<16xf32>
          %mul3A_447 = arith.mulf %get3A_420, %get3A_420 : vector<16xf32>
          %mul3A_448 = arith.mulf %get3A_424, %get3A_424 : vector<16xf32>
          %add3A_449 = arith.addf %mul3A_447, %mul3A_448 : vector<16xf32>
          %mul3A_450 = arith.mulf %get3A_428, %get3A_428 : vector<16xf32>
          %mul3A_451 = arith.mulf %get3A_432, %get3A_432 : vector<16xf32>
          %add3A_452 = arith.addf %mul3A_450, %mul3A_451 : vector<16xf32>
          %add3A_453 = arith.addf %add3A_449, %add3A_452 : vector<16xf32>
          %add3A_454 = arith.addf %add3A_446, %add3A_453 : vector<16xf32>
          %iota3A_455 = tpu.iota {dimensions = array<i32: 0>} : vector<16xi32>
          %xor3A_456 = arith.constant 8 : i32
          %xor3A_457 = vector.broadcast %xor3A_456 : i32 to vector<16xi32>
          %xor3A_458 = arith.xori %iota3A_455, %xor3A_457 : vector<16xi32>
          %reshape3A_459 = vector.shape_cast %xor3A_458 : vector<16xi32> to vector<16x1xi32>
          %gather3A_460 = vector.shape_cast %reshape3A_459 : vector<16x1xi32> to vector<16xi32>
          %gather3A_461 = tpu.dynamic_gather %add3A_439[%gather3A_460] in [0] : vector<16xf32>, vector<16xi32> -> vector<16xf32>
          %add3A_462 = arith.addf %add3A_439, %gather3A_461 : vector<16xf32>
          %iota3A_463 = tpu.iota {dimensions = array<i32: 0>} : vector<16xi32>
          %xor3A_464 = arith.constant 4 : i32
          %xor3A_465 = vector.broadcast %xor3A_464 : i32 to vector<16xi32>
          %xor3A_466 = arith.xori %iota3A_463, %xor3A_465 : vector<16xi32>
          %reshape3A_467 = vector.shape_cast %xor3A_466 : vector<16xi32> to vector<16x1xi32>
          %gather3A_468 = vector.shape_cast %reshape3A_467 : vector<16x1xi32> to vector<16xi32>
          %gather3A_469 = tpu.dynamic_gather %add3A_462[%gather3A_468] in [0] : vector<16xf32>, vector<16xi32> -> vector<16xf32>
          %add3A_470 = arith.addf %add3A_462, %gather3A_469 : vector<16xf32>
          %iota3A_471 = tpu.iota {dimensions = array<i32: 0>} : vector<16xi32>
          %xor3A_472 = arith.constant 2 : i32
          %xor3A_473 = vector.broadcast %xor3A_472 : i32 to vector<16xi32>
          %xor3A_474 = arith.xori %iota3A_471, %xor3A_473 : vector<16xi32>
          %reshape3A_475 = vector.shape_cast %xor3A_474 : vector<16xi32> to vector<16x1xi32>
          %gather3A_476 = vector.shape_cast %reshape3A_475 : vector<16x1xi32> to vector<16xi32>
          %gather3A_477 = tpu.dynamic_gather %add3A_470[%gather3A_476] in [0] : vector<16xf32>, vector<16xi32> -> vector<16xf32>
          %add3A_478 = arith.addf %add3A_470, %gather3A_477 : vector<16xf32>
          %iota3A_479 = tpu.iota {dimensions = array<i32: 0>} : vector<16xi32>
          %xor3A_480 = arith.constant 1 : i32
          %xor3A_481 = vector.broadcast %xor3A_480 : i32 to vector<16xi32>
          %xor3A_482 = arith.xori %iota3A_479, %xor3A_481 : vector<16xi32>
          %reshape3A_483 = vector.shape_cast %xor3A_482 : vector<16xi32> to vector<16x1xi32>
          %gather3A_484 = vector.shape_cast %reshape3A_483 : vector<16x1xi32> to vector<16xi32>
          %gather3A_485 = tpu.dynamic_gather %add3A_478[%gather3A_484] in [0] : vector<16xf32>, vector<16xi32> -> vector<16xf32>
          %add3A_486 = arith.addf %add3A_478, %gather3A_485 : vector<16xf32>
          %iota3A_487 = tpu.iota {dimensions = array<i32: 0>} : vector<16xi32>
          %xor3A_488 = arith.constant 8 : i32
          %xor3A_489 = vector.broadcast %xor3A_488 : i32 to vector<16xi32>
          %xor3A_490 = arith.xori %iota3A_487, %xor3A_489 : vector<16xi32>
          %reshape3A_491 = vector.shape_cast %xor3A_490 : vector<16xi32> to vector<16x1xi32>
          %gather3A_492 = vector.shape_cast %reshape3A_491 : vector<16x1xi32> to vector<16xi32>
          %gather3A_493 = tpu.dynamic_gather %add3A_454[%gather3A_492] in [0] : vector<16xf32>, vector<16xi32> -> vector<16xf32>
          %add3A_494 = arith.addf %add3A_454, %gather3A_493 : vector<16xf32>
          %iota3A_495 = tpu.iota {dimensions = array<i32: 0>} : vector<16xi32>
          %xor3A_496 = arith.constant 4 : i32
          %xor3A_497 = vector.broadcast %xor3A_496 : i32 to vector<16xi32>
          %xor3A_498 = arith.xori %iota3A_495, %xor3A_497 : vector<16xi32>
          %reshape3A_499 = vector.shape_cast %xor3A_498 : vector<16xi32> to vector<16x1xi32>
          %gather3A_500 = vector.shape_cast %reshape3A_499 : vector<16x1xi32> to vector<16xi32>
          %gather3A_501 = tpu.dynamic_gather %add3A_494[%gather3A_500] in [0] : vector<16xf32>, vector<16xi32> -> vector<16xf32>
          %add3A_502 = arith.addf %add3A_494, %gather3A_501 : vector<16xf32>
          %iota3A_503 = tpu.iota {dimensions = array<i32: 0>} : vector<16xi32>
          %xor3A_504 = arith.constant 2 : i32
          %xor3A_505 = vector.broadcast %xor3A_504 : i32 to vector<16xi32>
          %xor3A_506 = arith.xori %iota3A_503, %xor3A_505 : vector<16xi32>
          %reshape3A_507 = vector.shape_cast %xor3A_506 : vector<16xi32> to vector<16x1xi32>
          %gather3A_508 = vector.shape_cast %reshape3A_507 : vector<16x1xi32> to vector<16xi32>
          %gather3A_509 = tpu.dynamic_gather %add3A_502[%gather3A_508] in [0] : vector<16xf32>, vector<16xi32> -> vector<16xf32>
          %add3A_510 = arith.addf %add3A_502, %gather3A_509 : vector<16xf32>
          %iota3A_511 = tpu.iota {dimensions = array<i32: 0>} : vector<16xi32>
          %xor3A_512 = arith.constant 1 : i32
          %xor3A_513 = vector.broadcast %xor3A_512 : i32 to vector<16xi32>
          %xor3A_514 = arith.xori %iota3A_511, %xor3A_513 : vector<16xi32>
          %reshape3A_515 = vector.shape_cast %xor3A_514 : vector<16xi32> to vector<16x1xi32>
          %gather3A_516 = vector.shape_cast %reshape3A_515 : vector<16x1xi32> to vector<16xi32>
          %gather3A_517 = tpu.dynamic_gather %add3A_510[%gather3A_516] in [0] : vector<16xf32>, vector<16xi32> -> vector<16xf32>
          %add3A_518 = arith.addf %add3A_510, %gather3A_517 : vector<16xf32>
          %mul3A_519 = arith.constant 7.812500e-03 : f32
          %mul3A_520 = vector.broadcast %mul3A_519 : f32 to vector<16xf32>
          %mul3A_521 = arith.mulf %add3A_486, %mul3A_520 : vector<16xf32>
          %mul3A_522 = arith.constant 7.812500e-03 : f32
          %mul3A_523 = vector.broadcast %mul3A_522 : f32 to vector<16xf32>
          %mul3A_524 = arith.mulf %add3A_518, %mul3A_523 : vector<16xf32>
          %mul3A_525 = arith.mulf %mul3A_521, %mul3A_521 : vector<16xf32>
          %sub3A_526 = arith.subf %mul3A_524, %mul3A_525 : vector<16xf32>
          %max3A_527 = arith.constant 0.000000e+00 : f32
          %max3A_528 = vector.broadcast %max3A_527 : f32 to vector<16xf32>
          %max3A_529 = arith.maximumf %sub3A_526, %max3A_528 : vector<16xf32>
          %add3A_530 = arith.constant 9.99999996E-13 : f32
          %add3A_531 = vector.broadcast %add3A_530 : f32 to vector<16xf32>
          %add3A_532 = arith.addf %max3A_529, %add3A_531 : vector<16xf32>
          %bitcast_convert_type3A_533 = tpu.bitcast %add3A_532 : vector<16xf32> -> vector<16xi32>
          %shift_right_arithmetic3A_534 = arith.constant 1 : i32
          %shift_right_arithmetic3A_535 = vector.broadcast %shift_right_arithmetic3A_534 : i32 to vector<16xi32>
          %shift_right_arithmetic3A_536 = arith.shrsi %bitcast_convert_type3A_533, %shift_right_arithmetic3A_535 : vector<16xi32>
          %sub3A_537 = arith.constant 1597463007 : i32
          %sub3A_538 = vector.broadcast %sub3A_537 : i32 to vector<16xi32>
          %sub3A_539 = arith.subi %sub3A_538, %shift_right_arithmetic3A_536 : vector<16xi32>
          %bitcast_convert_type3A_540 = tpu.bitcast %sub3A_539 : vector<16xi32> -> vector<16xf32>
          %mul3A_541 = arith.constant 5.000000e-01 : f32
          %mul3A_542 = vector.broadcast %mul3A_541 : f32 to vector<16xf32>
          %mul3A_543 = arith.mulf %mul3A_542, %add3A_532 : vector<16xf32>
          %mul3A_544 = arith.mulf %bitcast_convert_type3A_540, %bitcast_convert_type3A_540 : vector<16xf32>
          %mul3A_545 = arith.mulf %mul3A_543, %mul3A_544 : vector<16xf32>
          %sub3A_546 = arith.constant 1.500000e+00 : f32
          %sub3A_547 = vector.broadcast %sub3A_546 : f32 to vector<16xf32>
          %sub3A_548 = arith.subf %sub3A_547, %mul3A_545 : vector<16xf32>
          %mul3A_549 = arith.mulf %bitcast_convert_type3A_540, %sub3A_548 : vector<16xf32>
          %mul3A_550 = arith.mulf %mul3A_549, %mul3A_549 : vector<16xf32>
          %mul3A_551 = arith.mulf %mul3A_543, %mul3A_550 : vector<16xf32>
          %sub3A_552 = arith.constant 1.500000e+00 : f32
          %sub3A_553 = vector.broadcast %sub3A_552 : f32 to vector<16xf32>
          %sub3A_554 = arith.subf %sub3A_553, %mul3A_551 : vector<16xf32>
          %mul3A_555 = arith.mulf %mul3A_549, %sub3A_554 : vector<16xf32>
          %mul3A_556 = arith.mulf %mul3A_555, %get3A_24 : vector<16xf32>
          %sub3A_557 = arith.subf %get3A_404, %mul3A_521 : vector<16xf32>
          %mul3A_558 = arith.mulf %sub3A_557, %mul3A_556 : vector<16xf32>
          %add3A_559 = arith.addf %mul3A_558, %get3A_48 : vector<16xf32>
          %swap3A_560 = arith.index_cast %add3A_400 : i32 to index
          %swap3A_561 = arith.constant 0 : index
          %swap3A_562 = tpu.vector_load %arg8[%swap3A_560, %swap3A_561] {strides = array<i32>} : memref<200x128xf32, #tpu.memory_space<vmem>>, vector<1x16xf32>,
          %swap3A_563 = vector.shape_cast %swap3A_562 : vector<1x16xf32> to vector<16xf32>
          %swap3A_564 = vector.shape_cast %add3A_559 : vector<16xf32> to vector<1x16xf32>
          tpu.vector_store %arg8[%swap3A_560, %swap3A_561], %swap3A_564 {strides = array<i32>} : memref<200x128xf32, #tpu.memory_space<vmem>>, vector<1x16xf32>,
          %mul3A_565 = arith.mulf %mul3A_555, %get3A_27 : vector<16xf32>
          %sub3A_566 = arith.subf %get3A_408, %mul3A_521 : vector<16xf32>
          %mul3A_567 = arith.mulf %sub3A_566, %mul3A_565 : vector<16xf32>
          %add3A_568 = arith.addf %mul3A_567, %get3A_51 : vector<16xf32>
          %swap3A_569 = arith.index_cast %add3A_400 : i32 to index
          %swap3A_570 = arith.constant 16 : index
          %swap3A_571 = tpu.vector_load %arg8[%swap3A_569, %swap3A_570] {strides = array<i32>} : memref<200x128xf32, #tpu.memory_space<vmem>>, vector<1x16xf32>,
          %swap3A_572 = vector.shape_cast %swap3A_571 : vector<1x16xf32> to vector<16xf32>
          %swap3A_573 = vector.shape_cast %add3A_568 : vector<16xf32> to vector<1x16xf32>
          tpu.vector_store %arg8[%swap3A_569, %swap3A_570], %swap3A_573 {strides = array<i32>} : memref<200x128xf32, #tpu.memory_space<vmem>>, vector<1x16xf32>,
          %mul3A_574 = arith.mulf %mul3A_555, %get3A_30 : vector<16xf32>
          %sub3A_575 = arith.subf %get3A_412, %mul3A_521 : vector<16xf32>
          %mul3A_576 = arith.mulf %sub3A_575, %mul3A_574 : vector<16xf32>
          %add3A_577 = arith.addf %mul3A_576, %get3A_54 : vector<16xf32>
          %swap3A_578 = arith.index_cast %add3A_400 : i32 to index
          %swap3A_579 = arith.constant 32 : index
          %swap3A_580 = tpu.vector_load %arg8[%swap3A_578, %swap3A_579] {strides = array<i32>} : memref<200x128xf32, #tpu.memory_space<vmem>>, vector<1x16xf32>,
          %swap3A_581 = vector.shape_cast %swap3A_580 : vector<1x16xf32> to vector<16xf32>
          %swap3A_582 = vector.shape_cast %add3A_577 : vector<16xf32> to vector<1x16xf32>
          tpu.vector_store %arg8[%swap3A_578, %swap3A_579], %swap3A_582 {strides = array<i32>} : memref<200x128xf32, #tpu.memory_space<vmem>>, vector<1x16xf32>,
          %mul3A_583 = arith.mulf %mul3A_555, %get3A_33 : vector<16xf32>
          %sub3A_584 = arith.subf %get3A_416, %mul3A_521 : vector<16xf32>
          %mul3A_585 = arith.mulf %sub3A_584, %mul3A_583 : vector<16xf32>
          %add3A_586 = arith.addf %mul3A_585, %get3A_57 : vector<16xf32>
          %swap3A_587 = arith.index_cast %add3A_400 : i32 to index
          %swap3A_588 = arith.constant 48 : index
          %swap3A_589 = tpu.vector_load %arg8[%swap3A_587, %swap3A_588] {strides = array<i32>} : memref<200x128xf32, #tpu.memory_space<vmem>>, vector<1x16xf32>,
          %swap3A_590 = vector.shape_cast %swap3A_589 : vector<1x16xf32> to vector<16xf32>
          %swap3A_591 = vector.shape_cast %add3A_586 : vector<16xf32> to vector<1x16xf32>
          tpu.vector_store %arg8[%swap3A_587, %swap3A_588], %swap3A_591 {strides = array<i32>} : memref<200x128xf32, #tpu.memory_space<vmem>>, vector<1x16xf32>,
          %mul3A_592 = arith.mulf %mul3A_555, %get3A_36 : vector<16xf32>
          %sub3A_593 = arith.subf %get3A_420, %mul3A_521 : vector<16xf32>
          %mul3A_594 = arith.mulf %sub3A_593, %mul3A_592 : vector<16xf32>
          %add3A_595 = arith.addf %mul3A_594, %get3A_60 : vector<16xf32>
          %swap3A_596 = arith.index_cast %add3A_400 : i32 to index
          %swap3A_597 = arith.constant 64 : index
          %swap3A_598 = tpu.vector_load %arg8[%swap3A_596, %swap3A_597] {strides = array<i32>} : memref<200x128xf32, #tpu.memory_space<vmem>>, vector<1x16xf32>,
          %swap3A_599 = vector.shape_cast %swap3A_598 : vector<1x16xf32> to vector<16xf32>
          %swap3A_600 = vector.shape_cast %add3A_595 : vector<16xf32> to vector<1x16xf32>
          tpu.vector_store %arg8[%swap3A_596, %swap3A_597], %swap3A_600 {strides = array<i32>} : memref<200x128xf32, #tpu.memory_space<vmem>>, vector<1x16xf32>,
          %mul3A_601 = arith.mulf %mul3A_555, %get3A_39 : vector<16xf32>
          %sub3A_602 = arith.subf %get3A_424, %mul3A_521 : vector<16xf32>
          %mul3A_603 = arith.mulf %sub3A_602, %mul3A_601 : vector<16xf32>
          %add3A_604 = arith.addf %mul3A_603, %get3A_63 : vector<16xf32>
          %swap3A_605 = arith.index_cast %add3A_400 : i32 to index
          %swap3A_606 = arith.constant 80 : index
          %swap3A_607 = tpu.vector_load %arg8[%swap3A_605, %swap3A_606] {strides = array<i32>} : memref<200x128xf32, #tpu.memory_space<vmem>>, vector<1x16xf32>,
          %swap3A_608 = vector.shape_cast %swap3A_607 : vector<1x16xf32> to vector<16xf32>
          %swap3A_609 = vector.shape_cast %add3A_604 : vector<16xf32> to vector<1x16xf32>
          tpu.vector_store %arg8[%swap3A_605, %swap3A_606], %swap3A_609 {strides = array<i32>} : memref<200x128xf32, #tpu.memory_space<vmem>>, vector<1x16xf32>,
          %mul3A_610 = arith.mulf %mul3A_555, %get3A_42 : vector<16xf32>
          %sub3A_611 = arith.subf %get3A_428, %mul3A_521 : vector<16xf32>
          %mul3A_612 = arith.mulf %sub3A_611, %mul3A_610 : vector<16xf32>
          %add3A_613 = arith.addf %mul3A_612, %get3A_66 : vector<16xf32>
          %swap3A_614 = arith.index_cast %add3A_400 : i32 to index
          %swap3A_615 = arith.constant 96 : index
          %swap3A_616 = tpu.vector_load %arg8[%swap3A_614, %swap3A_615] {strides = array<i32>} : memref<200x128xf32, #tpu.memory_space<vmem>>, vector<1x16xf32>,
          %swap3A_617 = vector.shape_cast %swap3A_616 : vector<1x16xf32> to vector<16xf32>
          %swap3A_618 = vector.shape_cast %add3A_613 : vector<16xf32> to vector<1x16xf32>
          tpu.vector_store %arg8[%swap3A_614, %swap3A_615], %swap3A_618 {strides = array<i32>} : memref<200x128xf32, #tpu.memory_space<vmem>>, vector<1x16xf32>,
          %mul3A_619 = arith.mulf %mul3A_555, %get3A_45 : vector<16xf32>
          %sub3A_620 = arith.subf %get3A_432, %mul3A_521 : vector<16xf32>
          %mul3A_621 = arith.mulf %sub3A_620, %mul3A_619 : vector<16xf32>
          %add3A_622 = arith.addf %mul3A_621, %get3A_69 : vector<16xf32>
          %swap3A_623 = arith.index_cast %add3A_400 : i32 to index
          %swap3A_624 = arith.constant 112 : index
          %swap3A_625 = tpu.vector_load %arg8[%swap3A_623, %swap3A_624] {strides = array<i32>} : memref<200x128xf32, #tpu.memory_space<vmem>>, vector<1x16xf32>,
          %swap3A_626 = vector.shape_cast %swap3A_625 : vector<1x16xf32> to vector<16xf32>
          %swap3A_627 = vector.shape_cast %add3A_622 : vector<16xf32> to vector<1x16xf32>
          tpu.vector_store %arg8[%swap3A_623, %swap3A_624], %swap3A_627 {strides = array<i32>} : memref<200x128xf32, #tpu.memory_space<vmem>>, vector<1x16xf32>,
          %mul3A_628 = arith.constant 4 : i32
          %mul3A_629 = arith.muli %scan3A_173, %mul3A_628 : i32
          %add3A_630 = arith.constant 2 : i32
          %add3A_631 = arith.addi %mul3A_629, %add3A_630 : i32
          %get3A_632 = arith.index_cast %add3A_631 : i32 to index
          %get3A_633 = arith.constant 0 : index
          %get3A_634 = tpu.vector_load %arg8[%get3A_632, %get3A_633] {strides = array<i32>} : memref<200x128xf32, #tpu.memory_space<vmem>>, vector<1x16xf32>,
          %get3A_635 = vector.shape_cast %get3A_634 : vector<1x16xf32> to vector<16xf32>
          %get3A_636 = arith.index_cast %add3A_631 : i32 to index
          %get3A_637 = arith.constant 16 : index
          %get3A_638 = tpu.vector_load %arg8[%get3A_636, %get3A_637] {strides = array<i32>} : memref<200x128xf32, #tpu.memory_space<vmem>>, vector<1x16xf32>,
          %get3A_639 = vector.shape_cast %get3A_638 : vector<1x16xf32> to vector<16xf32>
          %get3A_640 = arith.index_cast %add3A_631 : i32 to index
          %get3A_641 = arith.constant 32 : index
          %get3A_642 = tpu.vector_load %arg8[%get3A_640, %get3A_641] {strides = array<i32>} : memref<200x128xf32, #tpu.memory_space<vmem>>, vector<1x16xf32>,
          %get3A_643 = vector.shape_cast %get3A_642 : vector<1x16xf32> to vector<16xf32>
          %get3A_644 = arith.index_cast %add3A_631 : i32 to index
          %get3A_645 = arith.constant 48 : index
          %get3A_646 = tpu.vector_load %arg8[%get3A_644, %get3A_645] {strides = array<i32>} : memref<200x128xf32, #tpu.memory_space<vmem>>, vector<1x16xf32>,
          %get3A_647 = vector.shape_cast %get3A_646 : vector<1x16xf32> to vector<16xf32>
          %get3A_648 = arith.index_cast %add3A_631 : i32 to index
          %get3A_649 = arith.constant 64 : index
          %get3A_650 = tpu.vector_load %arg8[%get3A_648, %get3A_649] {strides = array<i32>} : memref<200x128xf32, #tpu.memory_space<vmem>>, vector<1x16xf32>,
          %get3A_651 = vector.shape_cast %get3A_650 : vector<1x16xf32> to vector<16xf32>
          %get3A_652 = arith.index_cast %add3A_631 : i32 to index
          %get3A_653 = arith.constant 80 : index
          %get3A_654 = tpu.vector_load %arg8[%get3A_652, %get3A_653] {strides = array<i32>} : memref<200x128xf32, #tpu.memory_space<vmem>>, vector<1x16xf32>,
          %get3A_655 = vector.shape_cast %get3A_654 : vector<1x16xf32> to vector<16xf32>
          %get3A_656 = arith.index_cast %add3A_631 : i32 to index
          %get3A_657 = arith.constant 96 : index
          %get3A_658 = tpu.vector_load %arg8[%get3A_656, %get3A_657] {strides = array<i32>} : memref<200x128xf32, #tpu.memory_space<vmem>>, vector<1x16xf32>,
          %get3A_659 = vector.shape_cast %get3A_658 : vector<1x16xf32> to vector<16xf32>
          %get3A_660 = arith.index_cast %add3A_631 : i32 to index
          %get3A_661 = arith.constant 112 : index
          %get3A_662 = tpu.vector_load %arg8[%get3A_660, %get3A_661] {strides = array<i32>} : memref<200x128xf32, #tpu.memory_space<vmem>>, vector<1x16xf32>,
          %get3A_663 = vector.shape_cast %get3A_662 : vector<1x16xf32> to vector<16xf32>
          %add3A_664 = arith.addf %get3A_635, %get3A_639 : vector<16xf32>
          %add3A_665 = arith.addf %get3A_643, %get3A_647 : vector<16xf32>
          %add3A_666 = arith.addf %add3A_664, %add3A_665 : vector<16xf32>
          %add3A_667 = arith.addf %get3A_651, %get3A_655 : vector<16xf32>
          %add3A_668 = arith.addf %get3A_659, %get3A_663 : vector<16xf32>
          %add3A_669 = arith.addf %add3A_667, %add3A_668 : vector<16xf32>
          %add3A_670 = arith.addf %add3A_666, %add3A_669 : vector<16xf32>
          %mul3A_671 = arith.mulf %get3A_635, %get3A_635 : vector<16xf32>
          %mul3A_672 = arith.mulf %get3A_639, %get3A_639 : vector<16xf32>
          %add3A_673 = arith.addf %mul3A_671, %mul3A_672 : vector<16xf32>
          %mul3A_674 = arith.mulf %get3A_643, %get3A_643 : vector<16xf32>
          %mul3A_675 = arith.mulf %get3A_647, %get3A_647 : vector<16xf32>
          %add3A_676 = arith.addf %mul3A_674, %mul3A_675 : vector<16xf32>
          %add3A_677 = arith.addf %add3A_673, %add3A_676 : vector<16xf32>
          %mul3A_678 = arith.mulf %get3A_651, %get3A_651 : vector<16xf32>
          %mul3A_679 = arith.mulf %get3A_655, %get3A_655 : vector<16xf32>
          %add3A_680 = arith.addf %mul3A_678, %mul3A_679 : vector<16xf32>
          %mul3A_681 = arith.mulf %get3A_659, %get3A_659 : vector<16xf32>
          %mul3A_682 = arith.mulf %get3A_663, %get3A_663 : vector<16xf32>
          %add3A_683 = arith.addf %mul3A_681, %mul3A_682 : vector<16xf32>
          %add3A_684 = arith.addf %add3A_680, %add3A_683 : vector<16xf32>
          %add3A_685 = arith.addf %add3A_677, %add3A_684 : vector<16xf32>
          %iota3A_686 = tpu.iota {dimensions = array<i32: 0>} : vector<16xi32>
          %xor3A_687 = arith.constant 8 : i32
          %xor3A_688 = vector.broadcast %xor3A_687 : i32 to vector<16xi32>
          %xor3A_689 = arith.xori %iota3A_686, %xor3A_688 : vector<16xi32>
          %reshape3A_690 = vector.shape_cast %xor3A_689 : vector<16xi32> to vector<16x1xi32>
          %gather3A_691 = vector.shape_cast %reshape3A_690 : vector<16x1xi32> to vector<16xi32>
          %gather3A_692 = tpu.dynamic_gather %add3A_670[%gather3A_691] in [0] : vector<16xf32>, vector<16xi32> -> vector<16xf32>
          %add3A_693 = arith.addf %add3A_670, %gather3A_692 : vector<16xf32>
          %iota3A_694 = tpu.iota {dimensions = array<i32: 0>} : vector<16xi32>
          %xor3A_695 = arith.constant 4 : i32
          %xor3A_696 = vector.broadcast %xor3A_695 : i32 to vector<16xi32>
          %xor3A_697 = arith.xori %iota3A_694, %xor3A_696 : vector<16xi32>
          %reshape3A_698 = vector.shape_cast %xor3A_697 : vector<16xi32> to vector<16x1xi32>
          %gather3A_699 = vector.shape_cast %reshape3A_698 : vector<16x1xi32> to vector<16xi32>
          %gather3A_700 = tpu.dynamic_gather %add3A_693[%gather3A_699] in [0] : vector<16xf32>, vector<16xi32> -> vector<16xf32>
          %add3A_701 = arith.addf %add3A_693, %gather3A_700 : vector<16xf32>
          %iota3A_702 = tpu.iota {dimensions = array<i32: 0>} : vector<16xi32>
          %xor3A_703 = arith.constant 2 : i32
          %xor3A_704 = vector.broadcast %xor3A_703 : i32 to vector<16xi32>
          %xor3A_705 = arith.xori %iota3A_702, %xor3A_704 : vector<16xi32>
          %reshape3A_706 = vector.shape_cast %xor3A_705 : vector<16xi32> to vector<16x1xi32>
          %gather3A_707 = vector.shape_cast %reshape3A_706 : vector<16x1xi32> to vector<16xi32>
          %gather3A_708 = tpu.dynamic_gather %add3A_701[%gather3A_707] in [0] : vector<16xf32>, vector<16xi32> -> vector<16xf32>
          %add3A_709 = arith.addf %add3A_701, %gather3A_708 : vector<16xf32>
          %iota3A_710 = tpu.iota {dimensions = array<i32: 0>} : vector<16xi32>
          %xor3A_711 = arith.constant 1 : i32
          %xor3A_712 = vector.broadcast %xor3A_711 : i32 to vector<16xi32>
          %xor3A_713 = arith.xori %iota3A_710, %xor3A_712 : vector<16xi32>
          %reshape3A_714 = vector.shape_cast %xor3A_713 : vector<16xi32> to vector<16x1xi32>
          %gather3A_715 = vector.shape_cast %reshape3A_714 : vector<16x1xi32> to vector<16xi32>
          %gather3A_716 = tpu.dynamic_gather %add3A_709[%gather3A_715] in [0] : vector<16xf32>, vector<16xi32> -> vector<16xf32>
          %add3A_717 = arith.addf %add3A_709, %gather3A_716 : vector<16xf32>
          %iota3A_718 = tpu.iota {dimensions = array<i32: 0>} : vector<16xi32>
          %xor3A_719 = arith.constant 8 : i32
          %xor3A_720 = vector.broadcast %xor3A_719 : i32 to vector<16xi32>
          %xor3A_721 = arith.xori %iota3A_718, %xor3A_720 : vector<16xi32>
          %reshape3A_722 = vector.shape_cast %xor3A_721 : vector<16xi32> to vector<16x1xi32>
          %gather3A_723 = vector.shape_cast %reshape3A_722 : vector<16x1xi32> to vector<16xi32>
          %gather3A_724 = tpu.dynamic_gather %add3A_685[%gather3A_723] in [0] : vector<16xf32>, vector<16xi32> -> vector<16xf32>
          %add3A_725 = arith.addf %add3A_685, %gather3A_724 : vector<16xf32>
          %iota3A_726 = tpu.iota {dimensions = array<i32: 0>} : vector<16xi32>
          %xor3A_727 = arith.constant 4 : i32
          %xor3A_728 = vector.broadcast %xor3A_727 : i32 to vector<16xi32>
          %xor3A_729 = arith.xori %iota3A_726, %xor3A_728 : vector<16xi32>
          %reshape3A_730 = vector.shape_cast %xor3A_729 : vector<16xi32> to vector<16x1xi32>
          %gather3A_731 = vector.shape_cast %reshape3A_730 : vector<16x1xi32> to vector<16xi32>
          %gather3A_732 = tpu.dynamic_gather %add3A_725[%gather3A_731] in [0] : vector<16xf32>, vector<16xi32> -> vector<16xf32>
          %add3A_733 = arith.addf %add3A_725, %gather3A_732 : vector<16xf32>
          %iota3A_734 = tpu.iota {dimensions = array<i32: 0>} : vector<16xi32>
          %xor3A_735 = arith.constant 2 : i32
          %xor3A_736 = vector.broadcast %xor3A_735 : i32 to vector<16xi32>
          %xor3A_737 = arith.xori %iota3A_734, %xor3A_736 : vector<16xi32>
          %reshape3A_738 = vector.shape_cast %xor3A_737 : vector<16xi32> to vector<16x1xi32>
          %gather3A_739 = vector.shape_cast %reshape3A_738 : vector<16x1xi32> to vector<16xi32>
          %gather3A_740 = tpu.dynamic_gather %add3A_733[%gather3A_739] in [0] : vector<16xf32>, vector<16xi32> -> vector<16xf32>
          %add3A_741 = arith.addf %add3A_733, %gather3A_740 : vector<16xf32>
          %iota3A_742 = tpu.iota {dimensions = array<i32: 0>} : vector<16xi32>
          %xor3A_743 = arith.constant 1 : i32
          %xor3A_744 = vector.broadcast %xor3A_743 : i32 to vector<16xi32>
          %xor3A_745 = arith.xori %iota3A_742, %xor3A_744 : vector<16xi32>
          %reshape3A_746 = vector.shape_cast %xor3A_745 : vector<16xi32> to vector<16x1xi32>
          %gather3A_747 = vector.shape_cast %reshape3A_746 : vector<16x1xi32> to vector<16xi32>
          %gather3A_748 = tpu.dynamic_gather %add3A_741[%gather3A_747] in [0] : vector<16xf32>, vector<16xi32> -> vector<16xf32>
          %add3A_749 = arith.addf %add3A_741, %gather3A_748 : vector<16xf32>
          %mul3A_750 = arith.constant 7.812500e-03 : f32
          %mul3A_751 = vector.broadcast %mul3A_750 : f32 to vector<16xf32>
          %mul3A_752 = arith.mulf %add3A_717, %mul3A_751 : vector<16xf32>
          %mul3A_753 = arith.constant 7.812500e-03 : f32
          %mul3A_754 = vector.broadcast %mul3A_753 : f32 to vector<16xf32>
          %mul3A_755 = arith.mulf %add3A_749, %mul3A_754 : vector<16xf32>
          %mul3A_756 = arith.mulf %mul3A_752, %mul3A_752 : vector<16xf32>
          %sub3A_757 = arith.subf %mul3A_755, %mul3A_756 : vector<16xf32>
          %max3A_758 = arith.constant 0.000000e+00 : f32
          %max3A_759 = vector.broadcast %max3A_758 : f32 to vector<16xf32>
          %max3A_760 = arith.maximumf %sub3A_757, %max3A_759 : vector<16xf32>
          %add3A_761 = arith.constant 9.99999996E-13 : f32
          %add3A_762 = vector.broadcast %add3A_761 : f32 to vector<16xf32>
          %add3A_763 = arith.addf %max3A_760, %add3A_762 : vector<16xf32>
          %bitcast_convert_type3A_764 = tpu.bitcast %add3A_763 : vector<16xf32> -> vector<16xi32>
          %shift_right_arithmetic3A_765 = arith.constant 1 : i32
          %shift_right_arithmetic3A_766 = vector.broadcast %shift_right_arithmetic3A_765 : i32 to vector<16xi32>
          %shift_right_arithmetic3A_767 = arith.shrsi %bitcast_convert_type3A_764, %shift_right_arithmetic3A_766 : vector<16xi32>
          %sub3A_768 = arith.constant 1597463007 : i32
          %sub3A_769 = vector.broadcast %sub3A_768 : i32 to vector<16xi32>
          %sub3A_770 = arith.subi %sub3A_769, %shift_right_arithmetic3A_767 : vector<16xi32>
          %bitcast_convert_type3A_771 = tpu.bitcast %sub3A_770 : vector<16xi32> -> vector<16xf32>
          %mul3A_772 = arith.constant 5.000000e-01 : f32
          %mul3A_773 = vector.broadcast %mul3A_772 : f32 to vector<16xf32>
          %mul3A_774 = arith.mulf %mul3A_773, %add3A_763 : vector<16xf32>
          %mul3A_775 = arith.mulf %bitcast_convert_type3A_771, %bitcast_convert_type3A_771 : vector<16xf32>
          %mul3A_776 = arith.mulf %mul3A_774, %mul3A_775 : vector<16xf32>
          %sub3A_777 = arith.constant 1.500000e+00 : f32
          %sub3A_778 = vector.broadcast %sub3A_777 : f32 to vector<16xf32>
          %sub3A_779 = arith.subf %sub3A_778, %mul3A_776 : vector<16xf32>
          %mul3A_780 = arith.mulf %bitcast_convert_type3A_771, %sub3A_779 : vector<16xf32>
          %mul3A_781 = arith.mulf %mul3A_780, %mul3A_780 : vector<16xf32>
          %mul3A_782 = arith.mulf %mul3A_774, %mul3A_781 : vector<16xf32>
          %sub3A_783 = arith.constant 1.500000e+00 : f32
          %sub3A_784 = vector.broadcast %sub3A_783 : f32 to vector<16xf32>
          %sub3A_785 = arith.subf %sub3A_784, %mul3A_782 : vector<16xf32>
          %mul3A_786 = arith.mulf %mul3A_780, %sub3A_785 : vector<16xf32>
          %mul3A_787 = arith.mulf %mul3A_786, %get3A_24 : vector<16xf32>
          %sub3A_788 = arith.subf %get3A_635, %mul3A_752 : vector<16xf32>
          %mul3A_789 = arith.mulf %sub3A_788, %mul3A_787 : vector<16xf32>
          %add3A_790 = arith.addf %mul3A_789, %get3A_48 : vector<16xf32>
          %swap3A_791 = arith.index_cast %add3A_631 : i32 to index
          %swap3A_792 = arith.constant 0 : index
          %swap3A_793 = tpu.vector_load %arg8[%swap3A_791, %swap3A_792] {strides = array<i32>} : memref<200x128xf32, #tpu.memory_space<vmem>>, vector<1x16xf32>,
          %swap3A_794 = vector.shape_cast %swap3A_793 : vector<1x16xf32> to vector<16xf32>
          %swap3A_795 = vector.shape_cast %add3A_790 : vector<16xf32> to vector<1x16xf32>
          tpu.vector_store %arg8[%swap3A_791, %swap3A_792], %swap3A_795 {strides = array<i32>} : memref<200x128xf32, #tpu.memory_space<vmem>>, vector<1x16xf32>,
          %mul3A_796 = arith.mulf %mul3A_786, %get3A_27 : vector<16xf32>
          %sub3A_797 = arith.subf %get3A_639, %mul3A_752 : vector<16xf32>
          %mul3A_798 = arith.mulf %sub3A_797, %mul3A_796 : vector<16xf32>
          %add3A_799 = arith.addf %mul3A_798, %get3A_51 : vector<16xf32>
          %swap3A_800 = arith.index_cast %add3A_631 : i32 to index
          %swap3A_801 = arith.constant 16 : index
          %swap3A_802 = tpu.vector_load %arg8[%swap3A_800, %swap3A_801] {strides = array<i32>} : memref<200x128xf32, #tpu.memory_space<vmem>>, vector<1x16xf32>,
          %swap3A_803 = vector.shape_cast %swap3A_802 : vector<1x16xf32> to vector<16xf32>
          %swap3A_804 = vector.shape_cast %add3A_799 : vector<16xf32> to vector<1x16xf32>
          tpu.vector_store %arg8[%swap3A_800, %swap3A_801], %swap3A_804 {strides = array<i32>} : memref<200x128xf32, #tpu.memory_space<vmem>>, vector<1x16xf32>,
          %mul3A_805 = arith.mulf %mul3A_786, %get3A_30 : vector<16xf32>
          %sub3A_806 = arith.subf %get3A_643, %mul3A_752 : vector<16xf32>
          %mul3A_807 = arith.mulf %sub3A_806, %mul3A_805 : vector<16xf32>
          %add3A_808 = arith.addf %mul3A_807, %get3A_54 : vector<16xf32>
          %swap3A_809 = arith.index_cast %add3A_631 : i32 to index
          %swap3A_810 = arith.constant 32 : index
          %swap3A_811 = tpu.vector_load %arg8[%swap3A_809, %swap3A_810] {strides = array<i32>} : memref<200x128xf32, #tpu.memory_space<vmem>>, vector<1x16xf32>,
          %swap3A_812 = vector.shape_cast %swap3A_811 : vector<1x16xf32> to vector<16xf32>
          %swap3A_813 = vector.shape_cast %add3A_808 : vector<16xf32> to vector<1x16xf32>
          tpu.vector_store %arg8[%swap3A_809, %swap3A_810], %swap3A_813 {strides = array<i32>} : memref<200x128xf32, #tpu.memory_space<vmem>>, vector<1x16xf32>,
          %mul3A_814 = arith.mulf %mul3A_786, %get3A_33 : vector<16xf32>
          %sub3A_815 = arith.subf %get3A_647, %mul3A_752 : vector<16xf32>
          %mul3A_816 = arith.mulf %sub3A_815, %mul3A_814 : vector<16xf32>
          %add3A_817 = arith.addf %mul3A_816, %get3A_57 : vector<16xf32>
          %swap3A_818 = arith.index_cast %add3A_631 : i32 to index
          %swap3A_819 = arith.constant 48 : index
          %swap3A_820 = tpu.vector_load %arg8[%swap3A_818, %swap3A_819] {strides = array<i32>} : memref<200x128xf32, #tpu.memory_space<vmem>>, vector<1x16xf32>,
          %swap3A_821 = vector.shape_cast %swap3A_820 : vector<1x16xf32> to vector<16xf32>
          %swap3A_822 = vector.shape_cast %add3A_817 : vector<16xf32> to vector<1x16xf32>
          tpu.vector_store %arg8[%swap3A_818, %swap3A_819], %swap3A_822 {strides = array<i32>} : memref<200x128xf32, #tpu.memory_space<vmem>>, vector<1x16xf32>,
          %mul3A_823 = arith.mulf %mul3A_786, %get3A_36 : vector<16xf32>
          %sub3A_824 = arith.subf %get3A_651, %mul3A_752 : vector<16xf32>
          %mul3A_825 = arith.mulf %sub3A_824, %mul3A_823 : vector<16xf32>
          %add3A_826 = arith.addf %mul3A_825, %get3A_60 : vector<16xf32>
          %swap3A_827 = arith.index_cast %add3A_631 : i32 to index
          %swap3A_828 = arith.constant 64 : index
          %swap3A_829 = tpu.vector_load %arg8[%swap3A_827, %swap3A_828] {strides = array<i32>} : memref<200x128xf32, #tpu.memory_space<vmem>>, vector<1x16xf32>,
          %swap3A_830 = vector.shape_cast %swap3A_829 : vector<1x16xf32> to vector<16xf32>
          %swap3A_831 = vector.shape_cast %add3A_826 : vector<16xf32> to vector<1x16xf32>
          tpu.vector_store %arg8[%swap3A_827, %swap3A_828], %swap3A_831 {strides = array<i32>} : memref<200x128xf32, #tpu.memory_space<vmem>>, vector<1x16xf32>,
          %mul3A_832 = arith.mulf %mul3A_786, %get3A_39 : vector<16xf32>
          %sub3A_833 = arith.subf %get3A_655, %mul3A_752 : vector<16xf32>
          %mul3A_834 = arith.mulf %sub3A_833, %mul3A_832 : vector<16xf32>
          %add3A_835 = arith.addf %mul3A_834, %get3A_63 : vector<16xf32>
          %swap3A_836 = arith.index_cast %add3A_631 : i32 to index
          %swap3A_837 = arith.constant 80 : index
          %swap3A_838 = tpu.vector_load %arg8[%swap3A_836, %swap3A_837] {strides = array<i32>} : memref<200x128xf32, #tpu.memory_space<vmem>>, vector<1x16xf32>,
          %swap3A_839 = vector.shape_cast %swap3A_838 : vector<1x16xf32> to vector<16xf32>
          %swap3A_840 = vector.shape_cast %add3A_835 : vector<16xf32> to vector<1x16xf32>
          tpu.vector_store %arg8[%swap3A_836, %swap3A_837], %swap3A_840 {strides = array<i32>} : memref<200x128xf32, #tpu.memory_space<vmem>>, vector<1x16xf32>,
          %mul3A_841 = arith.mulf %mul3A_786, %get3A_42 : vector<16xf32>
          %sub3A_842 = arith.subf %get3A_659, %mul3A_752 : vector<16xf32>
          %mul3A_843 = arith.mulf %sub3A_842, %mul3A_841 : vector<16xf32>
          %add3A_844 = arith.addf %mul3A_843, %get3A_66 : vector<16xf32>
          %swap3A_845 = arith.index_cast %add3A_631 : i32 to index
          %swap3A_846 = arith.constant 96 : index
          %swap3A_847 = tpu.vector_load %arg8[%swap3A_845, %swap3A_846] {strides = array<i32>} : memref<200x128xf32, #tpu.memory_space<vmem>>, vector<1x16xf32>,
          %swap3A_848 = vector.shape_cast %swap3A_847 : vector<1x16xf32> to vector<16xf32>
          %swap3A_849 = vector.shape_cast %add3A_844 : vector<16xf32> to vector<1x16xf32>
          tpu.vector_store %arg8[%swap3A_845, %swap3A_846], %swap3A_849 {strides = array<i32>} : memref<200x128xf32, #tpu.memory_space<vmem>>, vector<1x16xf32>,
          %mul3A_850 = arith.mulf %mul3A_786, %get3A_45 : vector<16xf32>
          %sub3A_851 = arith.subf %get3A_663, %mul3A_752 : vector<16xf32>
          %mul3A_852 = arith.mulf %sub3A_851, %mul3A_850 : vector<16xf32>
          %add3A_853 = arith.addf %mul3A_852, %get3A_69 : vector<16xf32>
          %swap3A_854 = arith.index_cast %add3A_631 : i32 to index
          %swap3A_855 = arith.constant 112 : index
          %swap3A_856 = tpu.vector_load %arg8[%swap3A_854, %swap3A_855] {strides = array<i32>} : memref<200x128xf32, #tpu.memory_space<vmem>>, vector<1x16xf32>,
          %swap3A_857 = vector.shape_cast %swap3A_856 : vector<1x16xf32> to vector<16xf32>
          %swap3A_858 = vector.shape_cast %add3A_853 : vector<16xf32> to vector<1x16xf32>
          tpu.vector_store %arg8[%swap3A_854, %swap3A_855], %swap3A_858 {strides = array<i32>} : memref<200x128xf32, #tpu.memory_space<vmem>>, vector<1x16xf32>,
          %mul3A_859 = arith.constant 4 : i32
          %mul3A_860 = arith.muli %scan3A_173, %mul3A_859 : i32
          %add3A_861 = arith.constant 3 : i32
          %add3A_862 = arith.addi %mul3A_860, %add3A_861 : i32
          %get3A_863 = arith.index_cast %add3A_862 : i32 to index
          %get3A_864 = arith.constant 0 : index
          %get3A_865 = tpu.vector_load %arg8[%get3A_863, %get3A_864] {strides = array<i32>} : memref<200x128xf32, #tpu.memory_space<vmem>>, vector<1x16xf32>,
          %get3A_866 = vector.shape_cast %get3A_865 : vector<1x16xf32> to vector<16xf32>
          %get3A_867 = arith.index_cast %add3A_862 : i32 to index
          %get3A_868 = arith.constant 16 : index
          %get3A_869 = tpu.vector_load %arg8[%get3A_867, %get3A_868] {strides = array<i32>} : memref<200x128xf32, #tpu.memory_space<vmem>>, vector<1x16xf32>,
          %get3A_870 = vector.shape_cast %get3A_869 : vector<1x16xf32> to vector<16xf32>
          %get3A_871 = arith.index_cast %add3A_862 : i32 to index
          %get3A_872 = arith.constant 32 : index
          %get3A_873 = tpu.vector_load %arg8[%get3A_871, %get3A_872] {strides = array<i32>} : memref<200x128xf32, #tpu.memory_space<vmem>>, vector<1x16xf32>,
          %get3A_874 = vector.shape_cast %get3A_873 : vector<1x16xf32> to vector<16xf32>
          %get3A_875 = arith.index_cast %add3A_862 : i32 to index
          %get3A_876 = arith.constant 48 : index
          %get3A_877 = tpu.vector_load %arg8[%get3A_875, %get3A_876] {strides = array<i32>} : memref<200x128xf32, #tpu.memory_space<vmem>>, vector<1x16xf32>,
          %get3A_878 = vector.shape_cast %get3A_877 : vector<1x16xf32> to vector<16xf32>
          %get3A_879 = arith.index_cast %add3A_862 : i32 to index
          %get3A_880 = arith.constant 64 : index
          %get3A_881 = tpu.vector_load %arg8[%get3A_879, %get3A_880] {strides = array<i32>} : memref<200x128xf32, #tpu.memory_space<vmem>>, vector<1x16xf32>,
          %get3A_882 = vector.shape_cast %get3A_881 : vector<1x16xf32> to vector<16xf32>
          %get3A_883 = arith.index_cast %add3A_862 : i32 to index
          %get3A_884 = arith.constant 80 : index
          %get3A_885 = tpu.vector_load %arg8[%get3A_883, %get3A_884] {strides = array<i32>} : memref<200x128xf32, #tpu.memory_space<vmem>>, vector<1x16xf32>,
          %get3A_886 = vector.shape_cast %get3A_885 : vector<1x16xf32> to vector<16xf32>
          %get3A_887 = arith.index_cast %add3A_862 : i32 to index
          %get3A_888 = arith.constant 96 : index
          %get3A_889 = tpu.vector_load %arg8[%get3A_887, %get3A_888] {strides = array<i32>} : memref<200x128xf32, #tpu.memory_space<vmem>>, vector<1x16xf32>,
          %get3A_890 = vector.shape_cast %get3A_889 : vector<1x16xf32> to vector<16xf32>
          %get3A_891 = arith.index_cast %add3A_862 : i32 to index
          %get3A_892 = arith.constant 112 : index
          %get3A_893 = tpu.vector_load %arg8[%get3A_891, %get3A_892] {strides = array<i32>} : memref<200x128xf32, #tpu.memory_space<vmem>>, vector<1x16xf32>,
          %get3A_894 = vector.shape_cast %get3A_893 : vector<1x16xf32> to vector<16xf32>
          %add3A_895 = arith.addf %get3A_866, %get3A_870 : vector<16xf32>
          %add3A_896 = arith.addf %get3A_874, %get3A_878 : vector<16xf32>
          %add3A_897 = arith.addf %add3A_895, %add3A_896 : vector<16xf32>
          %add3A_898 = arith.addf %get3A_882, %get3A_886 : vector<16xf32>
          %add3A_899 = arith.addf %get3A_890, %get3A_894 : vector<16xf32>
          %add3A_900 = arith.addf %add3A_898, %add3A_899 : vector<16xf32>
          %add3A_901 = arith.addf %add3A_897, %add3A_900 : vector<16xf32>
          %mul3A_902 = arith.mulf %get3A_866, %get3A_866 : vector<16xf32>
          %mul3A_903 = arith.mulf %get3A_870, %get3A_870 : vector<16xf32>
          %add3A_904 = arith.addf %mul3A_902, %mul3A_903 : vector<16xf32>
          %mul3A_905 = arith.mulf %get3A_874, %get3A_874 : vector<16xf32>
          %mul3A_906 = arith.mulf %get3A_878, %get3A_878 : vector<16xf32>
          %add3A_907 = arith.addf %mul3A_905, %mul3A_906 : vector<16xf32>
          %add3A_908 = arith.addf %add3A_904, %add3A_907 : vector<16xf32>
          %mul3A_909 = arith.mulf %get3A_882, %get3A_882 : vector<16xf32>
          %mul3A_910 = arith.mulf %get3A_886, %get3A_886 : vector<16xf32>
          %add3A_911 = arith.addf %mul3A_909, %mul3A_910 : vector<16xf32>
          %mul3A_912 = arith.mulf %get3A_890, %get3A_890 : vector<16xf32>
          %mul3A_913 = arith.mulf %get3A_894, %get3A_894 : vector<16xf32>
          %add3A_914 = arith.addf %mul3A_912, %mul3A_913 : vector<16xf32>
          %add3A_915 = arith.addf %add3A_911, %add3A_914 : vector<16xf32>
          %add3A_916 = arith.addf %add3A_908, %add3A_915 : vector<16xf32>
          %iota3A_917 = tpu.iota {dimensions = array<i32: 0>} : vector<16xi32>
          %xor3A_918 = arith.constant 8 : i32
          %xor3A_919 = vector.broadcast %xor3A_918 : i32 to vector<16xi32>
          %xor3A_920 = arith.xori %iota3A_917, %xor3A_919 : vector<16xi32>
          %reshape3A_921 = vector.shape_cast %xor3A_920 : vector<16xi32> to vector<16x1xi32>
          %gather3A_922 = vector.shape_cast %reshape3A_921 : vector<16x1xi32> to vector<16xi32>
          %gather3A_923 = tpu.dynamic_gather %add3A_901[%gather3A_922] in [0] : vector<16xf32>, vector<16xi32> -> vector<16xf32>
          %add3A_924 = arith.addf %add3A_901, %gather3A_923 : vector<16xf32>
          %iota3A_925 = tpu.iota {dimensions = array<i32: 0>} : vector<16xi32>
          %xor3A_926 = arith.constant 4 : i32
          %xor3A_927 = vector.broadcast %xor3A_926 : i32 to vector<16xi32>
          %xor3A_928 = arith.xori %iota3A_925, %xor3A_927 : vector<16xi32>
          %reshape3A_929 = vector.shape_cast %xor3A_928 : vector<16xi32> to vector<16x1xi32>
          %gather3A_930 = vector.shape_cast %reshape3A_929 : vector<16x1xi32> to vector<16xi32>
          %gather3A_931 = tpu.dynamic_gather %add3A_924[%gather3A_930] in [0] : vector<16xf32>, vector<16xi32> -> vector<16xf32>
          %add3A_932 = arith.addf %add3A_924, %gather3A_931 : vector<16xf32>
          %iota3A_933 = tpu.iota {dimensions = array<i32: 0>} : vector<16xi32>
          %xor3A_934 = arith.constant 2 : i32
          %xor3A_935 = vector.broadcast %xor3A_934 : i32 to vector<16xi32>
          %xor3A_936 = arith.xori %iota3A_933, %xor3A_935 : vector<16xi32>
          %reshape3A_937 = vector.shape_cast %xor3A_936 : vector<16xi32> to vector<16x1xi32>
          %gather3A_938 = vector.shape_cast %reshape3A_937 : vector<16x1xi32> to vector<16xi32>
          %gather3A_939 = tpu.dynamic_gather %add3A_932[%gather3A_938] in [0] : vector<16xf32>, vector<16xi32> -> vector<16xf32>
          %add3A_940 = arith.addf %add3A_932, %gather3A_939 : vector<16xf32>
          %iota3A_941 = tpu.iota {dimensions = array<i32: 0>} : vector<16xi32>
          %xor3A_942 = arith.constant 1 : i32
          %xor3A_943 = vector.broadcast %xor3A_942 : i32 to vector<16xi32>
          %xor3A_944 = arith.xori %iota3A_941, %xor3A_943 : vector<16xi32>
          %reshape3A_945 = vector.shape_cast %xor3A_944 : vector<16xi32> to vector<16x1xi32>
          %gather3A_946 = vector.shape_cast %reshape3A_945 : vector<16x1xi32> to vector<16xi32>
          %gather3A_947 = tpu.dynamic_gather %add3A_940[%gather3A_946] in [0] : vector<16xf32>, vector<16xi32> -> vector<16xf32>
          %add3A_948 = arith.addf %add3A_940, %gather3A_947 : vector<16xf32>
          %iota3A_949 = tpu.iota {dimensions = array<i32: 0>} : vector<16xi32>
          %xor3A_950 = arith.constant 8 : i32
          %xor3A_951 = vector.broadcast %xor3A_950 : i32 to vector<16xi32>
          %xor3A_952 = arith.xori %iota3A_949, %xor3A_951 : vector<16xi32>
          %reshape3A_953 = vector.shape_cast %xor3A_952 : vector<16xi32> to vector<16x1xi32>
          %gather3A_954 = vector.shape_cast %reshape3A_953 : vector<16x1xi32> to vector<16xi32>
          %gather3A_955 = tpu.dynamic_gather %add3A_916[%gather3A_954] in [0] : vector<16xf32>, vector<16xi32> -> vector<16xf32>
          %add3A_956 = arith.addf %add3A_916, %gather3A_955 : vector<16xf32>
          %iota3A_957 = tpu.iota {dimensions = array<i32: 0>} : vector<16xi32>
          %xor3A_958 = arith.constant 4 : i32
          %xor3A_959 = vector.broadcast %xor3A_958 : i32 to vector<16xi32>
          %xor3A_960 = arith.xori %iota3A_957, %xor3A_959 : vector<16xi32>
          %reshape3A_961 = vector.shape_cast %xor3A_960 : vector<16xi32> to vector<16x1xi32>
          %gather3A_962 = vector.shape_cast %reshape3A_961 : vector<16x1xi32> to vector<16xi32>
          %gather3A_963 = tpu.dynamic_gather %add3A_956[%gather3A_962] in [0] : vector<16xf32>, vector<16xi32> -> vector<16xf32>
          %add3A_964 = arith.addf %add3A_956, %gather3A_963 : vector<16xf32>
          %iota3A_965 = tpu.iota {dimensions = array<i32: 0>} : vector<16xi32>
          %xor3A_966 = arith.constant 2 : i32
          %xor3A_967 = vector.broadcast %xor3A_966 : i32 to vector<16xi32>
          %xor3A_968 = arith.xori %iota3A_965, %xor3A_967 : vector<16xi32>
          %reshape3A_969 = vector.shape_cast %xor3A_968 : vector<16xi32> to vector<16x1xi32>
          %gather3A_970 = vector.shape_cast %reshape3A_969 : vector<16x1xi32> to vector<16xi32>
          %gather3A_971 = tpu.dynamic_gather %add3A_964[%gather3A_970] in [0] : vector<16xf32>, vector<16xi32> -> vector<16xf32>
          %add3A_972 = arith.addf %add3A_964, %gather3A_971 : vector<16xf32>
          %iota3A_973 = tpu.iota {dimensions = array<i32: 0>} : vector<16xi32>
          %xor3A_974 = arith.constant 1 : i32
          %xor3A_975 = vector.broadcast %xor3A_974 : i32 to vector<16xi32>
          %xor3A_976 = arith.xori %iota3A_973, %xor3A_975 : vector<16xi32>
          %reshape3A_977 = vector.shape_cast %xor3A_976 : vector<16xi32> to vector<16x1xi32>
          %gather3A_978 = vector.shape_cast %reshape3A_977 : vector<16x1xi32> to vector<16xi32>
          %gather3A_979 = tpu.dynamic_gather %add3A_972[%gather3A_978] in [0] : vector<16xf32>, vector<16xi32> -> vector<16xf32>
          %add3A_980 = arith.addf %add3A_972, %gather3A_979 : vector<16xf32>
          %mul3A_981 = arith.constant 7.812500e-03 : f32
          %mul3A_982 = vector.broadcast %mul3A_981 : f32 to vector<16xf32>
          %mul3A_983 = arith.mulf %add3A_948, %mul3A_982 : vector<16xf32>
          %mul3A_984 = arith.constant 7.812500e-03 : f32
          %mul3A_985 = vector.broadcast %mul3A_984 : f32 to vector<16xf32>
          %mul3A_986 = arith.mulf %add3A_980, %mul3A_985 : vector<16xf32>
          %mul3A_987 = arith.mulf %mul3A_983, %mul3A_983 : vector<16xf32>
          %sub3A_988 = arith.subf %mul3A_986, %mul3A_987 : vector<16xf32>
          %max3A_989 = arith.constant 0.000000e+00 : f32
          %max3A_990 = vector.broadcast %max3A_989 : f32 to vector<16xf32>
          %max3A_991 = arith.maximumf %sub3A_988, %max3A_990 : vector<16xf32>
          %add3A_992 = arith.constant 9.99999996E-13 : f32
          %add3A_993 = vector.broadcast %add3A_992 : f32 to vector<16xf32>
          %add3A_994 = arith.addf %max3A_991, %add3A_993 : vector<16xf32>
          %bitcast_convert_type3A_995 = tpu.bitcast %add3A_994 : vector<16xf32> -> vector<16xi32>
          %shift_right_arithmetic3A_996 = arith.constant 1 : i32
          %shift_right_arithmetic3A_997 = vector.broadcast %shift_right_arithmetic3A_996 : i32 to vector<16xi32>
          %shift_right_arithmetic3A_998 = arith.shrsi %bitcast_convert_type3A_995, %shift_right_arithmetic3A_997 : vector<16xi32>
          %sub3A_999 = arith.constant 1597463007 : i32
          %sub3A_1000 = vector.broadcast %sub3A_999 : i32 to vector<16xi32>
          %sub3A_1001 = arith.subi %sub3A_1000, %shift_right_arithmetic3A_998 : vector<16xi32>
          %bitcast_convert_type3A_1002 = tpu.bitcast %sub3A_1001 : vector<16xi32> -> vector<16xf32>
          %mul3A_1003 = arith.constant 5.000000e-01 : f32
          %mul3A_1004 = vector.broadcast %mul3A_1003 : f32 to vector<16xf32>
          %mul3A_1005 = arith.mulf %mul3A_1004, %add3A_994 : vector<16xf32>
          %mul3A_1006 = arith.mulf %bitcast_convert_type3A_1002, %bitcast_convert_type3A_1002 : vector<16xf32>
          %mul3A_1007 = arith.mulf %mul3A_1005, %mul3A_1006 : vector<16xf32>
          %sub3A_1008 = arith.constant 1.500000e+00 : f32
          %sub3A_1009 = vector.broadcast %sub3A_1008 : f32 to vector<16xf32>
          %sub3A_1010 = arith.subf %sub3A_1009, %mul3A_1007 : vector<16xf32>
          %mul3A_1011 = arith.mulf %bitcast_convert_type3A_1002, %sub3A_1010 : vector<16xf32>
          %mul3A_1012 = arith.mulf %mul3A_1011, %mul3A_1011 : vector<16xf32>
          %mul3A_1013 = arith.mulf %mul3A_1005, %mul3A_1012 : vector<16xf32>
          %sub3A_1014 = arith.constant 1.500000e+00 : f32
          %sub3A_1015 = vector.broadcast %sub3A_1014 : f32 to vector<16xf32>
          %sub3A_1016 = arith.subf %sub3A_1015, %mul3A_1013 : vector<16xf32>
          %mul3A_1017 = arith.mulf %mul3A_1011, %sub3A_1016 : vector<16xf32>
          %mul3A_1018 = arith.mulf %mul3A_1017, %get3A_24 : vector<16xf32>
          %sub3A_1019 = arith.subf %get3A_866, %mul3A_983 : vector<16xf32>
          %mul3A_1020 = arith.mulf %sub3A_1019, %mul3A_1018 : vector<16xf32>
          %add3A_1021 = arith.addf %mul3A_1020, %get3A_48 : vector<16xf32>
          %swap3A_1022 = arith.index_cast %add3A_862 : i32 to index
          %swap3A_1023 = arith.constant 0 : index
          %swap3A_1024 = tpu.vector_load %arg8[%swap3A_1022, %swap3A_1023] {strides = array<i32>} : memref<200x128xf32, #tpu.memory_space<vmem>>, vector<1x16xf32>,
          %swap3A_1025 = vector.shape_cast %swap3A_1024 : vector<1x16xf32> to vector<16xf32>
          %swap3A_1026 = vector.shape_cast %add3A_1021 : vector<16xf32> to vector<1x16xf32>
          tpu.vector_store %arg8[%swap3A_1022, %swap3A_1023], %swap3A_1026 {strides = array<i32>} : memref<200x128xf32, #tpu.memory_space<vmem>>, vector<1x16xf32>,
          %mul3A_1027 = arith.mulf %mul3A_1017, %get3A_27 : vector<16xf32>
          %sub3A_1028 = arith.subf %get3A_870, %mul3A_983 : vector<16xf32>
          %mul3A_1029 = arith.mulf %sub3A_1028, %mul3A_1027 : vector<16xf32>
          %add3A_1030 = arith.addf %mul3A_1029, %get3A_51 : vector<16xf32>
          %swap3A_1031 = arith.index_cast %add3A_862 : i32 to index
          %swap3A_1032 = arith.constant 16 : index
          %swap3A_1033 = tpu.vector_load %arg8[%swap3A_1031, %swap3A_1032] {strides = array<i32>} : memref<200x128xf32, #tpu.memory_space<vmem>>, vector<1x16xf32>,
          %swap3A_1034 = vector.shape_cast %swap3A_1033 : vector<1x16xf32> to vector<16xf32>
          %swap3A_1035 = vector.shape_cast %add3A_1030 : vector<16xf32> to vector<1x16xf32>
          tpu.vector_store %arg8[%swap3A_1031, %swap3A_1032], %swap3A_1035 {strides = array<i32>} : memref<200x128xf32, #tpu.memory_space<vmem>>, vector<1x16xf32>,
          %mul3A_1036 = arith.mulf %mul3A_1017, %get3A_30 : vector<16xf32>
          %sub3A_1037 = arith.subf %get3A_874, %mul3A_983 : vector<16xf32>
          %mul3A_1038 = arith.mulf %sub3A_1037, %mul3A_1036 : vector<16xf32>
          %add3A_1039 = arith.addf %mul3A_1038, %get3A_54 : vector<16xf32>
          %swap3A_1040 = arith.index_cast %add3A_862 : i32 to index
          %swap3A_1041 = arith.constant 32 : index
          %swap3A_1042 = tpu.vector_load %arg8[%swap3A_1040, %swap3A_1041] {strides = array<i32>} : memref<200x128xf32, #tpu.memory_space<vmem>>, vector<1x16xf32>,
          %swap3A_1043 = vector.shape_cast %swap3A_1042 : vector<1x16xf32> to vector<16xf32>
          %swap3A_1044 = vector.shape_cast %add3A_1039 : vector<16xf32> to vector<1x16xf32>
          tpu.vector_store %arg8[%swap3A_1040, %swap3A_1041], %swap3A_1044 {strides = array<i32>} : memref<200x128xf32, #tpu.memory_space<vmem>>, vector<1x16xf32>,
          %mul3A_1045 = arith.mulf %mul3A_1017, %get3A_33 : vector<16xf32>
          %sub3A_1046 = arith.subf %get3A_878, %mul3A_983 : vector<16xf32>
          %mul3A_1047 = arith.mulf %sub3A_1046, %mul3A_1045 : vector<16xf32>
          %add3A_1048 = arith.addf %mul3A_1047, %get3A_57 : vector<16xf32>
          %swap3A_1049 = arith.index_cast %add3A_862 : i32 to index
          %swap3A_1050 = arith.constant 48 : index
          %swap3A_1051 = tpu.vector_load %arg8[%swap3A_1049, %swap3A_1050] {strides = array<i32>} : memref<200x128xf32, #tpu.memory_space<vmem>>, vector<1x16xf32>,
          %swap3A_1052 = vector.shape_cast %swap3A_1051 : vector<1x16xf32> to vector<16xf32>
          %swap3A_1053 = vector.shape_cast %add3A_1048 : vector<16xf32> to vector<1x16xf32>
          tpu.vector_store %arg8[%swap3A_1049, %swap3A_1050], %swap3A_1053 {strides = array<i32>} : memref<200x128xf32, #tpu.memory_space<vmem>>, vector<1x16xf32>,
          %mul3A_1054 = arith.mulf %mul3A_1017, %get3A_36 : vector<16xf32>
          %sub3A_1055 = arith.subf %get3A_882, %mul3A_983 : vector<16xf32>
          %mul3A_1056 = arith.mulf %sub3A_1055, %mul3A_1054 : vector<16xf32>
          %add3A_1057 = arith.addf %mul3A_1056, %get3A_60 : vector<16xf32>
          %swap3A_1058 = arith.index_cast %add3A_862 : i32 to index
          %swap3A_1059 = arith.constant 64 : index
          %swap3A_1060 = tpu.vector_load %arg8[%swap3A_1058, %swap3A_1059] {strides = array<i32>} : memref<200x128xf32, #tpu.memory_space<vmem>>, vector<1x16xf32>,
          %swap3A_1061 = vector.shape_cast %swap3A_1060 : vector<1x16xf32> to vector<16xf32>
          %swap3A_1062 = vector.shape_cast %add3A_1057 : vector<16xf32> to vector<1x16xf32>
          tpu.vector_store %arg8[%swap3A_1058, %swap3A_1059], %swap3A_1062 {strides = array<i32>} : memref<200x128xf32, #tpu.memory_space<vmem>>, vector<1x16xf32>,
          %mul3A_1063 = arith.mulf %mul3A_1017, %get3A_39 : vector<16xf32>
          %sub3A_1064 = arith.subf %get3A_886, %mul3A_983 : vector<16xf32>
          %mul3A_1065 = arith.mulf %sub3A_1064, %mul3A_1063 : vector<16xf32>
          %add3A_1066 = arith.addf %mul3A_1065, %get3A_63 : vector<16xf32>
          %swap3A_1067 = arith.index_cast %add3A_862 : i32 to index
          %swap3A_1068 = arith.constant 80 : index
          %swap3A_1069 = tpu.vector_load %arg8[%swap3A_1067, %swap3A_1068] {strides = array<i32>} : memref<200x128xf32, #tpu.memory_space<vmem>>, vector<1x16xf32>,
          %swap3A_1070 = vector.shape_cast %swap3A_1069 : vector<1x16xf32> to vector<16xf32>
          %swap3A_1071 = vector.shape_cast %add3A_1066 : vector<16xf32> to vector<1x16xf32>
          tpu.vector_store %arg8[%swap3A_1067, %swap3A_1068], %swap3A_1071 {strides = array<i32>} : memref<200x128xf32, #tpu.memory_space<vmem>>, vector<1x16xf32>,
          %mul3A_1072 = arith.mulf %mul3A_1017, %get3A_42 : vector<16xf32>
          %sub3A_1073 = arith.subf %get3A_890, %mul3A_983 : vector<16xf32>
          %mul3A_1074 = arith.mulf %sub3A_1073, %mul3A_1072 : vector<16xf32>
          %add3A_1075 = arith.addf %mul3A_1074, %get3A_66 : vector<16xf32>
          %swap3A_1076 = arith.index_cast %add3A_862 : i32 to index
          %swap3A_1077 = arith.constant 96 : index
          %swap3A_1078 = tpu.vector_load %arg8[%swap3A_1076, %swap3A_1077] {strides = array<i32>} : memref<200x128xf32, #tpu.memory_space<vmem>>, vector<1x16xf32>,
          %swap3A_1079 = vector.shape_cast %swap3A_1078 : vector<1x16xf32> to vector<16xf32>
          %swap3A_1080 = vector.shape_cast %add3A_1075 : vector<16xf32> to vector<1x16xf32>
          tpu.vector_store %arg8[%swap3A_1076, %swap3A_1077], %swap3A_1080 {strides = array<i32>} : memref<200x128xf32, #tpu.memory_space<vmem>>, vector<1x16xf32>,
          %mul3A_1081 = arith.mulf %mul3A_1017, %get3A_45 : vector<16xf32>
          %sub3A_1082 = arith.subf %get3A_894, %mul3A_983 : vector<16xf32>
          %mul3A_1083 = arith.mulf %sub3A_1082, %mul3A_1081 : vector<16xf32>
          %add3A_1084 = arith.addf %mul3A_1083, %get3A_69 : vector<16xf32>
          %swap3A_1085 = arith.index_cast %add3A_862 : i32 to index
          %swap3A_1086 = arith.constant 112 : index
          %swap3A_1087 = tpu.vector_load %arg8[%swap3A_1085, %swap3A_1086] {strides = array<i32>} : memref<200x128xf32, #tpu.memory_space<vmem>>, vector<1x16xf32>,
          %swap3A_1088 = vector.shape_cast %swap3A_1087 : vector<1x16xf32> to vector<16xf32>
          %swap3A_1089 = vector.shape_cast %add3A_1084 : vector<16xf32> to vector<1x16xf32>
          tpu.vector_store %arg8[%swap3A_1085, %swap3A_1086], %swap3A_1089 {strides = array<i32>} : memref<200x128xf32, #tpu.memory_space<vmem>>, vector<1x16xf32>,
        }
        %scan3A_164 = arith.constant 50 : i32
        %mul3A_165 = arith.constant 32 : i32
        %mul3A_166 = arith.muli %add3A_129, %mul3A_165 : i32
        %add3A_167 = arith.addi %add3A, %mul3A_166 : i32
        %mul3A_168 = arith.constant 200 : i32
        %mul3A_169 = arith.muli %add3A_167, %mul3A_168 : i32
        %dma_start3A = arith.constant 0 : i32
        %dma_start3A_170 = tpu.memref_slice %arg5[%mul3A_169, %dma_start3A] : memref<100000x128xf32, #tpu.memory_space<hbm>> -> memref<200x128xf32, #tpu.memory_space<hbm>>
        %dma_start3A_171 = arith.constant 0 : i32
        %dma_start3A_172 = tpu.memref_slice %arg5[%mul3A_169, %dma_start3A_171] : memref<100000x128xf32, #tpu.memory_space<hbm>> -> memref<200x128xf32, #tpu.memory_space<hbm>>
        tpu.enqueue_dma source(%arg8 : memref<200x128xf32, #tpu.memory_space<vmem>>) target(%dma_start3A_172 : memref<200x128xf32, #tpu.memory_space<hbm>>) target_semaphore(%arg16 : memref<!tpu.dma_semaphore, #tpu.memory_space<semaphore_mem>>)
      } else {
      }
    }
    %scan3A_76 = arith.constant 6 : i32
    return
  }
}

</mosaic_0001>

<sc_bundles>
// kernel: kernel.4.cloned.1.call-start
scs
__scs_entry_jumppad:
0x0: {  	(pc) =	sbr.rel $0x88, $3  }
0x1: {  	(tag) =	ssettag $0x0;
	lr =	simm.s32 $0x1  }
0x2: {  	[smem:$0x3F9D] =	sst lr;
	_ =	strace $0xD0000000  }
0x3: {  	_ = 	snop  }
0x4: {  	_ = 	snop  }
0x5: {  	_ = 	snop  }
0x6: {  	_ = 	snop  }
0x7: {  	_ = 	snop  }
__scs_overlays_trampoline_lowered:
0x8: {  	[smem:$0x3FAC] =	sst s0  }
0x9: {  	[smem:$0x3FAD] =	sst s1  }
0xa: {  	[smem:$0x3FAE] =	sst s2  }
0xb: {  	[smem:$0x3FAF] =	sst s3  }
0xc: {  	[smem:$0x3FB0] =	sst s4  }
0xd: {  	[smem:$0x3FB1] =	sst s5  }
0xe: {  	[smem:$0x3FB2] =	sst s6  }
0xf: {  	[smem:$0x3FB3] =	sst s7  }
0x10: {  	[smem:$0x3FB4] =	sst s8  }
0x11: {  	[smem:$0x3FB5] =	sst s9;
	s0 =	simm.s32 @!p0 $0x0  }
0x12: {  	s1 =	sld [smem:$0x3F9B];
	s0 =	simm.s32 @p0 $0x1  }
0x13: {  	[smem:$0x3FB6] =	sst s0;
	s0 =	simm.s32 @!p1 $0x0  }
0x14: {  	s2 =	sld [smem:$0x3F9A];
	s0 =	simm.s32 @p1 $0x1  }
0x15: {  	[smem:$0x3FB7] =	sst s0;
	s0 =	simm.s32 @!p2 $0x0  }
0x16: {  	s3 =	sld [smem:$0x3FDB];
	s0 =	simm.s32 @p2 $0x1  }
0x17: {  	s4 =	simm.s32 $0x1BF5;
	[smem:$0x3FB9] =	sst s0  }
0x18: {  	s0 =	sld [smem:$0x3F9C];
	_ =	swait.ge [sflag:s4], $0x0  }
0x19: {  	s7 =	sld [smem:$0x3F9D]  }
0x1a: {  	s8 =	sadd.s32 $0xFFFFE003, lr  }
0x1b: {  	s9 =	sadd.s32 $0xFFFFFEF7, lr;
	s5 =	simm.s32 $0xFFFFFFFF;
	p2 =	slt.u32 s8, $0xFFFFF086  }
0x1c: {  	p1 =	slt.u32 s9, $0xF7A;
	s5 =	simm.s32 @!p2 $0x0  }
0x1d: {  	s5 =	simm.s32 @p1 $0x1;
	p0 =	seq.s32 s7, s2  }
0x1e: {  	s7 =	smul.u32 @!p0 $0xF7A, s2;
	p2 =	seq.s32 @!p0 s5, $0x0  }
0x1f: {  	s9 =	smul.u32 $0xF7A, s1;
	s8 =	simm.s32 @!p0 $0x1BF5;
	p2 =	por !p2, p0  }
0x20: {  	[sflag:s8] =	ssyncset.s32 @!p0 $0xFFFFF086;
	s6 =	sadd.s32 @!p0 s3, s7;
	s7 =	simm.s32 @!p0 $0x108  }
0x21: {  	s3 =	sadd.s32 s3, s9;
	s6 =	sadd.s32 @!p0 $0x88, s6;
	s7 =	simm.s32 @p2 $0x1082  }
0x22: {  	[simem:s7], [sflag:s8] =	dma.local @!p0 [hbm:s6], $0xF7A  }
0x23: {  	s9 =	sor.u32 $0xD0000000, s2;
	s6 =	simm.s32 $0x108;
	_ =	swait.ge @!p0 [sflag:s8], $0x0  }
0x24: {  	s3 =	sadd.s32 $0x88, s3;
	s6 =	simm.s32 @!p1 $0x1082;
	[sflag:s4] =	ssyncset.s32 $0xFFFFF086  }
0x25: {  	[simem:s6], [sflag:s4] =	dma.local [hbm:s3], $0xF7A  }
0x26: {  	[smem:$0x3F9D] =	sst s1;
	(tag) =	ssettag s2;
	_ =	strace s9  }
0x27: {  	s1 =	sld [smem:$0x3FAD]  }
0x28: {  	s2 =	sld [smem:$0x3FAE]  }
0x29: {  	s4 =	sld [smem:$0x3FB0]  }
0x2a: {  	p0 =	seq.s32 s5, $0x0;
	s5 =	sld [smem:$0x3FB1]  }
0x2b: {  	s6 =	sld [smem:$0x3FB2]  }
0x2c: {  	s7 =	sld [smem:$0x3FB3]  }
0x2d: {  	s3 =	simm.s32 $0x108;
	s8 =	sld [smem:$0x3FB4]  }
0x2e: {  	s3 =	simm.s32 @!p0 $0x1082;
	s9 =	sld [smem:$0x3FB5]  }
0x2f: {  	lr =	sadd.s32 s0, s3;
	s0 =	sld [smem:$0x3FAC]  }
0x30: {  	s3 =	sld [smem:$0x3FAF]  }
0x31: {  	[smem:$0x3FB8] =	sst s10  }
0x32: {  	s10 =	sld [smem:$0x3FB6];
	_ =	sdelay $0x3  }
0x33: {  	p0 =	seq.s32 s10, $0x1;
	s10 =	sld [smem:$0x3FB8];
	_ =	sdelay $0x3  }
0x34: {  	[smem:$0x3FB8] =	sst s10  }
0x35: {  	s10 =	sld [smem:$0x3FB7];
	_ =	sdelay $0x3  }
0x36: {  	p1 =	seq.s32 s10, $0x1;
	s10 =	sld [smem:$0x3FB8];
	_ =	sdelay $0x3  }
0x37: {  	[smem:$0x3FB8] =	sst s10  }
0x38: {  	s10 =	sld [smem:$0x3FB9]  }
0x39: {  	_ = 	snop;
	(pc) =	sbr.ind lr, $3  }
0x3a: {  	_ = 	snop  }
0x3b: {  	_ = 	snop  }
0x3c: {  	p2 =	seq.s32 s10, $0x1;
	s10 =	sld [smem:$0x3FB8]  }
0x3d: {  	_ =	shalt  }
0x3e: {  	_ =	shalt  }
0x3f: {  	_ =	shalt  }
0x40: {  	_ =	shalt  }
0x41: {  	_ =	shalt  }
0x42: {  	_ =	shalt  }
0x43: {  	_ =	shalt  }
0x44: {  	_ =	shalt  }
0x45: {  	_ =	shalt  }
0x46: {  	_ =	shalt  }
0x47: {  	_ =	shalt  }
0x48: {  	_ =	shalt  }
0x49: {  	_ =	shalt  }
0x4a: {  	_ =	shalt  }
0x4b: {  	_ =	shalt  }
0x4c: {  	_ =	shalt  }
0x4d: {  	_ =	shalt  }
0x4e: {  	_ =	shalt  }
0x4f: {  	_ =	shalt  }
0x50: {  	_ =	shalt  }
0x51: {  	_ =	shalt  }
0x52: {  	_ =	shalt  }
0x53: {  	_ =	shalt  }
0x54: {  	_ =	shalt  }
0x55: {  	_ =	shalt  }
0x56: {  	_ =	shalt  }
0x57: {  	_ =	shalt  }
0x58: {  	_ =	shalt  }
0x59: {  	_ =	shalt  }
0x5a: {  	_ =	shalt  }
0x5b: {  	_ =	shalt  }
0x5c: {  	_ =	shalt  }
0x5d: {  	_ =	shalt  }
0x5e: {  	_ =	shalt  }
0x5f: {  	_ =	shalt  }
0x60: {  	_ =	shalt  }
0x61: {  	_ =	shalt  }
0x62: {  	_ =	shalt  }
0x63: {  	_ =	shalt  }
0x64: {  	_ =	shalt  }
0x65: {  	_ =	shalt  }
0x66: {  	_ =	shalt  }
0x67: {  	_ =	shalt  }
0x68: {  	_ =	shalt  }
0x69: {  	_ =	shalt  }
0x6a: {  	_ =	shalt  }
0x6b: {  	_ =	shalt  }
0x6c: {  	_ =	shalt  }
0x6d: {  	_ =	shalt  }
0x6e: {  	_ =	shalt  }
0x6f: {  	_ =	shalt  }
0x70: {  	_ =	shalt  }
0x71: {  	_ =	shalt  }
0x72: {  	_ =	shalt  }
0x73: {  	_ =	shalt  }
0x74: {  	_ =	shalt  }
0x75: {  	_ =	shalt  }
0x76: {  	_ =	shalt  }
0x77: {  	_ =	shalt  }
0x78: {  	_ =	shalt  }
0x79: {  	_ =	shalt  }
0x7a: {  	_ =	shalt  }
0x7b: {  	_ =	shalt  }
0x7c: {  	_ =	shalt  }
0x7d: {  	_ =	shalt  }
0x7e: {  	_ =	shalt  }
0x7f: {  	_ =	shalt  }
0x80: {  	_ =	shalt  }
0x81: {  	_ =	shalt  }
0x82: {  	_ =	shalt  }
0x83: {  	_ =	shalt  }
0x84: {  	_ =	shalt  }
0x85: {  	_ =	shalt  }
0x86: {  	_ =	shalt  }
0x87: {  	_ =	shalt  }
.Lfunc_end0:
.L_simem_size_0:
called_computation_lowered:
.L_overlay_start_0:
0x88: {  	s2 =	sld [smem:$0x3FD9]  }
0x89: {  	s3 =	sld [smem:$0x3FFE];
	_ =	sdelay $0x1  }
0x8a: {  	s1 =	srdreg.scid  }
0x8b: {  	s0 =	sand.u32 $0x1, s1  }
0x8c: {  	s17 =	sshll.u32 s0, $0xA;
	s2 =	sadd.s32 s3, s2  }
0x8d: {  	s2 =	sadd.s32 s2, s17  }
0x8e: {  	[smem:$0x3FC4] =	sst s2  }
0x8f: {  	_ = 	snop  }
0x90: {  	s2 =	sld [smem:$0x3FC8]  }
0x91: {  	s18 =	sld [smem:$0x3FC7]  }
0x92: {  	s4 =	sld [smem:$0x3FC6];
	(tm) =	ssettm $0x1  }
0x93: {  	s5 =	sld [smem:$0x3FFB];
	_ =	sdelay $0x3  }
0x94: {  	_ =	strace s5  }
0x95: {  	s5 =	sld [smem:$0x3FFC];
	_ =	sdelay $0x3  }
0x96: {  	_ =	strace s5  }
0x97: {  	s5 =	sld [smem:$0x3FFD];
	_ =	sdelay $0x3  }
0x98: {  	_ =	strace s5  }
0x99: {  	_ =	strace $0x8FFFFFFF  }
0x9a: {  	s19 =	sld [smem:$0x3FDB];
	_ =	sdelay $0x1  }
0x9b: {  	s6 =	simm.s32 $_scs_section_size  }
0x9c: {  	s7 =	simm.s32 $_size__tile_overlayer_lowered;
	s8 =	simm.s32 $_tile_overlayer_lowered  }
0x9d: {  	s22 =	simm.s32 $0x1BFF;
	s21 =	sshll.u32 s8, $0x1;
	s5 =	sadd.s32 s6, s19  }
0x9e: {  	s9 =	simm.s32 $0x0;
	s20 =	sshll.u32 s7, $0x1;
	s7 =	sadd.s32 s21, s5  }
0x9f: {  	[timem:s9], [sflag:s22] =	dma.local [hbm:s7], s20  }
0xa0: {  	_ =	swait.ge [sflag:s22], s20  }
0xa1: {  	s6 =	ssub.s32 $0x0, s20;
	[sflag:s22] =	ssyncset.done $0x0  }
0xa2: {  	[sflag:s22] =	ssyncadd.s32 s6;
	_ =	sdelay $0x1  }
0xa3: {  	s23 =	simm.s32 $0x1B8B  }
0xa4: {  	_ =	swait.ge [sflag:s23], $0x1  }
0xa5: {  	[sflag:s23] =	ssyncset.done $0x0  }
0xa6: {  	s25 =	simm.s32 $0x1B8E;
	s24 =	sld [smem:$0x3FFE];
	[sflag:s23] =	ssyncadd.s32 $0xFFFFFFFF  }
0xa7: {  	s26 =	simm.s32 $execute0_lowered;
	[smem:$0x3FD2] =	sst s25  }
0xa8: {  	s7 =	sshll.u32 s26, $0x1;
	_ =	strace $0x80000046;
	[dreg:$0x1] =	wrdreg $0xFFFFFFFF  }
0xa9: {  	s28 =	simm.s32 $_size_execute0_lowered;
	s5 =	sadd.s32 s5, s7;
	[dreg:$0x0] =	wrdreg $0x0  }
0xaa: {  	s7 =	sshll.u32 s28, $0x1;
	[dreg:$0x2] =	wrdreg s5  }
0xab: {  	[dreg:$0x3] =	wrdreg s7  }
0xac: {  	[dreg:$0x4] =	wrdreg $0xC0  }
0xad: {  	_ =	task [dreg:s9], $0x5FFFF  }
0xae: {  	[dreg:$0x1] =	wrdreg $0xFFFFFFFF  }
0xaf: {  	[dreg:$0x0] =	wrdreg $0x60  }
0xb0: {  	[dreg:$0x2] =	wrdreg s2  }
0xb1: {  	[dreg:$0x3] =	wrdreg s18  }
0xb2: {  	[dreg:$0x4] =	wrdreg s4  }
0xb3: {  	[dreg:$0x5] =	wrdreg s24  }
0xb4: {  	[dreg:$0x6] =	wrdreg $0x9  }
0xb5: {  	_ =	task.clear_ibuf [dreg:s9], $0x7FFFF;
	_ =	strace $0x90000046  }
0xb6: {  	s29 =	simm.s32 $0x9;
	_ =	strace $0x80000048  }
0xb7: {  	_ =	swait.ge [sflag:s29], $0x1  }
0xb8: {  	[sflag:s29] =	ssyncadd.s32 $0xFFFFFFFF  }
0xb9: {  	_ =	strace $0x90000048  }
0xba: {  	_ =	sfence  }
0xbb: {  	s30 =	sld [smem:$0x0];
	_ =	sdelay $0x2  }
0xbc: {  	s31 =	sshll.u32 s1, $0xD;
	s1 =	sshrl.u32 s1, $0x2  }
0xbd: {  	s3 =	sand.u32 $0x4000, s31;
	s1 =	sadd.s32 s1, s30  }
0xbe: {  	s0 =	sor.u32 s3, s0;
	s1 =	sshll.u32 s1, $0x11  }
0xbf: {  	s0 =	sor.u32 s1, s0  }
0xc0: {  	s0 =	sadd.s32 $0x8F2B, s0  }
0xc1: {  	[sflag:s0] =	ssyncadd.remote.s32 $0x1  }
0xc2: {  	_ =	sfence.sel $0xFFFF  }
0xc3: {  	[dreg:$0x0] =	wrdreg $0xFFFFFFFF;
	(pc) =	sbr.abs _section_cstart, $3  }
0xc4: {  	[dreg:$0x1] =	wrdreg $0xFFFFFFFF  }
0xc5: {  	_ =	task.clear_ibuf [dreg:s9], $0x2FFFF;
	_ =	strace $0x9FFFFFFF  }
0xc6: {  	(tm) =	ssettm $0x7FFFFFFF  }
0xc7: {  	_ =	shalt  }
tec
execute0_lowered:
.L_overlay_start_1:
0x0: {  	(tag) =	ssettag $0x1  }
0x1: {  	s0 =	rddreg [dreg:$0x0]  }
0x2: {  	s1 =	rddreg [dreg:$0x1]  }
0x3: {  	v0 =	vimm.s32 $0xFEDCBA98;
	s3 =	rddreg [dreg:$0x2];
	v1 =	vimm.s32 $0x76543210  }
0x4: {  	s7 =	rddreg [dreg:$0x3];
	v2 =	vimm.s32 $0xBA98FEDC;
	v3 =	vimm.s32 $0x32107654;
	v4 =	vimm.s32 $0xDCFE98BA  }
0x5: {  	s2 =	rddreg [dreg:$0x4];
	v5 =	vimm.s32 $0x54761032;
	v6 =	vimm.s32 $0xEFCDAB89;
	v7 =	vimm.s32 $0x67452301  }
0x6: {  	s6 =	srdreg.scid;
	s4 =	stileid.u32;
	s5 =	simm.s32 $0x0;
	v0 =	vunpack.c.l.s4.s8 v0;
	v1 =	vunpack.c.l.s4.s8 v1;
	v2 =	vunpack.c.l.s4.s8 v2  }
0x7: {  	s12 =	simm.s32 $0x7;
	s13 =	simm.s32 $0x12C80;
	s14 =	simm.s32 $0x1;
	v3 =	vunpack.c.l.s4.s8 v3;
	v4 =	vunpack.c.l.s4.s8 v4;
	v5 =	vunpack.c.l.s4.s8 v5  }
0x8: {  	s15 =	simm.s32 $0x2;
	s16 =	simm.s32 $0x6400;
	s17 =	simm.s32 $0x3;
	v6 =	vunpack.c.l.s4.s8 v6;
	v7 =	vunpack.c.l.s4.s8 v7;
	v0 =	vunpack.c.0.s8.s32 v0  }
0x9: {  	s18 =	simm.s32 $0xC800;
	s19 =	simm.s32 $0x0;
	s6 =	sand.u32 $0x1, s6;
	v2 =	vunpack.c.0.s8.s32 v2;
	v3 =	vunpack.c.0.s8.s32 v3;
	v4 =	vunpack.c.0.s8.s32 v4  }
.Ltmp0:
0xa: {  	s8 =	sshll.u32 s4, $0x1;
	[smem:$0x7FF] =	sst s5;
	v5 =	vunpack.c.0.s8.s32 v5;
	v6 =	vunpack.c.0.s8.s32 v6;
	v7 =	vunpack.c.0.s8.s32 v7;
	(pc) =	sbr.rel .LBB2_1-.Ltmp0, $4  }
0xb: {  	s7 =	sadd.s32 $0xA00, s7;
	s9 =	ssub.s32 $0x2, s6;
	s6 =	sor.u32 s6, s8;
	v1 =	vunpack.c.0.s8.s32 v1;
	v2 =	vcombine.low v3, v2  }
0xc: {  	s30 =	sshrl.u32 s9, $0x1;
	s10 =	smul.u32 $0xC80, s6;
	s31 =	ssub.s32 $0x213, s6;
	v3 =	vcombine.low v5, v4;
	v4 =	vcombine.low v7, v6;
	v0 =	vand.u32 $0xF, v0  }
0xd: {  	_ =	strace $0x80000047;
	s11 =	ssub.s32 s9, s30;
	s8 =	sshrl.u32 s31, $0x5;
	v0 =	vcombine.low v0, v1  }
0xe: {  	s9 =	sadd.s32 s0, s10;
	s10 =	smax.u32 s11, $0x1;
	s11 =	simm.s32 $0x12C00;
	v1 =	vand.u32 $0xF, v2;
	v2 =	vand.u32 $0xF, v3;
	v3 =	vand.u32 $0xF, v4  }
.LBB2_15:
0xf: {  	s19 =	sadd.s32 $0x1, s19  }
0x10: {  	p0 =	sne.s32 s19, s10  }
.Ltmp1:
0x11: {  	_ = 	snop;
	(pc) =	sbr.rel @!p0 .LBB2_16-.Ltmp1, $1  }
0x12: {  	_ =	sdelay $0x3  }
.LBB2_1:
0x13: {  	[tilespmem:s11], [sflag:$0x7] =	stream.linear.gather [hbm4b:s1+s5], $0x80, $0x38;
	[tilespmem:$0x12D00] =	vst v63  }
0x14: {  	_ =	swait.ge [sflag:s12], $0x80  }
0x15: {  	[sflag:s12] =	ssyncset.done $0x0  }
0x16: {  	[sflag:s12] =	ssyncadd.s32 $0xFFFFFF80  }
0x17: {  	[tilespmem:s13], [sflag:$0x7] =	stream.linear.gather [hbm4b:s3+s5], $0x80, $0x38;
	[tilespmem:$0x12D00] =	vst v63  }
0x18: {  	_ =	swait.ge [sflag:s12], $0x80  }
0x19: {  	[sflag:s12] =	ssyncset.done $0x0  }
0x1a: {  	[sflag:s12] =	ssyncadd.s32 $0xFFFFFF80  }
0x1b: {  	v62 =	vld [tilespmem:$0x12C00]  }
0x1c: {  	v63 =	vld [tilespmem:$0x12C10]  }
0x1d: {  	v4 =	vld [tilespmem:$0x12C20]  }
0x1e: {  	v5 =	vld [tilespmem:$0x12C30]  }
0x1f: {  	v6 =	vld [tilespmem:$0x12C40]  }
0x20: {  	v7 =	vld [tilespmem:$0x12C50]  }
0x21: {  	v59 =	vld [tilespmem:$0x12C60]  }
0x22: {  	v60 =	vld [tilespmem:$0x12C70]  }
0x23: {  	v61 =	vld [tilespmem:$0x12C80]  }
0x24: {  	v56 =	vld [tilespmem:$0x12C90]  }
0x25: {  	v14 =	vld [tilespmem:$0x12CA0]  }
0x26: {  	v15 =	vld [tilespmem:$0x12CB0]  }
0x27: {  	v16 =	vld [tilespmem:$0x12CC0]  }
0x28: {  	v17 =	vld [tilespmem:$0x12CD0]  }
0x29: {  	v18 =	vld [tilespmem:$0x12CE0]  }
0x2a: {  	v19 =	vld [tilespmem:$0x12CF0];
	[tilespmem:s5], [sflag:$0x1] =	stream.linear.gather [hbm4b:s9+s5], $0x6400, $0x38  }
0x2b: {  	[tilespmem:$0x1FF50] =	vst v7  }
0x2c: {  	[tilespmem:$0x1FF60] =	vst v59  }
0x2d: {  	[tilespmem:$0x1FF70] =	vst v60  }
0x2e: {  	[tilespmem:$0x1FF80] =	vst v61  }
0x2f: {  	[tilespmem:$0x1FF90] =	vst v62  }
0x30: {  	[tilespmem:$0x1FFA0] =	vst v63  }
.Ltmp2:
0x31: {  	[tilespmem:$0x1FFB0] =	vst v56;
	(pc) =	sbr.rel .LBB2_2-.Ltmp2, $4  }
0x32: {  	[tilespmem:$0x1FFC0] =	vst v4  }
0x33: {  	[tilespmem:$0x1FFD0] =	vst v5  }
0x34: {  	[tilespmem:$0x1FFE0] =	vst v6  }
0x35: {  	s20 =	simm.s32 $0x0;
	[tilespmem:$0x1FFF0] =	vst v19  }
.LBB2_14:
0x36: {  	s20 =	sadd.s32 $0x1, s20  }
0x37: {  	p0 =	sne.s32 s20, $0x6  }
.Ltmp3:
0x38: {  	_ = 	snop;
	(pc) =	sbr.rel @!p0 .LBB2_15-.Ltmp3, $1  }
0x39: {  	_ =	sdelay $0x3  }
.LBB2_2:
0x3a: {  	s21 =	smul.u32 $0x3, s20;
	_ =	sdelay $0x1  }
0x3b: {  	s22 =	sadd.s32 $0x1, s21  }
0x3c: {  	p3 =	seq.s32 s20, $0x0;
	p1 =	sge.u32 s22, s8  }
0x3d: {  	s23 =	simm.s32 @!p3 $0x5;
	p0 =	sge.u32 s21, s8;
	s24 =	sshll.u32 @!p1 s22, $0x5  }
.Ltmp4:
0x3e: {  	_ =	swait.ge @!p3 [sflag:s23], $0x6400;
	s24 =	sor.u32 @!p1 s6, s24;
	(pc) =	sbr.rel @p0 .LBB2_6-.Ltmp4, $4  }
0x3f: {  	[sflag:s23] =	ssyncset.done @!p3 $0x0;
	s24 =	smul.u32 @!p1 $0xC80, s24  }
0x40: {  	[sflag:s23] =	ssyncadd.s32 @!p3 $0xFFFF9C00  }
0x41: {  	s25 =	simm.s32 @!p1 $0x6400;
	s23 =	sadd.s32 @!p1 s0, s24;
	s24 =	simm.s32 @!p1 $0x0  }
0x42: {  	[tilespmem:s25], [sflag:$0x2] =	stream.linear.gather @!p1 [hbm4b:s23+s24], $0x6400, $0x38;
	[tilespmem:$0x12D00] =	vst v63  }
0x43: {  	_ =	swait.ge [sflag:s14], $0x6400  }
0x44: {  	v11 =	vld [tilespmem:$0x1FFC0]  }
0x45: {  	v19 =	vmov v18;
	[sflag:s14] =	ssyncset.done $0x0;
	v12 =	vld [tilespmem:$0x1FFD0]  }
0x46: {  	s23 =	simm.s32 $0x0;
	v18 =	vmovc v17;
	v17 =	vmovc v16;
	v16 =	vmov v15;
	v15 =	vmov v14;
	v14 =	vmov v56;
	v13 =	vld [tilespmem:$0x1FFE0];
	[sflag:s14] =	ssyncadd.s32 $0xFFFF9C00  }
.LBB2_4:
0x47: {  	s24 =	sshra.s32 s23, $0x2  }
0x48: {  	v32 =	vld [tilespmem:s24+$0x0]  }
0x49: {  	v31 =	vld [tilespmem:s24+$0x10]  }
0x4a: {  	v33 =	vld [tilespmem:s24+$0x20]  }
0x4b: {  	v34 =	vld [tilespmem:s24+$0x30]  }
0x4c: {  	v48 =	vld [tilespmem:s24+$0x40]  }
0x4d: {  	v44 =	vld [tilespmem:s24+$0x50]  }
0x4e: {  	v28 =	vld [tilespmem:s24+$0x60]  }
0x4f: {  	v27 =	vld [tilespmem:s24+$0x70];
	_ =	sdelay $0x2  }
0x50: {  	v20 =	vadd.f32 v31, v32;
	v21 =	vadd.f32 v34, v33;
	v23 =	vmul.f32 v32, v32  }
0x51: {  	v22 =	vadd.f32 v44, v48;
	v24 =	vmul.f32 v31, v31;
	v26 =	vmul.f32 v33, v33  }
0x52: {  	v25 =	vadd.f32 v27, v28;
	v29 =	vmul.f32 v34, v34;
	v50 =	vmul.f32 v48, v48  }
0x53: {  	v30 =	vmul.f32 v44, v44;
	v51 =	vmul.f32 v28, v28  }
0x54: {  	v35 =	vmul.f32 v27, v27;
	v20 =	vadd.f32 v21, v20;
	v22 =	vadd.f32 v25, v22  }
0x55: {  	v23 =	vadd.f32 v24, v23;
	v52 =	vadd.f32 v29, v26  }
0x56: {  	v21 =	vadd.f32 v30, v50;
	v25 =	vadd.f32 v35, v51;
	_ =	sdelay $0x1  }
0x57: {  	v53 =	vadd.f32 v52, v23;
	v21 =	vadd.f32 v25, v21  }
0x58: {  	v20 =	vadd.f32 v22, v20  }
0x59: {  	v21 =	vadd.f32 v21, v53  }
0x5a: {  	v54 =	vperm.xlane v20, v0  }
0x5b: {  	v55 =	vperm.xlane v21, v0  }
0x5c: {  	v20 =	vadd.f32 v20, v54  }
0x5d: {  	v21 =	vadd.f32 v55, v21  }
0x5e: {  	v56 =	vperm.xlane v20, v1  }
0x5f: {  	v22 =	vperm.xlane v21, v1  }
0x60: {  	v20 =	vadd.f32 v20, v56  }
0x61: {  	v21 =	vadd.f32 v22, v21  }
0x62: {  	v23 =	vperm.xlane v20, v2  }
0x63: {  	v22 =	vperm.xlane v21, v2  }
0x64: {  	v46 =	vld [tilespmem:s24+$0x80];
	v20 =	vadd.f32 v20, v23  }
0x65: {  	v45 =	vld [tilespmem:s24+$0x90];
	v21 =	vadd.f32 v22, v21  }
0x66: {  	v42 =	vld [tilespmem:s24+$0xA0];
	v23 =	vperm.xlane v20, v3  }
0x67: {  	v29 =	vld [tilespmem:s24+$0xB0];
	v22 =	vperm.xlane v21, v3  }
0x68: {  	v30 =	vld [tilespmem:s24+$0xC0];
	v20 =	vadd.f32 v20, v23  }
0x69: {  	v24 =	vld [tilespmem:s24+$0xD0];
	v21 =	vadd.f32 v22, v21  }
0x6a: {  	v59 =	vmul.f32 v46, v46;
	v47 =	vmul.f32 $7.812500000e-03, v20;
	v20 =	vld [tilespmem:s24+$0xF0]  }
0x6b: {  	v60 =	vmul.f32 v45, v45;
	v22 =	vmul.f32 $7.812500000e-03, v21;
	v21 =	vld [tilespmem:s24+$0xE0]  }
0x6c: {  	v58 =	vadd.f32 v45, v46;
	v36 =	vmul.f32 v42, v42  }
0x6d: {  	v25 =	vadd.f32 v60, v59;
	v37 =	vmul.f32 v29, v29;
	v57 =	vmul.f32 v47, v47  }
0x6e: {  	v61 =	vadd.f32 v29, v42;
	v38 =	vadd.f32 v24, v30;
	v39 =	vmul.f32 v30, v30  }
0x6f: {  	v40 =	vmul.f32 v24, v24;
	v6 =	vadd.f32 v37, v36;
	v22 =	vsub.f32 v22, v57  }
0x70: {  	v49 =	vmul.f32 v20, v20;
	v41 =	vadd.f32 v20, v21;
	v43 =	vmul.f32 v21, v21  }
0x71: {  	v7 =	vadd.f32 v40, v39;
	v23 =	vadd.f32 v61, v58  }
0x72: {  	v22 =	vmax.f32 v22, $0.0e+00;
	v40 =	vadd.f32 v49, v43;
	v43 =	vadd.f32 v41, v38  }
0x73: {  	v25 =	vadd.f32 v6, v25;
	v22 =	vadd.f32 $9.999999960e-13, v22  }
0x74: {  	v49 =	vadd.f32 v40, v7;
	v23 =	vadd.f32 v43, v23  }
0x75: {  	v50 =	vshra.s32 v22, $0x1  }
0x76: {  	v26 =	vsub.s32 $0x5F3759DF, v50;
	v25 =	vadd.f32 v49, v25;
	v35 =	vperm.xlane v23, v0  }
0x77: {  	v52 =	vmul.f32 $5.000000000e-01, v22;
	v53 =	vmul.f32 v26, v26  }
0x78: {  	v51 =	vperm.xlane v25, v0;
	v23 =	vadd.f32 v23, v35  }
0x79: {  	v22 =	vmul.f32 v53, v52  }
0x7a: {  	v25 =	vadd.f32 v51, v25;
	v35 =	vperm.xlane v23, v1  }
0x7b: {  	v37 =	vld [tilespmem:s24+$0x110];
	v22 =	vsub.f32 $1.500000000e+00, v22  }
0x7c: {  	v43 =	vld [tilespmem:s24+$0x100];
	v36 =	vperm.xlane v25, v1;
	v23 =	vadd.f32 v23, v35  }
0x7d: {  	v32 =	vsub.f32 v32, v47;
	v31 =	vsub.f32 v31, v47;
	v39 =	vmul.f32 v26, v22;
	v35 =	vld [tilespmem:s24+$0x130]  }
0x7e: {  	v48 =	vsub.f32 v48, v47;
	v25 =	vadd.f32 v36, v25;
	v54 =	vperm.xlane v23, v2;
	v36 =	vld [tilespmem:s24+$0x120]  }
0x7f: {  	v44 =	vsub.f32 v44, v47;
	v28 =	vsub.f32 v28, v47;
	v22 =	vld [tilespmem:s24+$0x140];
	v56 =	vmul.f32 v39, v39  }
0x80: {  	v27 =	vsub.f32 v27, v47;
	v55 =	vperm.xlane v25, v2;
	v57 =	vadd.f32 v23, v54;
	v23 =	vld [tilespmem:s24+$0x150]  }
0x81: {  	v41 =	vadd.f32 v37, v43;
	v26 =	vld [tilespmem:s24+$0x170];
	v51 =	vmul.f32 v43, v43;
	v59 =	vmul.f32 v56, v52  }
0x82: {  	v52 =	vmul.f32 v37, v37;
	v58 =	vadd.f32 v55, v25;
	v60 =	vperm.xlane v57, v3;
	v25 =	vld [tilespmem:s24+$0x160]  }
0x83: {  	v50 =	vsub.f32 $1.500000000e+00, v59;
	v55 =	vmul.f32 v35, v35;
	v54 =	vmul.f32 v36, v36  }
0x84: {  	v53 =	vadd.f32 v35, v36;
	v61 =	vperm.xlane v58, v3;
	v38 =	vadd.f32 v57, v60  }
0x85: {  	v57 =	vmul.f32 v22, v22;
	v56 =	vadd.f32 v23, v22;
	v6 =	vadd.f32 v55, v54  }
0x86: {  	v40 =	vadd.f32 v61, v58;
	v58 =	vmul.f32 v23, v23;
	v61 =	vmul.f32 v26, v26  }
0x87: {  	v41 =	vadd.f32 v53, v41;
	v49 =	vmul.f32 $7.812500000e-03, v38;
	v60 =	vmul.f32 v25, v25  }
0x88: {  	v38 =	vadd.f32 v52, v51;
	v59 =	vadd.f32 v26, v25;
	v40 =	vmul.f32 $7.812500000e-03, v40  }
0x89: {  	v7 =	vadd.f32 v58, v57;
	v58 =	vmul.f32 v49, v49;
	v57 =	vadd.f32 v61, v60  }
0x8a: {  	v50 =	vmul.f32 v50, v39;
	v38 =	vadd.f32 v6, v38;
	v60 =	vadd.f32 v59, v56  }
0x8b: {  	v6 =	vsub.f32 v40, v58;
	v61 =	vadd.f32 v57, v7  }
0x8c: {  	v46 =	vsub.f32 v46, v49;
	v40 =	vld [tilespmem:s24+$0x1B0];
	v7 =	vadd.f32 v60, v41;
	v57 =	vmul.f32 v50, v62  }
0x8d: {  	v60 =	vmul.f32 v50, v63;
	v41 =	vld [tilespmem:s24+$0x180];
	v39 =	vmax.f32 v6, $0.0e+00;
	v38 =	vadd.f32 v61, v38  }
0x8e: {  	v58 =	vperm.xlane v7, v0;
	v61 =	vadd.f32 $9.999999960e-13, v39;
	v51 =	vmul.f32 v57, v32  }
0x8f: {  	v45 =	vsub.f32 v45, v49;
	v54 =	vmul.f32 v60, v31;
	v39 =	vld [tilespmem:s24+$0x1A0];
	v60 =	vmul.f32 v50, v12  }
0x90: {  	v32 =	vld [tilespmem:s24+$0x1D0];
	v59 =	vperm.xlane v38, v0;
	v52 =	vadd.f32 v7, v58;
	v62 =	vshra.s32 v61, $0x1  }
0x91: {  	v31 =	vld [tilespmem:s24+$0x1C0];
	v55 =	vmul.f32 $5.000000000e-01, v61;
	v61 =	vsub.f32 v34, v47;
	v8 =	vmul.f32 v40, v40  }
0x92: {  	v34 =	vld [tilespmem:s24+$0x1F0];
	v56 =	vsub.s32 $0x5F3759DF, v62;
	v4 =	vmul.f32 v41, v41;
	v53 =	vadd.f32 v59, v38  }
0x93: {  	v57 =	vsub.f32 v33, v47;
	v38 =	vld [tilespmem:s24+$0x190];
	v63 =	vperm.xlane v52, v1;
	v7 =	vmul.f32 v56, v56  }
0x94: {  	v33 =	vld [tilespmem:s24+$0x1E0];
	v59 =	vmul.f32 v50, v11;
	v62 =	vadd.f32 v40, v39;
	v6 =	vperm.xlane v53, v1  }
0x95: {  	v9 =	vmul.f32 v32, v32;
	v52 =	vadd.f32 v52, v63;
	v58 =	vmul.f32 v7, v55  }
0x96: {  	v57 =	vmul.f32 v59, v57;
	v59 =	vmul.f32 v60, v61;
	v53 =	vadd.f32 v6, v53  }
0x97: {  	v63 =	vadd.f32 v32, v31;
	v10 =	vmul.f32 v34, v34;
	v6 =	vperm.xlane v52, v2  }
0x98: {  	v58 =	vsub.f32 $1.500000000e+00, v58;
	v61 =	vadd.f32 v38, v41;
	v7 =	vperm.xlane v53, v2  }
0x99: {  	v5 =	vmul.f32 v38, v38;
	v52 =	vadd.f32 v52, v6;
	v6 =	vadd.f32 v34, v33  }
0x9a: {  	v61 =	vadd.f32 v62, v61;
	v53 =	vadd.f32 v7, v53;
	v7 =	vmul.f32 v39, v39  }
0x9b: {  	v62 =	vmul.f32 v31, v31;
	v6 =	vadd.f32 v6, v63;
	v63 =	vmul.f32 v33, v33  }
0x9c: {  	v4 =	vadd.f32 v5, v4;
	v5 =	vadd.f32 v8, v7  }
0x9d: {  	v8 =	vadd.f32 v9, v62;
	v9 =	vadd.f32 v10, v63  }
0x9e: {  	v60 =	vmul.f32 v50, v13;
	v7 =	vmul.f32 v56, v58;
	v6 =	vadd.f32 v6, v61  }
0x9f: {  	v56 =	vld [tilespmem:$0x1FF50];
	v10 =	vperm.xlane v52, v3;
	v4 =	vadd.f32 v5, v4;
	v8 =	vadd.f32 v9, v8  }
0xa0: {  	v42 =	vsub.f32 v42, v49;
	v29 =	vsub.f32 v29, v49;
	v48 =	vmul.f32 v60, v48  }
0xa1: {  	v10 =	vadd.f32 v52, v10;
	v4 =	vadd.f32 v8, v4;
	v8 =	vperm.xlane v6, v0  }
0xa2: {  	v30 =	vsub.f32 v30, v49;
	v61 =	vperm.xlane v53, v3;
	v9 =	vmul.f32 v7, v7  }
0xa3: {  	v60 =	vld [tilespmem:$0x1FF70];
	v10 =	vmul.f32 $7.812500000e-03, v10;
	v6 =	vadd.f32 v6, v8;
	v8 =	vperm.xlane v4, v0  }
0xa4: {  	v53 =	vadd.f32 v61, v53;
	v9 =	vmul.f32 v9, v55;
	v55 =	vld [tilespmem:$0x1FF60];
	v5 =	vmul.f32 v50, v56  }
0xa5: {  	v62 =	vld [tilespmem:$0x1FF90];
	v61 =	vmul.f32 v10, v10;
	v4 =	vadd.f32 v8, v4;
	v8 =	vperm.xlane v6, v1  }
0xa6: {  	v9 =	vsub.f32 $1.500000000e+00, v9;
	v5 =	vmul.f32 v5, v44;
	v44 =	vmul.f32 $7.812500000e-03, v53  }
0xa7: {  	v24 =	vsub.f32 v24, v49;
	v6 =	vadd.f32 v6, v8;
	v8 =	vperm.xlane v4, v1  }
0xa8: {  	v21 =	vsub.f32 v21, v49;
	v7 =	vmul.f32 v9, v7;
	v9 =	vsub.f32 v44, v61  }
0xa9: {  	v52 =	vmul.f32 v50, v55;
	v4 =	vadd.f32 v8, v4;
	v8 =	vperm.xlane v6, v2  }
0xaa: {  	v50 =	vmul.f32 v50, v60;
	v53 =	vmul.f32 v7, v62;
	v9 =	vmax.f32 v9, $0.0e+00  }
0xab: {  	v58 =	vld [tilespmem:$0x1FF80];
	v9 =	vadd.f32 $9.999999960e-13, v9;
	v6 =	vadd.f32 v6, v8;
	v8 =	vperm.xlane v4, v2  }
0xac: {  	v20 =	vsub.f32 v20, v49;
	v28 =	vmul.f32 v52, v28;
	v44 =	vmul.f32 v50, v27  }
0xad: {  	v63 =	vld [tilespmem:$0x1FFA0];
	v50 =	vshra.s32 v9, $0x1;
	v52 =	vperm.xlane v6, v3;
	v4 =	vadd.f32 v8, v4  }
0xae: {  	v46 =	vmul.f32 v53, v46;
	v47 =	vsub.s32 $0x5F3759DF, v50;
	v8 =	vmul.f32 $5.000000000e-01, v9  }
0xaf: {  	v9 =	vmul.f32 v47, v47;
	v6 =	vadd.f32 v6, v52;
	v53 =	vperm.xlane v4, v3  }
0xb0: {  	v48 =	vadd.f32 v48, v17;
	v51 =	vadd.f32 v51, v58  }
0xb1: {  	v9 =	vmul.f32 v9, v8;
	v4 =	vadd.f32 v53, v4;
	v27 =	vmul.f32 $7.812500000e-03, v6  }
0xb2: {  	v43 =	vsub.f32 v43, v10;
	v61 =	vmul.f32 v7, v63;
	v50 =	vadd.f32 v57, v15  }
0xb3: {  	v9 =	vsub.f32 $1.500000000e+00, v9;
	v4 =	vmul.f32 $7.812500000e-03, v4;
	v57 =	vmul.f32 v27, v27  }
0xb4: {  	v37 =	vsub.f32 v37, v10;
	v45 =	vmul.f32 v61, v45;
	v61 =	vmul.f32 v7, v11  }
0xb5: {  	v36 =	vsub.f32 v36, v10;
	v9 =	vmul.f32 v47, v9;
	v4 =	vsub.f32 v4, v57  }
0xb6: {  	v35 =	vsub.f32 v35, v10;
	v42 =	vmul.f32 v61, v42;
	v61 =	vmul.f32 v7, v12  }
0xb7: {  	v53 =	vadd.f32 v59, v16;
	v59 =	vmul.f32 v9, v9;
	v4 =	vmax.f32 v4, $0.0e+00  }
0xb8: {  	v29 =	vmul.f32 v61, v29;
	v61 =	vmul.f32 v7, v56;
	v4 =	vadd.f32 $9.999999960e-13, v4  }
0xb9: {  	v5 =	vadd.f32 v5, v18;
	v57 =	vmul.f32 v7, v13;
	v8 =	vmul.f32 v59, v8  }
0xba: {  	v28 =	vadd.f32 v28, v19;
	v24 =	vmul.f32 v61, v24;
	v52 =	vshra.s32 v4, $0x1  }
0xbb: {  	v30 =	vmul.f32 v57, v30;
	v8 =	vsub.f32 $1.500000000e+00, v8;
	v47 =	vsub.s32 $0x5F3759DF, v52  }
0xbc: {  	[tilespmem:s24+$0x40] =	vst v48;
	v29 =	vadd.f32 v29, v16;
	v4 =	vmul.f32 $5.000000000e-01, v4;
	v57 =	vmul.f32 v47, v47  }
0xbd: {  	[tilespmem:s24+$0x0] =	vst v51;
	v46 =	vadd.f32 v46, v58;
	v6 =	vadd.f32 v54, v14;
	v54 =	vld [tilespmem:$0x1FFF0];
	v8 =	vmul.f32 v8, v9  }
0xbe: {  	v24 =	vadd.f32 v24, v18;
	[tilespmem:s24+$0xB0] =	vst v29;
	v9 =	vmul.f32 v7, v55;
	v59 =	vmul.f32 v57, v4  }
0xbf: {  	v29 =	vsub.f32 v25, v10;
	[tilespmem:s24+$0x10] =	vst v6;
	v6 =	vadd.f32 v45, v14;
	v7 =	vmul.f32 v7, v60  }
0xc0: {  	[tilespmem:s24+$0x50] =	vst v5;
	v9 =	vmul.f32 v9, v21;
	v61 =	vmul.f32 v8, v62;
	v49 =	vsub.f32 $1.500000000e+00, v59  }
0xc1: {  	[tilespmem:s24+$0x20] =	vst v50;
	v48 =	vsub.f32 v38, v27;
	v7 =	vmul.f32 v7, v20;
	v50 =	vmul.f32 v8, v63  }
0xc2: {  	[tilespmem:s24+$0x60] =	vst v28;
	v44 =	vadd.f32 v44, v54;
	v51 =	vmul.f32 v8, v11;
	v5 =	vmul.f32 v47, v49  }
0xc3: {  	[tilespmem:s24+$0x30] =	vst v53;
	v20 =	vadd.f32 v42, v15;
	v53 =	vmul.f32 v8, v12;
	v21 =	vmul.f32 v61, v43  }
0xc4: {  	[tilespmem:s24+$0x80] =	vst v46;
	v30 =	vadd.f32 v30, v17;
	v52 =	vmul.f32 v50, v37;
	v57 =	vmul.f32 v5, v5  }
0xc5: {  	v36 =	vmul.f32 v51, v36;
	v7 =	vadd.f32 v7, v54;
	[tilespmem:s24+$0xA0] =	vst v20;
	v20 =	vsub.f32 v22, v10  }
0xc6: {  	[tilespmem:s24+$0xD0] =	vst v24;
	v61 =	vsub.f32 v23, v10;
	v10 =	vsub.f32 v26, v10;
	v4 =	vmul.f32 v57, v4  }
0xc7: {  	[tilespmem:s24+$0x90] =	vst v6;
	v37 =	vmul.f32 v8, v56;
	v59 =	vadd.f32 v9, v19;
	v9 =	vmul.f32 v8, v13  }
0xc8: {  	[tilespmem:s24+$0x70] =	vst v44;
	v35 =	vmul.f32 v53, v35;
	v50 =	vsub.f32 v39, v27;
	v4 =	vsub.f32 $1.500000000e+00, v4  }
0xc9: {  	[tilespmem:s24+$0xC0] =	vst v30;
	v42 =	vmul.f32 v37, v61;
	v43 =	vadd.f32 v52, v14;
	v9 =	vmul.f32 v9, v20  }
0xca: {  	[tilespmem:s24+$0xF0] =	vst v7;
	v20 =	vadd.f32 v21, v58;
	v4 =	vmul.f32 v4, v5;
	v5 =	vmul.f32 v8, v55  }
0xcb: {  	v44 =	vadd.f32 v36, v15;
	v45 =	vadd.f32 v35, v16;
	[tilespmem:s24+$0xE0] =	vst v59;
	v8 =	vmul.f32 v8, v60  }
0xcc: {  	v47 =	vsub.f32 v41, v27;
	[tilespmem:s24+$0x100] =	vst v20;
	v5 =	vmul.f32 v5, v29;
	v20 =	vmul.f32 v4, v62  }
0xcd: {  	v52 =	vsub.f32 v40, v27;
	[tilespmem:s24+$0x110] =	vst v43;
	v8 =	vmul.f32 v8, v10;
	v10 =	vmul.f32 v4, v63  }
0xce: {  	[tilespmem:s24+$0x120] =	vst v44;
	v46 =	vadd.f32 v9, v17;
	v49 =	vmul.f32 v4, v11;
	v20 =	vmul.f32 v20, v47  }
0xcf: {  	[tilespmem:s24+$0x130] =	vst v45;
	v9 =	vadd.f32 v42, v18;
	v51 =	vmul.f32 v10, v48;
	v10 =	vmul.f32 v4, v12  }
0xd0: {  	[tilespmem:s24+$0x140] =	vst v46;
	v53 =	vmul.f32 v49, v50;
	v5 =	vadd.f32 v5, v19;
	v8 =	vadd.f32 v8, v54  }
0xd1: {  	[tilespmem:s24+$0x150] =	vst v9;
	v9 =	vadd.f32 v20, v58;
	v6 =	vadd.f32 v51, v14;
	v10 =	vmul.f32 v10, v52  }
0xd2: {  	v57 =	vmul.f32 v4, v13;
	[tilespmem:s24+$0x160] =	vst v5;
	v5 =	vadd.f32 v53, v15;
	v20 =	vsub.f32 v31, v27  }
0xd3: {  	[tilespmem:s24+$0x170] =	vst v8;
	v58 =	vsub.f32 v32, v27;
	v8 =	vadd.f32 v10, v16;
	v10 =	vmul.f32 v4, v56  }
0xd4: {  	[tilespmem:s24+$0x180] =	vst v9;
	v7 =	vmul.f32 v57, v20;
	v9 =	vmul.f32 v4, v55;
	v20 =	vsub.f32 v33, v27  }
0xd5: {  	[tilespmem:s24+$0x190] =	vst v6;
	v4 =	vmul.f32 v4, v60;
	v59 =	vmul.f32 v10, v58;
	v10 =	vsub.f32 v34, v27  }
0xd6: {  	p2 =	sne.s32 s23, $0x18800;
	[tilespmem:s24+$0x1A0] =	vst v5;
	v5 =	vadd.f32 v7, v17;
	v61 =	vmul.f32 v9, v20  }
.Ltmp5:
0xd7: {  	[tilespmem:s24+$0x1B0] =	vst v8;
	v6 =	vadd.f32 v59, v18;
	v4 =	vmul.f32 v4, v10;
	(pc) =	sbr.rel @p2 .LBB2_4-.Ltmp5, $4  }
0xd8: {  	[tilespmem:s24+$0x1C0] =	vst v5;
	v5 =	vadd.f32 v61, v19  }
0xd9: {  	[tilespmem:s24+$0x1D0] =	vst v6;
	v4 =	vadd.f32 v4, v54  }
0xda: {  	[tilespmem:s24+$0x1E0] =	vst v5  }
0xdb: {  	s23 =	sadd.s32 $0x800, s23;
	[tilespmem:s24+$0x1F0] =	vst v4  }
0xdc: {  	s23 =	smul.u32 $0x60, s20;
	_ =	sdelay $0x1  }
0xdd: {  	s23 =	sor.u32 s6, s23  }
0xde: {  	s23 =	smul.u32 $0xC80, s23;
	_ =	sdelay $0x1  }
0xdf: {  	v56 =	vmov v14;
	s23 =	sadd.s32 s7, s23  }
0xe0: {  	v14 =	vmovc v15;
	v15 =	vmovc v16;
	v16 =	vmov v17;
	v17 =	vmov v18;
	v18 =	vmov v19;
	v19 =	vld [tilespmem:$0x1FFF0];
	[hbm4b:s23+s5] =	stream.linear.scatter [tilespmem:s5], [sflag:$0x4], $0x6400, $0x38  }
.LBB2_6:
0xe1: {  	s23 =	sadd.s32 $0x2, s21  }
0xe2: {  	p2 =	sge.u32 s23, s8  }
0xe3: {  	s25 =	sshll.u32 @!p2 s23, $0x5  }
.Ltmp6:
0xe4: {  	s24 =	simm.s32 @!p3 $0x6;
	s25 =	sor.u32 @!p2 s6, s25;
	(pc) =	sbr.rel @p1 .LBB2_10-.Ltmp6, $4  }
0xe5: {  	_ =	swait.ge @!p3 [sflag:s24], $0x6400;
	s25 =	smul.u32 @!p2 $0xC80, s25  }
0xe6: {  	[sflag:s24] =	ssyncset.done @!p3 $0x0;
	s26 =	simm.s32 @!p2 $0xC800  }
0xe7: {  	[sflag:s24] =	ssyncadd.s32 @!p3 $0xFFFF9C00;
	s24 =	sadd.s32 @!p2 s0, s25;
	s25 =	simm.s32 @!p2 $0x0  }
0xe8: {  	[tilespmem:s26], [sflag:$0x3] =	stream.linear.gather @!p2 [hbm4b:s24+s25], $0x6400, $0x38;
	[tilespmem:$0x12D00] =	vst v63  }
0xe9: {  	_ =	swait.ge [sflag:s15], $0x6400  }
0xea: {  	v11 =	vld [tilespmem:$0x1FFC0]  }
0xeb: {  	[sflag:s15] =	ssyncset.done $0x0;
	v12 =	vld [tilespmem:$0x1FFD0]  }
0xec: {  	s24 =	simm.s32 $0x0;
	v13 =	vld [tilespmem:$0x1FFE0];
	[sflag:s15] =	ssyncadd.s32 $0xFFFF9C00  }
.LBB2_8:
0xed: {  	s25 =	sshra.s32 s24, $0x2  }
0xee: {  	v32 =	vld [tilespmem:s25+$0x6400]  }
0xef: {  	v31 =	vld [tilespmem:s25+$0x6410]  }
0xf0: {  	v33 =	vld [tilespmem:s25+$0x6420]  }
0xf1: {  	v34 =	vld [tilespmem:s25+$0x6430]  }
0xf2: {  	v48 =	vld [tilespmem:s25+$0x6440]  }
0xf3: {  	v44 =	vld [tilespmem:s25+$0x6450]  }
0xf4: {  	v28 =	vld [tilespmem:s25+$0x6460]  }
0xf5: {  	v27 =	vld [tilespmem:s25+$0x6470];
	_ =	sdelay $0x2  }
0xf6: {  	v4 =	vadd.f32 v31, v32;
	v5 =	vadd.f32 v34, v33  }
0xf7: {  	v6 =	vadd.f32 v44, v48;
	v7 =	vmul.f32 v32, v32;
	v8 =	vmul.f32 v31, v31  }
0xf8: {  	v9 =	vadd.f32 v27, v28;
	v10 =	vmul.f32 v33, v33;
	v20 =	vmul.f32 v34, v34  }
0xf9: {  	v21 =	vmul.f32 v44, v44;
	v22 =	vmul.f32 v27, v27;
	v4 =	vadd.f32 v5, v4  }
0xfa: {  	v5 =	vmul.f32 v48, v48;
	v6 =	vadd.f32 v9, v6;
	v9 =	vmul.f32 v28, v28  }
0xfb: {  	v7 =	vadd.f32 v8, v7;
	v8 =	vadd.f32 v20, v10  }
0xfc: {  	v5 =	vadd.f32 v21, v5;
	v9 =	vadd.f32 v22, v9  }
0xfd: {  	v4 =	vadd.f32 v6, v4  }
0xfe: {  	v56 =	vadd.f32 v8, v7;
	v5 =	vadd.f32 v9, v5;
	_ =	sdelay $0x1  }
0xff: {  	v57 =	vperm.xlane v4, v0;
	v5 =	vadd.f32 v5, v56;
	_ =	sdelay $0x1  }
0x100: {  	v4 =	vadd.f32 v4, v57;
	v58 =	vperm.xlane v5, v0;
	_ =	sdelay $0x1  }
0x101: {  	v59 =	vperm.xlane v4, v1;
	v5 =	vadd.f32 v58, v5  }
0x102: {  	v46 =	vld [tilespmem:s25+$0x6480]  }
0x103: {  	v45 =	vld [tilespmem:s25+$0x6490];
	v4 =	vadd.f32 v4, v59;
	v6 =	vperm.xlane v5, v1  }
0x104: {  	v30 =	vld [tilespmem:s25+$0x64C0]  }
0x105: {  	v24 =	vld [tilespmem:s25+$0x64D0];
	v7 =	vperm.xlane v4, v2;
	v5 =	vadd.f32 v6, v5  }
0x106: {  	v42 =	vld [tilespmem:s25+$0x64A0]  }
0x107: {  	v29 =	vld [tilespmem:s25+$0x64B0];
	v4 =	vadd.f32 v4, v7;
	v6 =	vperm.xlane v5, v2  }
0x108: {  	v20 =	vld [tilespmem:s25+$0x64F0]  }
0x109: {  	v60 =	vmul.f32 v46, v46;
	v21 =	vld [tilespmem:s25+$0x64E0];
	v7 =	vperm.xlane v4, v3;
	v5 =	vadd.f32 v6, v5  }
0x10a: {  	v61 =	vmul.f32 v45, v45;
	v40 =	vadd.f32 v24, v30;
	v23 =	vmul.f32 v30, v30  }
0x10b: {  	v25 =	vmul.f32 v24, v24;
	v4 =	vadd.f32 v4, v7;
	v6 =	vperm.xlane v5, v3  }
0x10c: {  	v10 =	vmul.f32 v29, v29;
	v8 =	vadd.f32 v29, v42;
	v9 =	vmul.f32 v42, v42  }
0x10d: {  	v36 =	vmul.f32 v20, v20;
	v47 =	vmul.f32 $7.812500000e-03, v4;
	v5 =	vadd.f32 v6, v5  }
0x10e: {  	v41 =	vadd.f32 v10, v9;
	v9 =	vadd.f32 v25, v23;
	v35 =	vmul.f32 v21, v21  }
0x10f: {  	v26 =	vadd.f32 v20, v21;
	v4 =	vmul.f32 $7.812500000e-03, v5;
	v5 =	vmul.f32 v47, v47  }
0x110: {  	v10 =	vadd.f32 v36, v35;
	v6 =	vadd.f32 v61, v60  }
0x111: {  	v4 =	vsub.f32 v4, v5;
	v5 =	vadd.f32 v45, v46  }
0x112: {  	v43 =	vadd.f32 v10, v9;
	v6 =	vadd.f32 v41, v6  }
0x113: {  	v5 =	vadd.f32 v8, v5;
	v8 =	vadd.f32 v26, v40;
	v4 =	vmax.f32 v4, $0.0e+00  }
0x114: {  	v4 =	vadd.f32 $9.999999960e-13, v4  }
0x115: {  	v22 =	vld [tilespmem:s25+$0x6540];
	v6 =	vadd.f32 v43, v6;
	v5 =	vadd.f32 v8, v5  }
0x116: {  	v36 =	vld [tilespmem:s25+$0x6520];
	v49 =	vshra.s32 v4, $0x1  }
0x117: {  	v35 =	vld [tilespmem:s25+$0x6530];
	v9 =	vperm.xlane v6, v0;
	v7 =	vsub.s32 $0x5F3759DF, v49;
	v8 =	vperm.xlane v5, v0  }
0x118: {  	v23 =	vld [tilespmem:s25+$0x6550];
	v4 =	vmul.f32 $5.000000000e-01, v4;
	v10 =	vmul.f32 v7, v7  }
0x119: {  	v6 =	vadd.f32 v9, v6;
	v5 =	vadd.f32 v5, v8  }
0x11a: {  	v8 =	vmul.f32 v10, v4  }
0x11b: {  	v25 =	vld [tilespmem:s25+$0x6560];
	v10 =	vperm.xlane v6, v1;
	v9 =	vperm.xlane v5, v1  }
0x11c: {  	v50 =	vmul.f32 v22, v22;
	v38 =	vadd.f32 v35, v36;
	v8 =	vsub.f32 $1.500000000e+00, v8  }
0x11d: {  	v51 =	vmul.f32 v23, v23;
	v6 =	vadd.f32 v10, v6;
	v5 =	vadd.f32 v5, v9  }
0x11e: {  	v37 =	vld [tilespmem:s25+$0x6510];
	v31 =	vsub.f32 v31, v47;
	v61 =	vsub.f32 v33, v47;
	v7 =	vmul.f32 v7, v8  }
0x11f: {  	v48 =	vsub.f32 v48, v47;
	v26 =	vld [tilespmem:s25+$0x6570];
	v9 =	vperm.xlane v6, v2;
	v8 =	vperm.xlane v5, v2  }
0x120: {  	v53 =	vmul.f32 v25, v25;
	v44 =	vsub.f32 v44, v47;
	v28 =	vsub.f32 v28, v47;
	v43 =	vld [tilespmem:s25+$0x6500]  }
0x121: {  	v39 =	vmul.f32 v36, v36;
	v6 =	vadd.f32 v9, v6;
	v5 =	vadd.f32 v5, v8  }
0x122: {  	v27 =	vsub.f32 v27, v47;
	v40 =	vmul.f32 v35, v35;
	v10 =	vmul.f32 v7, v7  }
0x123: {  	v41 =	vadd.f32 v23, v22;
	v9 =	vperm.xlane v6, v3;
	v8 =	vperm.xlane v5, v3  }
0x124: {  	v52 =	vadd.f32 v26, v25;
	v4 =	vmul.f32 v10, v4;
	v10 =	vmul.f32 v37, v37  }
0x125: {  	v6 =	vadd.f32 v9, v6;
	v9 =	vmul.f32 v43, v43;
	v5 =	vadd.f32 v5, v8  }
0x126: {  	v54 =	vmul.f32 v26, v26;
	v4 =	vsub.f32 $1.500000000e+00, v4;
	v8 =	vadd.f32 v37, v43  }
0x127: {  	v49 =	vmul.f32 $7.812500000e-03, v5;
	v5 =	vadd.f32 v10, v9;
	v9 =	vadd.f32 v40, v39  }
0x128: {  	v4 =	vmul.f32 v4, v7;
	v10 =	vadd.f32 v51, v50;
	v50 =	vadd.f32 v54, v53  }
0x129: {  	v6 =	vmul.f32 $7.812500000e-03, v6;
	v8 =	vadd.f32 v38, v8;
	v53 =	vadd.f32 v52, v41  }
0x12a: {  	v56 =	vmul.f32 v4, v63;
	v60 =	vmul.f32 v4, v11;
	v5 =	vadd.f32 v9, v5  }
0x12b: {  	v51 =	vmul.f32 v49, v49;
	v9 =	vadd.f32 v50, v10;
	v54 =	vadd.f32 v53, v8  }
0x12c: {  	v39 =	vld [tilespmem:s25+$0x65A0];
	v63 =	vsub.f32 v34, v47;
	v8 =	vmul.f32 v4, v62;
	v62 =	vmul.f32 v4, v12  }
0x12d: {  	v6 =	vsub.f32 v6, v51;
	v5 =	vadd.f32 v9, v5;
	v10 =	vperm.xlane v54, v0  }
0x12e: {  	v33 =	vld [tilespmem:s25+$0x65E0];
	v53 =	vmul.f32 v4, v13;
	v50 =	vmul.f32 v60, v61;
	v9 =	vsub.f32 v32, v47  }
0x12f: {  	v41 =	vld [tilespmem:s25+$0x6580];
	v6 =	vmax.f32 v6, $0.0e+00;
	v55 =	vperm.xlane v5, v0;
	v7 =	vadd.f32 v54, v10  }
0x130: {  	v38 =	vld [tilespmem:s25+$0x6590];
	v52 =	vmul.f32 v62, v63;
	v48 =	vmul.f32 v53, v48;
	v6 =	vadd.f32 $9.999999960e-13, v6  }
0x131: {  	v40 =	vld [tilespmem:s25+$0x65B0];
	v60 =	vmul.f32 v39, v39;
	v5 =	vadd.f32 v55, v5;
	v57 =	vperm.xlane v7, v1  }
0x132: {  	v34 =	vld [tilespmem:s25+$0x65F0];
	v8 =	vmul.f32 v8, v9;
	v9 =	vmul.f32 v56, v31;
	v10 =	vshra.s32 v6, $0x1  }
0x133: {  	v32 =	vld [tilespmem:s25+$0x65D0];
	v10 =	vsub.s32 $0x5F3759DF, v10;
	v58 =	vperm.xlane v5, v1;
	v7 =	vadd.f32 v7, v57  }
0x134: {  	v46 =	vsub.f32 v46, v49;
	v31 =	vld [tilespmem:s25+$0x65C0];
	v6 =	vmul.f32 $5.000000000e-01, v6;
	v59 =	vmul.f32 v10, v10  }
0x135: {  	v57 =	vmul.f32 v41, v41;
	v5 =	vadd.f32 v58, v5;
	v55 =	vperm.xlane v7, v2  }
0x136: {  	v54 =	vadd.f32 v38, v41;
	v58 =	vmul.f32 v38, v38;
	v51 =	vmul.f32 v59, v6  }
0x137: {  	v59 =	vadd.f32 v34, v33;
	v56 =	vperm.xlane v5, v2;
	v7 =	vadd.f32 v7, v55  }
0x138: {  	v61 =	vmul.f32 v40, v40;
	v55 =	vadd.f32 v40, v39;
	v53 =	vadd.f32 v58, v57  }
0x139: {  	v63 =	vmul.f32 v34, v34;
	v5 =	vadd.f32 v56, v5;
	v56 =	vadd.f32 v32, v31  }
0x13a: {  	v62 =	vmul.f32 v32, v32;
	v51 =	vsub.f32 $1.500000000e+00, v51;
	v54 =	vadd.f32 v55, v54  }
0x13b: {  	v58 =	vld [tilespmem:$0x1FF50];
	v55 =	vmul.f32 v31, v31;
	v56 =	vadd.f32 v59, v56;
	v59 =	vmul.f32 v33, v33  }
0x13c: {  	v45 =	vsub.f32 v45, v49;
	v57 =	vadd.f32 v61, v60  }
0x13d: {  	v10 =	vmul.f32 v10, v51;
	v51 =	vadd.f32 v62, v55;
	v55 =	vadd.f32 v63, v59  }
0x13e: {  	v42 =	vsub.f32 v42, v49;
	v54 =	vadd.f32 v56, v54;
	v56 =	vperm.xlane v7, v3  }
0x13f: {  	v53 =	vadd.f32 v57, v53;
	v51 =	vadd.f32 v55, v51;
	v55 =	vmul.f32 v10, v10  }
0x140: {  	v57 =	vmul.f32 v4, v58;
	v7 =	vadd.f32 v7, v56;
	v56 =	vperm.xlane v5, v3  }
0x141: {  	v6 =	vmul.f32 v55, v6;
	v51 =	vadd.f32 v51, v53;
	v53 =	vperm.xlane v54, v0  }
0x142: {  	v44 =	vmul.f32 v57, v44;
	v5 =	vadd.f32 v56, v5;
	v7 =	vmul.f32 $7.812500000e-03, v7  }
0x143: {  	v55 =	vld [tilespmem:$0x1FF60];
	v6 =	vsub.f32 $1.500000000e+00, v6;
	v53 =	vadd.f32 v54, v53;
	v57 =	vperm.xlane v51, v0  }
0x144: {  	v29 =	vsub.f32 v29, v49;
	v60 =	vld [tilespmem:$0x1FF70];
	v5 =	vmul.f32 $7.812500000e-03, v5;
	v59 =	vmul.f32 v7, v7  }
0x145: {  	v6 =	vmul.f32 v6, v10;
	v10 =	vadd.f32 v57, v51;
	v57 =	vperm.xlane v53, v1  }
0x146: {  	v30 =	vsub.f32 v30, v49;
	v24 =	vsub.f32 v24, v49  }
0x147: {  	v62 =	vld [tilespmem:$0x1FF90];
	v5 =	vsub.f32 v5, v59;
	v51 =	vadd.f32 v53, v57;
	v59 =	vperm.xlane v10, v1  }
0x148: {  	v21 =	vsub.f32 v21, v49;
	v20 =	vsub.f32 v20, v49;
	v61 =	vld [tilespmem:$0x1FF80];
	v54 =	vmul.f32 v4, v55  }
0x149: {  	v4 =	vmul.f32 v4, v60;
	v10 =	vadd.f32 v59, v10;
	v59 =	vperm.xlane v51, v2  }
0x14a: {  	v50 =	vadd.f32 v50, v14;
	v52 =	vadd.f32 v52, v15;
	v5 =	vmax.f32 v5, $0.0e+00  }
0x14b: {  	v4 =	vmul.f32 v4, v27;
	v27 =	vadd.f32 v51, v59;
	v47 =	vperm.xlane v10, v2  }
0x14c: {  	v48 =	vadd.f32 v48, v16;
	v57 =	vmul.f32 v6, v62;
	v5 =	vadd.f32 $9.999999960e-13, v5  }
0x14d: {  	v8 =	vadd.f32 v8, v61;
	v59 =	vperm.xlane v27, v3;
	v10 =	vadd.f32 v47, v10  }
0x14e: {  	v44 =	vadd.f32 v44, v17;
	v46 =	vmul.f32 v57, v46;
	v57 =	vshra.s32 v5, $0x1  }
0x14f: {  	v56 =	vld [tilespmem:$0x1FFB0];
	v53 =	vsub.s32 $0x5F3759DF, v57;
	v27 =	vadd.f32 v27, v59;
	v57 =	vperm.xlane v10, v3  }
0x150: {  	v43 =	vsub.f32 v43, v7;
	v5 =	vmul.f32 $5.000000000e-01, v5;
	v47 =	vmul.f32 v53, v53  }
0x151: {  	v37 =	vsub.f32 v37, v7;
	v10 =	vadd.f32 v57, v10;
	v27 =	vmul.f32 $7.812500000e-03, v27  }
0x152: {  	v63 =	vld [tilespmem:$0x1FFA0];
	v36 =	vsub.f32 v36, v7;
	v59 =	vmul.f32 v6, v11;
	v47 =	vmul.f32 v47, v5  }
0x153: {  	v35 =	vsub.f32 v35, v7;
	v10 =	vmul.f32 $7.812500000e-03, v10;
	v57 =	vmul.f32 v27, v27  }
0x154: {  	v9 =	vadd.f32 v9, v56;
	v28 =	vmul.f32 v54, v28;
	v47 =	vsub.f32 $1.500000000e+00, v47  }
0x155: {  	v54 =	vmul.f32 v6, v55;
	v42 =	vmul.f32 v59, v42;
	v10 =	vsub.f32 v10, v57  }
0x156: {  	v28 =	vadd.f32 v28, v18;
	v59 =	vmul.f32 v6, v12;
	v47 =	vmul.f32 v53, v47  }
0x157: {  	v4 =	vadd.f32 v4, v19;
	v51 =	vmul.f32 v6, v63;
	v10 =	vmax.f32 v10, $0.0e+00  }
0x158: {  	v29 =	vmul.f32 v59, v29;
	v59 =	vmul.f32 v47, v47;
	v10 =	vadd.f32 $9.999999960e-13, v10  }
0x159: {  	[tilespmem:s25+$0x6400] =	vst v8;
	v21 =	vmul.f32 v54, v21;
	v8 =	vadd.f32 v46, v61;
	v57 =	vmul.f32 v6, v13  }
0x15a: {  	v45 =	vmul.f32 v51, v45;
	v5 =	vmul.f32 v59, v5;
	v59 =	vshra.s32 v10, $0x1  }
0x15b: {  	v30 =	vmul.f32 v57, v30;
	v57 =	vmul.f32 v6, v58;
	v51 =	vsub.s32 $0x5F3759DF, v59  }
0x15c: {  	[tilespmem:s25+$0x6420] =	vst v50;
	v5 =	vsub.f32 $1.500000000e+00, v5;
	v10 =	vmul.f32 $5.000000000e-01, v10;
	v53 =	vmul.f32 v51, v51  }
0x15d: {  	[tilespmem:s25+$0x6410] =	vst v9;
	v9 =	vadd.f32 v45, v56;
	v6 =	vmul.f32 v6, v60;
	v24 =	vmul.f32 v57, v24  }
0x15e: {  	[tilespmem:s25+$0x6440] =	vst v48;
	v48 =	vsub.f32 v41, v27;
	v5 =	vmul.f32 v5, v47;
	v57 =	vmul.f32 v53, v10  }
0x15f: {  	[tilespmem:s25+$0x6470] =	vst v4;
	v4 =	vadd.f32 v29, v15;
	v6 =	vmul.f32 v6, v20;
	v20 =	vadd.f32 v42, v14  }
0x160: {  	[tilespmem:s25+$0x6430] =	vst v52;
	v59 =	vmul.f32 v5, v62;
	v50 =	vmul.f32 v5, v63;
	v49 =	vsub.f32 $1.500000000e+00, v57  }
0x161: {  	[tilespmem:s25+$0x64B0] =	vst v4;
	v4 =	vsub.f32 v25, v7;
	v52 =	vmul.f32 v5, v11;
	v54 =	vmul.f32 v5, v12  }
0x162: {  	v30 =	vadd.f32 v30, v16;
	[tilespmem:s25+$0x64A0] =	vst v20;
	v20 =	vmul.f32 v5, v13;
	v42 =	vmul.f32 v51, v49  }
0x163: {  	[tilespmem:s25+$0x6450] =	vst v44;
	v24 =	vadd.f32 v24, v17;
	v43 =	vmul.f32 v59, v43;
	v53 =	vmul.f32 v50, v37  }
0x164: {  	[tilespmem:s25+$0x6480] =	vst v8;
	v6 =	vadd.f32 v6, v19;
	v8 =	vmul.f32 v54, v35;
	v59 =	vmul.f32 v42, v42  }
0x165: {  	[tilespmem:s25+$0x6460] =	vst v28;
	v35 =	vsub.f32 v22, v7;
	v50 =	vsub.f32 v38, v27;
	v57 =	vmul.f32 v52, v36  }
0x166: {  	[tilespmem:s25+$0x6490] =	vst v9;
	v36 =	vsub.f32 v23, v7;
	v7 =	vsub.f32 v26, v7;
	v9 =	vmul.f32 v59, v10  }
0x167: {  	[tilespmem:s25+$0x64C0] =	vst v30;
	v37 =	vmul.f32 v5, v58;
	v52 =	vsub.f32 v39, v27;
	v10 =	vadd.f32 v21, v18  }
0x168: {  	[tilespmem:s25+$0x64D0] =	vst v24;
	v20 =	vmul.f32 v20, v35;
	v44 =	vadd.f32 v43, v61;
	v9 =	vsub.f32 $1.500000000e+00, v9  }
0x169: {  	v45 =	vadd.f32 v53, v56;
	v22 =	vmul.f32 v37, v36;
	[tilespmem:s25+$0x64E0] =	vst v10;
	v10 =	vmul.f32 v5, v55  }
0x16a: {  	[tilespmem:s25+$0x64F0] =	vst v6;
	v8 =	vadd.f32 v8, v15;
	v5 =	vmul.f32 v5, v60;
	v9 =	vmul.f32 v9, v42  }
0x16b: {  	v53 =	vsub.f32 v40, v27;
	v47 =	vadd.f32 v20, v16;
	[tilespmem:s25+$0x6500] =	vst v44;
	v4 =	vmul.f32 v10, v4  }
0x16c: {  	[tilespmem:s25+$0x6510] =	vst v45;
	v20 =	vadd.f32 v22, v17;
	v5 =	vmul.f32 v5, v7;
	v10 =	vmul.f32 v9, v62  }
0x16d: {  	v46 =	vadd.f32 v57, v14;
	[tilespmem:s25+$0x6530] =	vst v8;
	v49 =	vmul.f32 v9, v63;
	v51 =	vmul.f32 v9, v11  }
0x16e: {  	[tilespmem:s25+$0x6550] =	vst v20;
	v20 =	vsub.f32 v31, v27;
	v8 =	vmul.f32 v9, v12;
	v57 =	vmul.f32 v9, v13  }
0x16f: {  	[tilespmem:s25+$0x6520] =	vst v46;
	v4 =	vadd.f32 v4, v18;
	v10 =	vmul.f32 v10, v48;
	v7 =	vmul.f32 v49, v50  }
0x170: {  	[tilespmem:s25+$0x6540] =	vst v47;
	v5 =	vadd.f32 v5, v19;
	v54 =	vmul.f32 v51, v52;
	v8 =	vmul.f32 v8, v53  }
0x171: {  	[tilespmem:s25+$0x6560] =	vst v4;
	v6 =	vmul.f32 v57, v20;
	v10 =	vadd.f32 v10, v61;
	v7 =	vadd.f32 v7, v56  }
0x172: {  	[tilespmem:s25+$0x6570] =	vst v5;
	v5 =	vadd.f32 v8, v15;
	v8 =	vmul.f32 v9, v58;
	v58 =	vsub.f32 v32, v27  }
0x173: {  	v20 =	vsub.f32 v33, v27;
	v4 =	vadd.f32 v54, v14;
	[tilespmem:s25+$0x6580] =	vst v10;
	v10 =	vmul.f32 v9, v55  }
0x174: {  	[tilespmem:s25+$0x6590] =	vst v7;
	v59 =	vmul.f32 v8, v58;
	v8 =	vmul.f32 v9, v60;
	v9 =	vsub.f32 v34, v27  }
0x175: {  	p1 =	sne.s32 s24, $0x18800;
	[tilespmem:s25+$0x65A0] =	vst v4;
	v4 =	vadd.f32 v6, v16;
	v60 =	vmul.f32 v10, v20  }
.Ltmp7:
0x176: {  	[tilespmem:s25+$0x65B0] =	vst v5;
	v5 =	vadd.f32 v59, v17;
	v61 =	vmul.f32 v8, v9;
	(pc) =	sbr.rel @p1 .LBB2_8-.Ltmp7, $4  }
0x177: {  	[tilespmem:s25+$0x65C0] =	vst v4;
	v4 =	vadd.f32 v60, v18  }
0x178: {  	[tilespmem:s25+$0x65D0] =	vst v5;
	v5 =	vadd.f32 v61, v19  }
0x179: {  	[tilespmem:s25+$0x65E0] =	vst v4  }
0x17a: {  	s24 =	sadd.s32 $0x800, s24;
	[tilespmem:s25+$0x65F0] =	vst v5  }
0x17b: {  	s22 =	sshll.u32 s22, $0x5  }
0x17c: {  	s22 =	sor.u32 s6, s22  }
0x17d: {  	s22 =	smul.u32 $0xC80, s22;
	_ =	sdelay $0x1  }
0x17e: {  	s22 =	sadd.s32 s7, s22  }
0x17f: {  	[hbm4b:s22+s5] =	stream.linear.scatter [tilespmem:s16], [sflag:$0x5], $0x6400, $0x38;
	[tilespmem:$0x12D00] =	vst v63  }
.LBB2_10:
0x180: {  	s21 =	sadd.s32 $0x3, s21  }
0x181: {  	p1 =	sge.u32 s21, s8  }
0x182: {  	s21 =	sshll.u32 @!p1 s21, $0x5  }
.Ltmp8:
0x183: {  	s22 =	simm.s32 @!p0 $0x4;
	s21 =	sor.u32 @!p1 s6, s21;
	(pc) =	sbr.rel @p2 .LBB2_14-.Ltmp8, $4  }
0x184: {  	_ =	swait.ge @!p0 [sflag:s22], $0x6400;
	s21 =	smul.u32 @!p1 $0xC80, s21  }
0x185: {  	[sflag:s22] =	ssyncset.done @!p0 $0x0  }
0x186: {  	[sflag:s22] =	ssyncadd.s32 @!p0 $0xFFFF9C00;
	s22 =	simm.s32 @!p1 $0x0;
	s21 =	sadd.s32 @!p1 s0, s21  }
0x187: {  	[tilespmem:s22], [sflag:$0x1] =	stream.linear.gather @!p1 [hbm4b:s21+s22], $0x6400, $0x38;
	[tilespmem:$0x12D00] =	vst v63  }
0x188: {  	_ =	swait.ge [sflag:s17], $0x6400  }
0x189: {  	v11 =	vld [tilespmem:$0x1FFC0]  }
0x18a: {  	[sflag:s17] =	ssyncset.done $0x0;
	v12 =	vld [tilespmem:$0x1FFD0]  }
0x18b: {  	s21 =	simm.s32 $0x0;
	v13 =	vld [tilespmem:$0x1FFE0];
	[sflag:s17] =	ssyncadd.s32 $0xFFFF9C00  }
.LBB2_12:
0x18c: {  	s22 =	sshra.s32 s21, $0x2  }
0x18d: {  	v32 =	vld [tilespmem:s22+$0xC800]  }
0x18e: {  	v31 =	vld [tilespmem:s22+$0xC810]  }
0x18f: {  	v33 =	vld [tilespmem:s22+$0xC820]  }
0x190: {  	v34 =	vld [tilespmem:s22+$0xC830]  }
0x191: {  	v48 =	vld [tilespmem:s22+$0xC840]  }
0x192: {  	v44 =	vld [tilespmem:s22+$0xC850]  }
0x193: {  	v28 =	vld [tilespmem:s22+$0xC860]  }
0x194: {  	v27 =	vld [tilespmem:s22+$0xC870];
	_ =	sdelay $0x2  }
0x195: {  	v4 =	vadd.f32 v31, v32;
	v5 =	vadd.f32 v34, v33  }
0x196: {  	v6 =	vadd.f32 v44, v48;
	v7 =	vmul.f32 v32, v32;
	v8 =	vmul.f32 v31, v31  }
0x197: {  	v9 =	vadd.f32 v27, v28;
	v10 =	vmul.f32 v33, v33;
	v20 =	vmul.f32 v34, v34  }
0x198: {  	v21 =	vmul.f32 v44, v44;
	v22 =	vmul.f32 v27, v27;
	v4 =	vadd.f32 v5, v4  }
0x199: {  	v5 =	vmul.f32 v48, v48;
	v6 =	vadd.f32 v9, v6;
	v9 =	vmul.f32 v28, v28  }
0x19a: {  	v7 =	vadd.f32 v8, v7;
	v8 =	vadd.f32 v20, v10  }
0x19b: {  	v5 =	vadd.f32 v21, v5;
	v9 =	vadd.f32 v22, v9  }
0x19c: {  	v4 =	vadd.f32 v6, v4  }
0x19d: {  	v56 =	vadd.f32 v8, v7;
	v5 =	vadd.f32 v9, v5;
	_ =	sdelay $0x1  }
0x19e: {  	v57 =	vperm.xlane v4, v0;
	v5 =	vadd.f32 v5, v56;
	_ =	sdelay $0x1  }
0x19f: {  	v4 =	vadd.f32 v4, v57;
	v58 =	vperm.xlane v5, v0;
	_ =	sdelay $0x1  }
0x1a0: {  	v59 =	vperm.xlane v4, v1;
	v5 =	vadd.f32 v58, v5  }
0x1a1: {  	v46 =	vld [tilespmem:s22+$0xC880]  }
0x1a2: {  	v45 =	vld [tilespmem:s22+$0xC890];
	v4 =	vadd.f32 v4, v59;
	v6 =	vperm.xlane v5, v1  }
0x1a3: {  	v30 =	vld [tilespmem:s22+$0xC8C0]  }
0x1a4: {  	v24 =	vld [tilespmem:s22+$0xC8D0];
	v7 =	vperm.xlane v4, v2;
	v5 =	vadd.f32 v6, v5  }
0x1a5: {  	v42 =	vld [tilespmem:s22+$0xC8A0]  }
0x1a6: {  	v29 =	vld [tilespmem:s22+$0xC8B0];
	v4 =	vadd.f32 v4, v7;
	v6 =	vperm.xlane v5, v2  }
0x1a7: {  	v20 =	vld [tilespmem:s22+$0xC8F0]  }
0x1a8: {  	v60 =	vmul.f32 v46, v46;
	v21 =	vld [tilespmem:s22+$0xC8E0];
	v7 =	vperm.xlane v4, v3;
	v5 =	vadd.f32 v6, v5  }
0x1a9: {  	v61 =	vmul.f32 v45, v45;
	v40 =	vadd.f32 v24, v30;
	v23 =	vmul.f32 v30, v30  }
0x1aa: {  	v25 =	vmul.f32 v24, v24;
	v4 =	vadd.f32 v4, v7;
	v6 =	vperm.xlane v5, v3  }
0x1ab: {  	v10 =	vmul.f32 v29, v29;
	v8 =	vadd.f32 v29, v42;
	v9 =	vmul.f32 v42, v42  }
0x1ac: {  	v36 =	vmul.f32 v20, v20;
	v47 =	vmul.f32 $7.812500000e-03, v4;
	v5 =	vadd.f32 v6, v5  }
0x1ad: {  	v41 =	vadd.f32 v10, v9;
	v9 =	vadd.f32 v25, v23;
	v35 =	vmul.f32 v21, v21  }
0x1ae: {  	v26 =	vadd.f32 v20, v21;
	v4 =	vmul.f32 $7.812500000e-03, v5;
	v5 =	vmul.f32 v47, v47  }
0x1af: {  	v10 =	vadd.f32 v36, v35;
	v6 =	vadd.f32 v61, v60  }
0x1b0: {  	v4 =	vsub.f32 v4, v5;
	v5 =	vadd.f32 v45, v46  }
0x1b1: {  	v43 =	vadd.f32 v10, v9;
	v6 =	vadd.f32 v41, v6  }
0x1b2: {  	v5 =	vadd.f32 v8, v5;
	v8 =	vadd.f32 v26, v40;
	v4 =	vmax.f32 v4, $0.0e+00  }
0x1b3: {  	v4 =	vadd.f32 $9.999999960e-13, v4  }
0x1b4: {  	v22 =	vld [tilespmem:s22+$0xC940];
	v6 =	vadd.f32 v43, v6;
	v5 =	vadd.f32 v8, v5  }
0x1b5: {  	v36 =	vld [tilespmem:s22+$0xC920];
	v49 =	vshra.s32 v4, $0x1  }
0x1b6: {  	v35 =	vld [tilespmem:s22+$0xC930];
	v9 =	vperm.xlane v6, v0;
	v7 =	vsub.s32 $0x5F3759DF, v49;
	v8 =	vperm.xlane v5, v0  }
0x1b7: {  	v23 =	vld [tilespmem:s22+$0xC950];
	v4 =	vmul.f32 $5.000000000e-01, v4;
	v10 =	vmul.f32 v7, v7  }
0x1b8: {  	v6 =	vadd.f32 v9, v6;
	v5 =	vadd.f32 v5, v8  }
0x1b9: {  	v8 =	vmul.f32 v10, v4  }
0x1ba: {  	v25 =	vld [tilespmem:s22+$0xC960];
	v10 =	vperm.xlane v6, v1;
	v9 =	vperm.xlane v5, v1  }
0x1bb: {  	v50 =	vmul.f32 v22, v22;
	v38 =	vadd.f32 v35, v36;
	v8 =	vsub.f32 $1.500000000e+00, v8  }
0x1bc: {  	v51 =	vmul.f32 v23, v23;
	v6 =	vadd.f32 v10, v6;
	v5 =	vadd.f32 v5, v9  }
0x1bd: {  	v37 =	vld [tilespmem:s22+$0xC910];
	v31 =	vsub.f32 v31, v47;
	v61 =	vsub.f32 v33, v47;
	v7 =	vmul.f32 v7, v8  }
0x1be: {  	v48 =	vsub.f32 v48, v47;
	v26 =	vld [tilespmem:s22+$0xC970];
	v9 =	vperm.xlane v6, v2;
	v8 =	vperm.xlane v5, v2  }
0x1bf: {  	v53 =	vmul.f32 v25, v25;
	v44 =	vsub.f32 v44, v47;
	v28 =	vsub.f32 v28, v47;
	v43 =	vld [tilespmem:s22+$0xC900]  }
0x1c0: {  	v39 =	vmul.f32 v36, v36;
	v6 =	vadd.f32 v9, v6;
	v5 =	vadd.f32 v5, v8  }
0x1c1: {  	v27 =	vsub.f32 v27, v47;
	v40 =	vmul.f32 v35, v35;
	v10 =	vmul.f32 v7, v7  }
0x1c2: {  	v41 =	vadd.f32 v23, v22;
	v9 =	vperm.xlane v6, v3;
	v8 =	vperm.xlane v5, v3  }
0x1c3: {  	v52 =	vadd.f32 v26, v25;
	v4 =	vmul.f32 v10, v4;
	v10 =	vmul.f32 v37, v37  }
0x1c4: {  	v6 =	vadd.f32 v9, v6;
	v9 =	vmul.f32 v43, v43;
	v5 =	vadd.f32 v5, v8  }
0x1c5: {  	v54 =	vmul.f32 v26, v26;
	v4 =	vsub.f32 $1.500000000e+00, v4;
	v8 =	vadd.f32 v37, v43  }
0x1c6: {  	v49 =	vmul.f32 $7.812500000e-03, v5;
	v5 =	vadd.f32 v10, v9;
	v9 =	vadd.f32 v40, v39  }
0x1c7: {  	v4 =	vmul.f32 v4, v7;
	v10 =	vadd.f32 v51, v50;
	v50 =	vadd.f32 v54, v53  }
0x1c8: {  	v6 =	vmul.f32 $7.812500000e-03, v6;
	v8 =	vadd.f32 v38, v8;
	v53 =	vadd.f32 v52, v41  }
0x1c9: {  	v56 =	vmul.f32 v4, v63;
	v60 =	vmul.f32 v4, v11;
	v5 =	vadd.f32 v9, v5  }
0x1ca: {  	v51 =	vmul.f32 v49, v49;
	v9 =	vadd.f32 v50, v10;
	v54 =	vadd.f32 v53, v8  }
0x1cb: {  	v39 =	vld [tilespmem:s22+$0xC9A0];
	v63 =	vsub.f32 v34, v47;
	v8 =	vmul.f32 v4, v62;
	v62 =	vmul.f32 v4, v12  }
0x1cc: {  	v6 =	vsub.f32 v6, v51;
	v5 =	vadd.f32 v9, v5;
	v10 =	vperm.xlane v54, v0  }
0x1cd: {  	v33 =	vld [tilespmem:s22+$0xC9E0];
	v53 =	vmul.f32 v4, v13;
	v50 =	vmul.f32 v60, v61;
	v9 =	vsub.f32 v32, v47  }
0x1ce: {  	v41 =	vld [tilespmem:s22+$0xC980];
	v6 =	vmax.f32 v6, $0.0e+00;
	v55 =	vperm.xlane v5, v0;
	v7 =	vadd.f32 v54, v10  }
0x1cf: {  	v38 =	vld [tilespmem:s22+$0xC990];
	v52 =	vmul.f32 v62, v63;
	v48 =	vmul.f32 v53, v48;
	v6 =	vadd.f32 $9.999999960e-13, v6  }
0x1d0: {  	v40 =	vld [tilespmem:s22+$0xC9B0];
	v60 =	vmul.f32 v39, v39;
	v5 =	vadd.f32 v55, v5;
	v57 =	vperm.xlane v7, v1  }
0x1d1: {  	v34 =	vld [tilespmem:s22+$0xC9F0];
	v8 =	vmul.f32 v8, v9;
	v9 =	vmul.f32 v56, v31;
	v10 =	vshra.s32 v6, $0x1  }
0x1d2: {  	v32 =	vld [tilespmem:s22+$0xC9D0];
	v10 =	vsub.s32 $0x5F3759DF, v10;
	v58 =	vperm.xlane v5, v1;
	v7 =	vadd.f32 v7, v57  }
0x1d3: {  	v46 =	vsub.f32 v46, v49;
	v31 =	vld [tilespmem:s22+$0xC9C0];
	v6 =	vmul.f32 $5.000000000e-01, v6;
	v59 =	vmul.f32 v10, v10  }
0x1d4: {  	v57 =	vmul.f32 v41, v41;
	v5 =	vadd.f32 v58, v5;
	v55 =	vperm.xlane v7, v2  }
0x1d5: {  	v54 =	vadd.f32 v38, v41;
	v58 =	vmul.f32 v38, v38;
	v51 =	vmul.f32 v59, v6  }
0x1d6: {  	v59 =	vadd.f32 v34, v33;
	v56 =	vperm.xlane v5, v2;
	v7 =	vadd.f32 v7, v55  }
0x1d7: {  	v61 =	vmul.f32 v40, v40;
	v55 =	vadd.f32 v40, v39;
	v53 =	vadd.f32 v58, v57  }
0x1d8: {  	v63 =	vmul.f32 v34, v34;
	v5 =	vadd.f32 v56, v5;
	v56 =	vadd.f32 v32, v31  }
0x1d9: {  	v62 =	vmul.f32 v32, v32;
	v51 =	vsub.f32 $1.500000000e+00, v51;
	v54 =	vadd.f32 v55, v54  }
0x1da: {  	v58 =	vld [tilespmem:$0x1FF50];
	v55 =	vmul.f32 v31, v31;
	v56 =	vadd.f32 v59, v56;
	v59 =	vmul.f32 v33, v33  }
0x1db: {  	v45 =	vsub.f32 v45, v49;
	v57 =	vadd.f32 v61, v60  }
0x1dc: {  	v10 =	vmul.f32 v10, v51;
	v51 =	vadd.f32 v62, v55;
	v55 =	vadd.f32 v63, v59  }
0x1dd: {  	v42 =	vsub.f32 v42, v49;
	v54 =	vadd.f32 v56, v54;
	v56 =	vperm.xlane v7, v3  }
0x1de: {  	v53 =	vadd.f32 v57, v53;
	v51 =	vadd.f32 v55, v51;
	v55 =	vmul.f32 v10, v10  }
0x1df: {  	v57 =	vmul.f32 v4, v58;
	v7 =	vadd.f32 v7, v56;
	v56 =	vperm.xlane v5, v3  }
0x1e0: {  	v6 =	vmul.f32 v55, v6;
	v51 =	vadd.f32 v51, v53;
	v53 =	vperm.xlane v54, v0  }
0x1e1: {  	v44 =	vmul.f32 v57, v44;
	v5 =	vadd.f32 v56, v5;
	v7 =	vmul.f32 $7.812500000e-03, v7  }
0x1e2: {  	v55 =	vld [tilespmem:$0x1FF60];
	v6 =	vsub.f32 $1.500000000e+00, v6;
	v53 =	vadd.f32 v54, v53;
	v57 =	vperm.xlane v51, v0  }
0x1e3: {  	v29 =	vsub.f32 v29, v49;
	v60 =	vld [tilespmem:$0x1FF70];
	v5 =	vmul.f32 $7.812500000e-03, v5;
	v59 =	vmul.f32 v7, v7  }
0x1e4: {  	v6 =	vmul.f32 v6, v10;
	v10 =	vadd.f32 v57, v51;
	v57 =	vperm.xlane v53, v1  }
0x1e5: {  	v30 =	vsub.f32 v30, v49;
	v24 =	vsub.f32 v24, v49  }
0x1e6: {  	v62 =	vld [tilespmem:$0x1FF90];
	v5 =	vsub.f32 v5, v59;
	v51 =	vadd.f32 v53, v57;
	v59 =	vperm.xlane v10, v1  }
0x1e7: {  	v21 =	vsub.f32 v21, v49;
	v20 =	vsub.f32 v20, v49;
	v61 =	vld [tilespmem:$0x1FF80];
	v54 =	vmul.f32 v4, v55  }
0x1e8: {  	v4 =	vmul.f32 v4, v60;
	v10 =	vadd.f32 v59, v10;
	v59 =	vperm.xlane v51, v2  }
0x1e9: {  	v50 =	vadd.f32 v50, v14;
	v52 =	vadd.f32 v52, v15;
	v5 =	vmax.f32 v5, $0.0e+00  }
0x1ea: {  	v4 =	vmul.f32 v4, v27;
	v27 =	vadd.f32 v51, v59;
	v47 =	vperm.xlane v10, v2  }
0x1eb: {  	v48 =	vadd.f32 v48, v16;
	v57 =	vmul.f32 v6, v62;
	v5 =	vadd.f32 $9.999999960e-13, v5  }
0x1ec: {  	v8 =	vadd.f32 v8, v61;
	v59 =	vperm.xlane v27, v3;
	v10 =	vadd.f32 v47, v10  }
0x1ed: {  	v44 =	vadd.f32 v44, v17;
	v46 =	vmul.f32 v57, v46;
	v57 =	vshra.s32 v5, $0x1  }
0x1ee: {  	v56 =	vld [tilespmem:$0x1FFB0];
	v53 =	vsub.s32 $0x5F3759DF, v57;
	v27 =	vadd.f32 v27, v59;
	v57 =	vperm.xlane v10, v3  }
0x1ef: {  	v43 =	vsub.f32 v43, v7;
	v5 =	vmul.f32 $5.000000000e-01, v5;
	v47 =	vmul.f32 v53, v53  }
0x1f0: {  	v37 =	vsub.f32 v37, v7;
	v10 =	vadd.f32 v57, v10;
	v27 =	vmul.f32 $7.812500000e-03, v27  }
0x1f1: {  	v63 =	vld [tilespmem:$0x1FFA0];
	v36 =	vsub.f32 v36, v7;
	v59 =	vmul.f32 v6, v11;
	v47 =	vmul.f32 v47, v5  }
0x1f2: {  	v35 =	vsub.f32 v35, v7;
	v10 =	vmul.f32 $7.812500000e-03, v10;
	v57 =	vmul.f32 v27, v27  }
0x1f3: {  	v9 =	vadd.f32 v9, v56;
	v28 =	vmul.f32 v54, v28;
	v47 =	vsub.f32 $1.500000000e+00, v47  }
0x1f4: {  	v54 =	vmul.f32 v6, v55;
	v42 =	vmul.f32 v59, v42;
	v10 =	vsub.f32 v10, v57  }
0x1f5: {  	v28 =	vadd.f32 v28, v18;
	v59 =	vmul.f32 v6, v12;
	v47 =	vmul.f32 v53, v47  }
0x1f6: {  	v4 =	vadd.f32 v4, v19;
	v51 =	vmul.f32 v6, v63;
	v10 =	vmax.f32 v10, $0.0e+00  }
0x1f7: {  	v29 =	vmul.f32 v59, v29;
	v59 =	vmul.f32 v47, v47;
	v10 =	vadd.f32 $9.999999960e-13, v10  }
0x1f8: {  	[tilespmem:s22+$0xC800] =	vst v8;
	v21 =	vmul.f32 v54, v21;
	v8 =	vadd.f32 v46, v61;
	v57 =	vmul.f32 v6, v13  }
0x1f9: {  	v45 =	vmul.f32 v51, v45;
	v5 =	vmul.f32 v59, v5;
	v59 =	vshra.s32 v10, $0x1  }
0x1fa: {  	v30 =	vmul.f32 v57, v30;
	v57 =	vmul.f32 v6, v58;
	v51 =	vsub.s32 $0x5F3759DF, v59  }
0x1fb: {  	[tilespmem:s22+$0xC820] =	vst v50;
	v5 =	vsub.f32 $1.500000000e+00, v5;
	v10 =	vmul.f32 $5.000000000e-01, v10;
	v53 =	vmul.f32 v51, v51  }
0x1fc: {  	[tilespmem:s22+$0xC810] =	vst v9;
	v9 =	vadd.f32 v45, v56;
	v6 =	vmul.f32 v6, v60;
	v24 =	vmul.f32 v57, v24  }
0x1fd: {  	[tilespmem:s22+$0xC840] =	vst v48;
	v48 =	vsub.f32 v41, v27;
	v5 =	vmul.f32 v5, v47;
	v57 =	vmul.f32 v53, v10  }
0x1fe: {  	[tilespmem:s22+$0xC870] =	vst v4;
	v4 =	vadd.f32 v29, v15;
	v6 =	vmul.f32 v6, v20;
	v20 =	vadd.f32 v42, v14  }
0x1ff: {  	[tilespmem:s22+$0xC830] =	vst v52;
	v59 =	vmul.f32 v5, v62;
	v50 =	vmul.f32 v5, v63;
	v49 =	vsub.f32 $1.500000000e+00, v57  }
0x200: {  	[tilespmem:s22+$0xC8B0] =	vst v4;
	v4 =	vsub.f32 v25, v7;
	v52 =	vmul.f32 v5, v11;
	v54 =	vmul.f32 v5, v12  }
0x201: {  	v30 =	vadd.f32 v30, v16;
	[tilespmem:s22+$0xC8A0] =	vst v20;
	v20 =	vmul.f32 v5, v13;
	v42 =	vmul.f32 v51, v49  }
0x202: {  	[tilespmem:s22+$0xC850] =	vst v44;
	v24 =	vadd.f32 v24, v17;
	v43 =	vmul.f32 v59, v43;
	v53 =	vmul.f32 v50, v37  }
0x203: {  	[tilespmem:s22+$0xC880] =	vst v8;
	v6 =	vadd.f32 v6, v19;
	v8 =	vmul.f32 v54, v35;
	v59 =	vmul.f32 v42, v42  }
0x204: {  	[tilespmem:s22+$0xC860] =	vst v28;
	v35 =	vsub.f32 v22, v7;
	v50 =	vsub.f32 v38, v27;
	v57 =	vmul.f32 v52, v36  }
0x205: {  	[tilespmem:s22+$0xC890] =	vst v9;
	v36 =	vsub.f32 v23, v7;
	v7 =	vsub.f32 v26, v7;
	v9 =	vmul.f32 v59, v10  }
0x206: {  	[tilespmem:s22+$0xC8C0] =	vst v30;
	v37 =	vmul.f32 v5, v58;
	v52 =	vsub.f32 v39, v27;
	v10 =	vadd.f32 v21, v18  }
0x207: {  	[tilespmem:s22+$0xC8D0] =	vst v24;
	v20 =	vmul.f32 v20, v35;
	v44 =	vadd.f32 v43, v61;
	v9 =	vsub.f32 $1.500000000e+00, v9  }
0x208: {  	v45 =	vadd.f32 v53, v56;
	v22 =	vmul.f32 v37, v36;
	[tilespmem:s22+$0xC8E0] =	vst v10;
	v10 =	vmul.f32 v5, v55  }
0x209: {  	[tilespmem:s22+$0xC8F0] =	vst v6;
	v8 =	vadd.f32 v8, v15;
	v5 =	vmul.f32 v5, v60;
	v9 =	vmul.f32 v9, v42  }
0x20a: {  	v53 =	vsub.f32 v40, v27;
	v47 =	vadd.f32 v20, v16;
	[tilespmem:s22+$0xC900] =	vst v44;
	v4 =	vmul.f32 v10, v4  }
0x20b: {  	[tilespmem:s22+$0xC910] =	vst v45;
	v20 =	vadd.f32 v22, v17;
	v5 =	vmul.f32 v5, v7;
	v10 =	vmul.f32 v9, v62  }
0x20c: {  	v46 =	vadd.f32 v57, v14;
	[tilespmem:s22+$0xC930] =	vst v8;
	v49 =	vmul.f32 v9, v63;
	v51 =	vmul.f32 v9, v11  }
0x20d: {  	[tilespmem:s22+$0xC950] =	vst v20;
	v20 =	vsub.f32 v31, v27;
	v8 =	vmul.f32 v9, v12;
	v57 =	vmul.f32 v9, v13  }
0x20e: {  	[tilespmem:s22+$0xC920] =	vst v46;
	v4 =	vadd.f32 v4, v18;
	v10 =	vmul.f32 v10, v48;
	v7 =	vmul.f32 v49, v50  }
0x20f: {  	[tilespmem:s22+$0xC940] =	vst v47;
	v5 =	vadd.f32 v5, v19;
	v54 =	vmul.f32 v51, v52;
	v8 =	vmul.f32 v8, v53  }
0x210: {  	[tilespmem:s22+$0xC960] =	vst v4;
	v6 =	vmul.f32 v57, v20;
	v10 =	vadd.f32 v10, v61;
	v7 =	vadd.f32 v7, v56  }
0x211: {  	[tilespmem:s22+$0xC970] =	vst v5;
	v5 =	vadd.f32 v8, v15;
	v8 =	vmul.f32 v9, v58;
	v58 =	vsub.f32 v32, v27  }
0x212: {  	v20 =	vsub.f32 v33, v27;
	v4 =	vadd.f32 v54, v14;
	[tilespmem:s22+$0xC980] =	vst v10;
	v10 =	vmul.f32 v9, v55  }
0x213: {  	[tilespmem:s22+$0xC990] =	vst v7;
	v59 =	vmul.f32 v8, v58;
	v8 =	vmul.f32 v9, v60;
	v9 =	vsub.f32 v34, v27  }
0x214: {  	p0 =	sne.s32 s21, $0x18800;
	[tilespmem:s22+$0xC9A0] =	vst v4;
	v4 =	vadd.f32 v6, v16;
	v60 =	vmul.f32 v10, v20  }
.Ltmp9:
0x215: {  	[tilespmem:s22+$0xC9B0] =	vst v5;
	v5 =	vadd.f32 v59, v17;
	v61 =	vmul.f32 v8, v9;
	(pc) =	sbr.rel @p0 .LBB2_12-.Ltmp9, $4  }
0x216: {  	[tilespmem:s22+$0xC9C0] =	vst v4;
	v4 =	vadd.f32 v60, v18  }
0x217: {  	[tilespmem:s22+$0xC9D0] =	vst v5;
	v5 =	vadd.f32 v61, v19  }
0x218: {  	[tilespmem:s22+$0xC9E0] =	vst v4  }
0x219: {  	s21 =	sadd.s32 $0x800, s21;
	[tilespmem:s22+$0xC9F0] =	vst v5  }
0x21a: {  	s21 =	sshll.u32 s23, $0x5  }
.Ltmp10:
0x21b: {  	s21 =	sor.u32 s6, s21;
	(pc) =	sbr.rel .LBB2_14-.Ltmp10, $3  }
0x21c: {  	s21 =	smul.u32 $0xC80, s21;
	_ =	sdelay $0x1  }
0x21d: {  	s21 =	sadd.s32 s7, s21  }
0x21e: {  	[hbm4b:s21+s5] =	stream.linear.scatter [tilespmem:s18], [sflag:$0x6], $0x6400, $0x38;
	[tilespmem:$0x12D00] =	vst v63  }
.LBB2_16:
0x21f: {  	_ =	sfence.sel $0x180000  }
0x220: {  	[bflag:$0x0] =	sbarrier.arrive $0xFFFF  }
0x221: {  	p0 =	sne.s32 s4, $0x0;
	_ =	strace $0x90000047  }
0x222: {  	s0 =	sadd.s32 @!p0 $0x100000, s2;
	[bflag:$0x2] =	sbarrier.arrive $0xFFFF  }
0x223: {  	[sflag:s0] =	ssyncadd.tile.s32 @!p0 $0x1;
	_ =	shalt  }
.Lfunc_end2:
_tile_overlayer_lowered:
.L_overlay_start_2:
0x224: {  	(tag) =	ssettag $0x2  }
0x225: {  	s0 =	rddreg [dreg:$0x0];
	s2 =	stileid.u32  }
0x226: {  	s1 =	rddreg [dreg:$0x1];
	p0 =	sne.s32 s2, $0x0  }
0x227: {  	s3 =	rddreg [dreg:$0x2];
	[bflag:$0x3] =	sbarrier.arrive $0xFFFF;
	s2 =	simm.s32 @!p0 $0x1C07  }
0x228: {  	[timem:s3], [sflag:s2] =	dma.local @!p0 [hbm:s0], s1  }
0x229: {  	s0 =	simm.s32 @!p0 $0x7  }
0x22a: {  	_ =	swait.ge @!p0 [sflag:s0], s1  }
0x22b: {  	s1 =	ssub.s32 @!p0 $0x0, s1;
	[sflag:s0] =	ssyncset.done @!p0 $0x0  }
0x22c: {  	[sflag:s0] =	ssyncadd.s32 @!p0 s1  }
0x22d: {  	[bflag:$0x3] =	sbarrier.arrive $0xFFFF  }
0x22e: {  	_ =	shalt  }

// kernel: kernel.7.cloned.1.call-start
scs
__scs_entry_jumppad:
0x0: {  	(pc) =	sbr.rel $0x88, $3  }
0x1: {  	(tag) =	ssettag $0x0;
	lr =	simm.s32 $0x1  }
0x2: {  	[smem:$0x3F9D] =	sst lr;
	_ =	strace $0xD0000000  }
0x3: {  	_ = 	snop  }
0x4: {  	_ = 	snop  }
0x5: {  	_ = 	snop  }
0x6: {  	_ = 	snop  }
0x7: {  	_ = 	snop  }
__scs_overlays_trampoline_lowered:
0x8: {  	[smem:$0x3FAC] =	sst s0  }
0x9: {  	[smem:$0x3FAD] =	sst s1  }
0xa: {  	[smem:$0x3FAE] =	sst s2  }
0xb: {  	[smem:$0x3FAF] =	sst s3  }
0xc: {  	[smem:$0x3FB0] =	sst s4  }
0xd: {  	[smem:$0x3FB1] =	sst s5  }
0xe: {  	[smem:$0x3FB2] =	sst s6  }
0xf: {  	[smem:$0x3FB3] =	sst s7  }
0x10: {  	[smem:$0x3FB4] =	sst s8  }
0x11: {  	[smem:$0x3FB5] =	sst s9;
	s0 =	simm.s32 @!p0 $0x0  }
0x12: {  	s1 =	sld [smem:$0x3F9B];
	s0 =	simm.s32 @p0 $0x1  }
0x13: {  	[smem:$0x3FB6] =	sst s0;
	s0 =	simm.s32 @!p1 $0x0  }
0x14: {  	s2 =	sld [smem:$0x3F9A];
	s0 =	simm.s32 @p1 $0x1  }
0x15: {  	[smem:$0x3FB7] =	sst s0;
	s0 =	simm.s32 @!p2 $0x0  }
0x16: {  	s3 =	sld [smem:$0x3FDB];
	s0 =	simm.s32 @p2 $0x1  }
0x17: {  	s4 =	simm.s32 $0x1BF5;
	[smem:$0x3FB9] =	sst s0  }
0x18: {  	s0 =	sld [smem:$0x3F9C];
	_ =	swait.ge [sflag:s4], $0x0  }
0x19: {  	s7 =	sld [smem:$0x3F9D]  }
0x1a: {  	s8 =	sadd.s32 $0xFFFFE003, lr  }
0x1b: {  	s9 =	sadd.s32 $0xFFFFFEF7, lr;
	s5 =	simm.s32 $0xFFFFFFFF;
	p2 =	slt.u32 s8, $0xFFFFF086  }
0x1c: {  	p1 =	slt.u32 s9, $0xF7A;
	s5 =	simm.s32 @!p2 $0x0  }
0x1d: {  	s5 =	simm.s32 @p1 $0x1;
	p0 =	seq.s32 s7, s2  }
0x1e: {  	s7 =	smul.u32 @!p0 $0xF7A, s2;
	p2 =	seq.s32 @!p0 s5, $0x0  }
0x1f: {  	s9 =	smul.u32 $0xF7A, s1;
	s8 =	simm.s32 @!p0 $0x1BF5;
	p2 =	por !p2, p0  }
0x20: {  	[sflag:s8] =	ssyncset.s32 @!p0 $0xFFFFF086;
	s6 =	sadd.s32 @!p0 s3, s7;
	s7 =	simm.s32 @!p0 $0x108  }
0x21: {  	s3 =	sadd.s32 s3, s9;
	s6 =	sadd.s32 @!p0 $0x88, s6;
	s7 =	simm.s32 @p2 $0x1082  }
0x22: {  	[simem:s7], [sflag:s8] =	dma.local @!p0 [hbm:s6], $0xF7A  }
0x23: {  	s9 =	sor.u32 $0xD0000000, s2;
	s6 =	simm.s32 $0x108;
	_ =	swait.ge @!p0 [sflag:s8], $0x0  }
0x24: {  	s3 =	sadd.s32 $0x88, s3;
	s6 =	simm.s32 @!p1 $0x1082;
	[sflag:s4] =	ssyncset.s32 $0xFFFFF086  }
0x25: {  	[simem:s6], [sflag:s4] =	dma.local [hbm:s3], $0xF7A  }
0x26: {  	[smem:$0x3F9D] =	sst s1;
	(tag) =	ssettag s2;
	_ =	strace s9  }
0x27: {  	s1 =	sld [smem:$0x3FAD]  }
0x28: {  	s2 =	sld [smem:$0x3FAE]  }
0x29: {  	s4 =	sld [smem:$0x3FB0]  }
0x2a: {  	p0 =	seq.s32 s5, $0x0;
	s5 =	sld [smem:$0x3FB1]  }
0x2b: {  	s6 =	sld [smem:$0x3FB2]  }
0x2c: {  	s7 =	sld [smem:$0x3FB3]  }
0x2d: {  	s3 =	simm.s32 $0x108;
	s8 =	sld [smem:$0x3FB4]  }
0x2e: {  	s3 =	simm.s32 @!p0 $0x1082;
	s9 =	sld [smem:$0x3FB5]  }
0x2f: {  	lr =	sadd.s32 s0, s3;
	s0 =	sld [smem:$0x3FAC]  }
0x30: {  	s3 =	sld [smem:$0x3FAF]  }
0x31: {  	[smem:$0x3FB8] =	sst s10  }
0x32: {  	s10 =	sld [smem:$0x3FB6];
	_ =	sdelay $0x3  }
0x33: {  	p0 =	seq.s32 s10, $0x1;
	s10 =	sld [smem:$0x3FB8];
	_ =	sdelay $0x3  }
0x34: {  	[smem:$0x3FB8] =	sst s10  }
0x35: {  	s10 =	sld [smem:$0x3FB7];
	_ =	sdelay $0x3  }
0x36: {  	p1 =	seq.s32 s10, $0x1;
	s10 =	sld [smem:$0x3FB8];
	_ =	sdelay $0x3  }
0x37: {  	[smem:$0x3FB8] =	sst s10  }
0x38: {  	s10 =	sld [smem:$0x3FB9]  }
0x39: {  	_ = 	snop;
	(pc) =	sbr.ind lr, $3  }
0x3a: {  	_ = 	snop  }
0x3b: {  	_ = 	snop  }
0x3c: {  	p2 =	seq.s32 s10, $0x1;
	s10 =	sld [smem:$0x3FB8]  }
0x3d: {  	_ =	shalt  }
0x3e: {  	_ =	shalt  }
0x3f: {  	_ =	shalt  }
0x40: {  	_ =	shalt  }
0x41: {  	_ =	shalt  }
0x42: {  	_ =	shalt  }
0x43: {  	_ =	shalt  }
0x44: {  	_ =	shalt  }
0x45: {  	_ =	shalt  }
0x46: {  	_ =	shalt  }
0x47: {  	_ =	shalt  }
0x48: {  	_ =	shalt  }
0x49: {  	_ =	shalt  }
0x4a: {  	_ =	shalt  }
0x4b: {  	_ =	shalt  }
0x4c: {  	_ =	shalt  }
0x4d: {  	_ =	shalt  }
0x4e: {  	_ =	shalt  }
0x4f: {  	_ =	shalt  }
0x50: {  	_ =	shalt  }
0x51: {  	_ =	shalt  }
0x52: {  	_ =	shalt  }
0x53: {  	_ =	shalt  }
0x54: {  	_ =	shalt  }
0x55: {  	_ =	shalt  }
0x56: {  	_ =	shalt  }
0x57: {  	_ =	shalt  }
0x58: {  	_ =	shalt  }
0x59: {  	_ =	shalt  }
0x5a: {  	_ =	shalt  }
0x5b: {  	_ =	shalt  }
0x5c: {  	_ =	shalt  }
0x5d: {  	_ =	shalt  }
0x5e: {  	_ =	shalt  }
0x5f: {  	_ =	shalt  }
0x60: {  	_ =	shalt  }
0x61: {  	_ =	shalt  }
0x62: {  	_ =	shalt  }
0x63: {  	_ =	shalt  }
0x64: {  	_ =	shalt  }
0x65: {  	_ =	shalt  }
0x66: {  	_ =	shalt  }
0x67: {  	_ =	shalt  }
0x68: {  	_ =	shalt  }
0x69: {  	_ =	shalt  }
0x6a: {  	_ =	shalt  }
0x6b: {  	_ =	shalt  }
0x6c: {  	_ =	shalt  }
0x6d: {  	_ =	shalt  }
0x6e: {  	_ =	shalt  }
0x6f: {  	_ =	shalt  }
0x70: {  	_ =	shalt  }
0x71: {  	_ =	shalt  }
0x72: {  	_ =	shalt  }
0x73: {  	_ =	shalt  }
0x74: {  	_ =	shalt  }
0x75: {  	_ =	shalt  }
0x76: {  	_ =	shalt  }
0x77: {  	_ =	shalt  }
0x78: {  	_ =	shalt  }
0x79: {  	_ =	shalt  }
0x7a: {  	_ =	shalt  }
0x7b: {  	_ =	shalt  }
0x7c: {  	_ =	shalt  }
0x7d: {  	_ =	shalt  }
0x7e: {  	_ =	shalt  }
0x7f: {  	_ =	shalt  }
0x80: {  	_ =	shalt  }
0x81: {  	_ =	shalt  }
0x82: {  	_ =	shalt  }
0x83: {  	_ =	shalt  }
0x84: {  	_ =	shalt  }
0x85: {  	_ =	shalt  }
0x86: {  	_ =	shalt  }
0x87: {  	_ =	shalt  }
.Lfunc_end0:
.L_simem_size_0:
called_computation.1_lowered:
.L_overlay_start_0:
0x88: {  	s2 =	sld [smem:$0x3FD9]  }
0x89: {  	s3 =	sld [smem:$0x3FFE];
	_ =	sdelay $0x1  }
0x8a: {  	s1 =	srdreg.scid  }
0x8b: {  	s0 =	sand.u32 $0x1, s1  }
0x8c: {  	s17 =	sshll.u32 s0, $0xA;
	s2 =	sadd.s32 s3, s2  }
0x8d: {  	s2 =	sadd.s32 s2, s17  }
0x8e: {  	[smem:$0x3FC4] =	sst s2  }
0x8f: {  	_ = 	snop  }
0x90: {  	s2 =	sld [smem:$0x3FD0];
	(tm) =	ssettm $0x1  }
0x91: {  	s18 =	sld [smem:$0x3FFB];
	_ =	sdelay $0x3  }
0x92: {  	_ =	strace s18  }
0x93: {  	s3 =	sld [smem:$0x3FFC];
	_ =	sdelay $0x3  }
0x94: {  	_ =	strace s3  }
0x95: {  	s3 =	sld [smem:$0x3FFD];
	_ =	sdelay $0x3  }
0x96: {  	_ =	strace s3  }
0x97: {  	_ =	strace $0x8FFFFFFF  }
0x98: {  	s19 =	sld [smem:$0x3FDB];
	_ =	sdelay $0x1  }
0x99: {  	s4 =	simm.s32 $_scs_section_size  }
0x9a: {  	s5 =	simm.s32 $_size__tile_overlayer_lowered;
	s6 =	simm.s32 $_tile_overlayer_lowered  }
0x9b: {  	s22 =	simm.s32 $0x1BFF;
	s21 =	sshll.u32 s6, $0x1;
	s3 =	sadd.s32 s4, s19  }
0x9c: {  	s7 =	simm.s32 $0x0;
	s20 =	sshll.u32 s5, $0x1;
	s5 =	sadd.s32 s21, s3  }
0x9d: {  	[timem:s7], [sflag:s22] =	dma.local [hbm:s5], s20  }
0x9e: {  	_ =	swait.ge [sflag:s22], s20  }
0x9f: {  	s4 =	ssub.s32 $0x0, s20;
	[sflag:s22] =	ssyncset.done $0x0  }
0xa0: {  	[sflag:s22] =	ssyncadd.s32 s4;
	_ =	sdelay $0x1  }
0xa1: {  	s23 =	simm.s32 $0x1B8B  }
0xa2: {  	_ =	swait.ge [sflag:s23], $0x1  }
0xa3: {  	[sflag:s23] =	ssyncset.done $0x0  }
0xa4: {  	s25 =	simm.s32 $0x1B8E;
	s24 =	sld [smem:$0x3FFE];
	[sflag:s23] =	ssyncadd.s32 $0xFFFFFFFF  }
0xa5: {  	s26 =	simm.s32 $execute0_lowered;
	[smem:$0x3FD2] =	sst s25  }
0xa6: {  	s5 =	sshll.u32 s26, $0x1;
	_ =	strace $0x80000049;
	[dreg:$0x1] =	wrdreg $0xFFFFFFFF  }
0xa7: {  	s28 =	simm.s32 $_size_execute0_lowered;
	s3 =	sadd.s32 s3, s5;
	[dreg:$0x0] =	wrdreg $0x0  }
0xa8: {  	s5 =	sshll.u32 s28, $0x1;
	[dreg:$0x2] =	wrdreg s3  }
0xa9: {  	[dreg:$0x3] =	wrdreg s5  }
0xaa: {  	[dreg:$0x4] =	wrdreg $0xC0  }
0xab: {  	_ =	task [dreg:s7], $0x5FFFF  }
0xac: {  	[dreg:$0x1] =	wrdreg $0xFFFFFFFF  }
0xad: {  	[dreg:$0x0] =	wrdreg $0x60  }
0xae: {  	[dreg:$0x2] =	wrdreg s24  }
0xaf: {  	[dreg:$0x3] =	wrdreg s2  }
0xb0: {  	[dreg:$0x4] =	wrdreg $0x9  }
0xb1: {  	_ =	task.clear_ibuf [dreg:s7], $0x5FFFF;
	_ =	strace $0x90000049  }
0xb2: {  	s29 =	simm.s32 $0x9;
	_ =	strace $0x8000004B  }
0xb3: {  	_ =	swait.ge [sflag:s29], $0x1  }
0xb4: {  	[sflag:s29] =	ssyncadd.s32 $0xFFFFFFFF  }
0xb5: {  	_ =	strace $0x9000004B  }
0xb6: {  	_ =	sfence  }
0xb7: {  	s30 =	sld [smem:$0x0];
	_ =	sdelay $0x2  }
0xb8: {  	s31 =	sshll.u32 s1, $0xD;
	s1 =	sshrl.u32 s1, $0x2  }
0xb9: {  	s3 =	sand.u32 $0x4000, s31;
	s1 =	sadd.s32 s1, s30  }
0xba: {  	s0 =	sor.u32 s3, s0;
	s1 =	sshll.u32 s1, $0x11  }
0xbb: {  	s0 =	sor.u32 s1, s0  }
0xbc: {  	s0 =	sadd.s32 $0x8F2B, s0  }
0xbd: {  	[sflag:s0] =	ssyncadd.remote.s32 $0x1  }
0xbe: {  	_ =	sfence.sel $0xFFFF  }
0xbf: {  	[dreg:$0x0] =	wrdreg $0xFFFFFFFF;
	(pc) =	sbr.abs _section_cstart, $3  }
0xc0: {  	[dreg:$0x1] =	wrdreg $0xFFFFFFFF  }
0xc1: {  	_ =	task.clear_ibuf [dreg:s7], $0x2FFFF;
	_ =	strace $0x9FFFFFFF  }
0xc2: {  	(tm) =	ssettm $0x7FFFFFFF  }
0xc3: {  	_ =	shalt  }
tec
execute0_lowered:
.L_overlay_start_1:
0x0: {  	(tag) =	ssettag $0x1  }
0x1: {  	s0 =	srdreg.scid;
	s3 =	rddreg [dreg:$0x0]  }
0x2: {  	s8 =	stileid.u32;
	s4 =	rddreg [dreg:$0x1];
	s2 =	simm.s32 $0x0  }
0x3: {  	s11 =	simm.s32 $0x80;
	s12 =	simm.s32 $0x6400;
	s13 =	simm.s32 $0xA400  }
0x4: {  	s15 =	simm.s32 $0xE400;
	s16 =	simm.s32 $0x12400;
	s17 =	simm.s32 $0x1  }
0x5: {  	s18 =	simm.s32 $0x16400;
	s19 =	simm.s32 $0x2;
	s20 =	simm.s32 $0x6  }
0x6: {  	s21 =	simm.s32 $0x3;
	s22 =	simm.s32 $0x7;
	s23 =	simm.s32 $0x4  }
0x7: {  	s24 =	simm.s32 $0x8;
	s29 =	simm.s32 $0x0;
	s5 =	smul.u32 $0xC8000, s8  }
0x8: {  	s0 =	sand.u32 $0x1, s0;
	s1 =	sshll.u32 s8, $0x1;
	s8 =	smul.u32 $0x640000, s8  }
0x9: {  	[smem:$0x7FF] =	sst s2;
	s1 =	sor.u32 s0, s1;
	s6 =	smul.u32 $0x64000, s0  }
0xa: {  	_ =	strace $0x8000004A;
	s7 =	ssub.s32 $0x2, s0;
	s0 =	smul.u32 $0x320000, s0  }
0xb: {  	s1 =	smul.u32 $0xC80, s1;
	s9 =	sshrl.u32 s7, $0x1;
	s5 =	sadd.s32 s5, s4  }
0xc: {  	s7 =	ssub.s32 s7, s9;
	s25 =	sadd.s32 s6, s5;
	s0 =	sadd.s32 s0, s8  }
0xd: {  	s1 =	sadd.s32 s1, s3;
	s3 =	sadd.s32 $0xA00, s3;
	s26 =	smax.u32 s7, $0x1  }
0xe: {  	s6 =	sadd.s32 $0x1000, s25;
	s28 =	sor.u32 $0x10000, s0;
	s30 =	sor.u32 $0xC000, s0  }
0xf: {  	s0 =	sor.u32 $0x4000, s0;
	s1 =	sadd.s32 $0x187400, s1;
	[dreg:$0x4] =	wrdreg s26  }
0x10: {  	s25 =	simm.s32 $0x5;
	[dreg:$0x3] =	wrdreg s1;
	s1 =	sshrl.u32 s28, $0x3  }
0x11: {  	s31 =	sshrl.u32 s30, $0x3;
	s0 =	sshrl.u32 s0, $0x3;
	s1 =	sadd.s32 s1, s4  }
0x12: {  	s8 =	sadd.s32 s31, s4;
	s9 =	sadd.s32 s0, s4;
	[dreg:$0x5] =	wrdreg s1  }
.LBB2_1:
0x13: {  	s0 =	rddreg [dreg:$0x3];
	s7 =	simm.s32 $0xB  }
0x14: {  	[tilespmem:s2], [sflag:$0xB] =	stream.linear.gather [hbm4b:s0+s2], $0x6400, $0x38;
	[tilespmem:$0x1A400] =	vst v63  }
0x15: {  	_ =	swait.ge [sflag:s7], $0x6400  }
0x16: {  	[sflag:s7] =	ssyncset.done $0x0  }
0x17: {  	[sflag:s7] =	ssyncadd.s32 $0xFFFF9C00  }
0x18: {  	[tilespmem:s12], [sflag:$0x1] =	stream.indirect.gather [hbm4b:s3+s11], $0x80, s2, s11, $0xb8;
	[tilespmem:$0x1A400] =	vst v63  }
0x19: {  	p0 =	por $0x1, $0x1  }
0x1a: {  	[tilespmem:s13], [sflag:$0x2] =	stream.indirect.gather [hbm4b:s3+s11], $0x80, s11, s11, $0xb8;
	[tilespmem:$0x1A400] =	vst v63  }
0x1b: {  	s10 =	simm.s32 $0x100;
	s0 =	simm.s32 @!p0 $0x9  }
0x1c: {  	[tilespmem:s15], [sflag:$0x3] =	stream.indirect.gather [hbm4b:s3+s11], $0x80, s10, s11, $0xb8;
	[tilespmem:$0x1A400] =	vst v63  }
0x1d: {  	_ =	swait.ge @!p0 [sflag:s0], $0x4000  }
0x1e: {  	[sflag:s0] =	ssyncset.done @!p0 $0x0  }
0x1f: {  	s14 =	simm.s32 $0x180;
	[sflag:s0] =	ssyncadd.s32 @!p0 $0xFFFFC000  }
0x20: {  	[tilespmem:s16], [sflag:$0x4] =	stream.indirect.gather [hbm4b:s3+s11], $0x80, s14, s11, $0xb8;
	[tilespmem:$0x1A400] =	vst v63  }
0x21: {  	_ =	swait.ge [sflag:s17], $0x4000  }
0x22: {  	[sflag:s17] =	ssyncset.done $0x0  }
0x23: {  	s26 =	sadd.s32 $0xFFFFF000, s6;
	s1 =	simm.s32 @!p0 $0xA;
	[sflag:s17] =	ssyncadd.s32 $0xFFFFC000  }
0x24: {  	[hbm4b:s26+s2] =	stream.linear.scatter [tilespmem:s12], [sflag:$0x6], $0x4000, $0x38;
	[tilespmem:$0x1A400] =	vst v63  }
0x25: {  	_ =	swait.ge @!p0 [sflag:s1], $0x4000  }
0x26: {  	[sflag:s1] =	ssyncset.done @!p0 $0x0  }
0x27: {  	s28 =	simm.s32 $0x200;
	[sflag:s1] =	ssyncadd.s32 @!p0 $0xFFFFC000  }
0x28: {  	[tilespmem:s18], [sflag:$0x5] =	stream.indirect.gather [hbm4b:s3+s11], $0x80, s28, s11, $0xb8;
	[tilespmem:$0x1A400] =	vst v63  }
0x29: {  	_ =	swait.ge [sflag:s19], $0x4000  }
0x2a: {  	[sflag:s19] =	ssyncset.done $0x0  }
0x2b: {  	[sflag:s19] =	ssyncadd.s32 $0xFFFFC000  }
0x2c: {  	[hbm4b:s9+s2] =	stream.linear.scatter [tilespmem:s13], [sflag:$0x7], $0x4000, $0x38;
	[tilespmem:$0x1A400] =	vst v63  }
0x2d: {  	p0 =	por $0x0, $0x0;
	_ =	swait.ge [sflag:s20], $0x4000  }
0x2e: {  	s0 =	simm.s32 @!p0 $0x6400;
	[sflag:s20] =	ssyncset.done $0x0  }
0x2f: {  	s1 =	simm.s32 @!p0 $0x280;
	s7 =	simm.s32 @!p0 $0x80;
	[sflag:s20] =	ssyncadd.s32 $0xFFFFC000  }
0x30: {  	[tilespmem:s0], [sflag:$0x1] =	stream.indirect.gather @!p0 [hbm4b:s3+s7], $0x80, s1, s7, $0xb8;
	[tilespmem:$0x1A400] =	vst v63  }
0x31: {  	_ =	swait.ge [sflag:s21], $0x4000  }
0x32: {  	[sflag:s21] =	ssyncset.done $0x0  }
0x33: {  	[sflag:s21] =	ssyncadd.s32 $0xFFFFC000  }
0x34: {  	[hbm4b:s6+s2] =	stream.linear.scatter [tilespmem:s15], [sflag:$0x8], $0x4000, $0x38;
	[tilespmem:$0x1A400] =	vst v63  }
0x35: {  	_ =	swait.ge [sflag:s22], $0x4000  }
0x36: {  	[sflag:s22] =	ssyncset.done $0x0  }
0x37: {  	s0 =	simm.s32 @!p0 $0x300;
	s1 =	simm.s32 @!p0 $0xA400;
	[sflag:s22] =	ssyncadd.s32 $0xFFFFC000  }
0x38: {  	[tilespmem:s1], [sflag:$0x2] =	stream.indirect.gather @!p0 [hbm4b:s3+s7], $0x80, s0, s7, $0xb8;
	[tilespmem:$0x1A400] =	vst v63  }
0x39: {  	_ =	swait.ge [sflag:s23], $0x4000  }
0x3a: {  	[sflag:s23] =	ssyncset.done $0x0  }
0x3b: {  	[sflag:s23] =	ssyncadd.s32 $0xFFFFC000  }
0x3c: {  	[hbm4b:s8+s2] =	stream.linear.scatter [tilespmem:s16], [sflag:$0x9], $0x4000, $0x38;
	[tilespmem:$0x1A400] =	vst v63  }
0x3d: {  	_ =	swait.ge [sflag:s24], $0x4000  }
0x3e: {  	s4 =	simm.s32 $0x1400;
	[sflag:s24] =	ssyncset.done $0x0  }
0x3f: {  	s30 =	simm.s32 @!p0 $0xE400;
	s1 =	simm.s32 @!p0 $0x380;
	[sflag:s24] =	ssyncadd.s32 $0xFFFFC000  }
0x40: {  	[tilespmem:s30], [sflag:$0x3] =	stream.indirect.gather @!p0 [hbm4b:s3+s7], $0x80, s1, s7, $0xb8;
	[tilespmem:$0x1A400] =	vst v63  }
0x41: {  	s31 =	sadd.s32 $0x2800, s8;
	p1 =	por $0x0, $0x0;
	_ =	swait.ge [sflag:s25], $0x4000  }
0x42: {  	s14 =	simm.s32 $0xA00;
	s0 =	sadd.s32 $0x2800, s9;
	s7 =	rddreg [dreg:$0x5]  }
0x43: {  	s1 =	sadd.s32 $0x2800, s6;
	[sflag:s25] =	ssyncset.done $0x0;
	s30 =	sadd.s32 $0x2800, s7  }
.LBB2_2:
0x44: {  	s10 =	simm.s32 @!p1 $0x9  }
0x45: {  	[sflag:s25] =	ssyncadd.s32 $0xFFFFC000;
	s26 =	smov.u32 s4;
	s4 =	sadd.s32 $0xA00, s4  }
0x46: {  	[hbm4b:s7+s2] =	stream.linear.scatter [tilespmem:s18], [sflag:$0xA], $0x4000, $0x38;
	[tilespmem:$0x1A400] =	vst v63  }
0x47: {  	p0 =	sne.s32 s4, $0x19000;
	s7 =	smov.u32 s30;
	_ =	swait.ge @!p1 [sflag:s10], $0x4000  }
0x48: {  	s28 =	sshra.s32 s14, $0x2;
	[sflag:s10] =	ssyncset.done @!p1 $0x0  }
0x49: {  	[sflag:s10] =	ssyncadd.s32 @!p1 $0xFFFFC000;
	s10 =	sadd.s32 $0x180, s28  }
0x4a: {  	[tilespmem:s16], [sflag:$0x4] =	stream.indirect.gather [hbm4b:s3+s11], $0x80, s10, s11, $0xb8;
	[tilespmem:$0x1A400] =	vst v63  }
0x4b: {  	_ =	swait.ge [sflag:s17], $0x4000  }
0x4c: {  	[sflag:s17] =	ssyncset.done $0x0  }
0x4d: {  	s5 =	simm.s32 @!p1 $0xA;
	s10 =	sadd.s32 $0xFFFFF000, s1;
	[sflag:s17] =	ssyncadd.s32 $0xFFFFC000  }
0x4e: {  	[hbm4b:s10+s2] =	stream.linear.scatter [tilespmem:s12], [sflag:$0x6], $0x4000, $0x38;
	[tilespmem:$0x1A400] =	vst v63  }
0x4f: {  	_ =	swait.ge @!p1 [sflag:s5], $0x4000  }
0x50: {  	[sflag:s5] =	ssyncset.done @!p1 $0x0  }
0x51: {  	[sflag:s5] =	ssyncadd.s32 @!p1 $0xFFFFC000;
	s5 =	sadd.s32 $0x200, s28  }
0x52: {  	[tilespmem:s18], [sflag:$0x5] =	stream.indirect.gather [hbm4b:s3+s11], $0x80, s5, s11, $0xb8;
	[tilespmem:$0x1A400] =	vst v63  }
0x53: {  	_ =	swait.ge [sflag:s19], $0x4000  }
0x54: {  	[sflag:s19] =	ssyncset.done $0x0  }
0x55: {  	[sflag:s19] =	ssyncadd.s32 $0xFFFFC000  }
0x56: {  	[hbm4b:s0+s2] =	stream.linear.scatter [tilespmem:s13], [sflag:$0x7], $0x4000, $0x38;
	[tilespmem:$0x1A400] =	vst v63  }
0x57: {  	p1 =	seq.s32 s14, $0x18600;
	_ =	swait.ge [sflag:s20], $0x4000  }
0x58: {  	s5 =	sshra.s32 @!p1 s14, $0x2;
	s10 =	simm.s32 @!p1 $0x6400;
	[sflag:s20] =	ssyncset.done $0x0  }
0x59: {  	s28 =	simm.s32 @!p1 $0x80;
	s14 =	sadd.s32 @!p1 $0x280, s5;
	[sflag:s20] =	ssyncadd.s32 $0xFFFFC000  }
0x5a: {  	[tilespmem:s10], [sflag:$0x1] =	stream.indirect.gather @!p1 [hbm4b:s3+s28], $0x80, s14, s28, $0xb8;
	[tilespmem:$0x1A400] =	vst v63  }
0x5b: {  	s10 =	sadd.s32 @!p1 $0x300, s5;
	s5 =	sadd.s32 @!p1 $0x380, s5;
	_ =	swait.ge [sflag:s21], $0x4000  }
0x5c: {  	s14 =	smov.u32 s26;
	[sflag:s21] =	ssyncset.done $0x0  }
0x5d: {  	[sflag:s21] =	ssyncadd.s32 $0xFFFFC000  }
0x5e: {  	[hbm4b:s1+s2] =	stream.linear.scatter [tilespmem:s15], [sflag:$0x8], $0x4000, $0x38;
	[tilespmem:$0x1A400] =	vst v63  }
0x5f: {  	_ =	swait.ge [sflag:s22], $0x4000  }
0x60: {  	[sflag:s22] =	ssyncset.done $0x0  }
0x61: {  	s26 =	simm.s32 @!p1 $0xA400;
	[sflag:s22] =	ssyncadd.s32 $0xFFFFC000  }
0x62: {  	[tilespmem:s26], [sflag:$0x2] =	stream.indirect.gather @!p1 [hbm4b:s3+s28], $0x80, s10, s28, $0xb8;
	[tilespmem:$0x1A400] =	vst v63  }
0x63: {  	_ =	swait.ge [sflag:s23], $0x4000  }
0x64: {  	[sflag:s23] =	ssyncset.done $0x0  }
0x65: {  	[sflag:s23] =	ssyncadd.s32 $0xFFFFC000  }
0x66: {  	[hbm4b:s31+s2] =	stream.linear.scatter [tilespmem:s16], [sflag:$0x9], $0x4000, $0x38;
	[tilespmem:$0x1A400] =	vst v63  }
0x67: {  	_ =	swait.ge [sflag:s24], $0x4000  }
.Ltmp0:
0x68: {  	[sflag:s24] =	ssyncset.done $0x0;
	(pc) =	sbr.rel @p0 .LBB2_2-.Ltmp0, $4  }
0x69: {  	s0 =	sadd.s32 $0x2800, s0;
	s10 =	simm.s32 @!p1 $0xE400;
	[sflag:s24] =	ssyncadd.s32 $0xFFFFC000  }
0x6a: {  	[tilespmem:s10], [sflag:$0x3] =	stream.indirect.gather @!p1 [hbm4b:s3+s28], $0x80, s5, s28, $0xb8;
	[tilespmem:$0x1A400] =	vst v63  }
0x6b: {  	s30 =	sadd.s32 $0x2800, s30;
	s31 =	sadd.s32 $0x2800, s31;
	_ =	swait.ge [sflag:s25], $0x4000  }
0x6c: {  	s1 =	sadd.s32 $0x2800, s1;
	p1 =	seq.s32 s14, $0x0;
	[sflag:s25] =	ssyncset.done $0x0  }
0x6d: {  	s4 =	simm.s32 @!p1 $0x9;
	[sflag:s25] =	ssyncadd.s32 $0xFFFFC000  }
0x6e: {  	[hbm4b:s7+s2] =	stream.linear.scatter [tilespmem:s18], [sflag:$0xA], $0x4000, $0x38;
	[tilespmem:$0x1A400] =	vst v63  }
0x6f: {  	_ =	swait.ge @!p1 [sflag:s4], $0x4000  }
0x70: {  	s5 =	sshra.s32 s14, $0x2;
	[sflag:s4] =	ssyncset.done @!p1 $0x0  }
0x71: {  	s7 =	sadd.s32 $0x180, s5;
	[sflag:s4] =	ssyncadd.s32 @!p1 $0xFFFFC000  }
0x72: {  	[tilespmem:s16], [sflag:$0x4] =	stream.indirect.gather [hbm4b:s3+s11], $0x80, s7, s11, $0xb8;
	[tilespmem:$0x1A400] =	vst v63  }
0x73: {  	_ =	swait.ge [sflag:s17], $0x4000  }
0x74: {  	[sflag:s17] =	ssyncset.done $0x0  }
0x75: {  	s10 =	sadd.s32 $0xFFFFF000, s1;
	s4 =	simm.s32 @!p1 $0xA;
	[sflag:s17] =	ssyncadd.s32 $0xFFFFC000  }
0x76: {  	[hbm4b:s10+s2] =	stream.linear.scatter [tilespmem:s12], [sflag:$0x6], $0x4000, $0x38;
	[tilespmem:$0x1A400] =	vst v63  }
0x77: {  	_ =	swait.ge @!p1 [sflag:s4], $0x4000  }
0x78: {  	[sflag:s4] =	ssyncset.done @!p1 $0x0  }
0x79: {  	s26 =	sadd.s32 $0x200, s5;
	[sflag:s4] =	ssyncadd.s32 @!p1 $0xFFFFC000  }
0x7a: {  	[tilespmem:s18], [sflag:$0x5] =	stream.indirect.gather [hbm4b:s3+s11], $0x80, s26, s11, $0xb8;
	[tilespmem:$0x1A400] =	vst v63  }
0x7b: {  	_ =	swait.ge [sflag:s19], $0x4000  }
0x7c: {  	[sflag:s19] =	ssyncset.done $0x0  }
0x7d: {  	[sflag:s19] =	ssyncadd.s32 $0xFFFFC000  }
0x7e: {  	[hbm4b:s0+s2] =	stream.linear.scatter [tilespmem:s13], [sflag:$0x7], $0x4000, $0x38;
	[tilespmem:$0x1A400] =	vst v63  }
0x7f: {  	p0 =	seq.s32 s14, $0x18600;
	_ =	swait.ge [sflag:s20], $0x4000  }
0x80: {  	s7 =	simm.s32 @!p0 $0x80;
	s0 =	sshra.s32 @!p0 s14, $0x2;
	[sflag:s20] =	ssyncset.done $0x0  }
0x81: {  	s4 =	simm.s32 @!p0 $0x6400;
	s5 =	sadd.s32 @!p0 $0x280, s0;
	[sflag:s20] =	ssyncadd.s32 $0xFFFFC000  }
0x82: {  	[tilespmem:s4], [sflag:$0x1] =	stream.indirect.gather @!p0 [hbm4b:s3+s7], $0x80, s5, s7, $0xb8;
	[tilespmem:$0x1A400] =	vst v63  }
0x83: {  	_ =	swait.ge [sflag:s21], $0x4000  }
0x84: {  	[sflag:s21] =	ssyncset.done $0x0  }
0x85: {  	[sflag:s21] =	ssyncadd.s32 $0xFFFFC000  }
0x86: {  	[hbm4b:s1+s2] =	stream.linear.scatter [tilespmem:s15], [sflag:$0x8], $0x4000, $0x38;
	[tilespmem:$0x1A400] =	vst v63  }
0x87: {  	_ =	swait.ge [sflag:s22], $0x4000  }
0x88: {  	[sflag:s22] =	ssyncset.done $0x0  }
0x89: {  	s4 =	simm.s32 @!p0 $0xA400;
	s1 =	sadd.s32 @!p0 $0x300, s0;
	[sflag:s22] =	ssyncadd.s32 $0xFFFFC000  }
0x8a: {  	[tilespmem:s4], [sflag:$0x2] =	stream.indirect.gather @!p0 [hbm4b:s3+s7], $0x80, s1, s7, $0xb8;
	[tilespmem:$0x1A400] =	vst v63  }
0x8b: {  	_ =	swait.ge [sflag:s23], $0x4000  }
0x8c: {  	[sflag:s23] =	ssyncset.done $0x0  }
0x8d: {  	[sflag:s23] =	ssyncadd.s32 $0xFFFFC000  }
0x8e: {  	[hbm4b:s31+s2] =	stream.linear.scatter [tilespmem:s16], [sflag:$0x9], $0x4000, $0x38;
	[tilespmem:$0x1A400] =	vst v63  }
0x8f: {  	_ =	swait.ge [sflag:s24], $0x4000  }
0x90: {  	[sflag:s24] =	ssyncset.done $0x0  }
0x91: {  	s0 =	sadd.s32 @!p0 $0x380, s0;
	s1 =	simm.s32 @!p0 $0xE400;
	[sflag:s24] =	ssyncadd.s32 $0xFFFFC000  }
0x92: {  	[tilespmem:s1], [sflag:$0x3] =	stream.indirect.gather @!p0 [hbm4b:s3+s7], $0x80, s0, s7, $0xb8;
	[tilespmem:$0x1A400] =	vst v63  }
0x93: {  	_ =	swait.ge [sflag:s25], $0x4000  }
0x94: {  	[sflag:s25] =	ssyncset.done $0x0  }
0x95: {  	s28 =	simm.s32 $0x9;
	[sflag:s25] =	ssyncadd.s32 $0xFFFFC000  }
0x96: {  	[hbm4b:s30+s2] =	stream.linear.scatter [tilespmem:s18], [sflag:$0xA], $0x4000, $0x38;
	[tilespmem:$0x1A400] =	vst v63  }
0x97: {  	_ =	swait.ge [sflag:s28], $0x4000  }
0x98: {  	[sflag:s28] =	ssyncset.done $0x0  }
0x99: {  	s30 =	simm.s32 $0xA;
	[sflag:s28] =	ssyncadd.s32 $0xFFFFC000  }
0x9a: {  	_ =	swait.ge [sflag:s30], $0x4000  }
0x9b: {  	s29 =	sadd.s32 $0x1, s29;
	s31 =	rddreg [dreg:$0x4]  }
0x9c: {  	p0 =	sne.s32 s29, s31  }
.Ltmp1:
0x9d: {  	_ = 	snop;
	(pc) =	sbr.rel @p0 .LBB2_1-.Ltmp1, $3  }
0x9e: {  	_ =	sdelay $0x1  }
0x9f: {  	[sflag:s30] =	ssyncset.done $0x0  }
0xa0: {  	[sflag:s30] =	ssyncadd.s32 $0xFFFFC000  }
0xa1: {  	_ =	sfence.sel $0x180000  }
0xa2: {  	[bflag:$0x0] =	sbarrier.arrive $0xFFFF  }
0xa3: {  	_ =	strace $0x9000004A  }
0xa4: {  	s0 =	stileid.u32;
	[bflag:$0x2] =	sbarrier.arrive $0xFFFF  }
0xa5: {  	p0 =	sne.s32 s0, $0x0;
	s0 =	rddreg [dreg:$0x2]  }
0xa6: {  	s0 =	sadd.s32 @!p0 $0x100000, s0  }
0xa7: {  	[sflag:s0] =	ssyncadd.tile.s32 @!p0 $0x1;
	_ =	shalt  }
.Lfunc_end2:
_tile_overlayer_lowered:
.L_overlay_start_2:
0xa8: {  	(tag) =	ssettag $0x2  }
0xa9: {  	s0 =	rddreg [dreg:$0x0];
	s2 =	stileid.u32  }
0xaa: {  	s1 =	rddreg [dreg:$0x1];
	p0 =	sne.s32 s2, $0x0  }
0xab: {  	s3 =	rddreg [dreg:$0x2];
	[bflag:$0x3] =	sbarrier.arrive $0xFFFF;
	s2 =	simm.s32 @!p0 $0x1C0B  }
0xac: {  	[timem:s3], [sflag:s2] =	dma.local @!p0 [hbm:s0], s1  }
0xad: {  	s0 =	simm.s32 @!p0 $0xB  }
0xae: {  	_ =	swait.ge @!p0 [sflag:s0], s1  }
0xaf: {  	s1 =	ssub.s32 @!p0 $0x0, s1;
	[sflag:s0] =	ssyncset.done @!p0 $0x0  }
0xb0: {  	[sflag:s0] =	ssyncadd.s32 @!p0 s1  }
0xb1: {  	[bflag:$0x3] =	sbarrier.arrive $0xFFFF  }
0xb2: {  	_ =	shalt  }

</sc_bundles>
